<compile_context>
chip_gen: v7x
topology: tpu7x:2x2x1
jax: 0.10.2.dev20260603
libtpu: 0.0.44.dev20260713+nightly
codegen_flags: <defaults>
</compile_context>

<pallas_src>
import functools

import jax
import jax.numpy as jnp
from jax import lax
from jax.experimental import pallas as pl
from jax.experimental.pallas import tpu as pltpu
from jax.experimental.pallas import tpu_sc as plsc

N = 10000
IN = 128
HID = 32
HEADS = 4
OUT = 64
E = 320000

NC = 2
NS = 16
NW = NC * NS
LANES = 16

N_PAD = 10112
ROWS_PER_TILE = N_PAD // NS

B = 80
NE_REAL = E + N
CHUNK = -(-NE_REAL // (NW * 2 * B)) * 2 * B
E_PAD = CHUNK * NW
NBLOCKS = CHUNK // B


def _sc_edge_kernel(HC, H, R):
    mesh = plsc.VectorSubcoreMesh(core_axis_name="c", subcore_axis_name="s")
    C = HC // H
    nfull = ROWS_PER_TILE // B
    nrem = ROWS_PER_TILE % B

    @functools.partial(
        pl.kernel,
        mesh=mesh,
        compiler_params=pltpu.CompilerParams(use_tc_tiling_on_sc=False),
        out_type=jax.ShapeDtypeStruct((NC, N_PAD, R), jnp.float32),
        scratch_types=[
            pltpu.VMEM((2, B), jnp.int32),
            pltpu.VMEM((2, B), jnp.int32),
            pltpu.VMEM((2, B, 16), jnp.float32),
            pltpu.VMEM((2, B, 16), jnp.float32),
            pltpu.VMEM((2, B, HC), jnp.float32),
            pltpu.VMEM((B, R), jnp.float32),
            pltpu.VMEM_SHARED((N_PAD, R), jnp.float32),
            pltpu.SemaphoreType.DMA,
            pltpu.SemaphoreType.DMA,
            pltpu.SemaphoreType.DMA,
            pltpu.SemaphoreType.DMA,
            pltpu.SemaphoreType.DMA,
            pltpu.SemaphoreType.DMA,
        ],
    )
    def ker(src_hbm, dst_hbm, tsrc_hbm, tdst_hbm, h_hbm, out_hbm,
            srcb2, dstb2, tsb2, tdb2, hb2, msgb, acc, *sems):
        cid = lax.axis_index("c")
        sid = lax.axis_index("s")
        wid = sid * NC + cid

        zero16 = jnp.zeros((LANES,), jnp.float32)
        headmask = lax.iota(jnp.int32, LANES) < H

        @pl.loop(0, B)
        def _(e):
            @pl.loop(0, R, step=LANES)
            def _(cc):
                msgb[e, pl.ds(cc, LANES)] = zero16

        row0 = sid * ROWS_PER_TILE

        @pl.loop(0, nfull)
        def _(k):
            pltpu.sync_copy(msgb, acc.at[pl.ds(row0 + k * B, B)])

        if nrem:
            pltpu.sync_copy(msgb.at[pl.ds(0, nrem)],
                            acc.at[pl.ds(row0 + nfull * B, nrem)])

        plsc.subcore_barrier()

        base0 = wid * CHUNK

        def issue(p, blk):
            base = base0 + blk * B
            pltpu.sync_copy(src_hbm.at[pl.ds(base, B)], srcb2.at[p])
            pltpu.sync_copy(dst_hbm.at[pl.ds(base, B)], dstb2.at[p])
            pltpu.async_copy(tsrc_hbm.at[srcb2.at[p]], tsb2.at[p], sems[3 * p])
            pltpu.async_copy(tdst_hbm.at[dstb2.at[p]], tdb2.at[p],
                             sems[3 * p + 1])
            pltpu.async_copy(h_hbm.at[srcb2.at[p]], hb2.at[p], sems[3 * p + 2])

        def process(p):
            pltpu.make_async_copy(tsrc_hbm.at[srcb2.at[p]], tsb2.at[p],
                                  sems[3 * p]).wait()
            pltpu.make_async_copy(tdst_hbm.at[dstb2.at[p]], tdb2.at[p],
                                  sems[3 * p + 1]).wait()
            pltpu.make_async_copy(h_hbm.at[srcb2.at[p]], hb2.at[p],
                                  sems[3 * p + 2]).wait()

            @pl.loop(0, B)
            def _(e):
                ev = tsb2[p, e, pl.ds(0, LANES)] + tdb2[p, e, pl.ds(0, LANES)]
                ev = jnp.maximum(ev, 0.2 * ev)
                wv = jnp.exp(ev)
                msgb[e, pl.ds(HC, LANES)] = jnp.where(headmask, wv, 0.0)
                for h in range(H):
                    wh = wv[h]
                    for q in range(C // LANES):
                        coff = h * C + q * LANES
                        msgb[e, pl.ds(coff, LANES)] = (
                            hb2[p, e, pl.ds(coff, LANES)] * wh)

            pltpu.sync_copy(msgb, acc.at[dstb2.at[p]], add=True)

        issue(0, 0)
        issue(1, 1)

        @pl.loop(0, NBLOCKS // 2)
        def _(i2):
            for p in range(2):
                blk = i2 * 2 + p
                process(p)

                @pl.when(blk + 2 < NBLOCKS)
                def _():
                    issue(p, blk + 2)

        plsc.subcore_barrier()

        @pl.loop(0, nfull)
        def _(k):
            pltpu.sync_copy(acc.at[pl.ds(row0 + k * B, B)],
                            out_hbm.at[cid, pl.ds(row0 + k * B, B)])

        if nrem:
            pltpu.sync_copy(acc.at[pl.ds(row0 + nfull * B, nrem)],
                            out_hbm.at[cid, pl.ds(row0 + nfull * B, nrem)])

    return ker


def _dense_kernel(x_pad, W, Asrc16, Adst16):
    HCo = W.shape[1]

    def body(x_ref, w_ref, as_ref, ad_ref, h_ref, ts_ref, td_ref):
        h = jnp.dot(x_ref[...], w_ref[...],
                    preferred_element_type=jnp.float32,
                    precision=lax.Precision.HIGHEST)
        h_ref[...] = h
        ts_ref[...] = jnp.dot(h, as_ref[...],
                              preferred_element_type=jnp.float32,
                              precision=lax.Precision.HIGHEST)
        td_ref[...] = jnp.dot(h, ad_ref[...],
                              preferred_element_type=jnp.float32,
                              precision=lax.Precision.HIGHEST)

    Bn = N_PAD // 8
    IK = x_pad.shape[1]
    return pl.pallas_call(
        body,
        grid=(8,),
        in_specs=[
            pl.BlockSpec((Bn, IK), lambda i: (i, 0)),
            pl.BlockSpec((IK, HCo), lambda i: (0, 0)),
            pl.BlockSpec((HCo, 16), lambda i: (0, 0)),
            pl.BlockSpec((HCo, 16), lambda i: (0, 0)),
        ],
        out_specs=(
            pl.BlockSpec((Bn, HCo), lambda i: (i, 0)),
            pl.BlockSpec((Bn, 16), lambda i: (i, 0)),
            pl.BlockSpec((Bn, 16), lambda i: (i, 0)),
        ),
        out_shape=(
            jax.ShapeDtypeStruct((N_PAD, HCo), jnp.float32),
            jax.ShapeDtypeStruct((N_PAD, 16), jnp.float32),
            jax.ShapeDtypeStruct((N_PAD, 16), jnp.float32),
        ),
    )(x_pad, W, Asrc16, Adst16)


def _combine_kernel(acc, P, Q, b2d, relu):
    HCo = P.shape[1]

    def body(a_ref, p_ref, q_ref, b_ref, o_ref):
        a = a_ref[0] + a_ref[1]
        num = jnp.dot(a, p_ref[...], preferred_element_type=jnp.float32,
                      precision=lax.Precision.HIGHEST)
        den = jnp.dot(a, q_ref[...], preferred_element_type=jnp.float32,
                      precision=lax.Precision.HIGHEST) + 1e-16
        o = num / den + b_ref[...]
        if relu:
            o = jnp.maximum(o, 0.0)
        o_ref[...] = o

    R = P.shape[0]
    Bn = N_PAD // 8
    return pl.pallas_call(
        body,
        grid=(8,),
        in_specs=[
            pl.BlockSpec((2, Bn, R), lambda i: (0, i, 0)),
            pl.BlockSpec((R, HCo), lambda i: (0, 0)),
            pl.BlockSpec((R, HCo), lambda i: (0, 0)),
            pl.BlockSpec((1, HCo), lambda i: (0, 0)),
        ],
        out_specs=pl.BlockSpec((Bn, HCo), lambda i: (i, 0)),
        out_shape=jax.ShapeDtypeStruct((N_PAD, HCo), jnp.float32),
    )(acc, P, Q, b2d)


def _expand_attn(a, HC):
    H, C = a.shape
    mask = (jnp.arange(HC)[:, None] // C) == jnp.arange(H)[None, :]
    cols = jnp.where(mask, a.reshape(-1)[:, None], 0.0)
    return jnp.pad(cols, ((0, 0), (0, 16 - H)))


def _pq(HC, H, R):
    C = HC // H
    P = jnp.pad(jnp.eye(HC, dtype=jnp.float32), ((0, R - HC), (0, 0)))
    qrows = (jnp.arange(HC)[None, :] // C) == jnp.arange(H)[:, None]
    Q = jnp.zeros((R, HC), jnp.float32).at[HC:HC + H].set(qrows.astype(jnp.float32))
    return P, Q


_EDGE_L12 = _sc_edge_kernel(HEADS * HID, HEADS, 144)
_EDGE_L3 = _sc_edge_kernel(OUT, 1, 80)


def kernel(x, edge_index, W1, a1_src, a1_dst, b1, W2, a2_src, a2_dst, b2,
           W3, a3_src, a3_dst, b3):
    loop = jnp.arange(N, dtype=jnp.int32)
    src = jnp.concatenate([edge_index[0].astype(jnp.int32), loop])
    dst = jnp.concatenate([edge_index[1].astype(jnp.int32), loop])
    pad = jnp.full((E_PAD - NE_REAL,), N, jnp.int32)
    src = jnp.concatenate([src, pad])
    dst = jnp.concatenate([dst, pad])

    x_pad = jnp.pad(x, ((0, N_PAD - N), (0, 0)))

    h1, t1s, t1d = _dense_kernel(x_pad, W1, _expand_attn(a1_src, HEADS * HID),
                                 _expand_attn(a1_dst, HEADS * HID))
    acc1 = _EDGE_L12(src, dst, t1s, t1d, h1)
    P, Q = _pq(HEADS * HID, HEADS, 144)
    x2 = _combine_kernel(acc1, P, Q, b1.reshape(1, -1), relu=True)

    h2, t2s, t2d = _dense_kernel(x2, W2, _expand_attn(a2_src, HEADS * HID),
                                 _expand_attn(a2_dst, HEADS * HID))
    acc2 = _EDGE_L12(src, dst, t2s, t2d, h2)
    x3 = _combine_kernel(acc2, P, Q, b2.reshape(1, -1), relu=True)

    h3, t3s, t3d = _dense_kernel(x3, W3, _expand_attn(a3_src, OUT),
                                 _expand_attn(a3_dst, OUT))
    acc3 = _EDGE_L3(src, dst, t3s, t3d, h3)
    P3, Q3 = _pq(OUT, 1, 80)
    out = _combine_kernel(acc3, P3, Q3, b3.reshape(1, -1), relu=False)

    return out[:N]

# --- scband reference (transcript-rebuilt; emitter-appended) ---
"""Pipeline reference for scband-my-gat-29386166239368 (READ-ONLY COPY).

The authoritative reference and input builder live on the scoring server;
editing this copy changes nothing except your own understanding.
"""

import jax, jax.numpy as jnp
import numpy as np

N = 10000
E = 320000
IN = 128
HID = 32
HEADS = 4
OUT = 64


def setup_inputs(seed: int = 0) -> dict:
    key = jax.random.key(seed)
    ks = jax.random.split(key, 16)
    x = jax.random.normal(ks[0], (N, IN), dtype=jnp.float32)
    edge_index = jax.random.randint(ks[1], (2, E), 0, N, dtype=jnp.int32).astype(jnp.int64)

    def glorot(k, shape, fan_in):
        return jax.random.normal(k, shape, dtype=jnp.float32) * (1.0 / np.sqrt(fan_in))

    # layer 1: in=128 -> heads=4, out=32 (concat -> 128)
    W1 = glorot(ks[2], (IN, HEADS * HID), IN)
    a1_src = glorot(ks[3], (HEADS, HID), HID)
    a1_dst = glorot(ks[4], (HEADS, HID), HID)
    b1 = jnp.zeros((HEADS * HID,), dtype=jnp.float32)
    # layer 2: in=128 -> heads=4, out=32 (concat -> 128)
    W2 = glorot(ks[5], (HEADS * HID, HEADS * HID), HEADS * HID)
    a2_src = glorot(ks[6], (HEADS, HID), HID)
    a2_dst = glorot(ks[7], (HEADS, HID), HID)
    b2 = jnp.zeros((HEADS * HID,), dtype=jnp.float32)
    # layer 3: in=128 -> heads=1, out=64
    W3 = glorot(ks[8], (HEADS * HID, 1 * OUT), HEADS * HID)
    a3_src = glorot(ks[9], (1, OUT), OUT)
    a3_dst = glorot(ks[10], (1, OUT), OUT)
    b3 = jnp.zeros((OUT,), dtype=jnp.float32)

    return {
        "x": x, "edge_index": edge_index,
        "W1": W1, "a1_src": a1_src, "a1_dst": a1_dst, "b1": b1,
        "W2": W2, "a2_src": a2_src, "a2_dst": a2_dst, "b2": b2,
        "W3": W3, "a3_src": a3_src, "a3_dst": a3_dst, "b3": b3,
    }


def gat_layer(x, edge_index, W, a_src, a_dst, b, heads, out_ch):
    # Faithful PyG GATConv: linear -> per-head attention logits -> add self
    # loops -> leaky_relu(0.2) -> segment softmax over dst -> weighted
    # scatter-add -> concat heads + bias.
    n = x.shape[0]
    loop = jnp.arange(n, dtype=edge_index.dtype)
    src = jnp.concatenate([edge_index[0], loop])
    dst = jnp.concatenate([edge_index[1], loop])
    h = (x @ W).reshape(n, heads, out_ch)
    alpha_src = jnp.sum(h * a_src[None, :, :], axis=-1)  # [N, H]
    alpha_dst = jnp.sum(h * a_dst[None, :, :], axis=-1)  # [N, H]
    e = alpha_src[src] + alpha_dst[dst]                   # [E', H] gather
    e = jax.nn.leaky_relu(e, negative_slope=0.2)
    m = jax.ops.segment_max(e, dst, num_segments=n)       # segment max
    e = jnp.exp(e - m[dst])
    s = jax.ops.segment_sum(e, dst, num_segments=n)
    alpha = e / (s[dst] + 1e-16)
    msg = alpha[:, :, None] * h[src]                      # [E', H, C] gather
    out = jax.ops.segment_sum(msg, dst, num_segments=n)   # scatter-add
    return out.reshape(n, heads * out_ch) + b


def reference(x, edge_index, W1, a1_src, a1_dst, b1, W2, a2_src, a2_dst, b2,
              W3, a3_src, a3_dst, b3):
    # dropout is identity in eval mode
    h = gat_layer(x, edge_index, W1, a1_src, a1_dst, b1, HEADS, HID)
    h = jax.nn.relu(h)
    h = gat_layer(h, edge_index, W2, a2_src, a2_dst, b2, HEADS, HID)
    h = jax.nn.relu(h)
    h = gat_layer(h, edge_index, W3, a3_src, a3_dst, b3, 1, OUT)
    return h

if __name__ == "__main__":
    import jax
    _d = setup_inputs()
    print(jax.jit(kernel)(*tuple(_d.values())))

</pallas_src>

<mosaic_0001>
#map = affine_map<(d0, d1) -> (0)>
#map1 = affine_map<(d0, d1) -> (0, 0)>
#map2 = affine_map<(d0, d1) -> (0, 0, 0)>
module attributes {stable_mosaic.version = 14 : i64} {
  func.func @ker(%arg0: i32, %arg1: i32, %arg2: memref<332800xi32, #tpu.memory_space<hbm>>, %arg3: memref<332800xi32, #tpu.memory_space<hbm>>, %arg4: memref<10112x16xf32, #tpu.memory_space<hbm>>, %arg5: memref<10112x16xf32, #tpu.memory_space<hbm>>, %arg6: memref<10112x64xf32, #tpu.memory_space<hbm>>, %arg7: memref<2x10112x80xf32, #tpu.memory_space<hbm>>, %arg8: memref<2x80xi32, #tpu.memory_space<vmem>>, %arg9: memref<2x80xi32, #tpu.memory_space<vmem>>, %arg10: memref<2x80x16xf32, #tpu.memory_space<vmem>>, %arg11: memref<2x80x16xf32, #tpu.memory_space<vmem>>, %arg12: memref<2x80x64xf32, #tpu.memory_space<vmem>>, %arg13: memref<80x80xf32, #tpu.memory_space<vmem>>, %arg14: memref<10112x80xf32, #tpu.memory_space<vmem_shared>>, %arg15: memref<!tpu.dma_semaphore, #tpu.memory_space<semaphore_mem>>, %arg16: memref<!tpu.dma_semaphore, #tpu.memory_space<semaphore_mem>>, %arg17: memref<!tpu.dma_semaphore, #tpu.memory_space<semaphore_mem>>, %arg18: memref<!tpu.dma_semaphore, #tpu.memory_space<semaphore_mem>>, %arg19: memref<!tpu.dma_semaphore, #tpu.memory_space<semaphore_mem>>, %arg20: memref<!tpu.dma_semaphore, #tpu.memory_space<semaphore_mem>>) attributes {dimension_semantics = [#tpu.dimension_semantics<core_parallel>, #tpu.dimension_semantics<subcore_parallel>], iteration_bounds = array<i64: 2, 16>, scalar_prefetch = 0 : i64, scratch_operands = 13 : i64, tpu.core_type = #tpu.core_type<sc_vector_subcore>, window_params = [{transform_indices = #map}, {transform_indices = #map}, {transform_indices = #map1}, {transform_indices = #map1}, {transform_indices = #map1}, {transform_indices = #map2}]} {
    %mul3A = arith.constant 2 : i32
    %mul3A_0 = arith.muli %arg1, %mul3A : i32
    %add3A = arith.addi %mul3A_0, %arg0 : i32
    %broadcast_in_dim3A = arith.constant 0.000000e+00 : f32
    %broadcast_in_dim3A_1 = vector.broadcast %broadcast_in_dim3A : f32 to vector<16xf32>
    %iota3A = tpu.iota {dimensions = array<i32: 0>} : vector<16xi32>
    %lt3A = arith.constant 1 : i32
    %lt3A_2 = vector.broadcast %lt3A : i32 to vector<16xi32>
    %lt3A_3 = arith.cmpi slt, %iota3A, %lt3A_2 : vector<16xi32>
    %scan3A = arith.constant 0 : i32
    %scan3A_4 = arith.constant 80 : i32
    %scan3A_5 = arith.addi %scan3A, %scan3A_4 : i32
    %scan3A_6 = arith.constant 1 : i32
    scf.for %scan3A_112 = %scan3A to %scan3A_5 step %scan3A_6  : i32 {
      %mul3A_113 = arith.constant 1 : i32
      %mul3A_114 = arith.muli %scan3A_112, %mul3A_113 : i32
      %add3A_115 = arith.constant 0 : i32
      %add3A_116 = arith.addi %add3A_115, %mul3A_114 : i32
      %scan3A_117 = arith.constant 0 : i32
      %scan3A_118 = arith.constant 5 : i32
      %scan3A_119 = arith.addi %scan3A_117, %scan3A_118 : i32
      %scan3A_120 = arith.constant 1 : i32
      scf.for %scan3A_122 = %scan3A_117 to %scan3A_119 step %scan3A_120  : i32 {
        %mul3A_123 = arith.constant 16 : i32
        %mul3A_124 = arith.muli %scan3A_122, %mul3A_123 : i32
        %add3A_125 = arith.constant 0 : i32
        %add3A_126 = arith.addi %add3A_125, %mul3A_124 : i32
        %swap3A = arith.index_cast %add3A_116 : i32 to index
        %swap3A_127 = arith.index_cast %add3A_126 : i32 to index
        %swap3A_128 = tpu.vector_load %arg13[%swap3A, %swap3A_127] {strides = array<i32>} : memref<80x80xf32, #tpu.memory_space<vmem>>, vector<1x16xf32>,
        %swap3A_129 = vector.shape_cast %swap3A_128 : vector<1x16xf32> to vector<16xf32>
        %swap3A_130 = vector.shape_cast %broadcast_in_dim3A_1 : vector<16xf32> to vector<1x16xf32>
        tpu.vector_store %arg13[%swap3A, %swap3A_127], %swap3A_130 {strides = array<i32>} : memref<80x80xf32, #tpu.memory_space<vmem>>, vector<1x16xf32>,
      }
      %scan3A_121 = arith.constant 5 : i32
    }
    %scan3A_7 = arith.constant 80 : i32
    %mul3A_8 = arith.constant 632 : i32
    %mul3A_9 = arith.muli %arg1, %mul3A_8 : i32
    %scan3A_10 = arith.constant 0 : i32
    %scan3A_11 = arith.constant 7 : i32
    %scan3A_12 = arith.addi %scan3A_10, %scan3A_11 : i32
    %scan3A_13 = arith.constant 1 : i32
    scf.for %scan3A_112 = %scan3A_10 to %scan3A_12 step %scan3A_13  : i32 {
      %mul3A_113 = arith.constant 1 : i32
      %mul3A_114 = arith.muli %scan3A_112, %mul3A_113 : i32
      %add3A_115 = arith.constant 0 : i32
      %add3A_116 = arith.addi %add3A_115, %mul3A_114 : i32
      %mul3A_117 = arith.constant 80 : i32
      %mul3A_118 = arith.muli %add3A_116, %mul3A_117 : i32
      %add3A_119 = arith.addi %mul3A_9, %mul3A_118 : i32
      "tpu.region"() ({
        %run_scoped3A_120 = tpu.sem_alloc : memref<!tpu.dma_semaphore, #tpu.memory_space<semaphore_mem>>
        %dma_start3A_121 = arith.constant 0 : i32
        %dma_start3A_122 = tpu.memref_slice %arg14[%add3A_119, %dma_start3A_121] : memref<10112x80xf32, #tpu.memory_space<vmem_shared>> -> memref<80x80xf32, #tpu.memory_space<vmem_shared>>
        %dma_start3A_123 = arith.constant 0 : i32
        %dma_start3A_124 = tpu.memref_slice %arg14[%add3A_119, %dma_start3A_123] : memref<10112x80xf32, #tpu.memory_space<vmem_shared>> -> memref<80x80xf32, #tpu.memory_space<vmem_shared>>
        tpu.enqueue_dma source(%arg13 : memref<80x80xf32, #tpu.memory_space<vmem>>) target(%dma_start3A_124 : memref<80x80xf32, #tpu.memory_space<vmem_shared>>) target_semaphore(%run_scoped3A_120 : memref<!tpu.dma_semaphore, #tpu.memory_space<semaphore_mem>>)
        %dma_wait3A = arith.constant 0 : i32
        %dma_wait3A_125 = tpu.memref_slice %arg14[%add3A_119, %dma_wait3A] : memref<10112x80xf32, #tpu.memory_space<vmem_shared>> -> memref<80x80xf32, #tpu.memory_space<vmem_shared>>
        %dma_wait3A_126 = arith.constant 0 : i32
        %dma_wait3A_127 = tpu.memref_slice %arg14[%add3A_119, %dma_wait3A_126] : memref<10112x80xf32, #tpu.memory_space<vmem_shared>> -> memref<80x80xf32, #tpu.memory_space<vmem_shared>>
        tpu.wait_dma2 semaphore(%run_scoped3A_120 : memref<!tpu.dma_semaphore, #tpu.memory_space<semaphore_mem>>) src(%arg13 : memref<80x80xf32, #tpu.memory_space<vmem>>) dst(%dma_wait3A_127 : memref<80x80xf32, #tpu.memory_space<vmem_shared>>)
        tpu.yield
      }) : () -> ()
    }
    %scan3A_14 = arith.constant 7 : i32
    %add3A_15 = arith.constant 560 : i32
    %add3A_16 = arith.addi %mul3A_9, %add3A_15 : i32
    "tpu.region"() ({
      %run_scoped3A_112 = tpu.sem_alloc : memref<!tpu.dma_semaphore, #tpu.memory_space<semaphore_mem>>
      %dma_start3A_113 = arith.constant 0 : i32
      %dma_start3A_114 = arith.constant 0 : i32
      %dma_start3A_115 = tpu.memref_slice %arg13[%dma_start3A_113, %dma_start3A_114] : memref<80x80xf32, #tpu.memory_space<vmem>> -> memref<72x80xf32, #tpu.memory_space<vmem>>
      %dma_start3A_116 = arith.constant 0 : i32
      %dma_start3A_117 = tpu.memref_slice %arg14[%add3A_16, %dma_start3A_116] : memref<10112x80xf32, #tpu.memory_space<vmem_shared>> -> memref<72x80xf32, #tpu.memory_space<vmem_shared>>
      %dma_start3A_118 = arith.constant 0 : i32
      %dma_start3A_119 = tpu.memref_slice %arg14[%add3A_16, %dma_start3A_118] : memref<10112x80xf32, #tpu.memory_space<vmem_shared>> -> memref<72x80xf32, #tpu.memory_space<vmem_shared>>
      %dma_start3A_120 = arith.constant 0 : i32
      %dma_start3A_121 = arith.constant 0 : i32
      %dma_start3A_122 = tpu.memref_slice %arg13[%dma_start3A_120, %dma_start3A_121] : memref<80x80xf32, #tpu.memory_space<vmem>> -> memref<72x80xf32, #tpu.memory_space<vmem>>
      tpu.enqueue_dma source(%dma_start3A_122 : memref<72x80xf32, #tpu.memory_space<vmem>>) target(%dma_start3A_119 : memref<72x80xf32, #tpu.memory_space<vmem_shared>>) target_semaphore(%run_scoped3A_112 : memref<!tpu.dma_semaphore, #tpu.memory_space<semaphore_mem>>)
      %dma_wait3A = arith.constant 0 : i32
      %dma_wait3A_123 = arith.constant 0 : i32
      %dma_wait3A_124 = tpu.memref_slice %arg13[%dma_wait3A, %dma_wait3A_123] : memref<80x80xf32, #tpu.memory_space<vmem>> -> memref<72x80xf32, #tpu.memory_space<vmem>>
      %dma_wait3A_125 = arith.constant 0 : i32
      %dma_wait3A_126 = tpu.memref_slice %arg14[%add3A_16, %dma_wait3A_125] : memref<10112x80xf32, #tpu.memory_space<vmem_shared>> -> memref<72x80xf32, #tpu.memory_space<vmem_shared>>
      %dma_wait3A_127 = arith.constant 0 : i32
      %dma_wait3A_128 = tpu.memref_slice %arg14[%add3A_16, %dma_wait3A_127] : memref<10112x80xf32, #tpu.memory_space<vmem_shared>> -> memref<72x80xf32, #tpu.memory_space<vmem_shared>>
      %dma_wait3A_129 = arith.constant 0 : i32
      %dma_wait3A_130 = arith.constant 0 : i32
      %dma_wait3A_131 = tpu.memref_slice %arg13[%dma_wait3A_129, %dma_wait3A_130] : memref<80x80xf32, #tpu.memory_space<vmem>> -> memref<72x80xf32, #tpu.memory_space<vmem>>
      tpu.wait_dma2 semaphore(%run_scoped3A_112 : memref<!tpu.dma_semaphore, #tpu.memory_space<semaphore_mem>>) src(%dma_wait3A_131 : memref<72x80xf32, #tpu.memory_space<vmem>>) dst(%dma_wait3A_128 : memref<72x80xf32, #tpu.memory_space<vmem_shared>>)
      tpu.yield
    }) : () -> ()
    %barrier3A = arith.constant 0 : index
    tpu.barrier barrier_id(%barrier3A)
    %mul3A_17 = arith.constant 10400 : i32
    %mul3A_18 = arith.muli %add3A, %mul3A_17 : i32
    %add3A_19 = arith.constant 0 : i32
    %add3A_20 = arith.addi %mul3A_18, %add3A_19 : i32
    %run_scoped3A = arith.constant 0 : i32
    "tpu.region"() ({
      %run_scoped3A_112 = tpu.sem_alloc : memref<!tpu.dma_semaphore, #tpu.memory_space<semaphore_mem>>
      %dma_start3A_113 = arith.constant 0 : i32
      %dma_start3A_114 = tpu.memref_slice %arg8[%run_scoped3A, %dma_start3A_113] : memref<2x80xi32, #tpu.memory_space<vmem>> -> memref<1x80xi32, #tpu.memory_space<vmem>>
      %dma_start3A_115 = tpu.memref_squeeze %dma_start3A_114 : memref<1x80xi32, #tpu.memory_space<vmem>> -> memref<80xi32, #tpu.memory_space<vmem>>
      %dma_start3A_116 = tpu.memref_slice %arg2[%add3A_20] : memref<332800xi32, #tpu.memory_space<hbm>> -> memref<80xi32, #tpu.memory_space<hbm>>
      %dma_start3A_117 = arith.constant 0 : i32
      %dma_start3A_118 = tpu.memref_slice %arg8[%run_scoped3A, %dma_start3A_117] : memref<2x80xi32, #tpu.memory_space<vmem>> -> memref<1x80xi32, #tpu.memory_space<vmem>>
      %dma_start3A_119 = tpu.memref_squeeze %dma_start3A_118 : memref<1x80xi32, #tpu.memory_space<vmem>> -> memref<80xi32, #tpu.memory_space<vmem>>
      %dma_start3A_120 = tpu.memref_slice %arg2[%add3A_20] : memref<332800xi32, #tpu.memory_space<hbm>> -> memref<80xi32, #tpu.memory_space<hbm>>
      tpu.enqueue_dma source(%dma_start3A_120 : memref<80xi32, #tpu.memory_space<hbm>>) target(%dma_start3A_119 : memref<80xi32, #tpu.memory_space<vmem>>) target_semaphore(%run_scoped3A_112 : memref<!tpu.dma_semaphore, #tpu.memory_space<semaphore_mem>>)
      %dma_wait3A = arith.constant 0 : i32
      %dma_wait3A_121 = tpu.memref_slice %arg8[%run_scoped3A, %dma_wait3A] : memref<2x80xi32, #tpu.memory_space<vmem>> -> memref<1x80xi32, #tpu.memory_space<vmem>>
      %dma_wait3A_122 = tpu.memref_squeeze %dma_wait3A_121 : memref<1x80xi32, #tpu.memory_space<vmem>> -> memref<80xi32, #tpu.memory_space<vmem>>
      %dma_wait3A_123 = tpu.memref_slice %arg2[%add3A_20] : memref<332800xi32, #tpu.memory_space<hbm>> -> memref<80xi32, #tpu.memory_space<hbm>>
      %dma_wait3A_124 = arith.constant 0 : i32
      %dma_wait3A_125 = tpu.memref_slice %arg8[%run_scoped3A, %dma_wait3A_124] : memref<2x80xi32, #tpu.memory_space<vmem>> -> memref<1x80xi32, #tpu.memory_space<vmem>>
      %dma_wait3A_126 = tpu.memref_squeeze %dma_wait3A_125 : memref<1x80xi32, #tpu.memory_space<vmem>> -> memref<80xi32, #tpu.memory_space<vmem>>
      %dma_wait3A_127 = tpu.memref_slice %arg2[%add3A_20] : memref<332800xi32, #tpu.memory_space<hbm>> -> memref<80xi32, #tpu.memory_space<hbm>>
      tpu.wait_dma2 semaphore(%run_scoped3A_112 : memref<!tpu.dma_semaphore, #tpu.memory_space<semaphore_mem>>) src(%dma_wait3A_127 : memref<80xi32, #tpu.memory_space<hbm>>) dst(%dma_wait3A_126 : memref<80xi32, #tpu.memory_space<vmem>>)
      tpu.yield
    }) : () -> ()
    %run_scoped3A_21 = arith.constant 0 : i32
    "tpu.region"() ({
      %run_scoped3A_112 = tpu.sem_alloc : memref<!tpu.dma_semaphore, #tpu.memory_space<semaphore_mem>>
      %dma_start3A_113 = arith.constant 0 : i32
      %dma_start3A_114 = tpu.memref_slice %arg9[%run_scoped3A_21, %dma_start3A_113] : memref<2x80xi32, #tpu.memory_space<vmem>> -> memref<1x80xi32, #tpu.memory_space<vmem>>
      %dma_start3A_115 = tpu.memref_squeeze %dma_start3A_114 : memref<1x80xi32, #tpu.memory_space<vmem>> -> memref<80xi32, #tpu.memory_space<vmem>>
      %dma_start3A_116 = tpu.memref_slice %arg3[%add3A_20] : memref<332800xi32, #tpu.memory_space<hbm>> -> memref<80xi32, #tpu.memory_space<hbm>>
      %dma_start3A_117 = arith.constant 0 : i32
      %dma_start3A_118 = tpu.memref_slice %arg9[%run_scoped3A_21, %dma_start3A_117] : memref<2x80xi32, #tpu.memory_space<vmem>> -> memref<1x80xi32, #tpu.memory_space<vmem>>
      %dma_start3A_119 = tpu.memref_squeeze %dma_start3A_118 : memref<1x80xi32, #tpu.memory_space<vmem>> -> memref<80xi32, #tpu.memory_space<vmem>>
      %dma_start3A_120 = tpu.memref_slice %arg3[%add3A_20] : memref<332800xi32, #tpu.memory_space<hbm>> -> memref<80xi32, #tpu.memory_space<hbm>>
      tpu.enqueue_dma source(%dma_start3A_120 : memref<80xi32, #tpu.memory_space<hbm>>) target(%dma_start3A_119 : memref<80xi32, #tpu.memory_space<vmem>>) target_semaphore(%run_scoped3A_112 : memref<!tpu.dma_semaphore, #tpu.memory_space<semaphore_mem>>)
      %dma_wait3A = arith.constant 0 : i32
      %dma_wait3A_121 = tpu.memref_slice %arg9[%run_scoped3A_21, %dma_wait3A] : memref<2x80xi32, #tpu.memory_space<vmem>> -> memref<1x80xi32, #tpu.memory_space<vmem>>
      %dma_wait3A_122 = tpu.memref_squeeze %dma_wait3A_121 : memref<1x80xi32, #tpu.memory_space<vmem>> -> memref<80xi32, #tpu.memory_space<vmem>>
      %dma_wait3A_123 = tpu.memref_slice %arg3[%add3A_20] : memref<332800xi32, #tpu.memory_space<hbm>> -> memref<80xi32, #tpu.memory_space<hbm>>
      %dma_wait3A_124 = arith.constant 0 : i32
      %dma_wait3A_125 = tpu.memref_slice %arg9[%run_scoped3A_21, %dma_wait3A_124] : memref<2x80xi32, #tpu.memory_space<vmem>> -> memref<1x80xi32, #tpu.memory_space<vmem>>
      %dma_wait3A_126 = tpu.memref_squeeze %dma_wait3A_125 : memref<1x80xi32, #tpu.memory_space<vmem>> -> memref<80xi32, #tpu.memory_space<vmem>>
      %dma_wait3A_127 = tpu.memref_slice %arg3[%add3A_20] : memref<332800xi32, #tpu.memory_space<hbm>> -> memref<80xi32, #tpu.memory_space<hbm>>
      tpu.wait_dma2 semaphore(%run_scoped3A_112 : memref<!tpu.dma_semaphore, #tpu.memory_space<semaphore_mem>>) src(%dma_wait3A_127 : memref<80xi32, #tpu.memory_space<hbm>>) dst(%dma_wait3A_126 : memref<80xi32, #tpu.memory_space<vmem>>)
      tpu.yield
    }) : () -> ()
    %dma_start3A = arith.constant 0 : i32
    %dma_start3A_22 = arith.constant 0 : i32
    %dma_start3A_23 = arith.constant 0 : i32
    %dma_start3A_24 = arith.constant 0 : i32
    %dma_start3A_25 = tpu.memref_slice %arg10[%dma_start3A_22, %dma_start3A_23, %dma_start3A_24] : memref<2x80x16xf32, #tpu.memory_space<vmem>> -> memref<1x80x16xf32, #tpu.memory_space<vmem>>
    %dma_start3A_26 = tpu.memref_squeeze %dma_start3A_25 : memref<1x80x16xf32, #tpu.memory_space<vmem>> -> memref<80x16xf32, #tpu.memory_space<vmem>>
    %dma_start3A_27 = arith.constant 0 : i32
    %dma_start3A_28 = tpu.memref_slice %arg8[%dma_start3A, %dma_start3A_27] : memref<2x80xi32, #tpu.memory_space<vmem>> -> memref<1x80xi32, #tpu.memory_space<vmem>>
    %dma_start3A_29 = tpu.memref_squeeze %dma_start3A_28 : memref<1x80xi32, #tpu.memory_space<vmem>> -> memref<80xi32, #tpu.memory_space<vmem>>
    %dma_start3A_30 = arith.constant 0 : i32
    %dma_start3A_31 = arith.constant 0 : i32
    %dma_start3A_32 = tpu.memref_slice %arg4[%dma_start3A_30, %dma_start3A_31] : memref<10112x16xf32, #tpu.memory_space<hbm>> -> memref<10112x16xf32, #tpu.memory_space<hbm>>
    tpu.enqueue_indirect_dma source(%dma_start3A_32 : memref<10112x16xf32, #tpu.memory_space<hbm>>) target(%dma_start3A_26 : memref<80x16xf32, #tpu.memory_space<vmem>>) offsets(%dma_start3A_29 : memref<80xi32, #tpu.memory_space<vmem>>) semaphore(%arg15 : memref<!tpu.dma_semaphore, #tpu.memory_space<semaphore_mem>>)
    %dma_start3A_33 = arith.constant 0 : i32
    %dma_start3A_34 = arith.constant 0 : i32
    %dma_start3A_35 = arith.constant 0 : i32
    %dma_start3A_36 = arith.constant 0 : i32
    %dma_start3A_37 = tpu.memref_slice %arg11[%dma_start3A_34, %dma_start3A_35, %dma_start3A_36] : memref<2x80x16xf32, #tpu.memory_space<vmem>> -> memref<1x80x16xf32, #tpu.memory_space<vmem>>
    %dma_start3A_38 = tpu.memref_squeeze %dma_start3A_37 : memref<1x80x16xf32, #tpu.memory_space<vmem>> -> memref<80x16xf32, #tpu.memory_space<vmem>>
    %dma_start3A_39 = arith.constant 0 : i32
    %dma_start3A_40 = tpu.memref_slice %arg9[%dma_start3A_33, %dma_start3A_39] : memref<2x80xi32, #tpu.memory_space<vmem>> -> memref<1x80xi32, #tpu.memory_space<vmem>>
    %dma_start3A_41 = tpu.memref_squeeze %dma_start3A_40 : memref<1x80xi32, #tpu.memory_space<vmem>> -> memref<80xi32, #tpu.memory_space<vmem>>
    %dma_start3A_42 = arith.constant 0 : i32
    %dma_start3A_43 = arith.constant 0 : i32
    %dma_start3A_44 = tpu.memref_slice %arg5[%dma_start3A_42, %dma_start3A_43] : memref<10112x16xf32, #tpu.memory_space<hbm>> -> memref<10112x16xf32, #tpu.memory_space<hbm>>
    tpu.enqueue_indirect_dma source(%dma_start3A_44 : memref<10112x16xf32, #tpu.memory_space<hbm>>) target(%dma_start3A_38 : memref<80x16xf32, #tpu.memory_space<vmem>>) offsets(%dma_start3A_41 : memref<80xi32, #tpu.memory_space<vmem>>) semaphore(%arg16 : memref<!tpu.dma_semaphore, #tpu.memory_space<semaphore_mem>>)
    %dma_start3A_45 = arith.constant 0 : i32
    %dma_start3A_46 = arith.constant 0 : i32
    %dma_start3A_47 = arith.constant 0 : i32
    %dma_start3A_48 = arith.constant 0 : i32
    %dma_start3A_49 = tpu.memref_slice %arg12[%dma_start3A_46, %dma_start3A_47, %dma_start3A_48] : memref<2x80x64xf32, #tpu.memory_space<vmem>> -> memref<1x80x64xf32, #tpu.memory_space<vmem>>
    %dma_start3A_50 = tpu.memref_squeeze %dma_start3A_49 : memref<1x80x64xf32, #tpu.memory_space<vmem>> -> memref<80x64xf32, #tpu.memory_space<vmem>>
    %dma_start3A_51 = arith.constant 0 : i32
    %dma_start3A_52 = tpu.memref_slice %arg8[%dma_start3A_45, %dma_start3A_51] : memref<2x80xi32, #tpu.memory_space<vmem>> -> memref<1x80xi32, #tpu.memory_space<vmem>>
    %dma_start3A_53 = tpu.memref_squeeze %dma_start3A_52 : memref<1x80xi32, #tpu.memory_space<vmem>> -> memref<80xi32, #tpu.memory_space<vmem>>
    %dma_start3A_54 = arith.constant 0 : i32
    %dma_start3A_55 = arith.constant 0 : i32
    %dma_start3A_56 = tpu.memref_slice %arg6[%dma_start3A_54, %dma_start3A_55] : memref<10112x64xf32, #tpu.memory_space<hbm>> -> memref<10112x64xf32, #tpu.memory_space<hbm>>
    tpu.enqueue_indirect_dma source(%dma_start3A_56 : memref<10112x64xf32, #tpu.memory_space<hbm>>) target(%dma_start3A_50 : memref<80x64xf32, #tpu.memory_space<vmem>>) offsets(%dma_start3A_53 : memref<80xi32, #tpu.memory_space<vmem>>) semaphore(%arg17 : memref<!tpu.dma_semaphore, #tpu.memory_space<semaphore_mem>>)
    %add3A_57 = arith.constant 80 : i32
    %add3A_58 = arith.addi %mul3A_18, %add3A_57 : i32
    %run_scoped3A_59 = arith.constant 1 : i32
    "tpu.region"() ({
      %run_scoped3A_112 = tpu.sem_alloc : memref<!tpu.dma_semaphore, #tpu.memory_space<semaphore_mem>>
      %dma_start3A_113 = arith.constant 0 : i32
      %dma_start3A_114 = tpu.memref_slice %arg8[%run_scoped3A_59, %dma_start3A_113] : memref<2x80xi32, #tpu.memory_space<vmem>> -> memref<1x80xi32, #tpu.memory_space<vmem>>
      %dma_start3A_115 = tpu.memref_squeeze %dma_start3A_114 : memref<1x80xi32, #tpu.memory_space<vmem>> -> memref<80xi32, #tpu.memory_space<vmem>>
      %dma_start3A_116 = tpu.memref_slice %arg2[%add3A_58] : memref<332800xi32, #tpu.memory_space<hbm>> -> memref<80xi32, #tpu.memory_space<hbm>>
      %dma_start3A_117 = arith.constant 0 : i32
      %dma_start3A_118 = tpu.memref_slice %arg8[%run_scoped3A_59, %dma_start3A_117] : memref<2x80xi32, #tpu.memory_space<vmem>> -> memref<1x80xi32, #tpu.memory_space<vmem>>
      %dma_start3A_119 = tpu.memref_squeeze %dma_start3A_118 : memref<1x80xi32, #tpu.memory_space<vmem>> -> memref<80xi32, #tpu.memory_space<vmem>>
      %dma_start3A_120 = tpu.memref_slice %arg2[%add3A_58] : memref<332800xi32, #tpu.memory_space<hbm>> -> memref<80xi32, #tpu.memory_space<hbm>>
      tpu.enqueue_dma source(%dma_start3A_120 : memref<80xi32, #tpu.memory_space<hbm>>) target(%dma_start3A_119 : memref<80xi32, #tpu.memory_space<vmem>>) target_semaphore(%run_scoped3A_112 : memref<!tpu.dma_semaphore, #tpu.memory_space<semaphore_mem>>)
      %dma_wait3A = arith.constant 0 : i32
      %dma_wait3A_121 = tpu.memref_slice %arg8[%run_scoped3A_59, %dma_wait3A] : memref<2x80xi32, #tpu.memory_space<vmem>> -> memref<1x80xi32, #tpu.memory_space<vmem>>
      %dma_wait3A_122 = tpu.memref_squeeze %dma_wait3A_121 : memref<1x80xi32, #tpu.memory_space<vmem>> -> memref<80xi32, #tpu.memory_space<vmem>>
      %dma_wait3A_123 = tpu.memref_slice %arg2[%add3A_58] : memref<332800xi32, #tpu.memory_space<hbm>> -> memref<80xi32, #tpu.memory_space<hbm>>
      %dma_wait3A_124 = arith.constant 0 : i32
      %dma_wait3A_125 = tpu.memref_slice %arg8[%run_scoped3A_59, %dma_wait3A_124] : memref<2x80xi32, #tpu.memory_space<vmem>> -> memref<1x80xi32, #tpu.memory_space<vmem>>
      %dma_wait3A_126 = tpu.memref_squeeze %dma_wait3A_125 : memref<1x80xi32, #tpu.memory_space<vmem>> -> memref<80xi32, #tpu.memory_space<vmem>>
      %dma_wait3A_127 = tpu.memref_slice %arg2[%add3A_58] : memref<332800xi32, #tpu.memory_space<hbm>> -> memref<80xi32, #tpu.memory_space<hbm>>
      tpu.wait_dma2 semaphore(%run_scoped3A_112 : memref<!tpu.dma_semaphore, #tpu.memory_space<semaphore_mem>>) src(%dma_wait3A_127 : memref<80xi32, #tpu.memory_space<hbm>>) dst(%dma_wait3A_126 : memref<80xi32, #tpu.memory_space<vmem>>)
      tpu.yield
    }) : () -> ()
    %run_scoped3A_60 = arith.constant 1 : i32
    "tpu.region"() ({
      %run_scoped3A_112 = tpu.sem_alloc : memref<!tpu.dma_semaphore, #tpu.memory_space<semaphore_mem>>
      %dma_start3A_113 = arith.constant 0 : i32
      %dma_start3A_114 = tpu.memref_slice %arg9[%run_scoped3A_60, %dma_start3A_113] : memref<2x80xi32, #tpu.memory_space<vmem>> -> memref<1x80xi32, #tpu.memory_space<vmem>>
      %dma_start3A_115 = tpu.memref_squeeze %dma_start3A_114 : memref<1x80xi32, #tpu.memory_space<vmem>> -> memref<80xi32, #tpu.memory_space<vmem>>
      %dma_start3A_116 = tpu.memref_slice %arg3[%add3A_58] : memref<332800xi32, #tpu.memory_space<hbm>> -> memref<80xi32, #tpu.memory_space<hbm>>
      %dma_start3A_117 = arith.constant 0 : i32
      %dma_start3A_118 = tpu.memref_slice %arg9[%run_scoped3A_60, %dma_start3A_117] : memref<2x80xi32, #tpu.memory_space<vmem>> -> memref<1x80xi32, #tpu.memory_space<vmem>>
      %dma_start3A_119 = tpu.memref_squeeze %dma_start3A_118 : memref<1x80xi32, #tpu.memory_space<vmem>> -> memref<80xi32, #tpu.memory_space<vmem>>
      %dma_start3A_120 = tpu.memref_slice %arg3[%add3A_58] : memref<332800xi32, #tpu.memory_space<hbm>> -> memref<80xi32, #tpu.memory_space<hbm>>
      tpu.enqueue_dma source(%dma_start3A_120 : memref<80xi32, #tpu.memory_space<hbm>>) target(%dma_start3A_119 : memref<80xi32, #tpu.memory_space<vmem>>) target_semaphore(%run_scoped3A_112 : memref<!tpu.dma_semaphore, #tpu.memory_space<semaphore_mem>>)
      %dma_wait3A = arith.constant 0 : i32
      %dma_wait3A_121 = tpu.memref_slice %arg9[%run_scoped3A_60, %dma_wait3A] : memref<2x80xi32, #tpu.memory_space<vmem>> -> memref<1x80xi32, #tpu.memory_space<vmem>>
      %dma_wait3A_122 = tpu.memref_squeeze %dma_wait3A_121 : memref<1x80xi32, #tpu.memory_space<vmem>> -> memref<80xi32, #tpu.memory_space<vmem>>
      %dma_wait3A_123 = tpu.memref_slice %arg3[%add3A_58] : memref<332800xi32, #tpu.memory_space<hbm>> -> memref<80xi32, #tpu.memory_space<hbm>>
      %dma_wait3A_124 = arith.constant 0 : i32
      %dma_wait3A_125 = tpu.memref_slice %arg9[%run_scoped3A_60, %dma_wait3A_124] : memref<2x80xi32, #tpu.memory_space<vmem>> -> memref<1x80xi32, #tpu.memory_space<vmem>>
      %dma_wait3A_126 = tpu.memref_squeeze %dma_wait3A_125 : memref<1x80xi32, #tpu.memory_space<vmem>> -> memref<80xi32, #tpu.memory_space<vmem>>
      %dma_wait3A_127 = tpu.memref_slice %arg3[%add3A_58] : memref<332800xi32, #tpu.memory_space<hbm>> -> memref<80xi32, #tpu.memory_space<hbm>>
      tpu.wait_dma2 semaphore(%run_scoped3A_112 : memref<!tpu.dma_semaphore, #tpu.memory_space<semaphore_mem>>) src(%dma_wait3A_127 : memref<80xi32, #tpu.memory_space<hbm>>) dst(%dma_wait3A_126 : memref<80xi32, #tpu.memory_space<vmem>>)
      tpu.yield
    }) : () -> ()
    %dma_start3A_61 = arith.constant 1 : i32
    %dma_start3A_62 = arith.constant 1 : i32
    %dma_start3A_63 = arith.constant 0 : i32
    %dma_start3A_64 = arith.constant 0 : i32
    %dma_start3A_65 = tpu.memref_slice %arg10[%dma_start3A_62, %dma_start3A_63, %dma_start3A_64] : memref<2x80x16xf32, #tpu.memory_space<vmem>> -> memref<1x80x16xf32, #tpu.memory_space<vmem>>
    %dma_start3A_66 = tpu.memref_squeeze %dma_start3A_65 : memref<1x80x16xf32, #tpu.memory_space<vmem>> -> memref<80x16xf32, #tpu.memory_space<vmem>>
    %dma_start3A_67 = arith.constant 0 : i32
    %dma_start3A_68 = tpu.memref_slice %arg8[%dma_start3A_61, %dma_start3A_67] : memref<2x80xi32, #tpu.memory_space<vmem>> -> memref<1x80xi32, #tpu.memory_space<vmem>>
    %dma_start3A_69 = tpu.memref_squeeze %dma_start3A_68 : memref<1x80xi32, #tpu.memory_space<vmem>> -> memref<80xi32, #tpu.memory_space<vmem>>
    %dma_start3A_70 = arith.constant 0 : i32
    %dma_start3A_71 = arith.constant 0 : i32
    %dma_start3A_72 = tpu.memref_slice %arg4[%dma_start3A_70, %dma_start3A_71] : memref<10112x16xf32, #tpu.memory_space<hbm>> -> memref<10112x16xf32, #tpu.memory_space<hbm>>
    tpu.enqueue_indirect_dma source(%dma_start3A_72 : memref<10112x16xf32, #tpu.memory_space<hbm>>) target(%dma_start3A_66 : memref<80x16xf32, #tpu.memory_space<vmem>>) offsets(%dma_start3A_69 : memref<80xi32, #tpu.memory_space<vmem>>) semaphore(%arg18 : memref<!tpu.dma_semaphore, #tpu.memory_space<semaphore_mem>>)
    %dma_start3A_73 = arith.constant 1 : i32
    %dma_start3A_74 = arith.constant 1 : i32
    %dma_start3A_75 = arith.constant 0 : i32
    %dma_start3A_76 = arith.constant 0 : i32
    %dma_start3A_77 = tpu.memref_slice %arg11[%dma_start3A_74, %dma_start3A_75, %dma_start3A_76] : memref<2x80x16xf32, #tpu.memory_space<vmem>> -> memref<1x80x16xf32, #tpu.memory_space<vmem>>
    %dma_start3A_78 = tpu.memref_squeeze %dma_start3A_77 : memref<1x80x16xf32, #tpu.memory_space<vmem>> -> memref<80x16xf32, #tpu.memory_space<vmem>>
    %dma_start3A_79 = arith.constant 0 : i32
    %dma_start3A_80 = tpu.memref_slice %arg9[%dma_start3A_73, %dma_start3A_79] : memref<2x80xi32, #tpu.memory_space<vmem>> -> memref<1x80xi32, #tpu.memory_space<vmem>>
    %dma_start3A_81 = tpu.memref_squeeze %dma_start3A_80 : memref<1x80xi32, #tpu.memory_space<vmem>> -> memref<80xi32, #tpu.memory_space<vmem>>
    %dma_start3A_82 = arith.constant 0 : i32
    %dma_start3A_83 = arith.constant 0 : i32
    %dma_start3A_84 = tpu.memref_slice %arg5[%dma_start3A_82, %dma_start3A_83] : memref<10112x16xf32, #tpu.memory_space<hbm>> -> memref<10112x16xf32, #tpu.memory_space<hbm>>
    tpu.enqueue_indirect_dma source(%dma_start3A_84 : memref<10112x16xf32, #tpu.memory_space<hbm>>) target(%dma_start3A_78 : memref<80x16xf32, #tpu.memory_space<vmem>>) offsets(%dma_start3A_81 : memref<80xi32, #tpu.memory_space<vmem>>) semaphore(%arg19 : memref<!tpu.dma_semaphore, #tpu.memory_space<semaphore_mem>>)
    %dma_start3A_85 = arith.constant 1 : i32
    %dma_start3A_86 = arith.constant 1 : i32
    %dma_start3A_87 = arith.constant 0 : i32
    %dma_start3A_88 = arith.constant 0 : i32
    %dma_start3A_89 = tpu.memref_slice %arg12[%dma_start3A_86, %dma_start3A_87, %dma_start3A_88] : memref<2x80x64xf32, #tpu.memory_space<vmem>> -> memref<1x80x64xf32, #tpu.memory_space<vmem>>
    %dma_start3A_90 = tpu.memref_squeeze %dma_start3A_89 : memref<1x80x64xf32, #tpu.memory_space<vmem>> -> memref<80x64xf32, #tpu.memory_space<vmem>>
    %dma_start3A_91 = arith.constant 0 : i32
    %dma_start3A_92 = tpu.memref_slice %arg8[%dma_start3A_85, %dma_start3A_91] : memref<2x80xi32, #tpu.memory_space<vmem>> -> memref<1x80xi32, #tpu.memory_space<vmem>>
    %dma_start3A_93 = tpu.memref_squeeze %dma_start3A_92 : memref<1x80xi32, #tpu.memory_space<vmem>> -> memref<80xi32, #tpu.memory_space<vmem>>
    %dma_start3A_94 = arith.constant 0 : i32
    %dma_start3A_95 = arith.constant 0 : i32
    %dma_start3A_96 = tpu.memref_slice %arg6[%dma_start3A_94, %dma_start3A_95] : memref<10112x64xf32, #tpu.memory_space<hbm>> -> memref<10112x64xf32, #tpu.memory_space<hbm>>
    tpu.enqueue_indirect_dma source(%dma_start3A_96 : memref<10112x64xf32, #tpu.memory_space<hbm>>) target(%dma_start3A_90 : memref<80x64xf32, #tpu.memory_space<vmem>>) offsets(%dma_start3A_93 : memref<80xi32, #tpu.memory_space<vmem>>) semaphore(%arg20 : memref<!tpu.dma_semaphore, #tpu.memory_space<semaphore_mem>>)
    %scan3A_97 = arith.constant 0 : i32
    %scan3A_98 = arith.constant 65 : i32
    %scan3A_99 = arith.addi %scan3A_97, %scan3A_98 : i32
    %scan3A_100 = arith.constant 1 : i32
    scf.for %scan3A_112 = %scan3A_97 to %scan3A_99 step %scan3A_100  : i32 {
      %mul3A_113 = arith.constant 1 : i32
      %mul3A_114 = arith.muli %scan3A_112, %mul3A_113 : i32
      %add3A_115 = arith.constant 0 : i32
      %add3A_116 = arith.addi %add3A_115, %mul3A_114 : i32
      %mul3A_117 = arith.constant 2 : i32
      %mul3A_118 = arith.muli %add3A_116, %mul3A_117 : i32
      %add3A_119 = arith.constant 0 : i32
      %add3A_120 = arith.addi %mul3A_118, %add3A_119 : i32
      %dma_wait3A = arith.constant 0 : i32
      %dma_wait3A_121 = arith.constant 0 : i32
      %dma_wait3A_122 = arith.constant 0 : i32
      %dma_wait3A_123 = arith.constant 0 : i32
      %dma_wait3A_124 = tpu.memref_slice %arg10[%dma_wait3A_121, %dma_wait3A_122, %dma_wait3A_123] : memref<2x80x16xf32, #tpu.memory_space<vmem>> -> memref<1x80x16xf32, #tpu.memory_space<vmem>>
      %dma_wait3A_125 = tpu.memref_squeeze %dma_wait3A_124 : memref<1x80x16xf32, #tpu.memory_space<vmem>> -> memref<80x16xf32, #tpu.memory_space<vmem>>
      %dma_wait3A_126 = arith.constant 0 : i32
      %dma_wait3A_127 = tpu.memref_slice %arg8[%dma_wait3A, %dma_wait3A_126] : memref<2x80xi32, #tpu.memory_space<vmem>> -> memref<1x80xi32, #tpu.memory_space<vmem>>
      %dma_wait3A_128 = tpu.memref_squeeze %dma_wait3A_127 : memref<1x80xi32, #tpu.memory_space<vmem>> -> memref<80xi32, #tpu.memory_space<vmem>>
      %dma_wait3A_129 = arith.constant 0 : i32
      %dma_wait3A_130 = arith.constant 0 : i32
      %dma_wait3A_131 = tpu.memref_slice %arg4[%dma_wait3A_129, %dma_wait3A_130] : memref<10112x16xf32, #tpu.memory_space<hbm>> -> memref<10112x16xf32, #tpu.memory_space<hbm>>
      tpu.wait_indirect_dma semaphore(%arg15 : memref<!tpu.dma_semaphore, #tpu.memory_space<semaphore_mem>>) src(%dma_wait3A_131 : memref<10112x16xf32, #tpu.memory_space<hbm>>) dst(%dma_wait3A_125 : memref<80x16xf32, #tpu.memory_space<vmem>>)
      %dma_wait3A_132 = arith.constant 0 : i32
      %dma_wait3A_133 = arith.constant 0 : i32
      %dma_wait3A_134 = arith.constant 0 : i32
      %dma_wait3A_135 = arith.constant 0 : i32
      %dma_wait3A_136 = tpu.memref_slice %arg11[%dma_wait3A_133, %dma_wait3A_134, %dma_wait3A_135] : memref<2x80x16xf32, #tpu.memory_space<vmem>> -> memref<1x80x16xf32, #tpu.memory_space<vmem>>
      %dma_wait3A_137 = tpu.memref_squeeze %dma_wait3A_136 : memref<1x80x16xf32, #tpu.memory_space<vmem>> -> memref<80x16xf32, #tpu.memory_space<vmem>>
      %dma_wait3A_138 = arith.constant 0 : i32
      %dma_wait3A_139 = tpu.memref_slice %arg9[%dma_wait3A_132, %dma_wait3A_138] : memref<2x80xi32, #tpu.memory_space<vmem>> -> memref<1x80xi32, #tpu.memory_space<vmem>>
      %dma_wait3A_140 = tpu.memref_squeeze %dma_wait3A_139 : memref<1x80xi32, #tpu.memory_space<vmem>> -> memref<80xi32, #tpu.memory_space<vmem>>
      %dma_wait3A_141 = arith.constant 0 : i32
      %dma_wait3A_142 = arith.constant 0 : i32
      %dma_wait3A_143 = tpu.memref_slice %arg5[%dma_wait3A_141, %dma_wait3A_142] : memref<10112x16xf32, #tpu.memory_space<hbm>> -> memref<10112x16xf32, #tpu.memory_space<hbm>>
      tpu.wait_indirect_dma semaphore(%arg16 : memref<!tpu.dma_semaphore, #tpu.memory_space<semaphore_mem>>) src(%dma_wait3A_143 : memref<10112x16xf32, #tpu.memory_space<hbm>>) dst(%dma_wait3A_137 : memref<80x16xf32, #tpu.memory_space<vmem>>)
      %dma_wait3A_144 = arith.constant 0 : i32
      %dma_wait3A_145 = arith.constant 0 : i32
      %dma_wait3A_146 = arith.constant 0 : i32
      %dma_wait3A_147 = arith.constant 0 : i32
      %dma_wait3A_148 = tpu.memref_slice %arg12[%dma_wait3A_145, %dma_wait3A_146, %dma_wait3A_147] : memref<2x80x64xf32, #tpu.memory_space<vmem>> -> memref<1x80x64xf32, #tpu.memory_space<vmem>>
      %dma_wait3A_149 = tpu.memref_squeeze %dma_wait3A_148 : memref<1x80x64xf32, #tpu.memory_space<vmem>> -> memref<80x64xf32, #tpu.memory_space<vmem>>
      %dma_wait3A_150 = arith.constant 0 : i32
      %dma_wait3A_151 = tpu.memref_slice %arg8[%dma_wait3A_144, %dma_wait3A_150] : memref<2x80xi32, #tpu.memory_space<vmem>> -> memref<1x80xi32, #tpu.memory_space<vmem>>
      %dma_wait3A_152 = tpu.memref_squeeze %dma_wait3A_151 : memref<1x80xi32, #tpu.memory_space<vmem>> -> memref<80xi32, #tpu.memory_space<vmem>>
      %dma_wait3A_153 = arith.constant 0 : i32
      %dma_wait3A_154 = arith.constant 0 : i32
      %dma_wait3A_155 = tpu.memref_slice %arg6[%dma_wait3A_153, %dma_wait3A_154] : memref<10112x64xf32, #tpu.memory_space<hbm>> -> memref<10112x64xf32, #tpu.memory_space<hbm>>
      tpu.wait_indirect_dma semaphore(%arg17 : memref<!tpu.dma_semaphore, #tpu.memory_space<semaphore_mem>>) src(%dma_wait3A_155 : memref<10112x64xf32, #tpu.memory_space<hbm>>) dst(%dma_wait3A_149 : memref<80x64xf32, #tpu.memory_space<vmem>>)
      %scan3A_156 = arith.constant 0 : i32
      %scan3A_157 = arith.constant 80 : i32
      %scan3A_158 = arith.addi %scan3A_156, %scan3A_157 : i32
      %scan3A_159 = arith.constant 1 : i32
      scf.for %scan3A_220 = %scan3A_156 to %scan3A_158 step %scan3A_159  : i32 {
        %mul3A_221 = arith.constant 1 : i32
        %mul3A_222 = arith.muli %scan3A_220, %mul3A_221 : i32
        %add3A_223 = arith.constant 0 : i32
        %add3A_224 = arith.addi %add3A_223, %mul3A_222 : i32
        %get3A = arith.constant 0 : i32
        %get3A_225 = arith.index_cast %get3A : i32 to index
        %get3A_226 = arith.index_cast %add3A_224 : i32 to index
        %get3A_227 = arith.constant 0 : index
        %get3A_228 = tpu.vector_load %arg10[%get3A_225, %get3A_226, %get3A_227] {strides = array<i32>} : memref<2x80x16xf32, #tpu.memory_space<vmem>>, vector<1x1x16xf32>,
        %get3A_229 = vector.shape_cast %get3A_228 : vector<1x1x16xf32> to vector<16xf32>
        %get3A_230 = arith.constant 0 : i32
        %get3A_231 = arith.index_cast %get3A_230 : i32 to index
        %get3A_232 = arith.index_cast %add3A_224 : i32 to index
        %get3A_233 = arith.constant 0 : index
        %get3A_234 = tpu.vector_load %arg11[%get3A_231, %get3A_232, %get3A_233] {strides = array<i32>} : memref<2x80x16xf32, #tpu.memory_space<vmem>>, vector<1x1x16xf32>,
        %get3A_235 = vector.shape_cast %get3A_234 : vector<1x1x16xf32> to vector<16xf32>
        %add3A_236 = arith.addf %get3A_229, %get3A_235 : vector<16xf32>
        %mul3A_237 = arith.constant 2.000000e-01 : f32
        %mul3A_238 = vector.broadcast %mul3A_237 : f32 to vector<16xf32>
        %mul3A_239 = arith.mulf %mul3A_238, %add3A_236 : vector<16xf32>
        %max3A = arith.maximumf %add3A_236, %mul3A_239 : vector<16xf32>
        %exp3A = math.exp %max3A : vector<16xf32>
        %jit3A = arith.constant 0.000000e+00 : f32
        %broadcast_in_dim3A_240 = vector.broadcast %jit3A : f32 to vector<16xf32>
        %select_n3A = arith.select %lt3A_3, %exp3A, %broadcast_in_dim3A_240 : vector<16xi1>, vector<16xf32>
        %swap3A = arith.index_cast %add3A_224 : i32 to index
        %swap3A_241 = arith.constant 64 : index
        %swap3A_242 = tpu.vector_load %arg13[%swap3A, %swap3A_241] {strides = array<i32>} : memref<80x80xf32, #tpu.memory_space<vmem>>, vector<1x16xf32>,
        %swap3A_243 = vector.shape_cast %swap3A_242 : vector<1x16xf32> to vector<16xf32>
        %swap3A_244 = vector.shape_cast %select_n3A : vector<16xf32> to vector<1x16xf32>
        tpu.vector_store %arg13[%swap3A, %swap3A_241], %swap3A_244 {strides = array<i32>} : memref<80x80xf32, #tpu.memory_space<vmem>>, vector<1x16xf32>,
        %slice3A = vector.extract_strided_slice %exp3A {offsets = [0], sizes = [1], strides = [1]} : vector<16xf32> to vector<1xf32>
        %squeeze3A = vector.extract %slice3A[0] : f32 from vector<1xf32>
        %get3A_245 = arith.constant 0 : i32
        %get3A_246 = arith.index_cast %get3A_245 : i32 to index
        %get3A_247 = arith.index_cast %add3A_224 : i32 to index
        %get3A_248 = arith.constant 0 : index
        %get3A_249 = tpu.vector_load %arg12[%get3A_246, %get3A_247, %get3A_248] {strides = array<i32>} : memref<2x80x64xf32, #tpu.memory_space<vmem>>, vector<1x1x16xf32>,
        %get3A_250 = vector.shape_cast %get3A_249 : vector<1x1x16xf32> to vector<16xf32>
        %mul3A_251 = vector.broadcast %squeeze3A : f32 to vector<16xf32>
        %mul3A_252 = arith.mulf %get3A_250, %mul3A_251 : vector<16xf32>
        %swap3A_253 = arith.index_cast %add3A_224 : i32 to index
        %swap3A_254 = arith.constant 0 : index
        %swap3A_255 = tpu.vector_load %arg13[%swap3A_253, %swap3A_254] {strides = array<i32>} : memref<80x80xf32, #tpu.memory_space<vmem>>, vector<1x16xf32>,
        %swap3A_256 = vector.shape_cast %swap3A_255 : vector<1x16xf32> to vector<16xf32>
        %swap3A_257 = vector.shape_cast %mul3A_252 : vector<16xf32> to vector<1x16xf32>
        tpu.vector_store %arg13[%swap3A_253, %swap3A_254], %swap3A_257 {strides = array<i32>} : memref<80x80xf32, #tpu.memory_space<vmem>>, vector<1x16xf32>,
        %get3A_258 = arith.constant 0 : i32
        %get3A_259 = arith.index_cast %get3A_258 : i32 to index
        %get3A_260 = arith.index_cast %add3A_224 : i32 to index
        %get3A_261 = arith.constant 16 : index
        %get3A_262 = tpu.vector_load %arg12[%get3A_259, %get3A_260, %get3A_261] {strides = array<i32>} : memref<2x80x64xf32, #tpu.memory_space<vmem>>, vector<1x1x16xf32>,
        %get3A_263 = vector.shape_cast %get3A_262 : vector<1x1x16xf32> to vector<16xf32>
        %mul3A_264 = vector.broadcast %squeeze3A : f32 to vector<16xf32>
        %mul3A_265 = arith.mulf %get3A_263, %mul3A_264 : vector<16xf32>
        %swap3A_266 = arith.index_cast %add3A_224 : i32 to index
        %swap3A_267 = arith.constant 16 : index
        %swap3A_268 = tpu.vector_load %arg13[%swap3A_266, %swap3A_267] {strides = array<i32>} : memref<80x80xf32, #tpu.memory_space<vmem>>, vector<1x16xf32>,
        %swap3A_269 = vector.shape_cast %swap3A_268 : vector<1x16xf32> to vector<16xf32>
        %swap3A_270 = vector.shape_cast %mul3A_265 : vector<16xf32> to vector<1x16xf32>
        tpu.vector_store %arg13[%swap3A_266, %swap3A_267], %swap3A_270 {strides = array<i32>} : memref<80x80xf32, #tpu.memory_space<vmem>>, vector<1x16xf32>,
        %get3A_271 = arith.constant 0 : i32
        %get3A_272 = arith.index_cast %get3A_271 : i32 to index
        %get3A_273 = arith.index_cast %add3A_224 : i32 to index
        %get3A_274 = arith.constant 32 : index
        %get3A_275 = tpu.vector_load %arg12[%get3A_272, %get3A_273, %get3A_274] {strides = array<i32>} : memref<2x80x64xf32, #tpu.memory_space<vmem>>, vector<1x1x16xf32>,
        %get3A_276 = vector.shape_cast %get3A_275 : vector<1x1x16xf32> to vector<16xf32>
        %mul3A_277 = vector.broadcast %squeeze3A : f32 to vector<16xf32>
        %mul3A_278 = arith.mulf %get3A_276, %mul3A_277 : vector<16xf32>
        %swap3A_279 = arith.index_cast %add3A_224 : i32 to index
        %swap3A_280 = arith.constant 32 : index
        %swap3A_281 = tpu.vector_load %arg13[%swap3A_279, %swap3A_280] {strides = array<i32>} : memref<80x80xf32, #tpu.memory_space<vmem>>, vector<1x16xf32>,
        %swap3A_282 = vector.shape_cast %swap3A_281 : vector<1x16xf32> to vector<16xf32>
        %swap3A_283 = vector.shape_cast %mul3A_278 : vector<16xf32> to vector<1x16xf32>
        tpu.vector_store %arg13[%swap3A_279, %swap3A_280], %swap3A_283 {strides = array<i32>} : memref<80x80xf32, #tpu.memory_space<vmem>>, vector<1x16xf32>,
        %get3A_284 = arith.constant 0 : i32
        %get3A_285 = arith.index_cast %get3A_284 : i32 to index
        %get3A_286 = arith.index_cast %add3A_224 : i32 to index
        %get3A_287 = arith.constant 48 : index
        %get3A_288 = tpu.vector_load %arg12[%get3A_285, %get3A_286, %get3A_287] {strides = array<i32>} : memref<2x80x64xf32, #tpu.memory_space<vmem>>, vector<1x1x16xf32>,
        %get3A_289 = vector.shape_cast %get3A_288 : vector<1x1x16xf32> to vector<16xf32>
        %mul3A_290 = vector.broadcast %squeeze3A : f32 to vector<16xf32>
        %mul3A_291 = arith.mulf %get3A_289, %mul3A_290 : vector<16xf32>
        %swap3A_292 = arith.index_cast %add3A_224 : i32 to index
        %swap3A_293 = arith.constant 48 : index
        %swap3A_294 = tpu.vector_load %arg13[%swap3A_292, %swap3A_293] {strides = array<i32>} : memref<80x80xf32, #tpu.memory_space<vmem>>, vector<1x16xf32>,
        %swap3A_295 = vector.shape_cast %swap3A_294 : vector<1x16xf32> to vector<16xf32>
        %swap3A_296 = vector.shape_cast %mul3A_291 : vector<16xf32> to vector<1x16xf32>
        tpu.vector_store %arg13[%swap3A_292, %swap3A_293], %swap3A_296 {strides = array<i32>} : memref<80x80xf32, #tpu.memory_space<vmem>>, vector<1x16xf32>,
      }
      %scan3A_160 = arith.constant 80 : i32
      %run_scoped3A_161 = arith.constant 0 : i32
      "tpu.region"() ({
        %run_scoped3A_220 = tpu.sem_alloc : memref<!tpu.dma_semaphore, #tpu.memory_space<semaphore_mem>>
        %dma_start3A_221 = arith.constant 0 : i32
        %dma_start3A_222 = tpu.memref_slice %arg9[%run_scoped3A_161, %dma_start3A_221] : memref<2x80xi32, #tpu.memory_space<vmem>> -> memref<1x80xi32, #tpu.memory_space<vmem>>
        %dma_start3A_223 = tpu.memref_squeeze %dma_start3A_222 : memref<1x80xi32, #tpu.memory_space<vmem>> -> memref<80xi32, #tpu.memory_space<vmem>>
        %dma_start3A_224 = arith.constant 0 : i32
        %dma_start3A_225 = arith.constant 0 : i32
        %dma_start3A_226 = tpu.memref_slice %arg14[%dma_start3A_224, %dma_start3A_225] : memref<10112x80xf32, #tpu.memory_space<vmem_shared>> -> memref<10112x80xf32, #tpu.memory_space<vmem_shared>>
        tpu.enqueue_indirect_dma source(%arg13 : memref<80x80xf32, #tpu.memory_space<vmem>>) target(%dma_start3A_226 : memref<10112x80xf32, #tpu.memory_space<vmem_shared>>) offsets(%dma_start3A_223 : memref<80xi32, #tpu.memory_space<vmem>>) semaphore(%run_scoped3A_220 : memref<!tpu.dma_semaphore, #tpu.memory_space<semaphore_mem>>) {add = true}
        %dma_wait3A_227 = arith.constant 0 : i32
        %dma_wait3A_228 = tpu.memref_slice %arg9[%run_scoped3A_161, %dma_wait3A_227] : memref<2x80xi32, #tpu.memory_space<vmem>> -> memref<1x80xi32, #tpu.memory_space<vmem>>
        %dma_wait3A_229 = tpu.memref_squeeze %dma_wait3A_228 : memref<1x80xi32, #tpu.memory_space<vmem>> -> memref<80xi32, #tpu.memory_space<vmem>>
        %dma_wait3A_230 = arith.constant 0 : i32
        %dma_wait3A_231 = arith.constant 0 : i32
        %dma_wait3A_232 = tpu.memref_slice %arg14[%dma_wait3A_230, %dma_wait3A_231] : memref<10112x80xf32, #tpu.memory_space<vmem_shared>> -> memref<10112x80xf32, #tpu.memory_space<vmem_shared>>
        tpu.wait_indirect_dma semaphore(%run_scoped3A_220 : memref<!tpu.dma_semaphore, #tpu.memory_space<semaphore_mem>>) src(%arg13 : memref<80x80xf32, #tpu.memory_space<vmem>>) dst(%dma_wait3A_232 : memref<10112x80xf32, #tpu.memory_space<vmem_shared>>)
        tpu.yield
      }) : () -> ()
      %add3A_162 = arith.constant 2 : i32
      %add3A_163 = arith.addi %add3A_120, %add3A_162 : i32
      %lt3A_164 = arith.constant 130 : i32
      %lt3A_165 = arith.cmpi slt, %add3A_163, %lt3A_164 : i32
      %convert_element_type3A = arith.extui %lt3A_165 : i1 to i32
      %cond3A = arith.constant 0 : i32
      %cond3A_166 = arith.cmpi ne, %convert_element_type3A, %cond3A : i32
      scf.if %cond3A_166 {
        %add3A_220 = arith.constant 2 : i32
        %add3A_221 = arith.addi %add3A_120, %add3A_220 : i32
        %mul3A_222 = arith.constant 80 : i32
        %mul3A_223 = arith.muli %add3A_221, %mul3A_222 : i32
        %add3A_224 = arith.addi %mul3A_18, %mul3A_223 : i32
        %run_scoped3A_225 = arith.constant 0 : i32
        "tpu.region"() ({
          %run_scoped3A_263 = tpu.sem_alloc : memref<!tpu.dma_semaphore, #tpu.memory_space<semaphore_mem>>
          %dma_start3A_264 = arith.constant 0 : i32
          %dma_start3A_265 = tpu.memref_slice %arg8[%run_scoped3A_225, %dma_start3A_264] : memref<2x80xi32, #tpu.memory_space<vmem>> -> memref<1x80xi32, #tpu.memory_space<vmem>>
          %dma_start3A_266 = tpu.memref_squeeze %dma_start3A_265 : memref<1x80xi32, #tpu.memory_space<vmem>> -> memref<80xi32, #tpu.memory_space<vmem>>
          %dma_start3A_267 = tpu.memref_slice %arg2[%add3A_224] : memref<332800xi32, #tpu.memory_space<hbm>> -> memref<80xi32, #tpu.memory_space<hbm>>
          %dma_start3A_268 = arith.constant 0 : i32
          %dma_start3A_269 = tpu.memref_slice %arg8[%run_scoped3A_225, %dma_start3A_268] : memref<2x80xi32, #tpu.memory_space<vmem>> -> memref<1x80xi32, #tpu.memory_space<vmem>>
          %dma_start3A_270 = tpu.memref_squeeze %dma_start3A_269 : memref<1x80xi32, #tpu.memory_space<vmem>> -> memref<80xi32, #tpu.memory_space<vmem>>
          %dma_start3A_271 = tpu.memref_slice %arg2[%add3A_224] : memref<332800xi32, #tpu.memory_space<hbm>> -> memref<80xi32, #tpu.memory_space<hbm>>
          tpu.enqueue_dma source(%dma_start3A_271 : memref<80xi32, #tpu.memory_space<hbm>>) target(%dma_start3A_270 : memref<80xi32, #tpu.memory_space<vmem>>) target_semaphore(%run_scoped3A_263 : memref<!tpu.dma_semaphore, #tpu.memory_space<semaphore_mem>>)
          %dma_wait3A_272 = arith.constant 0 : i32
          %dma_wait3A_273 = tpu.memref_slice %arg8[%run_scoped3A_225, %dma_wait3A_272] : memref<2x80xi32, #tpu.memory_space<vmem>> -> memref<1x80xi32, #tpu.memory_space<vmem>>
          %dma_wait3A_274 = tpu.memref_squeeze %dma_wait3A_273 : memref<1x80xi32, #tpu.memory_space<vmem>> -> memref<80xi32, #tpu.memory_space<vmem>>
          %dma_wait3A_275 = tpu.memref_slice %arg2[%add3A_224] : memref<332800xi32, #tpu.memory_space<hbm>> -> memref<80xi32, #tpu.memory_space<hbm>>
          %dma_wait3A_276 = arith.constant 0 : i32
          %dma_wait3A_277 = tpu.memref_slice %arg8[%run_scoped3A_225, %dma_wait3A_276] : memref<2x80xi32, #tpu.memory_space<vmem>> -> memref<1x80xi32, #tpu.memory_space<vmem>>
          %dma_wait3A_278 = tpu.memref_squeeze %dma_wait3A_277 : memref<1x80xi32, #tpu.memory_space<vmem>> -> memref<80xi32, #tpu.memory_space<vmem>>
          %dma_wait3A_279 = tpu.memref_slice %arg2[%add3A_224] : memref<332800xi32, #tpu.memory_space<hbm>> -> memref<80xi32, #tpu.memory_space<hbm>>
          tpu.wait_dma2 semaphore(%run_scoped3A_263 : memref<!tpu.dma_semaphore, #tpu.memory_space<semaphore_mem>>) src(%dma_wait3A_279 : memref<80xi32, #tpu.memory_space<hbm>>) dst(%dma_wait3A_278 : memref<80xi32, #tpu.memory_space<vmem>>)
          tpu.yield
        }) : () -> ()
        %run_scoped3A_226 = arith.constant 0 : i32
        "tpu.region"() ({
          %run_scoped3A_263 = tpu.sem_alloc : memref<!tpu.dma_semaphore, #tpu.memory_space<semaphore_mem>>
          %dma_start3A_264 = arith.constant 0 : i32
          %dma_start3A_265 = tpu.memref_slice %arg9[%run_scoped3A_226, %dma_start3A_264] : memref<2x80xi32, #tpu.memory_space<vmem>> -> memref<1x80xi32, #tpu.memory_space<vmem>>
          %dma_start3A_266 = tpu.memref_squeeze %dma_start3A_265 : memref<1x80xi32, #tpu.memory_space<vmem>> -> memref<80xi32, #tpu.memory_space<vmem>>
          %dma_start3A_267 = tpu.memref_slice %arg3[%add3A_224] : memref<332800xi32, #tpu.memory_space<hbm>> -> memref<80xi32, #tpu.memory_space<hbm>>
          %dma_start3A_268 = arith.constant 0 : i32
          %dma_start3A_269 = tpu.memref_slice %arg9[%run_scoped3A_226, %dma_start3A_268] : memref<2x80xi32, #tpu.memory_space<vmem>> -> memref<1x80xi32, #tpu.memory_space<vmem>>
          %dma_start3A_270 = tpu.memref_squeeze %dma_start3A_269 : memref<1x80xi32, #tpu.memory_space<vmem>> -> memref<80xi32, #tpu.memory_space<vmem>>
          %dma_start3A_271 = tpu.memref_slice %arg3[%add3A_224] : memref<332800xi32, #tpu.memory_space<hbm>> -> memref<80xi32, #tpu.memory_space<hbm>>
          tpu.enqueue_dma source(%dma_start3A_271 : memref<80xi32, #tpu.memory_space<hbm>>) target(%dma_start3A_270 : memref<80xi32, #tpu.memory_space<vmem>>) target_semaphore(%run_scoped3A_263 : memref<!tpu.dma_semaphore, #tpu.memory_space<semaphore_mem>>)
          %dma_wait3A_272 = arith.constant 0 : i32
          %dma_wait3A_273 = tpu.memref_slice %arg9[%run_scoped3A_226, %dma_wait3A_272] : memref<2x80xi32, #tpu.memory_space<vmem>> -> memref<1x80xi32, #tpu.memory_space<vmem>>
          %dma_wait3A_274 = tpu.memref_squeeze %dma_wait3A_273 : memref<1x80xi32, #tpu.memory_space<vmem>> -> memref<80xi32, #tpu.memory_space<vmem>>
          %dma_wait3A_275 = tpu.memref_slice %arg3[%add3A_224] : memref<332800xi32, #tpu.memory_space<hbm>> -> memref<80xi32, #tpu.memory_space<hbm>>
          %dma_wait3A_276 = arith.constant 0 : i32
          %dma_wait3A_277 = tpu.memref_slice %arg9[%run_scoped3A_226, %dma_wait3A_276] : memref<2x80xi32, #tpu.memory_space<vmem>> -> memref<1x80xi32, #tpu.memory_space<vmem>>
          %dma_wait3A_278 = tpu.memref_squeeze %dma_wait3A_277 : memref<1x80xi32, #tpu.memory_space<vmem>> -> memref<80xi32, #tpu.memory_space<vmem>>
          %dma_wait3A_279 = tpu.memref_slice %arg3[%add3A_224] : memref<332800xi32, #tpu.memory_space<hbm>> -> memref<80xi32, #tpu.memory_space<hbm>>
          tpu.wait_dma2 semaphore(%run_scoped3A_263 : memref<!tpu.dma_semaphore, #tpu.memory_space<semaphore_mem>>) src(%dma_wait3A_279 : memref<80xi32, #tpu.memory_space<hbm>>) dst(%dma_wait3A_278 : memref<80xi32, #tpu.memory_space<vmem>>)
          tpu.yield
        }) : () -> ()
        %dma_start3A_227 = arith.constant 0 : i32
        %dma_start3A_228 = arith.constant 0 : i32
        %dma_start3A_229 = arith.constant 0 : i32
        %dma_start3A_230 = arith.constant 0 : i32
        %dma_start3A_231 = tpu.memref_slice %arg10[%dma_start3A_228, %dma_start3A_229, %dma_start3A_230] : memref<2x80x16xf32, #tpu.memory_space<vmem>> -> memref<1x80x16xf32, #tpu.memory_space<vmem>>
        %dma_start3A_232 = tpu.memref_squeeze %dma_start3A_231 : memref<1x80x16xf32, #tpu.memory_space<vmem>> -> memref<80x16xf32, #tpu.memory_space<vmem>>
        %dma_start3A_233 = arith.constant 0 : i32
        %dma_start3A_234 = tpu.memref_slice %arg8[%dma_start3A_227, %dma_start3A_233] : memref<2x80xi32, #tpu.memory_space<vmem>> -> memref<1x80xi32, #tpu.memory_space<vmem>>
        %dma_start3A_235 = tpu.memref_squeeze %dma_start3A_234 : memref<1x80xi32, #tpu.memory_space<vmem>> -> memref<80xi32, #tpu.memory_space<vmem>>
        %dma_start3A_236 = arith.constant 0 : i32
        %dma_start3A_237 = arith.constant 0 : i32
        %dma_start3A_238 = tpu.memref_slice %arg4[%dma_start3A_236, %dma_start3A_237] : memref<10112x16xf32, #tpu.memory_space<hbm>> -> memref<10112x16xf32, #tpu.memory_space<hbm>>
        tpu.enqueue_indirect_dma source(%dma_start3A_238 : memref<10112x16xf32, #tpu.memory_space<hbm>>) target(%dma_start3A_232 : memref<80x16xf32, #tpu.memory_space<vmem>>) offsets(%dma_start3A_235 : memref<80xi32, #tpu.memory_space<vmem>>) semaphore(%arg15 : memref<!tpu.dma_semaphore, #tpu.memory_space<semaphore_mem>>)
        %dma_start3A_239 = arith.constant 0 : i32
        %dma_start3A_240 = arith.constant 0 : i32
        %dma_start3A_241 = arith.constant 0 : i32
        %dma_start3A_242 = arith.constant 0 : i32
        %dma_start3A_243 = tpu.memref_slice %arg11[%dma_start3A_240, %dma_start3A_241, %dma_start3A_242] : memref<2x80x16xf32, #tpu.memory_space<vmem>> -> memref<1x80x16xf32, #tpu.memory_space<vmem>>
        %dma_start3A_244 = tpu.memref_squeeze %dma_start3A_243 : memref<1x80x16xf32, #tpu.memory_space<vmem>> -> memref<80x16xf32, #tpu.memory_space<vmem>>
        %dma_start3A_245 = arith.constant 0 : i32
        %dma_start3A_246 = tpu.memref_slice %arg9[%dma_start3A_239, %dma_start3A_245] : memref<2x80xi32, #tpu.memory_space<vmem>> -> memref<1x80xi32, #tpu.memory_space<vmem>>
        %dma_start3A_247 = tpu.memref_squeeze %dma_start3A_246 : memref<1x80xi32, #tpu.memory_space<vmem>> -> memref<80xi32, #tpu.memory_space<vmem>>
        %dma_start3A_248 = arith.constant 0 : i32
        %dma_start3A_249 = arith.constant 0 : i32
        %dma_start3A_250 = tpu.memref_slice %arg5[%dma_start3A_248, %dma_start3A_249] : memref<10112x16xf32, #tpu.memory_space<hbm>> -> memref<10112x16xf32, #tpu.memory_space<hbm>>
        tpu.enqueue_indirect_dma source(%dma_start3A_250 : memref<10112x16xf32, #tpu.memory_space<hbm>>) target(%dma_start3A_244 : memref<80x16xf32, #tpu.memory_space<vmem>>) offsets(%dma_start3A_247 : memref<80xi32, #tpu.memory_space<vmem>>) semaphore(%arg16 : memref<!tpu.dma_semaphore, #tpu.memory_space<semaphore_mem>>)
        %dma_start3A_251 = arith.constant 0 : i32
        %dma_start3A_252 = arith.constant 0 : i32
        %dma_start3A_253 = arith.constant 0 : i32
        %dma_start3A_254 = arith.constant 0 : i32
        %dma_start3A_255 = tpu.memref_slice %arg12[%dma_start3A_252, %dma_start3A_253, %dma_start3A_254] : memref<2x80x64xf32, #tpu.memory_space<vmem>> -> memref<1x80x64xf32, #tpu.memory_space<vmem>>
        %dma_start3A_256 = tpu.memref_squeeze %dma_start3A_255 : memref<1x80x64xf32, #tpu.memory_space<vmem>> -> memref<80x64xf32, #tpu.memory_space<vmem>>
        %dma_start3A_257 = arith.constant 0 : i32
        %dma_start3A_258 = tpu.memref_slice %arg8[%dma_start3A_251, %dma_start3A_257] : memref<2x80xi32, #tpu.memory_space<vmem>> -> memref<1x80xi32, #tpu.memory_space<vmem>>
        %dma_start3A_259 = tpu.memref_squeeze %dma_start3A_258 : memref<1x80xi32, #tpu.memory_space<vmem>> -> memref<80xi32, #tpu.memory_space<vmem>>
        %dma_start3A_260 = arith.constant 0 : i32
        %dma_start3A_261 = arith.constant 0 : i32
        %dma_start3A_262 = tpu.memref_slice %arg6[%dma_start3A_260, %dma_start3A_261] : memref<10112x64xf32, #tpu.memory_space<hbm>> -> memref<10112x64xf32, #tpu.memory_space<hbm>>
        tpu.enqueue_indirect_dma source(%dma_start3A_262 : memref<10112x64xf32, #tpu.memory_space<hbm>>) target(%dma_start3A_256 : memref<80x64xf32, #tpu.memory_space<vmem>>) offsets(%dma_start3A_259 : memref<80xi32, #tpu.memory_space<vmem>>) semaphore(%arg17 : memref<!tpu.dma_semaphore, #tpu.memory_space<semaphore_mem>>)
      } else {
      }
      %mul3A_167 = arith.constant 2 : i32
      %mul3A_168 = arith.muli %add3A_116, %mul3A_167 : i32
      %add3A_169 = arith.constant 1 : i32
      %add3A_170 = arith.addi %mul3A_168, %add3A_169 : i32
      %dma_wait3A_171 = arith.constant 1 : i32
      %dma_wait3A_172 = arith.constant 1 : i32
      %dma_wait3A_173 = arith.constant 0 : i32
      %dma_wait3A_174 = arith.constant 0 : i32
      %dma_wait3A_175 = tpu.memref_slice %arg10[%dma_wait3A_172, %dma_wait3A_173, %dma_wait3A_174] : memref<2x80x16xf32, #tpu.memory_space<vmem>> -> memref<1x80x16xf32, #tpu.memory_space<vmem>>
      %dma_wait3A_176 = tpu.memref_squeeze %dma_wait3A_175 : memref<1x80x16xf32, #tpu.memory_space<vmem>> -> memref<80x16xf32, #tpu.memory_space<vmem>>
      %dma_wait3A_177 = arith.constant 0 : i32
      %dma_wait3A_178 = tpu.memref_slice %arg8[%dma_wait3A_171, %dma_wait3A_177] : memref<2x80xi32, #tpu.memory_space<vmem>> -> memref<1x80xi32, #tpu.memory_space<vmem>>
      %dma_wait3A_179 = tpu.memref_squeeze %dma_wait3A_178 : memref<1x80xi32, #tpu.memory_space<vmem>> -> memref<80xi32, #tpu.memory_space<vmem>>
      %dma_wait3A_180 = arith.constant 0 : i32
      %dma_wait3A_181 = arith.constant 0 : i32
      %dma_wait3A_182 = tpu.memref_slice %arg4[%dma_wait3A_180, %dma_wait3A_181] : memref<10112x16xf32, #tpu.memory_space<hbm>> -> memref<10112x16xf32, #tpu.memory_space<hbm>>
      tpu.wait_indirect_dma semaphore(%arg18 : memref<!tpu.dma_semaphore, #tpu.memory_space<semaphore_mem>>) src(%dma_wait3A_182 : memref<10112x16xf32, #tpu.memory_space<hbm>>) dst(%dma_wait3A_176 : memref<80x16xf32, #tpu.memory_space<vmem>>)
      %dma_wait3A_183 = arith.constant 1 : i32
      %dma_wait3A_184 = arith.constant 1 : i32
      %dma_wait3A_185 = arith.constant 0 : i32
      %dma_wait3A_186 = arith.constant 0 : i32
      %dma_wait3A_187 = tpu.memref_slice %arg11[%dma_wait3A_184, %dma_wait3A_185, %dma_wait3A_186] : memref<2x80x16xf32, #tpu.memory_space<vmem>> -> memref<1x80x16xf32, #tpu.memory_space<vmem>>
      %dma_wait3A_188 = tpu.memref_squeeze %dma_wait3A_187 : memref<1x80x16xf32, #tpu.memory_space<vmem>> -> memref<80x16xf32, #tpu.memory_space<vmem>>
      %dma_wait3A_189 = arith.constant 0 : i32
      %dma_wait3A_190 = tpu.memref_slice %arg9[%dma_wait3A_183, %dma_wait3A_189] : memref<2x80xi32, #tpu.memory_space<vmem>> -> memref<1x80xi32, #tpu.memory_space<vmem>>
      %dma_wait3A_191 = tpu.memref_squeeze %dma_wait3A_190 : memref<1x80xi32, #tpu.memory_space<vmem>> -> memref<80xi32, #tpu.memory_space<vmem>>
      %dma_wait3A_192 = arith.constant 0 : i32
      %dma_wait3A_193 = arith.constant 0 : i32
      %dma_wait3A_194 = tpu.memref_slice %arg5[%dma_wait3A_192, %dma_wait3A_193] : memref<10112x16xf32, #tpu.memory_space<hbm>> -> memref<10112x16xf32, #tpu.memory_space<hbm>>
      tpu.wait_indirect_dma semaphore(%arg19 : memref<!tpu.dma_semaphore, #tpu.memory_space<semaphore_mem>>) src(%dma_wait3A_194 : memref<10112x16xf32, #tpu.memory_space<hbm>>) dst(%dma_wait3A_188 : memref<80x16xf32, #tpu.memory_space<vmem>>)
      %dma_wait3A_195 = arith.constant 1 : i32
      %dma_wait3A_196 = arith.constant 1 : i32
      %dma_wait3A_197 = arith.constant 0 : i32
      %dma_wait3A_198 = arith.constant 0 : i32
      %dma_wait3A_199 = tpu.memref_slice %arg12[%dma_wait3A_196, %dma_wait3A_197, %dma_wait3A_198] : memref<2x80x64xf32, #tpu.memory_space<vmem>> -> memref<1x80x64xf32, #tpu.memory_space<vmem>>
      %dma_wait3A_200 = tpu.memref_squeeze %dma_wait3A_199 : memref<1x80x64xf32, #tpu.memory_space<vmem>> -> memref<80x64xf32, #tpu.memory_space<vmem>>
      %dma_wait3A_201 = arith.constant 0 : i32
      %dma_wait3A_202 = tpu.memref_slice %arg8[%dma_wait3A_195, %dma_wait3A_201] : memref<2x80xi32, #tpu.memory_space<vmem>> -> memref<1x80xi32, #tpu.memory_space<vmem>>
      %dma_wait3A_203 = tpu.memref_squeeze %dma_wait3A_202 : memref<1x80xi32, #tpu.memory_space<vmem>> -> memref<80xi32, #tpu.memory_space<vmem>>
      %dma_wait3A_204 = arith.constant 0 : i32
      %dma_wait3A_205 = arith.constant 0 : i32
      %dma_wait3A_206 = tpu.memref_slice %arg6[%dma_wait3A_204, %dma_wait3A_205] : memref<10112x64xf32, #tpu.memory_space<hbm>> -> memref<10112x64xf32, #tpu.memory_space<hbm>>
      tpu.wait_indirect_dma semaphore(%arg20 : memref<!tpu.dma_semaphore, #tpu.memory_space<semaphore_mem>>) src(%dma_wait3A_206 : memref<10112x64xf32, #tpu.memory_space<hbm>>) dst(%dma_wait3A_200 : memref<80x64xf32, #tpu.memory_space<vmem>>)
      %scan3A_207 = arith.constant 0 : i32
      %scan3A_208 = arith.constant 80 : i32
      %scan3A_209 = arith.addi %scan3A_207, %scan3A_208 : i32
      %scan3A_210 = arith.constant 1 : i32
      scf.for %scan3A_220 = %scan3A_207 to %scan3A_209 step %scan3A_210  : i32 {
        %mul3A_221 = arith.constant 1 : i32
        %mul3A_222 = arith.muli %scan3A_220, %mul3A_221 : i32
        %add3A_223 = arith.constant 0 : i32
        %add3A_224 = arith.addi %add3A_223, %mul3A_222 : i32
        %get3A = arith.constant 1 : i32
        %get3A_225 = arith.index_cast %get3A : i32 to index
        %get3A_226 = arith.index_cast %add3A_224 : i32 to index
        %get3A_227 = arith.constant 0 : index
        %get3A_228 = tpu.vector_load %arg10[%get3A_225, %get3A_226, %get3A_227] {strides = array<i32>} : memref<2x80x16xf32, #tpu.memory_space<vmem>>, vector<1x1x16xf32>,
        %get3A_229 = vector.shape_cast %get3A_228 : vector<1x1x16xf32> to vector<16xf32>
        %get3A_230 = arith.constant 1 : i32
        %get3A_231 = arith.index_cast %get3A_230 : i32 to index
        %get3A_232 = arith.index_cast %add3A_224 : i32 to index
        %get3A_233 = arith.constant 0 : index
        %get3A_234 = tpu.vector_load %arg11[%get3A_231, %get3A_232, %get3A_233] {strides = array<i32>} : memref<2x80x16xf32, #tpu.memory_space<vmem>>, vector<1x1x16xf32>,
        %get3A_235 = vector.shape_cast %get3A_234 : vector<1x1x16xf32> to vector<16xf32>
        %add3A_236 = arith.addf %get3A_229, %get3A_235 : vector<16xf32>
        %mul3A_237 = arith.constant 2.000000e-01 : f32
        %mul3A_238 = vector.broadcast %mul3A_237 : f32 to vector<16xf32>
        %mul3A_239 = arith.mulf %mul3A_238, %add3A_236 : vector<16xf32>
        %max3A = arith.maximumf %add3A_236, %mul3A_239 : vector<16xf32>
        %exp3A = math.exp %max3A : vector<16xf32>
        %jit3A = arith.constant 0.000000e+00 : f32
        %broadcast_in_dim3A_240 = vector.broadcast %jit3A : f32 to vector<16xf32>
        %select_n3A = arith.select %lt3A_3, %exp3A, %broadcast_in_dim3A_240 : vector<16xi1>, vector<16xf32>
        %swap3A = arith.index_cast %add3A_224 : i32 to index
        %swap3A_241 = arith.constant 64 : index
        %swap3A_242 = tpu.vector_load %arg13[%swap3A, %swap3A_241] {strides = array<i32>} : memref<80x80xf32, #tpu.memory_space<vmem>>, vector<1x16xf32>,
        %swap3A_243 = vector.shape_cast %swap3A_242 : vector<1x16xf32> to vector<16xf32>
        %swap3A_244 = vector.shape_cast %select_n3A : vector<16xf32> to vector<1x16xf32>
        tpu.vector_store %arg13[%swap3A, %swap3A_241], %swap3A_244 {strides = array<i32>} : memref<80x80xf32, #tpu.memory_space<vmem>>, vector<1x16xf32>,
        %slice3A = vector.extract_strided_slice %exp3A {offsets = [0], sizes = [1], strides = [1]} : vector<16xf32> to vector<1xf32>
        %squeeze3A = vector.extract %slice3A[0] : f32 from vector<1xf32>
        %get3A_245 = arith.constant 1 : i32
        %get3A_246 = arith.index_cast %get3A_245 : i32 to index
        %get3A_247 = arith.index_cast %add3A_224 : i32 to index
        %get3A_248 = arith.constant 0 : index
        %get3A_249 = tpu.vector_load %arg12[%get3A_246, %get3A_247, %get3A_248] {strides = array<i32>} : memref<2x80x64xf32, #tpu.memory_space<vmem>>, vector<1x1x16xf32>,
        %get3A_250 = vector.shape_cast %get3A_249 : vector<1x1x16xf32> to vector<16xf32>
        %mul3A_251 = vector.broadcast %squeeze3A : f32 to vector<16xf32>
        %mul3A_252 = arith.mulf %get3A_250, %mul3A_251 : vector<16xf32>
        %swap3A_253 = arith.index_cast %add3A_224 : i32 to index
        %swap3A_254 = arith.constant 0 : index
        %swap3A_255 = tpu.vector_load %arg13[%swap3A_253, %swap3A_254] {strides = array<i32>} : memref<80x80xf32, #tpu.memory_space<vmem>>, vector<1x16xf32>,
        %swap3A_256 = vector.shape_cast %swap3A_255 : vector<1x16xf32> to vector<16xf32>
        %swap3A_257 = vector.shape_cast %mul3A_252 : vector<16xf32> to vector<1x16xf32>
        tpu.vector_store %arg13[%swap3A_253, %swap3A_254], %swap3A_257 {strides = array<i32>} : memref<80x80xf32, #tpu.memory_space<vmem>>, vector<1x16xf32>,
        %get3A_258 = arith.constant 1 : i32
        %get3A_259 = arith.index_cast %get3A_258 : i32 to index
        %get3A_260 = arith.index_cast %add3A_224 : i32 to index
        %get3A_261 = arith.constant 16 : index
        %get3A_262 = tpu.vector_load %arg12[%get3A_259, %get3A_260, %get3A_261] {strides = array<i32>} : memref<2x80x64xf32, #tpu.memory_space<vmem>>, vector<1x1x16xf32>,
        %get3A_263 = vector.shape_cast %get3A_262 : vector<1x1x16xf32> to vector<16xf32>
        %mul3A_264 = vector.broadcast %squeeze3A : f32 to vector<16xf32>
        %mul3A_265 = arith.mulf %get3A_263, %mul3A_264 : vector<16xf32>
        %swap3A_266 = arith.index_cast %add3A_224 : i32 to index
        %swap3A_267 = arith.constant 16 : index
        %swap3A_268 = tpu.vector_load %arg13[%swap3A_266, %swap3A_267] {strides = array<i32>} : memref<80x80xf32, #tpu.memory_space<vmem>>, vector<1x16xf32>,
        %swap3A_269 = vector.shape_cast %swap3A_268 : vector<1x16xf32> to vector<16xf32>
        %swap3A_270 = vector.shape_cast %mul3A_265 : vector<16xf32> to vector<1x16xf32>
        tpu.vector_store %arg13[%swap3A_266, %swap3A_267], %swap3A_270 {strides = array<i32>} : memref<80x80xf32, #tpu.memory_space<vmem>>, vector<1x16xf32>,
        %get3A_271 = arith.constant 1 : i32
        %get3A_272 = arith.index_cast %get3A_271 : i32 to index
        %get3A_273 = arith.index_cast %add3A_224 : i32 to index
        %get3A_274 = arith.constant 32 : index
        %get3A_275 = tpu.vector_load %arg12[%get3A_272, %get3A_273, %get3A_274] {strides = array<i32>} : memref<2x80x64xf32, #tpu.memory_space<vmem>>, vector<1x1x16xf32>,
        %get3A_276 = vector.shape_cast %get3A_275 : vector<1x1x16xf32> to vector<16xf32>
        %mul3A_277 = vector.broadcast %squeeze3A : f32 to vector<16xf32>
        %mul3A_278 = arith.mulf %get3A_276, %mul3A_277 : vector<16xf32>
        %swap3A_279 = arith.index_cast %add3A_224 : i32 to index
        %swap3A_280 = arith.constant 32 : index
        %swap3A_281 = tpu.vector_load %arg13[%swap3A_279, %swap3A_280] {strides = array<i32>} : memref<80x80xf32, #tpu.memory_space<vmem>>, vector<1x16xf32>,
        %swap3A_282 = vector.shape_cast %swap3A_281 : vector<1x16xf32> to vector<16xf32>
        %swap3A_283 = vector.shape_cast %mul3A_278 : vector<16xf32> to vector<1x16xf32>
        tpu.vector_store %arg13[%swap3A_279, %swap3A_280], %swap3A_283 {strides = array<i32>} : memref<80x80xf32, #tpu.memory_space<vmem>>, vector<1x16xf32>,
        %get3A_284 = arith.constant 1 : i32
        %get3A_285 = arith.index_cast %get3A_284 : i32 to index
        %get3A_286 = arith.index_cast %add3A_224 : i32 to index
        %get3A_287 = arith.constant 48 : index
        %get3A_288 = tpu.vector_load %arg12[%get3A_285, %get3A_286, %get3A_287] {strides = array<i32>} : memref<2x80x64xf32, #tpu.memory_space<vmem>>, vector<1x1x16xf32>,
        %get3A_289 = vector.shape_cast %get3A_288 : vector<1x1x16xf32> to vector<16xf32>
        %mul3A_290 = vector.broadcast %squeeze3A : f32 to vector<16xf32>
        %mul3A_291 = arith.mulf %get3A_289, %mul3A_290 : vector<16xf32>
        %swap3A_292 = arith.index_cast %add3A_224 : i32 to index
        %swap3A_293 = arith.constant 48 : index
        %swap3A_294 = tpu.vector_load %arg13[%swap3A_292, %swap3A_293] {strides = array<i32>} : memref<80x80xf32, #tpu.memory_space<vmem>>, vector<1x16xf32>,
        %swap3A_295 = vector.shape_cast %swap3A_294 : vector<1x16xf32> to vector<16xf32>
        %swap3A_296 = vector.shape_cast %mul3A_291 : vector<16xf32> to vector<1x16xf32>
        tpu.vector_store %arg13[%swap3A_292, %swap3A_293], %swap3A_296 {strides = array<i32>} : memref<80x80xf32, #tpu.memory_space<vmem>>, vector<1x16xf32>,
      }
      %scan3A_211 = arith.constant 80 : i32
      %run_scoped3A_212 = arith.constant 1 : i32
      "tpu.region"() ({
        %run_scoped3A_220 = tpu.sem_alloc : memref<!tpu.dma_semaphore, #tpu.memory_space<semaphore_mem>>
        %dma_start3A_221 = arith.constant 0 : i32
        %dma_start3A_222 = tpu.memref_slice %arg9[%run_scoped3A_212, %dma_start3A_221] : memref<2x80xi32, #tpu.memory_space<vmem>> -> memref<1x80xi32, #tpu.memory_space<vmem>>
        %dma_start3A_223 = tpu.memref_squeeze %dma_start3A_222 : memref<1x80xi32, #tpu.memory_space<vmem>> -> memref<80xi32, #tpu.memory_space<vmem>>
        %dma_start3A_224 = arith.constant 0 : i32
        %dma_start3A_225 = arith.constant 0 : i32
        %dma_start3A_226 = tpu.memref_slice %arg14[%dma_start3A_224, %dma_start3A_225] : memref<10112x80xf32, #tpu.memory_space<vmem_shared>> -> memref<10112x80xf32, #tpu.memory_space<vmem_shared>>
        tpu.enqueue_indirect_dma source(%arg13 : memref<80x80xf32, #tpu.memory_space<vmem>>) target(%dma_start3A_226 : memref<10112x80xf32, #tpu.memory_space<vmem_shared>>) offsets(%dma_start3A_223 : memref<80xi32, #tpu.memory_space<vmem>>) semaphore(%run_scoped3A_220 : memref<!tpu.dma_semaphore, #tpu.memory_space<semaphore_mem>>) {add = true}
        %dma_wait3A_227 = arith.constant 0 : i32
        %dma_wait3A_228 = tpu.memref_slice %arg9[%run_scoped3A_212, %dma_wait3A_227] : memref<2x80xi32, #tpu.memory_space<vmem>> -> memref<1x80xi32, #tpu.memory_space<vmem>>
        %dma_wait3A_229 = tpu.memref_squeeze %dma_wait3A_228 : memref<1x80xi32, #tpu.memory_space<vmem>> -> memref<80xi32, #tpu.memory_space<vmem>>
        %dma_wait3A_230 = arith.constant 0 : i32
        %dma_wait3A_231 = arith.constant 0 : i32
        %dma_wait3A_232 = tpu.memref_slice %arg14[%dma_wait3A_230, %dma_wait3A_231] : memref<10112x80xf32, #tpu.memory_space<vmem_shared>> -> memref<10112x80xf32, #tpu.memory_space<vmem_shared>>
        tpu.wait_indirect_dma semaphore(%run_scoped3A_220 : memref<!tpu.dma_semaphore, #tpu.memory_space<semaphore_mem>>) src(%arg13 : memref<80x80xf32, #tpu.memory_space<vmem>>) dst(%dma_wait3A_232 : memref<10112x80xf32, #tpu.memory_space<vmem_shared>>)
        tpu.yield
      }) : () -> ()
      %add3A_213 = arith.constant 2 : i32
      %add3A_214 = arith.addi %add3A_170, %add3A_213 : i32
      %lt3A_215 = arith.constant 130 : i32
      %lt3A_216 = arith.cmpi slt, %add3A_214, %lt3A_215 : i32
      %convert_element_type3A_217 = arith.extui %lt3A_216 : i1 to i32
      %cond3A_218 = arith.constant 0 : i32
      %cond3A_219 = arith.cmpi ne, %convert_element_type3A_217, %cond3A_218 : i32
      scf.if %cond3A_219 {
        %add3A_220 = arith.constant 2 : i32
        %add3A_221 = arith.addi %add3A_170, %add3A_220 : i32
        %mul3A_222 = arith.constant 80 : i32
        %mul3A_223 = arith.muli %add3A_221, %mul3A_222 : i32
        %add3A_224 = arith.addi %mul3A_18, %mul3A_223 : i32
        %run_scoped3A_225 = arith.constant 1 : i32
        "tpu.region"() ({
          %run_scoped3A_263 = tpu.sem_alloc : memref<!tpu.dma_semaphore, #tpu.memory_space<semaphore_mem>>
          %dma_start3A_264 = arith.constant 0 : i32
          %dma_start3A_265 = tpu.memref_slice %arg8[%run_scoped3A_225, %dma_start3A_264] : memref<2x80xi32, #tpu.memory_space<vmem>> -> memref<1x80xi32, #tpu.memory_space<vmem>>
          %dma_start3A_266 = tpu.memref_squeeze %dma_start3A_265 : memref<1x80xi32, #tpu.memory_space<vmem>> -> memref<80xi32, #tpu.memory_space<vmem>>
          %dma_start3A_267 = tpu.memref_slice %arg2[%add3A_224] : memref<332800xi32, #tpu.memory_space<hbm>> -> memref<80xi32, #tpu.memory_space<hbm>>
          %dma_start3A_268 = arith.constant 0 : i32
          %dma_start3A_269 = tpu.memref_slice %arg8[%run_scoped3A_225, %dma_start3A_268] : memref<2x80xi32, #tpu.memory_space<vmem>> -> memref<1x80xi32, #tpu.memory_space<vmem>>
          %dma_start3A_270 = tpu.memref_squeeze %dma_start3A_269 : memref<1x80xi32, #tpu.memory_space<vmem>> -> memref<80xi32, #tpu.memory_space<vmem>>
          %dma_start3A_271 = tpu.memref_slice %arg2[%add3A_224] : memref<332800xi32, #tpu.memory_space<hbm>> -> memref<80xi32, #tpu.memory_space<hbm>>
          tpu.enqueue_dma source(%dma_start3A_271 : memref<80xi32, #tpu.memory_space<hbm>>) target(%dma_start3A_270 : memref<80xi32, #tpu.memory_space<vmem>>) target_semaphore(%run_scoped3A_263 : memref<!tpu.dma_semaphore, #tpu.memory_space<semaphore_mem>>)
          %dma_wait3A_272 = arith.constant 0 : i32
          %dma_wait3A_273 = tpu.memref_slice %arg8[%run_scoped3A_225, %dma_wait3A_272] : memref<2x80xi32, #tpu.memory_space<vmem>> -> memref<1x80xi32, #tpu.memory_space<vmem>>
          %dma_wait3A_274 = tpu.memref_squeeze %dma_wait3A_273 : memref<1x80xi32, #tpu.memory_space<vmem>> -> memref<80xi32, #tpu.memory_space<vmem>>
          %dma_wait3A_275 = tpu.memref_slice %arg2[%add3A_224] : memref<332800xi32, #tpu.memory_space<hbm>> -> memref<80xi32, #tpu.memory_space<hbm>>
          %dma_wait3A_276 = arith.constant 0 : i32
          %dma_wait3A_277 = tpu.memref_slice %arg8[%run_scoped3A_225, %dma_wait3A_276] : memref<2x80xi32, #tpu.memory_space<vmem>> -> memref<1x80xi32, #tpu.memory_space<vmem>>
          %dma_wait3A_278 = tpu.memref_squeeze %dma_wait3A_277 : memref<1x80xi32, #tpu.memory_space<vmem>> -> memref<80xi32, #tpu.memory_space<vmem>>
          %dma_wait3A_279 = tpu.memref_slice %arg2[%add3A_224] : memref<332800xi32, #tpu.memory_space<hbm>> -> memref<80xi32, #tpu.memory_space<hbm>>
          tpu.wait_dma2 semaphore(%run_scoped3A_263 : memref<!tpu.dma_semaphore, #tpu.memory_space<semaphore_mem>>) src(%dma_wait3A_279 : memref<80xi32, #tpu.memory_space<hbm>>) dst(%dma_wait3A_278 : memref<80xi32, #tpu.memory_space<vmem>>)
          tpu.yield
        }) : () -> ()
        %run_scoped3A_226 = arith.constant 1 : i32
        "tpu.region"() ({
          %run_scoped3A_263 = tpu.sem_alloc : memref<!tpu.dma_semaphore, #tpu.memory_space<semaphore_mem>>
          %dma_start3A_264 = arith.constant 0 : i32
          %dma_start3A_265 = tpu.memref_slice %arg9[%run_scoped3A_226, %dma_start3A_264] : memref<2x80xi32, #tpu.memory_space<vmem>> -> memref<1x80xi32, #tpu.memory_space<vmem>>
          %dma_start3A_266 = tpu.memref_squeeze %dma_start3A_265 : memref<1x80xi32, #tpu.memory_space<vmem>> -> memref<80xi32, #tpu.memory_space<vmem>>
          %dma_start3A_267 = tpu.memref_slice %arg3[%add3A_224] : memref<332800xi32, #tpu.memory_space<hbm>> -> memref<80xi32, #tpu.memory_space<hbm>>
          %dma_start3A_268 = arith.constant 0 : i32
          %dma_start3A_269 = tpu.memref_slice %arg9[%run_scoped3A_226, %dma_start3A_268] : memref<2x80xi32, #tpu.memory_space<vmem>> -> memref<1x80xi32, #tpu.memory_space<vmem>>
          %dma_start3A_270 = tpu.memref_squeeze %dma_start3A_269 : memref<1x80xi32, #tpu.memory_space<vmem>> -> memref<80xi32, #tpu.memory_space<vmem>>
          %dma_start3A_271 = tpu.memref_slice %arg3[%add3A_224] : memref<332800xi32, #tpu.memory_space<hbm>> -> memref<80xi32, #tpu.memory_space<hbm>>
          tpu.enqueue_dma source(%dma_start3A_271 : memref<80xi32, #tpu.memory_space<hbm>>) target(%dma_start3A_270 : memref<80xi32, #tpu.memory_space<vmem>>) target_semaphore(%run_scoped3A_263 : memref<!tpu.dma_semaphore, #tpu.memory_space<semaphore_mem>>)
          %dma_wait3A_272 = arith.constant 0 : i32
          %dma_wait3A_273 = tpu.memref_slice %arg9[%run_scoped3A_226, %dma_wait3A_272] : memref<2x80xi32, #tpu.memory_space<vmem>> -> memref<1x80xi32, #tpu.memory_space<vmem>>
          %dma_wait3A_274 = tpu.memref_squeeze %dma_wait3A_273 : memref<1x80xi32, #tpu.memory_space<vmem>> -> memref<80xi32, #tpu.memory_space<vmem>>
          %dma_wait3A_275 = tpu.memref_slice %arg3[%add3A_224] : memref<332800xi32, #tpu.memory_space<hbm>> -> memref<80xi32, #tpu.memory_space<hbm>>
          %dma_wait3A_276 = arith.constant 0 : i32
          %dma_wait3A_277 = tpu.memref_slice %arg9[%run_scoped3A_226, %dma_wait3A_276] : memref<2x80xi32, #tpu.memory_space<vmem>> -> memref<1x80xi32, #tpu.memory_space<vmem>>
          %dma_wait3A_278 = tpu.memref_squeeze %dma_wait3A_277 : memref<1x80xi32, #tpu.memory_space<vmem>> -> memref<80xi32, #tpu.memory_space<vmem>>
          %dma_wait3A_279 = tpu.memref_slice %arg3[%add3A_224] : memref<332800xi32, #tpu.memory_space<hbm>> -> memref<80xi32, #tpu.memory_space<hbm>>
          tpu.wait_dma2 semaphore(%run_scoped3A_263 : memref<!tpu.dma_semaphore, #tpu.memory_space<semaphore_mem>>) src(%dma_wait3A_279 : memref<80xi32, #tpu.memory_space<hbm>>) dst(%dma_wait3A_278 : memref<80xi32, #tpu.memory_space<vmem>>)
          tpu.yield
        }) : () -> ()
        %dma_start3A_227 = arith.constant 1 : i32
        %dma_start3A_228 = arith.constant 1 : i32
        %dma_start3A_229 = arith.constant 0 : i32
        %dma_start3A_230 = arith.constant 0 : i32
        %dma_start3A_231 = tpu.memref_slice %arg10[%dma_start3A_228, %dma_start3A_229, %dma_start3A_230] : memref<2x80x16xf32, #tpu.memory_space<vmem>> -> memref<1x80x16xf32, #tpu.memory_space<vmem>>
        %dma_start3A_232 = tpu.memref_squeeze %dma_start3A_231 : memref<1x80x16xf32, #tpu.memory_space<vmem>> -> memref<80x16xf32, #tpu.memory_space<vmem>>
        %dma_start3A_233 = arith.constant 0 : i32
        %dma_start3A_234 = tpu.memref_slice %arg8[%dma_start3A_227, %dma_start3A_233] : memref<2x80xi32, #tpu.memory_space<vmem>> -> memref<1x80xi32, #tpu.memory_space<vmem>>
        %dma_start3A_235 = tpu.memref_squeeze %dma_start3A_234 : memref<1x80xi32, #tpu.memory_space<vmem>> -> memref<80xi32, #tpu.memory_space<vmem>>
        %dma_start3A_236 = arith.constant 0 : i32
        %dma_start3A_237 = arith.constant 0 : i32
        %dma_start3A_238 = tpu.memref_slice %arg4[%dma_start3A_236, %dma_start3A_237] : memref<10112x16xf32, #tpu.memory_space<hbm>> -> memref<10112x16xf32, #tpu.memory_space<hbm>>
        tpu.enqueue_indirect_dma source(%dma_start3A_238 : memref<10112x16xf32, #tpu.memory_space<hbm>>) target(%dma_start3A_232 : memref<80x16xf32, #tpu.memory_space<vmem>>) offsets(%dma_start3A_235 : memref<80xi32, #tpu.memory_space<vmem>>) semaphore(%arg18 : memref<!tpu.dma_semaphore, #tpu.memory_space<semaphore_mem>>)
        %dma_start3A_239 = arith.constant 1 : i32
        %dma_start3A_240 = arith.constant 1 : i32
        %dma_start3A_241 = arith.constant 0 : i32
        %dma_start3A_242 = arith.constant 0 : i32
        %dma_start3A_243 = tpu.memref_slice %arg11[%dma_start3A_240, %dma_start3A_241, %dma_start3A_242] : memref<2x80x16xf32, #tpu.memory_space<vmem>> -> memref<1x80x16xf32, #tpu.memory_space<vmem>>
        %dma_start3A_244 = tpu.memref_squeeze %dma_start3A_243 : memref<1x80x16xf32, #tpu.memory_space<vmem>> -> memref<80x16xf32, #tpu.memory_space<vmem>>
        %dma_start3A_245 = arith.constant 0 : i32
        %dma_start3A_246 = tpu.memref_slice %arg9[%dma_start3A_239, %dma_start3A_245] : memref<2x80xi32, #tpu.memory_space<vmem>> -> memref<1x80xi32, #tpu.memory_space<vmem>>
        %dma_start3A_247 = tpu.memref_squeeze %dma_start3A_246 : memref<1x80xi32, #tpu.memory_space<vmem>> -> memref<80xi32, #tpu.memory_space<vmem>>
        %dma_start3A_248 = arith.constant 0 : i32
        %dma_start3A_249 = arith.constant 0 : i32
        %dma_start3A_250 = tpu.memref_slice %arg5[%dma_start3A_248, %dma_start3A_249] : memref<10112x16xf32, #tpu.memory_space<hbm>> -> memref<10112x16xf32, #tpu.memory_space<hbm>>
        tpu.enqueue_indirect_dma source(%dma_start3A_250 : memref<10112x16xf32, #tpu.memory_space<hbm>>) target(%dma_start3A_244 : memref<80x16xf32, #tpu.memory_space<vmem>>) offsets(%dma_start3A_247 : memref<80xi32, #tpu.memory_space<vmem>>) semaphore(%arg19 : memref<!tpu.dma_semaphore, #tpu.memory_space<semaphore_mem>>)
        %dma_start3A_251 = arith.constant 1 : i32
        %dma_start3A_252 = arith.constant 1 : i32
        %dma_start3A_253 = arith.constant 0 : i32
        %dma_start3A_254 = arith.constant 0 : i32
        %dma_start3A_255 = tpu.memref_slice %arg12[%dma_start3A_252, %dma_start3A_253, %dma_start3A_254] : memref<2x80x64xf32, #tpu.memory_space<vmem>> -> memref<1x80x64xf32, #tpu.memory_space<vmem>>
        %dma_start3A_256 = tpu.memref_squeeze %dma_start3A_255 : memref<1x80x64xf32, #tpu.memory_space<vmem>> -> memref<80x64xf32, #tpu.memory_space<vmem>>
        %dma_start3A_257 = arith.constant 0 : i32
        %dma_start3A_258 = tpu.memref_slice %arg8[%dma_start3A_251, %dma_start3A_257] : memref<2x80xi32, #tpu.memory_space<vmem>> -> memref<1x80xi32, #tpu.memory_space<vmem>>
        %dma_start3A_259 = tpu.memref_squeeze %dma_start3A_258 : memref<1x80xi32, #tpu.memory_space<vmem>> -> memref<80xi32, #tpu.memory_space<vmem>>
        %dma_start3A_260 = arith.constant 0 : i32
        %dma_start3A_261 = arith.constant 0 : i32
        %dma_start3A_262 = tpu.memref_slice %arg6[%dma_start3A_260, %dma_start3A_261] : memref<10112x64xf32, #tpu.memory_space<hbm>> -> memref<10112x64xf32, #tpu.memory_space<hbm>>
        tpu.enqueue_indirect_dma source(%dma_start3A_262 : memref<10112x64xf32, #tpu.memory_space<hbm>>) target(%dma_start3A_256 : memref<80x64xf32, #tpu.memory_space<vmem>>) offsets(%dma_start3A_259 : memref<80xi32, #tpu.memory_space<vmem>>) semaphore(%arg20 : memref<!tpu.dma_semaphore, #tpu.memory_space<semaphore_mem>>)
      } else {
      }
    }
    %scan3A_101 = arith.constant 65 : i32
    %barrier3A_102 = arith.constant 0 : index
    tpu.barrier barrier_id(%barrier3A_102)
    %scan3A_103 = arith.constant 0 : i32
    %scan3A_104 = arith.constant 7 : i32
    %scan3A_105 = arith.addi %scan3A_103, %scan3A_104 : i32
    %scan3A_106 = arith.constant 1 : i32
    scf.for %scan3A_112 = %scan3A_103 to %scan3A_105 step %scan3A_106  : i32 {
      %mul3A_113 = arith.constant 1 : i32
      %mul3A_114 = arith.muli %scan3A_112, %mul3A_113 : i32
      %add3A_115 = arith.constant 0 : i32
      %add3A_116 = arith.addi %add3A_115, %mul3A_114 : i32
      %mul3A_117 = arith.constant 80 : i32
      %mul3A_118 = arith.muli %add3A_116, %mul3A_117 : i32
      %add3A_119 = arith.addi %mul3A_9, %mul3A_118 : i32
      %mul3A_120 = arith.constant 80 : i32
      %mul3A_121 = arith.muli %add3A_116, %mul3A_120 : i32
      %add3A_122 = arith.addi %mul3A_9, %mul3A_121 : i32
      "tpu.region"() ({
        %run_scoped3A_123 = tpu.sem_alloc : memref<!tpu.dma_semaphore, #tpu.memory_space<semaphore_mem>>
        %dma_start3A_124 = arith.constant 0 : i32
        %dma_start3A_125 = tpu.memref_slice %arg7[%arg0, %add3A_122, %dma_start3A_124] : memref<2x10112x80xf32, #tpu.memory_space<hbm>> -> memref<1x80x80xf32, #tpu.memory_space<hbm>>
        %dma_start3A_126 = tpu.memref_squeeze %dma_start3A_125 : memref<1x80x80xf32, #tpu.memory_space<hbm>> -> memref<80x80xf32, #tpu.memory_space<hbm>>
        %dma_start3A_127 = arith.constant 0 : i32
        %dma_start3A_128 = tpu.memref_slice %arg14[%add3A_119, %dma_start3A_127] : memref<10112x80xf32, #tpu.memory_space<vmem_shared>> -> memref<80x80xf32, #tpu.memory_space<vmem_shared>>
        tpu.enqueue_dma source(%dma_start3A_128 : memref<80x80xf32, #tpu.memory_space<vmem_shared>>) target(%dma_start3A_126 : memref<80x80xf32, #tpu.memory_space<hbm>>) target_semaphore(%run_scoped3A_123 : memref<!tpu.dma_semaphore, #tpu.memory_space<semaphore_mem>>)
        %dma_wait3A = arith.constant 0 : i32
        %dma_wait3A_129 = tpu.memref_slice %arg7[%arg0, %add3A_122, %dma_wait3A] : memref<2x10112x80xf32, #tpu.memory_space<hbm>> -> memref<1x80x80xf32, #tpu.memory_space<hbm>>
        %dma_wait3A_130 = tpu.memref_squeeze %dma_wait3A_129 : memref<1x80x80xf32, #tpu.memory_space<hbm>> -> memref<80x80xf32, #tpu.memory_space<hbm>>
        %dma_wait3A_131 = arith.constant 0 : i32
        %dma_wait3A_132 = tpu.memref_slice %arg14[%add3A_119, %dma_wait3A_131] : memref<10112x80xf32, #tpu.memory_space<vmem_shared>> -> memref<80x80xf32, #tpu.memory_space<vmem_shared>>
        tpu.wait_dma2 semaphore(%run_scoped3A_123 : memref<!tpu.dma_semaphore, #tpu.memory_space<semaphore_mem>>) src(%dma_wait3A_132 : memref<80x80xf32, #tpu.memory_space<vmem_shared>>) dst(%dma_wait3A_130 : memref<80x80xf32, #tpu.memory_space<hbm>>)
        tpu.yield
      }) : () -> ()
    }
    %scan3A_107 = arith.constant 7 : i32
    %add3A_108 = arith.constant 560 : i32
    %add3A_109 = arith.addi %mul3A_9, %add3A_108 : i32
    %add3A_110 = arith.constant 560 : i32
    %add3A_111 = arith.addi %mul3A_9, %add3A_110 : i32
    "tpu.region"() ({
      %run_scoped3A_112 = tpu.sem_alloc : memref<!tpu.dma_semaphore, #tpu.memory_space<semaphore_mem>>
      %dma_start3A_113 = arith.constant 0 : i32
      %dma_start3A_114 = tpu.memref_slice %arg7[%arg0, %add3A_111, %dma_start3A_113] : memref<2x10112x80xf32, #tpu.memory_space<hbm>> -> memref<1x72x80xf32, #tpu.memory_space<hbm>>
      %dma_start3A_115 = tpu.memref_squeeze %dma_start3A_114 : memref<1x72x80xf32, #tpu.memory_space<hbm>> -> memref<72x80xf32, #tpu.memory_space<hbm>>
      %dma_start3A_116 = arith.constant 0 : i32
      %dma_start3A_117 = tpu.memref_slice %arg14[%add3A_109, %dma_start3A_116] : memref<10112x80xf32, #tpu.memory_space<vmem_shared>> -> memref<72x80xf32, #tpu.memory_space<vmem_shared>>
      tpu.enqueue_dma source(%dma_start3A_117 : memref<72x80xf32, #tpu.memory_space<vmem_shared>>) target(%dma_start3A_115 : memref<72x80xf32, #tpu.memory_space<hbm>>) target_semaphore(%run_scoped3A_112 : memref<!tpu.dma_semaphore, #tpu.memory_space<semaphore_mem>>)
      %dma_wait3A = arith.constant 0 : i32
      %dma_wait3A_118 = tpu.memref_slice %arg7[%arg0, %add3A_111, %dma_wait3A] : memref<2x10112x80xf32, #tpu.memory_space<hbm>> -> memref<1x72x80xf32, #tpu.memory_space<hbm>>
      %dma_wait3A_119 = tpu.memref_squeeze %dma_wait3A_118 : memref<1x72x80xf32, #tpu.memory_space<hbm>> -> memref<72x80xf32, #tpu.memory_space<hbm>>
      %dma_wait3A_120 = arith.constant 0 : i32
      %dma_wait3A_121 = tpu.memref_slice %arg14[%add3A_109, %dma_wait3A_120] : memref<10112x80xf32, #tpu.memory_space<vmem_shared>> -> memref<72x80xf32, #tpu.memory_space<vmem_shared>>
      tpu.wait_dma2 semaphore(%run_scoped3A_112 : memref<!tpu.dma_semaphore, #tpu.memory_space<semaphore_mem>>) src(%dma_wait3A_121 : memref<72x80xf32, #tpu.memory_space<vmem_shared>>) dst(%dma_wait3A_119 : memref<72x80xf32, #tpu.memory_space<hbm>>)
      tpu.yield
    }) : () -> ()
    return
  }
}

#map = affine_map<(d0, d1) -> (0)>
#map1 = affine_map<(d0, d1) -> (0, 0)>
#map2 = affine_map<(d0, d1) -> (0, 0, 0)>
module attributes {stable_mosaic.version = 14 : i64} {
  func.func @ker(%arg0: i32, %arg1: i32, %arg2: memref<332800xi32, #tpu.memory_space<hbm>>, %arg3: memref<332800xi32, #tpu.memory_space<hbm>>, %arg4: memref<10112x16xf32, #tpu.memory_space<hbm>>, %arg5: memref<10112x16xf32, #tpu.memory_space<hbm>>, %arg6: memref<10112x128xf32, #tpu.memory_space<hbm>>, %arg7: memref<2x10112x144xf32, #tpu.memory_space<hbm>>, %arg8: memref<2x80xi32, #tpu.memory_space<vmem>>, %arg9: memref<2x80xi32, #tpu.memory_space<vmem>>, %arg10: memref<2x80x16xf32, #tpu.memory_space<vmem>>, %arg11: memref<2x80x16xf32, #tpu.memory_space<vmem>>, %arg12: memref<2x80x128xf32, #tpu.memory_space<vmem>>, %arg13: memref<80x144xf32, #tpu.memory_space<vmem>>, %arg14: memref<10112x144xf32, #tpu.memory_space<vmem_shared>>, %arg15: memref<!tpu.dma_semaphore, #tpu.memory_space<semaphore_mem>>, %arg16: memref<!tpu.dma_semaphore, #tpu.memory_space<semaphore_mem>>, %arg17: memref<!tpu.dma_semaphore, #tpu.memory_space<semaphore_mem>>, %arg18: memref<!tpu.dma_semaphore, #tpu.memory_space<semaphore_mem>>, %arg19: memref<!tpu.dma_semaphore, #tpu.memory_space<semaphore_mem>>, %arg20: memref<!tpu.dma_semaphore, #tpu.memory_space<semaphore_mem>>) attributes {dimension_semantics = [#tpu.dimension_semantics<core_parallel>, #tpu.dimension_semantics<subcore_parallel>], iteration_bounds = array<i64: 2, 16>, scalar_prefetch = 0 : i64, scratch_operands = 13 : i64, tpu.core_type = #tpu.core_type<sc_vector_subcore>, window_params = [{transform_indices = #map}, {transform_indices = #map}, {transform_indices = #map1}, {transform_indices = #map1}, {transform_indices = #map1}, {transform_indices = #map2}]} {
    %mul3A = arith.constant 2 : i32
    %mul3A_0 = arith.muli %arg1, %mul3A : i32
    %add3A = arith.addi %mul3A_0, %arg0 : i32
    %broadcast_in_dim3A = arith.constant 0.000000e+00 : f32
    %broadcast_in_dim3A_1 = vector.broadcast %broadcast_in_dim3A : f32 to vector<16xf32>
    %iota3A = tpu.iota {dimensions = array<i32: 0>} : vector<16xi32>
    %lt3A = arith.constant 4 : i32
    %lt3A_2 = vector.broadcast %lt3A : i32 to vector<16xi32>
    %lt3A_3 = arith.cmpi slt, %iota3A, %lt3A_2 : vector<16xi32>
    %scan3A = arith.constant 0 : i32
    %scan3A_4 = arith.constant 80 : i32
    %scan3A_5 = arith.addi %scan3A, %scan3A_4 : i32
    %scan3A_6 = arith.constant 1 : i32
    scf.for %scan3A_112 = %scan3A to %scan3A_5 step %scan3A_6  : i32 {
      %mul3A_113 = arith.constant 1 : i32
      %mul3A_114 = arith.muli %scan3A_112, %mul3A_113 : i32
      %add3A_115 = arith.constant 0 : i32
      %add3A_116 = arith.addi %add3A_115, %mul3A_114 : i32
      %scan3A_117 = arith.constant 0 : i32
      %scan3A_118 = arith.constant 9 : i32
      %scan3A_119 = arith.addi %scan3A_117, %scan3A_118 : i32
      %scan3A_120 = arith.constant 1 : i32
      scf.for %scan3A_122 = %scan3A_117 to %scan3A_119 step %scan3A_120  : i32 {
        %mul3A_123 = arith.constant 16 : i32
        %mul3A_124 = arith.muli %scan3A_122, %mul3A_123 : i32
        %add3A_125 = arith.constant 0 : i32
        %add3A_126 = arith.addi %add3A_125, %mul3A_124 : i32
        %swap3A = arith.index_cast %add3A_116 : i32 to index
        %swap3A_127 = arith.index_cast %add3A_126 : i32 to index
        %swap3A_128 = tpu.vector_load %arg13[%swap3A, %swap3A_127] {strides = array<i32>} : memref<80x144xf32, #tpu.memory_space<vmem>>, vector<1x16xf32>,
        %swap3A_129 = vector.shape_cast %swap3A_128 : vector<1x16xf32> to vector<16xf32>
        %swap3A_130 = vector.shape_cast %broadcast_in_dim3A_1 : vector<16xf32> to vector<1x16xf32>
        tpu.vector_store %arg13[%swap3A, %swap3A_127], %swap3A_130 {strides = array<i32>} : memref<80x144xf32, #tpu.memory_space<vmem>>, vector<1x16xf32>,
      }
      %scan3A_121 = arith.constant 9 : i32
    }
    %scan3A_7 = arith.constant 80 : i32
    %mul3A_8 = arith.constant 632 : i32
    %mul3A_9 = arith.muli %arg1, %mul3A_8 : i32
    %scan3A_10 = arith.constant 0 : i32
    %scan3A_11 = arith.constant 7 : i32
    %scan3A_12 = arith.addi %scan3A_10, %scan3A_11 : i32
    %scan3A_13 = arith.constant 1 : i32
    scf.for %scan3A_112 = %scan3A_10 to %scan3A_12 step %scan3A_13  : i32 {
      %mul3A_113 = arith.constant 1 : i32
      %mul3A_114 = arith.muli %scan3A_112, %mul3A_113 : i32
      %add3A_115 = arith.constant 0 : i32
      %add3A_116 = arith.addi %add3A_115, %mul3A_114 : i32
      %mul3A_117 = arith.constant 80 : i32
      %mul3A_118 = arith.muli %add3A_116, %mul3A_117 : i32
      %add3A_119 = arith.addi %mul3A_9, %mul3A_118 : i32
      "tpu.region"() ({
        %run_scoped3A_120 = tpu.sem_alloc : memref<!tpu.dma_semaphore, #tpu.memory_space<semaphore_mem>>
        %dma_start3A_121 = arith.constant 0 : i32
        %dma_start3A_122 = tpu.memref_slice %arg14[%add3A_119, %dma_start3A_121] : memref<10112x144xf32, #tpu.memory_space<vmem_shared>> -> memref<80x144xf32, #tpu.memory_space<vmem_shared>>
        %dma_start3A_123 = arith.constant 0 : i32
        %dma_start3A_124 = tpu.memref_slice %arg14[%add3A_119, %dma_start3A_123] : memref<10112x144xf32, #tpu.memory_space<vmem_shared>> -> memref<80x144xf32, #tpu.memory_space<vmem_shared>>
        tpu.enqueue_dma source(%arg13 : memref<80x144xf32, #tpu.memory_space<vmem>>) target(%dma_start3A_124 : memref<80x144xf32, #tpu.memory_space<vmem_shared>>) target_semaphore(%run_scoped3A_120 : memref<!tpu.dma_semaphore, #tpu.memory_space<semaphore_mem>>)
        %dma_wait3A = arith.constant 0 : i32
        %dma_wait3A_125 = tpu.memref_slice %arg14[%add3A_119, %dma_wait3A] : memref<10112x144xf32, #tpu.memory_space<vmem_shared>> -> memref<80x144xf32, #tpu.memory_space<vmem_shared>>
        %dma_wait3A_126 = arith.constant 0 : i32
        %dma_wait3A_127 = tpu.memref_slice %arg14[%add3A_119, %dma_wait3A_126] : memref<10112x144xf32, #tpu.memory_space<vmem_shared>> -> memref<80x144xf32, #tpu.memory_space<vmem_shared>>
        tpu.wait_dma2 semaphore(%run_scoped3A_120 : memref<!tpu.dma_semaphore, #tpu.memory_space<semaphore_mem>>) src(%arg13 : memref<80x144xf32, #tpu.memory_space<vmem>>) dst(%dma_wait3A_127 : memref<80x144xf32, #tpu.memory_space<vmem_shared>>)
        tpu.yield
      }) : () -> ()
    }
    %scan3A_14 = arith.constant 7 : i32
    %add3A_15 = arith.constant 560 : i32
    %add3A_16 = arith.addi %mul3A_9, %add3A_15 : i32
    "tpu.region"() ({
      %run_scoped3A_112 = tpu.sem_alloc : memref<!tpu.dma_semaphore, #tpu.memory_space<semaphore_mem>>
      %dma_start3A_113 = arith.constant 0 : i32
      %dma_start3A_114 = arith.constant 0 : i32
      %dma_start3A_115 = tpu.memref_slice %arg13[%dma_start3A_113, %dma_start3A_114] : memref<80x144xf32, #tpu.memory_space<vmem>> -> memref<72x144xf32, #tpu.memory_space<vmem>>
      %dma_start3A_116 = arith.constant 0 : i32
      %dma_start3A_117 = tpu.memref_slice %arg14[%add3A_16, %dma_start3A_116] : memref<10112x144xf32, #tpu.memory_space<vmem_shared>> -> memref<72x144xf32, #tpu.memory_space<vmem_shared>>
      %dma_start3A_118 = arith.constant 0 : i32
      %dma_start3A_119 = tpu.memref_slice %arg14[%add3A_16, %dma_start3A_118] : memref<10112x144xf32, #tpu.memory_space<vmem_shared>> -> memref<72x144xf32, #tpu.memory_space<vmem_shared>>
      %dma_start3A_120 = arith.constant 0 : i32
      %dma_start3A_121 = arith.constant 0 : i32
      %dma_start3A_122 = tpu.memref_slice %arg13[%dma_start3A_120, %dma_start3A_121] : memref<80x144xf32, #tpu.memory_space<vmem>> -> memref<72x144xf32, #tpu.memory_space<vmem>>
      tpu.enqueue_dma source(%dma_start3A_122 : memref<72x144xf32, #tpu.memory_space<vmem>>) target(%dma_start3A_119 : memref<72x144xf32, #tpu.memory_space<vmem_shared>>) target_semaphore(%run_scoped3A_112 : memref<!tpu.dma_semaphore, #tpu.memory_space<semaphore_mem>>)
      %dma_wait3A = arith.constant 0 : i32
      %dma_wait3A_123 = arith.constant 0 : i32
      %dma_wait3A_124 = tpu.memref_slice %arg13[%dma_wait3A, %dma_wait3A_123] : memref<80x144xf32, #tpu.memory_space<vmem>> -> memref<72x144xf32, #tpu.memory_space<vmem>>
      %dma_wait3A_125 = arith.constant 0 : i32
      %dma_wait3A_126 = tpu.memref_slice %arg14[%add3A_16, %dma_wait3A_125] : memref<10112x144xf32, #tpu.memory_space<vmem_shared>> -> memref<72x144xf32, #tpu.memory_space<vmem_shared>>
      %dma_wait3A_127 = arith.constant 0 : i32
      %dma_wait3A_128 = tpu.memref_slice %arg14[%add3A_16, %dma_wait3A_127] : memref<10112x144xf32, #tpu.memory_space<vmem_shared>> -> memref<72x144xf32, #tpu.memory_space<vmem_shared>>
      %dma_wait3A_129 = arith.constant 0 : i32
      %dma_wait3A_130 = arith.constant 0 : i32
      %dma_wait3A_131 = tpu.memref_slice %arg13[%dma_wait3A_129, %dma_wait3A_130] : memref<80x144xf32, #tpu.memory_space<vmem>> -> memref<72x144xf32, #tpu.memory_space<vmem>>
      tpu.wait_dma2 semaphore(%run_scoped3A_112 : memref<!tpu.dma_semaphore, #tpu.memory_space<semaphore_mem>>) src(%dma_wait3A_131 : memref<72x144xf32, #tpu.memory_space<vmem>>) dst(%dma_wait3A_128 : memref<72x144xf32, #tpu.memory_space<vmem_shared>>)
      tpu.yield
    }) : () -> ()
    %barrier3A = arith.constant 0 : index
    tpu.barrier barrier_id(%barrier3A)
    %mul3A_17 = arith.constant 10400 : i32
    %mul3A_18 = arith.muli %add3A, %mul3A_17 : i32
    %add3A_19 = arith.constant 0 : i32
    %add3A_20 = arith.addi %mul3A_18, %add3A_19 : i32
    %run_scoped3A = arith.constant 0 : i32
    "tpu.region"() ({
      %run_scoped3A_112 = tpu.sem_alloc : memref<!tpu.dma_semaphore, #tpu.memory_space<semaphore_mem>>
      %dma_start3A_113 = arith.constant 0 : i32
      %dma_start3A_114 = tpu.memref_slice %arg8[%run_scoped3A, %dma_start3A_113] : memref<2x80xi32, #tpu.memory_space<vmem>> -> memref<1x80xi32, #tpu.memory_space<vmem>>
      %dma_start3A_115 = tpu.memref_squeeze %dma_start3A_114 : memref<1x80xi32, #tpu.memory_space<vmem>> -> memref<80xi32, #tpu.memory_space<vmem>>
      %dma_start3A_116 = tpu.memref_slice %arg2[%add3A_20] : memref<332800xi32, #tpu.memory_space<hbm>> -> memref<80xi32, #tpu.memory_space<hbm>>
      %dma_start3A_117 = arith.constant 0 : i32
      %dma_start3A_118 = tpu.memref_slice %arg8[%run_scoped3A, %dma_start3A_117] : memref<2x80xi32, #tpu.memory_space<vmem>> -> memref<1x80xi32, #tpu.memory_space<vmem>>
      %dma_start3A_119 = tpu.memref_squeeze %dma_start3A_118 : memref<1x80xi32, #tpu.memory_space<vmem>> -> memref<80xi32, #tpu.memory_space<vmem>>
      %dma_start3A_120 = tpu.memref_slice %arg2[%add3A_20] : memref<332800xi32, #tpu.memory_space<hbm>> -> memref<80xi32, #tpu.memory_space<hbm>>
      tpu.enqueue_dma source(%dma_start3A_120 : memref<80xi32, #tpu.memory_space<hbm>>) target(%dma_start3A_119 : memref<80xi32, #tpu.memory_space<vmem>>) target_semaphore(%run_scoped3A_112 : memref<!tpu.dma_semaphore, #tpu.memory_space<semaphore_mem>>)
      %dma_wait3A = arith.constant 0 : i32
      %dma_wait3A_121 = tpu.memref_slice %arg8[%run_scoped3A, %dma_wait3A] : memref<2x80xi32, #tpu.memory_space<vmem>> -> memref<1x80xi32, #tpu.memory_space<vmem>>
      %dma_wait3A_122 = tpu.memref_squeeze %dma_wait3A_121 : memref<1x80xi32, #tpu.memory_space<vmem>> -> memref<80xi32, #tpu.memory_space<vmem>>
      %dma_wait3A_123 = tpu.memref_slice %arg2[%add3A_20] : memref<332800xi32, #tpu.memory_space<hbm>> -> memref<80xi32, #tpu.memory_space<hbm>>
      %dma_wait3A_124 = arith.constant 0 : i32
      %dma_wait3A_125 = tpu.memref_slice %arg8[%run_scoped3A, %dma_wait3A_124] : memref<2x80xi32, #tpu.memory_space<vmem>> -> memref<1x80xi32, #tpu.memory_space<vmem>>
      %dma_wait3A_126 = tpu.memref_squeeze %dma_wait3A_125 : memref<1x80xi32, #tpu.memory_space<vmem>> -> memref<80xi32, #tpu.memory_space<vmem>>
      %dma_wait3A_127 = tpu.memref_slice %arg2[%add3A_20] : memref<332800xi32, #tpu.memory_space<hbm>> -> memref<80xi32, #tpu.memory_space<hbm>>
      tpu.wait_dma2 semaphore(%run_scoped3A_112 : memref<!tpu.dma_semaphore, #tpu.memory_space<semaphore_mem>>) src(%dma_wait3A_127 : memref<80xi32, #tpu.memory_space<hbm>>) dst(%dma_wait3A_126 : memref<80xi32, #tpu.memory_space<vmem>>)
      tpu.yield
    }) : () -> ()
    %run_scoped3A_21 = arith.constant 0 : i32
    "tpu.region"() ({
      %run_scoped3A_112 = tpu.sem_alloc : memref<!tpu.dma_semaphore, #tpu.memory_space<semaphore_mem>>
      %dma_start3A_113 = arith.constant 0 : i32
      %dma_start3A_114 = tpu.memref_slice %arg9[%run_scoped3A_21, %dma_start3A_113] : memref<2x80xi32, #tpu.memory_space<vmem>> -> memref<1x80xi32, #tpu.memory_space<vmem>>
      %dma_start3A_115 = tpu.memref_squeeze %dma_start3A_114 : memref<1x80xi32, #tpu.memory_space<vmem>> -> memref<80xi32, #tpu.memory_space<vmem>>
      %dma_start3A_116 = tpu.memref_slice %arg3[%add3A_20] : memref<332800xi32, #tpu.memory_space<hbm>> -> memref<80xi32, #tpu.memory_space<hbm>>
      %dma_start3A_117 = arith.constant 0 : i32
      %dma_start3A_118 = tpu.memref_slice %arg9[%run_scoped3A_21, %dma_start3A_117] : memref<2x80xi32, #tpu.memory_space<vmem>> -> memref<1x80xi32, #tpu.memory_space<vmem>>
      %dma_start3A_119 = tpu.memref_squeeze %dma_start3A_118 : memref<1x80xi32, #tpu.memory_space<vmem>> -> memref<80xi32, #tpu.memory_space<vmem>>
      %dma_start3A_120 = tpu.memref_slice %arg3[%add3A_20] : memref<332800xi32, #tpu.memory_space<hbm>> -> memref<80xi32, #tpu.memory_space<hbm>>
      tpu.enqueue_dma source(%dma_start3A_120 : memref<80xi32, #tpu.memory_space<hbm>>) target(%dma_start3A_119 : memref<80xi32, #tpu.memory_space<vmem>>) target_semaphore(%run_scoped3A_112 : memref<!tpu.dma_semaphore, #tpu.memory_space<semaphore_mem>>)
      %dma_wait3A = arith.constant 0 : i32
      %dma_wait3A_121 = tpu.memref_slice %arg9[%run_scoped3A_21, %dma_wait3A] : memref<2x80xi32, #tpu.memory_space<vmem>> -> memref<1x80xi32, #tpu.memory_space<vmem>>
      %dma_wait3A_122 = tpu.memref_squeeze %dma_wait3A_121 : memref<1x80xi32, #tpu.memory_space<vmem>> -> memref<80xi32, #tpu.memory_space<vmem>>
      %dma_wait3A_123 = tpu.memref_slice %arg3[%add3A_20] : memref<332800xi32, #tpu.memory_space<hbm>> -> memref<80xi32, #tpu.memory_space<hbm>>
      %dma_wait3A_124 = arith.constant 0 : i32
      %dma_wait3A_125 = tpu.memref_slice %arg9[%run_scoped3A_21, %dma_wait3A_124] : memref<2x80xi32, #tpu.memory_space<vmem>> -> memref<1x80xi32, #tpu.memory_space<vmem>>
      %dma_wait3A_126 = tpu.memref_squeeze %dma_wait3A_125 : memref<1x80xi32, #tpu.memory_space<vmem>> -> memref<80xi32, #tpu.memory_space<vmem>>
      %dma_wait3A_127 = tpu.memref_slice %arg3[%add3A_20] : memref<332800xi32, #tpu.memory_space<hbm>> -> memref<80xi32, #tpu.memory_space<hbm>>
      tpu.wait_dma2 semaphore(%run_scoped3A_112 : memref<!tpu.dma_semaphore, #tpu.memory_space<semaphore_mem>>) src(%dma_wait3A_127 : memref<80xi32, #tpu.memory_space<hbm>>) dst(%dma_wait3A_126 : memref<80xi32, #tpu.memory_space<vmem>>)
      tpu.yield
    }) : () -> ()
    %dma_start3A = arith.constant 0 : i32
    %dma_start3A_22 = arith.constant 0 : i32
    %dma_start3A_23 = arith.constant 0 : i32
    %dma_start3A_24 = arith.constant 0 : i32
    %dma_start3A_25 = tpu.memref_slice %arg10[%dma_start3A_22, %dma_start3A_23, %dma_start3A_24] : memref<2x80x16xf32, #tpu.memory_space<vmem>> -> memref<1x80x16xf32, #tpu.memory_space<vmem>>
    %dma_start3A_26 = tpu.memref_squeeze %dma_start3A_25 : memref<1x80x16xf32, #tpu.memory_space<vmem>> -> memref<80x16xf32, #tpu.memory_space<vmem>>
    %dma_start3A_27 = arith.constant 0 : i32
    %dma_start3A_28 = tpu.memref_slice %arg8[%dma_start3A, %dma_start3A_27] : memref<2x80xi32, #tpu.memory_space<vmem>> -> memref<1x80xi32, #tpu.memory_space<vmem>>
    %dma_start3A_29 = tpu.memref_squeeze %dma_start3A_28 : memref<1x80xi32, #tpu.memory_space<vmem>> -> memref<80xi32, #tpu.memory_space<vmem>>
    %dma_start3A_30 = arith.constant 0 : i32
    %dma_start3A_31 = arith.constant 0 : i32
    %dma_start3A_32 = tpu.memref_slice %arg4[%dma_start3A_30, %dma_start3A_31] : memref<10112x16xf32, #tpu.memory_space<hbm>> -> memref<10112x16xf32, #tpu.memory_space<hbm>>
    tpu.enqueue_indirect_dma source(%dma_start3A_32 : memref<10112x16xf32, #tpu.memory_space<hbm>>) target(%dma_start3A_26 : memref<80x16xf32, #tpu.memory_space<vmem>>) offsets(%dma_start3A_29 : memref<80xi32, #tpu.memory_space<vmem>>) semaphore(%arg15 : memref<!tpu.dma_semaphore, #tpu.memory_space<semaphore_mem>>)
    %dma_start3A_33 = arith.constant 0 : i32
    %dma_start3A_34 = arith.constant 0 : i32
    %dma_start3A_35 = arith.constant 0 : i32
    %dma_start3A_36 = arith.constant 0 : i32
    %dma_start3A_37 = tpu.memref_slice %arg11[%dma_start3A_34, %dma_start3A_35, %dma_start3A_36] : memref<2x80x16xf32, #tpu.memory_space<vmem>> -> memref<1x80x16xf32, #tpu.memory_space<vmem>>
    %dma_start3A_38 = tpu.memref_squeeze %dma_start3A_37 : memref<1x80x16xf32, #tpu.memory_space<vmem>> -> memref<80x16xf32, #tpu.memory_space<vmem>>
    %dma_start3A_39 = arith.constant 0 : i32
    %dma_start3A_40 = tpu.memref_slice %arg9[%dma_start3A_33, %dma_start3A_39] : memref<2x80xi32, #tpu.memory_space<vmem>> -> memref<1x80xi32, #tpu.memory_space<vmem>>
    %dma_start3A_41 = tpu.memref_squeeze %dma_start3A_40 : memref<1x80xi32, #tpu.memory_space<vmem>> -> memref<80xi32, #tpu.memory_space<vmem>>
    %dma_start3A_42 = arith.constant 0 : i32
    %dma_start3A_43 = arith.constant 0 : i32
    %dma_start3A_44 = tpu.memref_slice %arg5[%dma_start3A_42, %dma_start3A_43] : memref<10112x16xf32, #tpu.memory_space<hbm>> -> memref<10112x16xf32, #tpu.memory_space<hbm>>
    tpu.enqueue_indirect_dma source(%dma_start3A_44 : memref<10112x16xf32, #tpu.memory_space<hbm>>) target(%dma_start3A_38 : memref<80x16xf32, #tpu.memory_space<vmem>>) offsets(%dma_start3A_41 : memref<80xi32, #tpu.memory_space<vmem>>) semaphore(%arg16 : memref<!tpu.dma_semaphore, #tpu.memory_space<semaphore_mem>>)
    %dma_start3A_45 = arith.constant 0 : i32
    %dma_start3A_46 = arith.constant 0 : i32
    %dma_start3A_47 = arith.constant 0 : i32
    %dma_start3A_48 = arith.constant 0 : i32
    %dma_start3A_49 = tpu.memref_slice %arg12[%dma_start3A_46, %dma_start3A_47, %dma_start3A_48] : memref<2x80x128xf32, #tpu.memory_space<vmem>> -> memref<1x80x128xf32, #tpu.memory_space<vmem>>
    %dma_start3A_50 = tpu.memref_squeeze %dma_start3A_49 : memref<1x80x128xf32, #tpu.memory_space<vmem>> -> memref<80x128xf32, #tpu.memory_space<vmem>>
    %dma_start3A_51 = arith.constant 0 : i32
    %dma_start3A_52 = tpu.memref_slice %arg8[%dma_start3A_45, %dma_start3A_51] : memref<2x80xi32, #tpu.memory_space<vmem>> -> memref<1x80xi32, #tpu.memory_space<vmem>>
    %dma_start3A_53 = tpu.memref_squeeze %dma_start3A_52 : memref<1x80xi32, #tpu.memory_space<vmem>> -> memref<80xi32, #tpu.memory_space<vmem>>
    %dma_start3A_54 = arith.constant 0 : i32
    %dma_start3A_55 = arith.constant 0 : i32
    %dma_start3A_56 = tpu.memref_slice %arg6[%dma_start3A_54, %dma_start3A_55] : memref<10112x128xf32, #tpu.memory_space<hbm>> -> memref<10112x128xf32, #tpu.memory_space<hbm>>
    tpu.enqueue_indirect_dma source(%dma_start3A_56 : memref<10112x128xf32, #tpu.memory_space<hbm>>) target(%dma_start3A_50 : memref<80x128xf32, #tpu.memory_space<vmem>>) offsets(%dma_start3A_53 : memref<80xi32, #tpu.memory_space<vmem>>) semaphore(%arg17 : memref<!tpu.dma_semaphore, #tpu.memory_space<semaphore_mem>>)
    %add3A_57 = arith.constant 80 : i32
    %add3A_58 = arith.addi %mul3A_18, %add3A_57 : i32
    %run_scoped3A_59 = arith.constant 1 : i32
    "tpu.region"() ({
      %run_scoped3A_112 = tpu.sem_alloc : memref<!tpu.dma_semaphore, #tpu.memory_space<semaphore_mem>>
      %dma_start3A_113 = arith.constant 0 : i32
      %dma_start3A_114 = tpu.memref_slice %arg8[%run_scoped3A_59, %dma_start3A_113] : memref<2x80xi32, #tpu.memory_space<vmem>> -> memref<1x80xi32, #tpu.memory_space<vmem>>
      %dma_start3A_115 = tpu.memref_squeeze %dma_start3A_114 : memref<1x80xi32, #tpu.memory_space<vmem>> -> memref<80xi32, #tpu.memory_space<vmem>>
      %dma_start3A_116 = tpu.memref_slice %arg2[%add3A_58] : memref<332800xi32, #tpu.memory_space<hbm>> -> memref<80xi32, #tpu.memory_space<hbm>>
      %dma_start3A_117 = arith.constant 0 : i32
      %dma_start3A_118 = tpu.memref_slice %arg8[%run_scoped3A_59, %dma_start3A_117] : memref<2x80xi32, #tpu.memory_space<vmem>> -> memref<1x80xi32, #tpu.memory_space<vmem>>
      %dma_start3A_119 = tpu.memref_squeeze %dma_start3A_118 : memref<1x80xi32, #tpu.memory_space<vmem>> -> memref<80xi32, #tpu.memory_space<vmem>>
      %dma_start3A_120 = tpu.memref_slice %arg2[%add3A_58] : memref<332800xi32, #tpu.memory_space<hbm>> -> memref<80xi32, #tpu.memory_space<hbm>>
      tpu.enqueue_dma source(%dma_start3A_120 : memref<80xi32, #tpu.memory_space<hbm>>) target(%dma_start3A_119 : memref<80xi32, #tpu.memory_space<vmem>>) target_semaphore(%run_scoped3A_112 : memref<!tpu.dma_semaphore, #tpu.memory_space<semaphore_mem>>)
      %dma_wait3A = arith.constant 0 : i32
      %dma_wait3A_121 = tpu.memref_slice %arg8[%run_scoped3A_59, %dma_wait3A] : memref<2x80xi32, #tpu.memory_space<vmem>> -> memref<1x80xi32, #tpu.memory_space<vmem>>
      %dma_wait3A_122 = tpu.memref_squeeze %dma_wait3A_121 : memref<1x80xi32, #tpu.memory_space<vmem>> -> memref<80xi32, #tpu.memory_space<vmem>>
      %dma_wait3A_123 = tpu.memref_slice %arg2[%add3A_58] : memref<332800xi32, #tpu.memory_space<hbm>> -> memref<80xi32, #tpu.memory_space<hbm>>
      %dma_wait3A_124 = arith.constant 0 : i32
      %dma_wait3A_125 = tpu.memref_slice %arg8[%run_scoped3A_59, %dma_wait3A_124] : memref<2x80xi32, #tpu.memory_space<vmem>> -> memref<1x80xi32, #tpu.memory_space<vmem>>
      %dma_wait3A_126 = tpu.memref_squeeze %dma_wait3A_125 : memref<1x80xi32, #tpu.memory_space<vmem>> -> memref<80xi32, #tpu.memory_space<vmem>>
      %dma_wait3A_127 = tpu.memref_slice %arg2[%add3A_58] : memref<332800xi32, #tpu.memory_space<hbm>> -> memref<80xi32, #tpu.memory_space<hbm>>
      tpu.wait_dma2 semaphore(%run_scoped3A_112 : memref<!tpu.dma_semaphore, #tpu.memory_space<semaphore_mem>>) src(%dma_wait3A_127 : memref<80xi32, #tpu.memory_space<hbm>>) dst(%dma_wait3A_126 : memref<80xi32, #tpu.memory_space<vmem>>)
      tpu.yield
    }) : () -> ()
    %run_scoped3A_60 = arith.constant 1 : i32
    "tpu.region"() ({
      %run_scoped3A_112 = tpu.sem_alloc : memref<!tpu.dma_semaphore, #tpu.memory_space<semaphore_mem>>
      %dma_start3A_113 = arith.constant 0 : i32
      %dma_start3A_114 = tpu.memref_slice %arg9[%run_scoped3A_60, %dma_start3A_113] : memref<2x80xi32, #tpu.memory_space<vmem>> -> memref<1x80xi32, #tpu.memory_space<vmem>>
      %dma_start3A_115 = tpu.memref_squeeze %dma_start3A_114 : memref<1x80xi32, #tpu.memory_space<vmem>> -> memref<80xi32, #tpu.memory_space<vmem>>
      %dma_start3A_116 = tpu.memref_slice %arg3[%add3A_58] : memref<332800xi32, #tpu.memory_space<hbm>> -> memref<80xi32, #tpu.memory_space<hbm>>
      %dma_start3A_117 = arith.constant 0 : i32
      %dma_start3A_118 = tpu.memref_slice %arg9[%run_scoped3A_60, %dma_start3A_117] : memref<2x80xi32, #tpu.memory_space<vmem>> -> memref<1x80xi32, #tpu.memory_space<vmem>>
      %dma_start3A_119 = tpu.memref_squeeze %dma_start3A_118 : memref<1x80xi32, #tpu.memory_space<vmem>> -> memref<80xi32, #tpu.memory_space<vmem>>
      %dma_start3A_120 = tpu.memref_slice %arg3[%add3A_58] : memref<332800xi32, #tpu.memory_space<hbm>> -> memref<80xi32, #tpu.memory_space<hbm>>
      tpu.enqueue_dma source(%dma_start3A_120 : memref<80xi32, #tpu.memory_space<hbm>>) target(%dma_start3A_119 : memref<80xi32, #tpu.memory_space<vmem>>) target_semaphore(%run_scoped3A_112 : memref<!tpu.dma_semaphore, #tpu.memory_space<semaphore_mem>>)
      %dma_wait3A = arith.constant 0 : i32
      %dma_wait3A_121 = tpu.memref_slice %arg9[%run_scoped3A_60, %dma_wait3A] : memref<2x80xi32, #tpu.memory_space<vmem>> -> memref<1x80xi32, #tpu.memory_space<vmem>>
      %dma_wait3A_122 = tpu.memref_squeeze %dma_wait3A_121 : memref<1x80xi32, #tpu.memory_space<vmem>> -> memref<80xi32, #tpu.memory_space<vmem>>
      %dma_wait3A_123 = tpu.memref_slice %arg3[%add3A_58] : memref<332800xi32, #tpu.memory_space<hbm>> -> memref<80xi32, #tpu.memory_space<hbm>>
      %dma_wait3A_124 = arith.constant 0 : i32
      %dma_wait3A_125 = tpu.memref_slice %arg9[%run_scoped3A_60, %dma_wait3A_124] : memref<2x80xi32, #tpu.memory_space<vmem>> -> memref<1x80xi32, #tpu.memory_space<vmem>>
      %dma_wait3A_126 = tpu.memref_squeeze %dma_wait3A_125 : memref<1x80xi32, #tpu.memory_space<vmem>> -> memref<80xi32, #tpu.memory_space<vmem>>
      %dma_wait3A_127 = tpu.memref_slice %arg3[%add3A_58] : memref<332800xi32, #tpu.memory_space<hbm>> -> memref<80xi32, #tpu.memory_space<hbm>>
      tpu.wait_dma2 semaphore(%run_scoped3A_112 : memref<!tpu.dma_semaphore, #tpu.memory_space<semaphore_mem>>) src(%dma_wait3A_127 : memref<80xi32, #tpu.memory_space<hbm>>) dst(%dma_wait3A_126 : memref<80xi32, #tpu.memory_space<vmem>>)
      tpu.yield
    }) : () -> ()
    %dma_start3A_61 = arith.constant 1 : i32
    %dma_start3A_62 = arith.constant 1 : i32
    %dma_start3A_63 = arith.constant 0 : i32
    %dma_start3A_64 = arith.constant 0 : i32
    %dma_start3A_65 = tpu.memref_slice %arg10[%dma_start3A_62, %dma_start3A_63, %dma_start3A_64] : memref<2x80x16xf32, #tpu.memory_space<vmem>> -> memref<1x80x16xf32, #tpu.memory_space<vmem>>
    %dma_start3A_66 = tpu.memref_squeeze %dma_start3A_65 : memref<1x80x16xf32, #tpu.memory_space<vmem>> -> memref<80x16xf32, #tpu.memory_space<vmem>>
    %dma_start3A_67 = arith.constant 0 : i32
    %dma_start3A_68 = tpu.memref_slice %arg8[%dma_start3A_61, %dma_start3A_67] : memref<2x80xi32, #tpu.memory_space<vmem>> -> memref<1x80xi32, #tpu.memory_space<vmem>>
    %dma_start3A_69 = tpu.memref_squeeze %dma_start3A_68 : memref<1x80xi32, #tpu.memory_space<vmem>> -> memref<80xi32, #tpu.memory_space<vmem>>
    %dma_start3A_70 = arith.constant 0 : i32
    %dma_start3A_71 = arith.constant 0 : i32
    %dma_start3A_72 = tpu.memref_slice %arg4[%dma_start3A_70, %dma_start3A_71] : memref<10112x16xf32, #tpu.memory_space<hbm>> -> memref<10112x16xf32, #tpu.memory_space<hbm>>
    tpu.enqueue_indirect_dma source(%dma_start3A_72 : memref<10112x16xf32, #tpu.memory_space<hbm>>) target(%dma_start3A_66 : memref<80x16xf32, #tpu.memory_space<vmem>>) offsets(%dma_start3A_69 : memref<80xi32, #tpu.memory_space<vmem>>) semaphore(%arg18 : memref<!tpu.dma_semaphore, #tpu.memory_space<semaphore_mem>>)
    %dma_start3A_73 = arith.constant 1 : i32
    %dma_start3A_74 = arith.constant 1 : i32
    %dma_start3A_75 = arith.constant 0 : i32
    %dma_start3A_76 = arith.constant 0 : i32
    %dma_start3A_77 = tpu.memref_slice %arg11[%dma_start3A_74, %dma_start3A_75, %dma_start3A_76] : memref<2x80x16xf32, #tpu.memory_space<vmem>> -> memref<1x80x16xf32, #tpu.memory_space<vmem>>
    %dma_start3A_78 = tpu.memref_squeeze %dma_start3A_77 : memref<1x80x16xf32, #tpu.memory_space<vmem>> -> memref<80x16xf32, #tpu.memory_space<vmem>>
    %dma_start3A_79 = arith.constant 0 : i32
    %dma_start3A_80 = tpu.memref_slice %arg9[%dma_start3A_73, %dma_start3A_79] : memref<2x80xi32, #tpu.memory_space<vmem>> -> memref<1x80xi32, #tpu.memory_space<vmem>>
    %dma_start3A_81 = tpu.memref_squeeze %dma_start3A_80 : memref<1x80xi32, #tpu.memory_space<vmem>> -> memref<80xi32, #tpu.memory_space<vmem>>
    %dma_start3A_82 = arith.constant 0 : i32
    %dma_start3A_83 = arith.constant 0 : i32
    %dma_start3A_84 = tpu.memref_slice %arg5[%dma_start3A_82, %dma_start3A_83] : memref<10112x16xf32, #tpu.memory_space<hbm>> -> memref<10112x16xf32, #tpu.memory_space<hbm>>
    tpu.enqueue_indirect_dma source(%dma_start3A_84 : memref<10112x16xf32, #tpu.memory_space<hbm>>) target(%dma_start3A_78 : memref<80x16xf32, #tpu.memory_space<vmem>>) offsets(%dma_start3A_81 : memref<80xi32, #tpu.memory_space<vmem>>) semaphore(%arg19 : memref<!tpu.dma_semaphore, #tpu.memory_space<semaphore_mem>>)
    %dma_start3A_85 = arith.constant 1 : i32
    %dma_start3A_86 = arith.constant 1 : i32
    %dma_start3A_87 = arith.constant 0 : i32
    %dma_start3A_88 = arith.constant 0 : i32
    %dma_start3A_89 = tpu.memref_slice %arg12[%dma_start3A_86, %dma_start3A_87, %dma_start3A_88] : memref<2x80x128xf32, #tpu.memory_space<vmem>> -> memref<1x80x128xf32, #tpu.memory_space<vmem>>
    %dma_start3A_90 = tpu.memref_squeeze %dma_start3A_89 : memref<1x80x128xf32, #tpu.memory_space<vmem>> -> memref<80x128xf32, #tpu.memory_space<vmem>>
    %dma_start3A_91 = arith.constant 0 : i32
    %dma_start3A_92 = tpu.memref_slice %arg8[%dma_start3A_85, %dma_start3A_91] : memref<2x80xi32, #tpu.memory_space<vmem>> -> memref<1x80xi32, #tpu.memory_space<vmem>>
    %dma_start3A_93 = tpu.memref_squeeze %dma_start3A_92 : memref<1x80xi32, #tpu.memory_space<vmem>> -> memref<80xi32, #tpu.memory_space<vmem>>
    %dma_start3A_94 = arith.constant 0 : i32
    %dma_start3A_95 = arith.constant 0 : i32
    %dma_start3A_96 = tpu.memref_slice %arg6[%dma_start3A_94, %dma_start3A_95] : memref<10112x128xf32, #tpu.memory_space<hbm>> -> memref<10112x128xf32, #tpu.memory_space<hbm>>
    tpu.enqueue_indirect_dma source(%dma_start3A_96 : memref<10112x128xf32, #tpu.memory_space<hbm>>) target(%dma_start3A_90 : memref<80x128xf32, #tpu.memory_space<vmem>>) offsets(%dma_start3A_93 : memref<80xi32, #tpu.memory_space<vmem>>) semaphore(%arg20 : memref<!tpu.dma_semaphore, #tpu.memory_space<semaphore_mem>>)
    %scan3A_97 = arith.constant 0 : i32
    %scan3A_98 = arith.constant 65 : i32
    %scan3A_99 = arith.addi %scan3A_97, %scan3A_98 : i32
    %scan3A_100 = arith.constant 1 : i32
    scf.for %scan3A_112 = %scan3A_97 to %scan3A_99 step %scan3A_100  : i32 {
      %mul3A_113 = arith.constant 1 : i32
      %mul3A_114 = arith.muli %scan3A_112, %mul3A_113 : i32
      %add3A_115 = arith.constant 0 : i32
      %add3A_116 = arith.addi %add3A_115, %mul3A_114 : i32
      %mul3A_117 = arith.constant 2 : i32
      %mul3A_118 = arith.muli %add3A_116, %mul3A_117 : i32
      %add3A_119 = arith.constant 0 : i32
      %add3A_120 = arith.addi %mul3A_118, %add3A_119 : i32
      %dma_wait3A = arith.constant 0 : i32
      %dma_wait3A_121 = arith.constant 0 : i32
      %dma_wait3A_122 = arith.constant 0 : i32
      %dma_wait3A_123 = arith.constant 0 : i32
      %dma_wait3A_124 = tpu.memref_slice %arg10[%dma_wait3A_121, %dma_wait3A_122, %dma_wait3A_123] : memref<2x80x16xf32, #tpu.memory_space<vmem>> -> memref<1x80x16xf32, #tpu.memory_space<vmem>>
      %dma_wait3A_125 = tpu.memref_squeeze %dma_wait3A_124 : memref<1x80x16xf32, #tpu.memory_space<vmem>> -> memref<80x16xf32, #tpu.memory_space<vmem>>
      %dma_wait3A_126 = arith.constant 0 : i32
      %dma_wait3A_127 = tpu.memref_slice %arg8[%dma_wait3A, %dma_wait3A_126] : memref<2x80xi32, #tpu.memory_space<vmem>> -> memref<1x80xi32, #tpu.memory_space<vmem>>
      %dma_wait3A_128 = tpu.memref_squeeze %dma_wait3A_127 : memref<1x80xi32, #tpu.memory_space<vmem>> -> memref<80xi32, #tpu.memory_space<vmem>>
      %dma_wait3A_129 = arith.constant 0 : i32
      %dma_wait3A_130 = arith.constant 0 : i32
      %dma_wait3A_131 = tpu.memref_slice %arg4[%dma_wait3A_129, %dma_wait3A_130] : memref<10112x16xf32, #tpu.memory_space<hbm>> -> memref<10112x16xf32, #tpu.memory_space<hbm>>
      tpu.wait_indirect_dma semaphore(%arg15 : memref<!tpu.dma_semaphore, #tpu.memory_space<semaphore_mem>>) src(%dma_wait3A_131 : memref<10112x16xf32, #tpu.memory_space<hbm>>) dst(%dma_wait3A_125 : memref<80x16xf32, #tpu.memory_space<vmem>>)
      %dma_wait3A_132 = arith.constant 0 : i32
      %dma_wait3A_133 = arith.constant 0 : i32
      %dma_wait3A_134 = arith.constant 0 : i32
      %dma_wait3A_135 = arith.constant 0 : i32
      %dma_wait3A_136 = tpu.memref_slice %arg11[%dma_wait3A_133, %dma_wait3A_134, %dma_wait3A_135] : memref<2x80x16xf32, #tpu.memory_space<vmem>> -> memref<1x80x16xf32, #tpu.memory_space<vmem>>
      %dma_wait3A_137 = tpu.memref_squeeze %dma_wait3A_136 : memref<1x80x16xf32, #tpu.memory_space<vmem>> -> memref<80x16xf32, #tpu.memory_space<vmem>>
      %dma_wait3A_138 = arith.constant 0 : i32
      %dma_wait3A_139 = tpu.memref_slice %arg9[%dma_wait3A_132, %dma_wait3A_138] : memref<2x80xi32, #tpu.memory_space<vmem>> -> memref<1x80xi32, #tpu.memory_space<vmem>>
      %dma_wait3A_140 = tpu.memref_squeeze %dma_wait3A_139 : memref<1x80xi32, #tpu.memory_space<vmem>> -> memref<80xi32, #tpu.memory_space<vmem>>
      %dma_wait3A_141 = arith.constant 0 : i32
      %dma_wait3A_142 = arith.constant 0 : i32
      %dma_wait3A_143 = tpu.memref_slice %arg5[%dma_wait3A_141, %dma_wait3A_142] : memref<10112x16xf32, #tpu.memory_space<hbm>> -> memref<10112x16xf32, #tpu.memory_space<hbm>>
      tpu.wait_indirect_dma semaphore(%arg16 : memref<!tpu.dma_semaphore, #tpu.memory_space<semaphore_mem>>) src(%dma_wait3A_143 : memref<10112x16xf32, #tpu.memory_space<hbm>>) dst(%dma_wait3A_137 : memref<80x16xf32, #tpu.memory_space<vmem>>)
      %dma_wait3A_144 = arith.constant 0 : i32
      %dma_wait3A_145 = arith.constant 0 : i32
      %dma_wait3A_146 = arith.constant 0 : i32
      %dma_wait3A_147 = arith.constant 0 : i32
      %dma_wait3A_148 = tpu.memref_slice %arg12[%dma_wait3A_145, %dma_wait3A_146, %dma_wait3A_147] : memref<2x80x128xf32, #tpu.memory_space<vmem>> -> memref<1x80x128xf32, #tpu.memory_space<vmem>>
      %dma_wait3A_149 = tpu.memref_squeeze %dma_wait3A_148 : memref<1x80x128xf32, #tpu.memory_space<vmem>> -> memref<80x128xf32, #tpu.memory_space<vmem>>
      %dma_wait3A_150 = arith.constant 0 : i32
      %dma_wait3A_151 = tpu.memref_slice %arg8[%dma_wait3A_144, %dma_wait3A_150] : memref<2x80xi32, #tpu.memory_space<vmem>> -> memref<1x80xi32, #tpu.memory_space<vmem>>
      %dma_wait3A_152 = tpu.memref_squeeze %dma_wait3A_151 : memref<1x80xi32, #tpu.memory_space<vmem>> -> memref<80xi32, #tpu.memory_space<vmem>>
      %dma_wait3A_153 = arith.constant 0 : i32
      %dma_wait3A_154 = arith.constant 0 : i32
      %dma_wait3A_155 = tpu.memref_slice %arg6[%dma_wait3A_153, %dma_wait3A_154] : memref<10112x128xf32, #tpu.memory_space<hbm>> -> memref<10112x128xf32, #tpu.memory_space<hbm>>
      tpu.wait_indirect_dma semaphore(%arg17 : memref<!tpu.dma_semaphore, #tpu.memory_space<semaphore_mem>>) src(%dma_wait3A_155 : memref<10112x128xf32, #tpu.memory_space<hbm>>) dst(%dma_wait3A_149 : memref<80x128xf32, #tpu.memory_space<vmem>>)
      %scan3A_156 = arith.constant 0 : i32
      %scan3A_157 = arith.constant 80 : i32
      %scan3A_158 = arith.addi %scan3A_156, %scan3A_157 : i32
      %scan3A_159 = arith.constant 1 : i32
      scf.for %scan3A_220 = %scan3A_156 to %scan3A_158 step %scan3A_159  : i32 {
        %mul3A_221 = arith.constant 1 : i32
        %mul3A_222 = arith.muli %scan3A_220, %mul3A_221 : i32
        %add3A_223 = arith.constant 0 : i32
        %add3A_224 = arith.addi %add3A_223, %mul3A_222 : i32
        %get3A = arith.constant 0 : i32
        %get3A_225 = arith.index_cast %get3A : i32 to index
        %get3A_226 = arith.index_cast %add3A_224 : i32 to index
        %get3A_227 = arith.constant 0 : index
        %get3A_228 = tpu.vector_load %arg10[%get3A_225, %get3A_226, %get3A_227] {strides = array<i32>} : memref<2x80x16xf32, #tpu.memory_space<vmem>>, vector<1x1x16xf32>,
        %get3A_229 = vector.shape_cast %get3A_228 : vector<1x1x16xf32> to vector<16xf32>
        %get3A_230 = arith.constant 0 : i32
        %get3A_231 = arith.index_cast %get3A_230 : i32 to index
        %get3A_232 = arith.index_cast %add3A_224 : i32 to index
        %get3A_233 = arith.constant 0 : index
        %get3A_234 = tpu.vector_load %arg11[%get3A_231, %get3A_232, %get3A_233] {strides = array<i32>} : memref<2x80x16xf32, #tpu.memory_space<vmem>>, vector<1x1x16xf32>,
        %get3A_235 = vector.shape_cast %get3A_234 : vector<1x1x16xf32> to vector<16xf32>
        %add3A_236 = arith.addf %get3A_229, %get3A_235 : vector<16xf32>
        %mul3A_237 = arith.constant 2.000000e-01 : f32
        %mul3A_238 = vector.broadcast %mul3A_237 : f32 to vector<16xf32>
        %mul3A_239 = arith.mulf %mul3A_238, %add3A_236 : vector<16xf32>
        %max3A = arith.maximumf %add3A_236, %mul3A_239 : vector<16xf32>
        %exp3A = math.exp %max3A : vector<16xf32>
        %jit3A = arith.constant 0.000000e+00 : f32
        %broadcast_in_dim3A_240 = vector.broadcast %jit3A : f32 to vector<16xf32>
        %select_n3A = arith.select %lt3A_3, %exp3A, %broadcast_in_dim3A_240 : vector<16xi1>, vector<16xf32>
        %swap3A = arith.index_cast %add3A_224 : i32 to index
        %swap3A_241 = arith.constant 128 : index
        %swap3A_242 = tpu.vector_load %arg13[%swap3A, %swap3A_241] {strides = array<i32>} : memref<80x144xf32, #tpu.memory_space<vmem>>, vector<1x16xf32>,
        %swap3A_243 = vector.shape_cast %swap3A_242 : vector<1x16xf32> to vector<16xf32>
        %swap3A_244 = vector.shape_cast %select_n3A : vector<16xf32> to vector<1x16xf32>
        tpu.vector_store %arg13[%swap3A, %swap3A_241], %swap3A_244 {strides = array<i32>} : memref<80x144xf32, #tpu.memory_space<vmem>>, vector<1x16xf32>,
        %slice3A = vector.extract_strided_slice %exp3A {offsets = [0], sizes = [1], strides = [1]} : vector<16xf32> to vector<1xf32>
        %squeeze3A = vector.extract %slice3A[0] : f32 from vector<1xf32>
        %get3A_245 = arith.constant 0 : i32
        %get3A_246 = arith.index_cast %get3A_245 : i32 to index
        %get3A_247 = arith.index_cast %add3A_224 : i32 to index
        %get3A_248 = arith.constant 0 : index
        %get3A_249 = tpu.vector_load %arg12[%get3A_246, %get3A_247, %get3A_248] {strides = array<i32>} : memref<2x80x128xf32, #tpu.memory_space<vmem>>, vector<1x1x16xf32>,
        %get3A_250 = vector.shape_cast %get3A_249 : vector<1x1x16xf32> to vector<16xf32>
        %mul3A_251 = vector.broadcast %squeeze3A : f32 to vector<16xf32>
        %mul3A_252 = arith.mulf %get3A_250, %mul3A_251 : vector<16xf32>
        %swap3A_253 = arith.index_cast %add3A_224 : i32 to index
        %swap3A_254 = arith.constant 0 : index
        %swap3A_255 = tpu.vector_load %arg13[%swap3A_253, %swap3A_254] {strides = array<i32>} : memref<80x144xf32, #tpu.memory_space<vmem>>, vector<1x16xf32>,
        %swap3A_256 = vector.shape_cast %swap3A_255 : vector<1x16xf32> to vector<16xf32>
        %swap3A_257 = vector.shape_cast %mul3A_252 : vector<16xf32> to vector<1x16xf32>
        tpu.vector_store %arg13[%swap3A_253, %swap3A_254], %swap3A_257 {strides = array<i32>} : memref<80x144xf32, #tpu.memory_space<vmem>>, vector<1x16xf32>,
        %get3A_258 = arith.constant 0 : i32
        %get3A_259 = arith.index_cast %get3A_258 : i32 to index
        %get3A_260 = arith.index_cast %add3A_224 : i32 to index
        %get3A_261 = arith.constant 16 : index
        %get3A_262 = tpu.vector_load %arg12[%get3A_259, %get3A_260, %get3A_261] {strides = array<i32>} : memref<2x80x128xf32, #tpu.memory_space<vmem>>, vector<1x1x16xf32>,
        %get3A_263 = vector.shape_cast %get3A_262 : vector<1x1x16xf32> to vector<16xf32>
        %mul3A_264 = vector.broadcast %squeeze3A : f32 to vector<16xf32>
        %mul3A_265 = arith.mulf %get3A_263, %mul3A_264 : vector<16xf32>
        %swap3A_266 = arith.index_cast %add3A_224 : i32 to index
        %swap3A_267 = arith.constant 16 : index
        %swap3A_268 = tpu.vector_load %arg13[%swap3A_266, %swap3A_267] {strides = array<i32>} : memref<80x144xf32, #tpu.memory_space<vmem>>, vector<1x16xf32>,
        %swap3A_269 = vector.shape_cast %swap3A_268 : vector<1x16xf32> to vector<16xf32>
        %swap3A_270 = vector.shape_cast %mul3A_265 : vector<16xf32> to vector<1x16xf32>
        tpu.vector_store %arg13[%swap3A_266, %swap3A_267], %swap3A_270 {strides = array<i32>} : memref<80x144xf32, #tpu.memory_space<vmem>>, vector<1x16xf32>,
        %slice3A_271 = vector.extract_strided_slice %exp3A {offsets = [1], sizes = [1], strides = [1]} : vector<16xf32> to vector<1xf32>
        %squeeze3A_272 = vector.extract %slice3A_271[0] : f32 from vector<1xf32>
        %get3A_273 = arith.constant 0 : i32
        %get3A_274 = arith.index_cast %get3A_273 : i32 to index
        %get3A_275 = arith.index_cast %add3A_224 : i32 to index
        %get3A_276 = arith.constant 32 : index
        %get3A_277 = tpu.vector_load %arg12[%get3A_274, %get3A_275, %get3A_276] {strides = array<i32>} : memref<2x80x128xf32, #tpu.memory_space<vmem>>, vector<1x1x16xf32>,
        %get3A_278 = vector.shape_cast %get3A_277 : vector<1x1x16xf32> to vector<16xf32>
        %mul3A_279 = vector.broadcast %squeeze3A_272 : f32 to vector<16xf32>
        %mul3A_280 = arith.mulf %get3A_278, %mul3A_279 : vector<16xf32>
        %swap3A_281 = arith.index_cast %add3A_224 : i32 to index
        %swap3A_282 = arith.constant 32 : index
        %swap3A_283 = tpu.vector_load %arg13[%swap3A_281, %swap3A_282] {strides = array<i32>} : memref<80x144xf32, #tpu.memory_space<vmem>>, vector<1x16xf32>,
        %swap3A_284 = vector.shape_cast %swap3A_283 : vector<1x16xf32> to vector<16xf32>
        %swap3A_285 = vector.shape_cast %mul3A_280 : vector<16xf32> to vector<1x16xf32>
        tpu.vector_store %arg13[%swap3A_281, %swap3A_282], %swap3A_285 {strides = array<i32>} : memref<80x144xf32, #tpu.memory_space<vmem>>, vector<1x16xf32>,
        %get3A_286 = arith.constant 0 : i32
        %get3A_287 = arith.index_cast %get3A_286 : i32 to index
        %get3A_288 = arith.index_cast %add3A_224 : i32 to index
        %get3A_289 = arith.constant 48 : index
        %get3A_290 = tpu.vector_load %arg12[%get3A_287, %get3A_288, %get3A_289] {strides = array<i32>} : memref<2x80x128xf32, #tpu.memory_space<vmem>>, vector<1x1x16xf32>,
        %get3A_291 = vector.shape_cast %get3A_290 : vector<1x1x16xf32> to vector<16xf32>
        %mul3A_292 = vector.broadcast %squeeze3A_272 : f32 to vector<16xf32>
        %mul3A_293 = arith.mulf %get3A_291, %mul3A_292 : vector<16xf32>
        %swap3A_294 = arith.index_cast %add3A_224 : i32 to index
        %swap3A_295 = arith.constant 48 : index
        %swap3A_296 = tpu.vector_load %arg13[%swap3A_294, %swap3A_295] {strides = array<i32>} : memref<80x144xf32, #tpu.memory_space<vmem>>, vector<1x16xf32>,
        %swap3A_297 = vector.shape_cast %swap3A_296 : vector<1x16xf32> to vector<16xf32>
        %swap3A_298 = vector.shape_cast %mul3A_293 : vector<16xf32> to vector<1x16xf32>
        tpu.vector_store %arg13[%swap3A_294, %swap3A_295], %swap3A_298 {strides = array<i32>} : memref<80x144xf32, #tpu.memory_space<vmem>>, vector<1x16xf32>,
        %slice3A_299 = vector.extract_strided_slice %exp3A {offsets = [2], sizes = [1], strides = [1]} : vector<16xf32> to vector<1xf32>
        %squeeze3A_300 = vector.extract %slice3A_299[0] : f32 from vector<1xf32>
        %get3A_301 = arith.constant 0 : i32
        %get3A_302 = arith.index_cast %get3A_301 : i32 to index
        %get3A_303 = arith.index_cast %add3A_224 : i32 to index
        %get3A_304 = arith.constant 64 : index
        %get3A_305 = tpu.vector_load %arg12[%get3A_302, %get3A_303, %get3A_304] {strides = array<i32>} : memref<2x80x128xf32, #tpu.memory_space<vmem>>, vector<1x1x16xf32>,
        %get3A_306 = vector.shape_cast %get3A_305 : vector<1x1x16xf32> to vector<16xf32>
        %mul3A_307 = vector.broadcast %squeeze3A_300 : f32 to vector<16xf32>
        %mul3A_308 = arith.mulf %get3A_306, %mul3A_307 : vector<16xf32>
        %swap3A_309 = arith.index_cast %add3A_224 : i32 to index
        %swap3A_310 = arith.constant 64 : index
        %swap3A_311 = tpu.vector_load %arg13[%swap3A_309, %swap3A_310] {strides = array<i32>} : memref<80x144xf32, #tpu.memory_space<vmem>>, vector<1x16xf32>,
        %swap3A_312 = vector.shape_cast %swap3A_311 : vector<1x16xf32> to vector<16xf32>
        %swap3A_313 = vector.shape_cast %mul3A_308 : vector<16xf32> to vector<1x16xf32>
        tpu.vector_store %arg13[%swap3A_309, %swap3A_310], %swap3A_313 {strides = array<i32>} : memref<80x144xf32, #tpu.memory_space<vmem>>, vector<1x16xf32>,
        %get3A_314 = arith.constant 0 : i32
        %get3A_315 = arith.index_cast %get3A_314 : i32 to index
        %get3A_316 = arith.index_cast %add3A_224 : i32 to index
        %get3A_317 = arith.constant 80 : index
        %get3A_318 = tpu.vector_load %arg12[%get3A_315, %get3A_316, %get3A_317] {strides = array<i32>} : memref<2x80x128xf32, #tpu.memory_space<vmem>>, vector<1x1x16xf32>,
        %get3A_319 = vector.shape_cast %get3A_318 : vector<1x1x16xf32> to vector<16xf32>
        %mul3A_320 = vector.broadcast %squeeze3A_300 : f32 to vector<16xf32>
        %mul3A_321 = arith.mulf %get3A_319, %mul3A_320 : vector<16xf32>
        %swap3A_322 = arith.index_cast %add3A_224 : i32 to index
        %swap3A_323 = arith.constant 80 : index
        %swap3A_324 = tpu.vector_load %arg13[%swap3A_322, %swap3A_323] {strides = array<i32>} : memref<80x144xf32, #tpu.memory_space<vmem>>, vector<1x16xf32>,
        %swap3A_325 = vector.shape_cast %swap3A_324 : vector<1x16xf32> to vector<16xf32>
        %swap3A_326 = vector.shape_cast %mul3A_321 : vector<16xf32> to vector<1x16xf32>
        tpu.vector_store %arg13[%swap3A_322, %swap3A_323], %swap3A_326 {strides = array<i32>} : memref<80x144xf32, #tpu.memory_space<vmem>>, vector<1x16xf32>,
        %slice3A_327 = vector.extract_strided_slice %exp3A {offsets = [3], sizes = [1], strides = [1]} : vector<16xf32> to vector<1xf32>
        %squeeze3A_328 = vector.extract %slice3A_327[0] : f32 from vector<1xf32>
        %get3A_329 = arith.constant 0 : i32
        %get3A_330 = arith.index_cast %get3A_329 : i32 to index
        %get3A_331 = arith.index_cast %add3A_224 : i32 to index
        %get3A_332 = arith.constant 96 : index
        %get3A_333 = tpu.vector_load %arg12[%get3A_330, %get3A_331, %get3A_332] {strides = array<i32>} : memref<2x80x128xf32, #tpu.memory_space<vmem>>, vector<1x1x16xf32>,
        %get3A_334 = vector.shape_cast %get3A_333 : vector<1x1x16xf32> to vector<16xf32>
        %mul3A_335 = vector.broadcast %squeeze3A_328 : f32 to vector<16xf32>
        %mul3A_336 = arith.mulf %get3A_334, %mul3A_335 : vector<16xf32>
        %swap3A_337 = arith.index_cast %add3A_224 : i32 to index
        %swap3A_338 = arith.constant 96 : index
        %swap3A_339 = tpu.vector_load %arg13[%swap3A_337, %swap3A_338] {strides = array<i32>} : memref<80x144xf32, #tpu.memory_space<vmem>>, vector<1x16xf32>,
        %swap3A_340 = vector.shape_cast %swap3A_339 : vector<1x16xf32> to vector<16xf32>
        %swap3A_341 = vector.shape_cast %mul3A_336 : vector<16xf32> to vector<1x16xf32>
        tpu.vector_store %arg13[%swap3A_337, %swap3A_338], %swap3A_341 {strides = array<i32>} : memref<80x144xf32, #tpu.memory_space<vmem>>, vector<1x16xf32>,
        %get3A_342 = arith.constant 0 : i32
        %get3A_343 = arith.index_cast %get3A_342 : i32 to index
        %get3A_344 = arith.index_cast %add3A_224 : i32 to index
        %get3A_345 = arith.constant 112 : index
        %get3A_346 = tpu.vector_load %arg12[%get3A_343, %get3A_344, %get3A_345] {strides = array<i32>} : memref<2x80x128xf32, #tpu.memory_space<vmem>>, vector<1x1x16xf32>,
        %get3A_347 = vector.shape_cast %get3A_346 : vector<1x1x16xf32> to vector<16xf32>
        %mul3A_348 = vector.broadcast %squeeze3A_328 : f32 to vector<16xf32>
        %mul3A_349 = arith.mulf %get3A_347, %mul3A_348 : vector<16xf32>
        %swap3A_350 = arith.index_cast %add3A_224 : i32 to index
        %swap3A_351 = arith.constant 112 : index
        %swap3A_352 = tpu.vector_load %arg13[%swap3A_350, %swap3A_351] {strides = array<i32>} : memref<80x144xf32, #tpu.memory_space<vmem>>, vector<1x16xf32>,
        %swap3A_353 = vector.shape_cast %swap3A_352 : vector<1x16xf32> to vector<16xf32>
        %swap3A_354 = vector.shape_cast %mul3A_349 : vector<16xf32> to vector<1x16xf32>
        tpu.vector_store %arg13[%swap3A_350, %swap3A_351], %swap3A_354 {strides = array<i32>} : memref<80x144xf32, #tpu.memory_space<vmem>>, vector<1x16xf32>,
      }
      %scan3A_160 = arith.constant 80 : i32
      %run_scoped3A_161 = arith.constant 0 : i32
      "tpu.region"() ({
        %run_scoped3A_220 = tpu.sem_alloc : memref<!tpu.dma_semaphore, #tpu.memory_space<semaphore_mem>>
        %dma_start3A_221 = arith.constant 0 : i32
        %dma_start3A_222 = tpu.memref_slice %arg9[%run_scoped3A_161, %dma_start3A_221] : memref<2x80xi32, #tpu.memory_space<vmem>> -> memref<1x80xi32, #tpu.memory_space<vmem>>
        %dma_start3A_223 = tpu.memref_squeeze %dma_start3A_222 : memref<1x80xi32, #tpu.memory_space<vmem>> -> memref<80xi32, #tpu.memory_space<vmem>>
        %dma_start3A_224 = arith.constant 0 : i32
        %dma_start3A_225 = arith.constant 0 : i32
        %dma_start3A_226 = tpu.memref_slice %arg14[%dma_start3A_224, %dma_start3A_225] : memref<10112x144xf32, #tpu.memory_space<vmem_shared>> -> memref<10112x144xf32, #tpu.memory_space<vmem_shared>>
        tpu.enqueue_indirect_dma source(%arg13 : memref<80x144xf32, #tpu.memory_space<vmem>>) target(%dma_start3A_226 : memref<10112x144xf32, #tpu.memory_space<vmem_shared>>) offsets(%dma_start3A_223 : memref<80xi32, #tpu.memory_space<vmem>>) semaphore(%run_scoped3A_220 : memref<!tpu.dma_semaphore, #tpu.memory_space<semaphore_mem>>) {add = true}
        %dma_wait3A_227 = arith.constant 0 : i32
        %dma_wait3A_228 = tpu.memref_slice %arg9[%run_scoped3A_161, %dma_wait3A_227] : memref<2x80xi32, #tpu.memory_space<vmem>> -> memref<1x80xi32, #tpu.memory_space<vmem>>
        %dma_wait3A_229 = tpu.memref_squeeze %dma_wait3A_228 : memref<1x80xi32, #tpu.memory_space<vmem>> -> memref<80xi32, #tpu.memory_space<vmem>>
        %dma_wait3A_230 = arith.constant 0 : i32
        %dma_wait3A_231 = arith.constant 0 : i32
        %dma_wait3A_232 = tpu.memref_slice %arg14[%dma_wait3A_230, %dma_wait3A_231] : memref<10112x144xf32, #tpu.memory_space<vmem_shared>> -> memref<10112x144xf32, #tpu.memory_space<vmem_shared>>
        tpu.wait_indirect_dma semaphore(%run_scoped3A_220 : memref<!tpu.dma_semaphore, #tpu.memory_space<semaphore_mem>>) src(%arg13 : memref<80x144xf32, #tpu.memory_space<vmem>>) dst(%dma_wait3A_232 : memref<10112x144xf32, #tpu.memory_space<vmem_shared>>)
        tpu.yield
      }) : () -> ()
      %add3A_162 = arith.constant 2 : i32
      %add3A_163 = arith.addi %add3A_120, %add3A_162 : i32
      %lt3A_164 = arith.constant 130 : i32
      %lt3A_165 = arith.cmpi slt, %add3A_163, %lt3A_164 : i32
      %convert_element_type3A = arith.extui %lt3A_165 : i1 to i32
      %cond3A = arith.constant 0 : i32
      %cond3A_166 = arith.cmpi ne, %convert_element_type3A, %cond3A : i32
      scf.if %cond3A_166 {
        %add3A_220 = arith.constant 2 : i32
        %add3A_221 = arith.addi %add3A_120, %add3A_220 : i32
        %mul3A_222 = arith.constant 80 : i32
        %mul3A_223 = arith.muli %add3A_221, %mul3A_222 : i32
        %add3A_224 = arith.addi %mul3A_18, %mul3A_223 : i32
        %run_scoped3A_225 = arith.constant 0 : i32
        "tpu.region"() ({
          %run_scoped3A_263 = tpu.sem_alloc : memref<!tpu.dma_semaphore, #tpu.memory_space<semaphore_mem>>
          %dma_start3A_264 = arith.constant 0 : i32
          %dma_start3A_265 = tpu.memref_slice %arg8[%run_scoped3A_225, %dma_start3A_264] : memref<2x80xi32, #tpu.memory_space<vmem>> -> memref<1x80xi32, #tpu.memory_space<vmem>>
          %dma_start3A_266 = tpu.memref_squeeze %dma_start3A_265 : memref<1x80xi32, #tpu.memory_space<vmem>> -> memref<80xi32, #tpu.memory_space<vmem>>
          %dma_start3A_267 = tpu.memref_slice %arg2[%add3A_224] : memref<332800xi32, #tpu.memory_space<hbm>> -> memref<80xi32, #tpu.memory_space<hbm>>
          %dma_start3A_268 = arith.constant 0 : i32
          %dma_start3A_269 = tpu.memref_slice %arg8[%run_scoped3A_225, %dma_start3A_268] : memref<2x80xi32, #tpu.memory_space<vmem>> -> memref<1x80xi32, #tpu.memory_space<vmem>>
          %dma_start3A_270 = tpu.memref_squeeze %dma_start3A_269 : memref<1x80xi32, #tpu.memory_space<vmem>> -> memref<80xi32, #tpu.memory_space<vmem>>
          %dma_start3A_271 = tpu.memref_slice %arg2[%add3A_224] : memref<332800xi32, #tpu.memory_space<hbm>> -> memref<80xi32, #tpu.memory_space<hbm>>
          tpu.enqueue_dma source(%dma_start3A_271 : memref<80xi32, #tpu.memory_space<hbm>>) target(%dma_start3A_270 : memref<80xi32, #tpu.memory_space<vmem>>) target_semaphore(%run_scoped3A_263 : memref<!tpu.dma_semaphore, #tpu.memory_space<semaphore_mem>>)
          %dma_wait3A_272 = arith.constant 0 : i32
          %dma_wait3A_273 = tpu.memref_slice %arg8[%run_scoped3A_225, %dma_wait3A_272] : memref<2x80xi32, #tpu.memory_space<vmem>> -> memref<1x80xi32, #tpu.memory_space<vmem>>
          %dma_wait3A_274 = tpu.memref_squeeze %dma_wait3A_273 : memref<1x80xi32, #tpu.memory_space<vmem>> -> memref<80xi32, #tpu.memory_space<vmem>>
          %dma_wait3A_275 = tpu.memref_slice %arg2[%add3A_224] : memref<332800xi32, #tpu.memory_space<hbm>> -> memref<80xi32, #tpu.memory_space<hbm>>
          %dma_wait3A_276 = arith.constant 0 : i32
          %dma_wait3A_277 = tpu.memref_slice %arg8[%run_scoped3A_225, %dma_wait3A_276] : memref<2x80xi32, #tpu.memory_space<vmem>> -> memref<1x80xi32, #tpu.memory_space<vmem>>
          %dma_wait3A_278 = tpu.memref_squeeze %dma_wait3A_277 : memref<1x80xi32, #tpu.memory_space<vmem>> -> memref<80xi32, #tpu.memory_space<vmem>>
          %dma_wait3A_279 = tpu.memref_slice %arg2[%add3A_224] : memref<332800xi32, #tpu.memory_space<hbm>> -> memref<80xi32, #tpu.memory_space<hbm>>
          tpu.wait_dma2 semaphore(%run_scoped3A_263 : memref<!tpu.dma_semaphore, #tpu.memory_space<semaphore_mem>>) src(%dma_wait3A_279 : memref<80xi32, #tpu.memory_space<hbm>>) dst(%dma_wait3A_278 : memref<80xi32, #tpu.memory_space<vmem>>)
          tpu.yield
        }) : () -> ()
        %run_scoped3A_226 = arith.constant 0 : i32
        "tpu.region"() ({
          %run_scoped3A_263 = tpu.sem_alloc : memref<!tpu.dma_semaphore, #tpu.memory_space<semaphore_mem>>
          %dma_start3A_264 = arith.constant 0 : i32
          %dma_start3A_265 = tpu.memref_slice %arg9[%run_scoped3A_226, %dma_start3A_264] : memref<2x80xi32, #tpu.memory_space<vmem>> -> memref<1x80xi32, #tpu.memory_space<vmem>>
          %dma_start3A_266 = tpu.memref_squeeze %dma_start3A_265 : memref<1x80xi32, #tpu.memory_space<vmem>> -> memref<80xi32, #tpu.memory_space<vmem>>
          %dma_start3A_267 = tpu.memref_slice %arg3[%add3A_224] : memref<332800xi32, #tpu.memory_space<hbm>> -> memref<80xi32, #tpu.memory_space<hbm>>
          %dma_start3A_268 = arith.constant 0 : i32
          %dma_start3A_269 = tpu.memref_slice %arg9[%run_scoped3A_226, %dma_start3A_268] : memref<2x80xi32, #tpu.memory_space<vmem>> -> memref<1x80xi32, #tpu.memory_space<vmem>>
          %dma_start3A_270 = tpu.memref_squeeze %dma_start3A_269 : memref<1x80xi32, #tpu.memory_space<vmem>> -> memref<80xi32, #tpu.memory_space<vmem>>
          %dma_start3A_271 = tpu.memref_slice %arg3[%add3A_224] : memref<332800xi32, #tpu.memory_space<hbm>> -> memref<80xi32, #tpu.memory_space<hbm>>
          tpu.enqueue_dma source(%dma_start3A_271 : memref<80xi32, #tpu.memory_space<hbm>>) target(%dma_start3A_270 : memref<80xi32, #tpu.memory_space<vmem>>) target_semaphore(%run_scoped3A_263 : memref<!tpu.dma_semaphore, #tpu.memory_space<semaphore_mem>>)
          %dma_wait3A_272 = arith.constant 0 : i32
          %dma_wait3A_273 = tpu.memref_slice %arg9[%run_scoped3A_226, %dma_wait3A_272] : memref<2x80xi32, #tpu.memory_space<vmem>> -> memref<1x80xi32, #tpu.memory_space<vmem>>
          %dma_wait3A_274 = tpu.memref_squeeze %dma_wait3A_273 : memref<1x80xi32, #tpu.memory_space<vmem>> -> memref<80xi32, #tpu.memory_space<vmem>>
          %dma_wait3A_275 = tpu.memref_slice %arg3[%add3A_224] : memref<332800xi32, #tpu.memory_space<hbm>> -> memref<80xi32, #tpu.memory_space<hbm>>
          %dma_wait3A_276 = arith.constant 0 : i32
          %dma_wait3A_277 = tpu.memref_slice %arg9[%run_scoped3A_226, %dma_wait3A_276] : memref<2x80xi32, #tpu.memory_space<vmem>> -> memref<1x80xi32, #tpu.memory_space<vmem>>
          %dma_wait3A_278 = tpu.memref_squeeze %dma_wait3A_277 : memref<1x80xi32, #tpu.memory_space<vmem>> -> memref<80xi32, #tpu.memory_space<vmem>>
          %dma_wait3A_279 = tpu.memref_slice %arg3[%add3A_224] : memref<332800xi32, #tpu.memory_space<hbm>> -> memref<80xi32, #tpu.memory_space<hbm>>
          tpu.wait_dma2 semaphore(%run_scoped3A_263 : memref<!tpu.dma_semaphore, #tpu.memory_space<semaphore_mem>>) src(%dma_wait3A_279 : memref<80xi32, #tpu.memory_space<hbm>>) dst(%dma_wait3A_278 : memref<80xi32, #tpu.memory_space<vmem>>)
          tpu.yield
        }) : () -> ()
        %dma_start3A_227 = arith.constant 0 : i32
        %dma_start3A_228 = arith.constant 0 : i32
        %dma_start3A_229 = arith.constant 0 : i32
        %dma_start3A_230 = arith.constant 0 : i32
        %dma_start3A_231 = tpu.memref_slice %arg10[%dma_start3A_228, %dma_start3A_229, %dma_start3A_230] : memref<2x80x16xf32, #tpu.memory_space<vmem>> -> memref<1x80x16xf32, #tpu.memory_space<vmem>>
        %dma_start3A_232 = tpu.memref_squeeze %dma_start3A_231 : memref<1x80x16xf32, #tpu.memory_space<vmem>> -> memref<80x16xf32, #tpu.memory_space<vmem>>
        %dma_start3A_233 = arith.constant 0 : i32
        %dma_start3A_234 = tpu.memref_slice %arg8[%dma_start3A_227, %dma_start3A_233] : memref<2x80xi32, #tpu.memory_space<vmem>> -> memref<1x80xi32, #tpu.memory_space<vmem>>
        %dma_start3A_235 = tpu.memref_squeeze %dma_start3A_234 : memref<1x80xi32, #tpu.memory_space<vmem>> -> memref<80xi32, #tpu.memory_space<vmem>>
        %dma_start3A_236 = arith.constant 0 : i32
        %dma_start3A_237 = arith.constant 0 : i32
        %dma_start3A_238 = tpu.memref_slice %arg4[%dma_start3A_236, %dma_start3A_237] : memref<10112x16xf32, #tpu.memory_space<hbm>> -> memref<10112x16xf32, #tpu.memory_space<hbm>>
        tpu.enqueue_indirect_dma source(%dma_start3A_238 : memref<10112x16xf32, #tpu.memory_space<hbm>>) target(%dma_start3A_232 : memref<80x16xf32, #tpu.memory_space<vmem>>) offsets(%dma_start3A_235 : memref<80xi32, #tpu.memory_space<vmem>>) semaphore(%arg15 : memref<!tpu.dma_semaphore, #tpu.memory_space<semaphore_mem>>)
        %dma_start3A_239 = arith.constant 0 : i32
        %dma_start3A_240 = arith.constant 0 : i32
        %dma_start3A_241 = arith.constant 0 : i32
        %dma_start3A_242 = arith.constant 0 : i32
        %dma_start3A_243 = tpu.memref_slice %arg11[%dma_start3A_240, %dma_start3A_241, %dma_start3A_242] : memref<2x80x16xf32, #tpu.memory_space<vmem>> -> memref<1x80x16xf32, #tpu.memory_space<vmem>>
        %dma_start3A_244 = tpu.memref_squeeze %dma_start3A_243 : memref<1x80x16xf32, #tpu.memory_space<vmem>> -> memref<80x16xf32, #tpu.memory_space<vmem>>
        %dma_start3A_245 = arith.constant 0 : i32
        %dma_start3A_246 = tpu.memref_slice %arg9[%dma_start3A_239, %dma_start3A_245] : memref<2x80xi32, #tpu.memory_space<vmem>> -> memref<1x80xi32, #tpu.memory_space<vmem>>
        %dma_start3A_247 = tpu.memref_squeeze %dma_start3A_246 : memref<1x80xi32, #tpu.memory_space<vmem>> -> memref<80xi32, #tpu.memory_space<vmem>>
        %dma_start3A_248 = arith.constant 0 : i32
        %dma_start3A_249 = arith.constant 0 : i32
        %dma_start3A_250 = tpu.memref_slice %arg5[%dma_start3A_248, %dma_start3A_249] : memref<10112x16xf32, #tpu.memory_space<hbm>> -> memref<10112x16xf32, #tpu.memory_space<hbm>>
        tpu.enqueue_indirect_dma source(%dma_start3A_250 : memref<10112x16xf32, #tpu.memory_space<hbm>>) target(%dma_start3A_244 : memref<80x16xf32, #tpu.memory_space<vmem>>) offsets(%dma_start3A_247 : memref<80xi32, #tpu.memory_space<vmem>>) semaphore(%arg16 : memref<!tpu.dma_semaphore, #tpu.memory_space<semaphore_mem>>)
        %dma_start3A_251 = arith.constant 0 : i32
        %dma_start3A_252 = arith.constant 0 : i32
        %dma_start3A_253 = arith.constant 0 : i32
        %dma_start3A_254 = arith.constant 0 : i32
        %dma_start3A_255 = tpu.memref_slice %arg12[%dma_start3A_252, %dma_start3A_253, %dma_start3A_254] : memref<2x80x128xf32, #tpu.memory_space<vmem>> -> memref<1x80x128xf32, #tpu.memory_space<vmem>>
        %dma_start3A_256 = tpu.memref_squeeze %dma_start3A_255 : memref<1x80x128xf32, #tpu.memory_space<vmem>> -> memref<80x128xf32, #tpu.memory_space<vmem>>
        %dma_start3A_257 = arith.constant 0 : i32
        %dma_start3A_258 = tpu.memref_slice %arg8[%dma_start3A_251, %dma_start3A_257] : memref<2x80xi32, #tpu.memory_space<vmem>> -> memref<1x80xi32, #tpu.memory_space<vmem>>
        %dma_start3A_259 = tpu.memref_squeeze %dma_start3A_258 : memref<1x80xi32, #tpu.memory_space<vmem>> -> memref<80xi32, #tpu.memory_space<vmem>>
        %dma_start3A_260 = arith.constant 0 : i32
        %dma_start3A_261 = arith.constant 0 : i32
        %dma_start3A_262 = tpu.memref_slice %arg6[%dma_start3A_260, %dma_start3A_261] : memref<10112x128xf32, #tpu.memory_space<hbm>> -> memref<10112x128xf32, #tpu.memory_space<hbm>>
        tpu.enqueue_indirect_dma source(%dma_start3A_262 : memref<10112x128xf32, #tpu.memory_space<hbm>>) target(%dma_start3A_256 : memref<80x128xf32, #tpu.memory_space<vmem>>) offsets(%dma_start3A_259 : memref<80xi32, #tpu.memory_space<vmem>>) semaphore(%arg17 : memref<!tpu.dma_semaphore, #tpu.memory_space<semaphore_mem>>)
      } else {
      }
      %mul3A_167 = arith.constant 2 : i32
      %mul3A_168 = arith.muli %add3A_116, %mul3A_167 : i32
      %add3A_169 = arith.constant 1 : i32
      %add3A_170 = arith.addi %mul3A_168, %add3A_169 : i32
      %dma_wait3A_171 = arith.constant 1 : i32
      %dma_wait3A_172 = arith.constant 1 : i32
      %dma_wait3A_173 = arith.constant 0 : i32
      %dma_wait3A_174 = arith.constant 0 : i32
      %dma_wait3A_175 = tpu.memref_slice %arg10[%dma_wait3A_172, %dma_wait3A_173, %dma_wait3A_174] : memref<2x80x16xf32, #tpu.memory_space<vmem>> -> memref<1x80x16xf32, #tpu.memory_space<vmem>>
      %dma_wait3A_176 = tpu.memref_squeeze %dma_wait3A_175 : memref<1x80x16xf32, #tpu.memory_space<vmem>> -> memref<80x16xf32, #tpu.memory_space<vmem>>
      %dma_wait3A_177 = arith.constant 0 : i32
      %dma_wait3A_178 = tpu.memref_slice %arg8[%dma_wait3A_171, %dma_wait3A_177] : memref<2x80xi32, #tpu.memory_space<vmem>> -> memref<1x80xi32, #tpu.memory_space<vmem>>
      %dma_wait3A_179 = tpu.memref_squeeze %dma_wait3A_178 : memref<1x80xi32, #tpu.memory_space<vmem>> -> memref<80xi32, #tpu.memory_space<vmem>>
      %dma_wait3A_180 = arith.constant 0 : i32
      %dma_wait3A_181 = arith.constant 0 : i32
      %dma_wait3A_182 = tpu.memref_slice %arg4[%dma_wait3A_180, %dma_wait3A_181] : memref<10112x16xf32, #tpu.memory_space<hbm>> -> memref<10112x16xf32, #tpu.memory_space<hbm>>
      tpu.wait_indirect_dma semaphore(%arg18 : memref<!tpu.dma_semaphore, #tpu.memory_space<semaphore_mem>>) src(%dma_wait3A_182 : memref<10112x16xf32, #tpu.memory_space<hbm>>) dst(%dma_wait3A_176 : memref<80x16xf32, #tpu.memory_space<vmem>>)
      %dma_wait3A_183 = arith.constant 1 : i32
      %dma_wait3A_184 = arith.constant 1 : i32
      %dma_wait3A_185 = arith.constant 0 : i32
      %dma_wait3A_186 = arith.constant 0 : i32
      %dma_wait3A_187 = tpu.memref_slice %arg11[%dma_wait3A_184, %dma_wait3A_185, %dma_wait3A_186] : memref<2x80x16xf32, #tpu.memory_space<vmem>> -> memref<1x80x16xf32, #tpu.memory_space<vmem>>
      %dma_wait3A_188 = tpu.memref_squeeze %dma_wait3A_187 : memref<1x80x16xf32, #tpu.memory_space<vmem>> -> memref<80x16xf32, #tpu.memory_space<vmem>>
      %dma_wait3A_189 = arith.constant 0 : i32
      %dma_wait3A_190 = tpu.memref_slice %arg9[%dma_wait3A_183, %dma_wait3A_189] : memref<2x80xi32, #tpu.memory_space<vmem>> -> memref<1x80xi32, #tpu.memory_space<vmem>>
      %dma_wait3A_191 = tpu.memref_squeeze %dma_wait3A_190 : memref<1x80xi32, #tpu.memory_space<vmem>> -> memref<80xi32, #tpu.memory_space<vmem>>
      %dma_wait3A_192 = arith.constant 0 : i32
      %dma_wait3A_193 = arith.constant 0 : i32
      %dma_wait3A_194 = tpu.memref_slice %arg5[%dma_wait3A_192, %dma_wait3A_193] : memref<10112x16xf32, #tpu.memory_space<hbm>> -> memref<10112x16xf32, #tpu.memory_space<hbm>>
      tpu.wait_indirect_dma semaphore(%arg19 : memref<!tpu.dma_semaphore, #tpu.memory_space<semaphore_mem>>) src(%dma_wait3A_194 : memref<10112x16xf32, #tpu.memory_space<hbm>>) dst(%dma_wait3A_188 : memref<80x16xf32, #tpu.memory_space<vmem>>)
      %dma_wait3A_195 = arith.constant 1 : i32
      %dma_wait3A_196 = arith.constant 1 : i32
      %dma_wait3A_197 = arith.constant 0 : i32
      %dma_wait3A_198 = arith.constant 0 : i32
      %dma_wait3A_199 = tpu.memref_slice %arg12[%dma_wait3A_196, %dma_wait3A_197, %dma_wait3A_198] : memref<2x80x128xf32, #tpu.memory_space<vmem>> -> memref<1x80x128xf32, #tpu.memory_space<vmem>>
      %dma_wait3A_200 = tpu.memref_squeeze %dma_wait3A_199 : memref<1x80x128xf32, #tpu.memory_space<vmem>> -> memref<80x128xf32, #tpu.memory_space<vmem>>
      %dma_wait3A_201 = arith.constant 0 : i32
      %dma_wait3A_202 = tpu.memref_slice %arg8[%dma_wait3A_195, %dma_wait3A_201] : memref<2x80xi32, #tpu.memory_space<vmem>> -> memref<1x80xi32, #tpu.memory_space<vmem>>
      %dma_wait3A_203 = tpu.memref_squeeze %dma_wait3A_202 : memref<1x80xi32, #tpu.memory_space<vmem>> -> memref<80xi32, #tpu.memory_space<vmem>>
      %dma_wait3A_204 = arith.constant 0 : i32
      %dma_wait3A_205 = arith.constant 0 : i32
      %dma_wait3A_206 = tpu.memref_slice %arg6[%dma_wait3A_204, %dma_wait3A_205] : memref<10112x128xf32, #tpu.memory_space<hbm>> -> memref<10112x128xf32, #tpu.memory_space<hbm>>
      tpu.wait_indirect_dma semaphore(%arg20 : memref<!tpu.dma_semaphore, #tpu.memory_space<semaphore_mem>>) src(%dma_wait3A_206 : memref<10112x128xf32, #tpu.memory_space<hbm>>) dst(%dma_wait3A_200 : memref<80x128xf32, #tpu.memory_space<vmem>>)
      %scan3A_207 = arith.constant 0 : i32
      %scan3A_208 = arith.constant 80 : i32
      %scan3A_209 = arith.addi %scan3A_207, %scan3A_208 : i32
      %scan3A_210 = arith.constant 1 : i32
      scf.for %scan3A_220 = %scan3A_207 to %scan3A_209 step %scan3A_210  : i32 {
        %mul3A_221 = arith.constant 1 : i32
        %mul3A_222 = arith.muli %scan3A_220, %mul3A_221 : i32
        %add3A_223 = arith.constant 0 : i32
        %add3A_224 = arith.addi %add3A_223, %mul3A_222 : i32
        %get3A = arith.constant 1 : i32
        %get3A_225 = arith.index_cast %get3A : i32 to index
        %get3A_226 = arith.index_cast %add3A_224 : i32 to index
        %get3A_227 = arith.constant 0 : index
        %get3A_228 = tpu.vector_load %arg10[%get3A_225, %get3A_226, %get3A_227] {strides = array<i32>} : memref<2x80x16xf32, #tpu.memory_space<vmem>>, vector<1x1x16xf32>,
        %get3A_229 = vector.shape_cast %get3A_228 : vector<1x1x16xf32> to vector<16xf32>
        %get3A_230 = arith.constant 1 : i32
        %get3A_231 = arith.index_cast %get3A_230 : i32 to index
        %get3A_232 = arith.index_cast %add3A_224 : i32 to index
        %get3A_233 = arith.constant 0 : index
        %get3A_234 = tpu.vector_load %arg11[%get3A_231, %get3A_232, %get3A_233] {strides = array<i32>} : memref<2x80x16xf32, #tpu.memory_space<vmem>>, vector<1x1x16xf32>,
        %get3A_235 = vector.shape_cast %get3A_234 : vector<1x1x16xf32> to vector<16xf32>
        %add3A_236 = arith.addf %get3A_229, %get3A_235 : vector<16xf32>
        %mul3A_237 = arith.constant 2.000000e-01 : f32
        %mul3A_238 = vector.broadcast %mul3A_237 : f32 to vector<16xf32>
        %mul3A_239 = arith.mulf %mul3A_238, %add3A_236 : vector<16xf32>
        %max3A = arith.maximumf %add3A_236, %mul3A_239 : vector<16xf32>
        %exp3A = math.exp %max3A : vector<16xf32>
        %jit3A = arith.constant 0.000000e+00 : f32
        %broadcast_in_dim3A_240 = vector.broadcast %jit3A : f32 to vector<16xf32>
        %select_n3A = arith.select %lt3A_3, %exp3A, %broadcast_in_dim3A_240 : vector<16xi1>, vector<16xf32>
        %swap3A = arith.index_cast %add3A_224 : i32 to index
        %swap3A_241 = arith.constant 128 : index
        %swap3A_242 = tpu.vector_load %arg13[%swap3A, %swap3A_241] {strides = array<i32>} : memref<80x144xf32, #tpu.memory_space<vmem>>, vector<1x16xf32>,
        %swap3A_243 = vector.shape_cast %swap3A_242 : vector<1x16xf32> to vector<16xf32>
        %swap3A_244 = vector.shape_cast %select_n3A : vector<16xf32> to vector<1x16xf32>
        tpu.vector_store %arg13[%swap3A, %swap3A_241], %swap3A_244 {strides = array<i32>} : memref<80x144xf32, #tpu.memory_space<vmem>>, vector<1x16xf32>,
        %slice3A = vector.extract_strided_slice %exp3A {offsets = [0], sizes = [1], strides = [1]} : vector<16xf32> to vector<1xf32>
        %squeeze3A = vector.extract %slice3A[0] : f32 from vector<1xf32>
        %get3A_245 = arith.constant 1 : i32
        %get3A_246 = arith.index_cast %get3A_245 : i32 to index
        %get3A_247 = arith.index_cast %add3A_224 : i32 to index
        %get3A_248 = arith.constant 0 : index
        %get3A_249 = tpu.vector_load %arg12[%get3A_246, %get3A_247, %get3A_248] {strides = array<i32>} : memref<2x80x128xf32, #tpu.memory_space<vmem>>, vector<1x1x16xf32>,
        %get3A_250 = vector.shape_cast %get3A_249 : vector<1x1x16xf32> to vector<16xf32>
        %mul3A_251 = vector.broadcast %squeeze3A : f32 to vector<16xf32>
        %mul3A_252 = arith.mulf %get3A_250, %mul3A_251 : vector<16xf32>
        %swap3A_253 = arith.index_cast %add3A_224 : i32 to index
        %swap3A_254 = arith.constant 0 : index
        %swap3A_255 = tpu.vector_load %arg13[%swap3A_253, %swap3A_254] {strides = array<i32>} : memref<80x144xf32, #tpu.memory_space<vmem>>, vector<1x16xf32>,
        %swap3A_256 = vector.shape_cast %swap3A_255 : vector<1x16xf32> to vector<16xf32>
        %swap3A_257 = vector.shape_cast %mul3A_252 : vector<16xf32> to vector<1x16xf32>
        tpu.vector_store %arg13[%swap3A_253, %swap3A_254], %swap3A_257 {strides = array<i32>} : memref<80x144xf32, #tpu.memory_space<vmem>>, vector<1x16xf32>,
        %get3A_258 = arith.constant 1 : i32
        %get3A_259 = arith.index_cast %get3A_258 : i32 to index
        %get3A_260 = arith.index_cast %add3A_224 : i32 to index
        %get3A_261 = arith.constant 16 : index
        %get3A_262 = tpu.vector_load %arg12[%get3A_259, %get3A_260, %get3A_261] {strides = array<i32>} : memref<2x80x128xf32, #tpu.memory_space<vmem>>, vector<1x1x16xf32>,
        %get3A_263 = vector.shape_cast %get3A_262 : vector<1x1x16xf32> to vector<16xf32>
        %mul3A_264 = vector.broadcast %squeeze3A : f32 to vector<16xf32>
        %mul3A_265 = arith.mulf %get3A_263, %mul3A_264 : vector<16xf32>
        %swap3A_266 = arith.index_cast %add3A_224 : i32 to index
        %swap3A_267 = arith.constant 16 : index
        %swap3A_268 = tpu.vector_load %arg13[%swap3A_266, %swap3A_267] {strides = array<i32>} : memref<80x144xf32, #tpu.memory_space<vmem>>, vector<1x16xf32>,
        %swap3A_269 = vector.shape_cast %swap3A_268 : vector<1x16xf32> to vector<16xf32>
        %swap3A_270 = vector.shape_cast %mul3A_265 : vector<16xf32> to vector<1x16xf32>
        tpu.vector_store %arg13[%swap3A_266, %swap3A_267], %swap3A_270 {strides = array<i32>} : memref<80x144xf32, #tpu.memory_space<vmem>>, vector<1x16xf32>,
        %slice3A_271 = vector.extract_strided_slice %exp3A {offsets = [1], sizes = [1], strides = [1]} : vector<16xf32> to vector<1xf32>
        %squeeze3A_272 = vector.extract %slice3A_271[0] : f32 from vector<1xf32>
        %get3A_273 = arith.constant 1 : i32
        %get3A_274 = arith.index_cast %get3A_273 : i32 to index
        %get3A_275 = arith.index_cast %add3A_224 : i32 to index
        %get3A_276 = arith.constant 32 : index
        %get3A_277 = tpu.vector_load %arg12[%get3A_274, %get3A_275, %get3A_276] {strides = array<i32>} : memref<2x80x128xf32, #tpu.memory_space<vmem>>, vector<1x1x16xf32>,
        %get3A_278 = vector.shape_cast %get3A_277 : vector<1x1x16xf32> to vector<16xf32>
        %mul3A_279 = vector.broadcast %squeeze3A_272 : f32 to vector<16xf32>
        %mul3A_280 = arith.mulf %get3A_278, %mul3A_279 : vector<16xf32>
        %swap3A_281 = arith.index_cast %add3A_224 : i32 to index
        %swap3A_282 = arith.constant 32 : index
        %swap3A_283 = tpu.vector_load %arg13[%swap3A_281, %swap3A_282] {strides = array<i32>} : memref<80x144xf32, #tpu.memory_space<vmem>>, vector<1x16xf32>,
        %swap3A_284 = vector.shape_cast %swap3A_283 : vector<1x16xf32> to vector<16xf32>
        %swap3A_285 = vector.shape_cast %mul3A_280 : vector<16xf32> to vector<1x16xf32>
        tpu.vector_store %arg13[%swap3A_281, %swap3A_282], %swap3A_285 {strides = array<i32>} : memref<80x144xf32, #tpu.memory_space<vmem>>, vector<1x16xf32>,
        %get3A_286 = arith.constant 1 : i32
        %get3A_287 = arith.index_cast %get3A_286 : i32 to index
        %get3A_288 = arith.index_cast %add3A_224 : i32 to index
        %get3A_289 = arith.constant 48 : index
        %get3A_290 = tpu.vector_load %arg12[%get3A_287, %get3A_288, %get3A_289] {strides = array<i32>} : memref<2x80x128xf32, #tpu.memory_space<vmem>>, vector<1x1x16xf32>,
        %get3A_291 = vector.shape_cast %get3A_290 : vector<1x1x16xf32> to vector<16xf32>
        %mul3A_292 = vector.broadcast %squeeze3A_272 : f32 to vector<16xf32>
        %mul3A_293 = arith.mulf %get3A_291, %mul3A_292 : vector<16xf32>
        %swap3A_294 = arith.index_cast %add3A_224 : i32 to index
        %swap3A_295 = arith.constant 48 : index
        %swap3A_296 = tpu.vector_load %arg13[%swap3A_294, %swap3A_295] {strides = array<i32>} : memref<80x144xf32, #tpu.memory_space<vmem>>, vector<1x16xf32>,
        %swap3A_297 = vector.shape_cast %swap3A_296 : vector<1x16xf32> to vector<16xf32>
        %swap3A_298 = vector.shape_cast %mul3A_293 : vector<16xf32> to vector<1x16xf32>
        tpu.vector_store %arg13[%swap3A_294, %swap3A_295], %swap3A_298 {strides = array<i32>} : memref<80x144xf32, #tpu.memory_space<vmem>>, vector<1x16xf32>,
        %slice3A_299 = vector.extract_strided_slice %exp3A {offsets = [2], sizes = [1], strides = [1]} : vector<16xf32> to vector<1xf32>
        %squeeze3A_300 = vector.extract %slice3A_299[0] : f32 from vector<1xf32>
        %get3A_301 = arith.constant 1 : i32
        %get3A_302 = arith.index_cast %get3A_301 : i32 to index
        %get3A_303 = arith.index_cast %add3A_224 : i32 to index
        %get3A_304 = arith.constant 64 : index
        %get3A_305 = tpu.vector_load %arg12[%get3A_302, %get3A_303, %get3A_304] {strides = array<i32>} : memref<2x80x128xf32, #tpu.memory_space<vmem>>, vector<1x1x16xf32>,
        %get3A_306 = vector.shape_cast %get3A_305 : vector<1x1x16xf32> to vector<16xf32>
        %mul3A_307 = vector.broadcast %squeeze3A_300 : f32 to vector<16xf32>
        %mul3A_308 = arith.mulf %get3A_306, %mul3A_307 : vector<16xf32>
        %swap3A_309 = arith.index_cast %add3A_224 : i32 to index
        %swap3A_310 = arith.constant 64 : index
        %swap3A_311 = tpu.vector_load %arg13[%swap3A_309, %swap3A_310] {strides = array<i32>} : memref<80x144xf32, #tpu.memory_space<vmem>>, vector<1x16xf32>,
        %swap3A_312 = vector.shape_cast %swap3A_311 : vector<1x16xf32> to vector<16xf32>
        %swap3A_313 = vector.shape_cast %mul3A_308 : vector<16xf32> to vector<1x16xf32>
        tpu.vector_store %arg13[%swap3A_309, %swap3A_310], %swap3A_313 {strides = array<i32>} : memref<80x144xf32, #tpu.memory_space<vmem>>, vector<1x16xf32>,
        %get3A_314 = arith.constant 1 : i32
        %get3A_315 = arith.index_cast %get3A_314 : i32 to index
        %get3A_316 = arith.index_cast %add3A_224 : i32 to index
        %get3A_317 = arith.constant 80 : index
        %get3A_318 = tpu.vector_load %arg12[%get3A_315, %get3A_316, %get3A_317] {strides = array<i32>} : memref<2x80x128xf32, #tpu.memory_space<vmem>>, vector<1x1x16xf32>,
        %get3A_319 = vector.shape_cast %get3A_318 : vector<1x1x16xf32> to vector<16xf32>
        %mul3A_320 = vector.broadcast %squeeze3A_300 : f32 to vector<16xf32>
        %mul3A_321 = arith.mulf %get3A_319, %mul3A_320 : vector<16xf32>
        %swap3A_322 = arith.index_cast %add3A_224 : i32 to index
        %swap3A_323 = arith.constant 80 : index
        %swap3A_324 = tpu.vector_load %arg13[%swap3A_322, %swap3A_323] {strides = array<i32>} : memref<80x144xf32, #tpu.memory_space<vmem>>, vector<1x16xf32>,
        %swap3A_325 = vector.shape_cast %swap3A_324 : vector<1x16xf32> to vector<16xf32>
        %swap3A_326 = vector.shape_cast %mul3A_321 : vector<16xf32> to vector<1x16xf32>
        tpu.vector_store %arg13[%swap3A_322, %swap3A_323], %swap3A_326 {strides = array<i32>} : memref<80x144xf32, #tpu.memory_space<vmem>>, vector<1x16xf32>,
        %slice3A_327 = vector.extract_strided_slice %exp3A {offsets = [3], sizes = [1], strides = [1]} : vector<16xf32> to vector<1xf32>
        %squeeze3A_328 = vector.extract %slice3A_327[0] : f32 from vector<1xf32>
        %get3A_329 = arith.constant 1 : i32
        %get3A_330 = arith.index_cast %get3A_329 : i32 to index
        %get3A_331 = arith.index_cast %add3A_224 : i32 to index
        %get3A_332 = arith.constant 96 : index
        %get3A_333 = tpu.vector_load %arg12[%get3A_330, %get3A_331, %get3A_332] {strides = array<i32>} : memref<2x80x128xf32, #tpu.memory_space<vmem>>, vector<1x1x16xf32>,
        %get3A_334 = vector.shape_cast %get3A_333 : vector<1x1x16xf32> to vector<16xf32>
        %mul3A_335 = vector.broadcast %squeeze3A_328 : f32 to vector<16xf32>
        %mul3A_336 = arith.mulf %get3A_334, %mul3A_335 : vector<16xf32>
        %swap3A_337 = arith.index_cast %add3A_224 : i32 to index
        %swap3A_338 = arith.constant 96 : index
        %swap3A_339 = tpu.vector_load %arg13[%swap3A_337, %swap3A_338] {strides = array<i32>} : memref<80x144xf32, #tpu.memory_space<vmem>>, vector<1x16xf32>,
        %swap3A_340 = vector.shape_cast %swap3A_339 : vector<1x16xf32> to vector<16xf32>
        %swap3A_341 = vector.shape_cast %mul3A_336 : vector<16xf32> to vector<1x16xf32>
        tpu.vector_store %arg13[%swap3A_337, %swap3A_338], %swap3A_341 {strides = array<i32>} : memref<80x144xf32, #tpu.memory_space<vmem>>, vector<1x16xf32>,
        %get3A_342 = arith.constant 1 : i32
        %get3A_343 = arith.index_cast %get3A_342 : i32 to index
        %get3A_344 = arith.index_cast %add3A_224 : i32 to index
        %get3A_345 = arith.constant 112 : index
        %get3A_346 = tpu.vector_load %arg12[%get3A_343, %get3A_344, %get3A_345] {strides = array<i32>} : memref<2x80x128xf32, #tpu.memory_space<vmem>>, vector<1x1x16xf32>,
        %get3A_347 = vector.shape_cast %get3A_346 : vector<1x1x16xf32> to vector<16xf32>
        %mul3A_348 = vector.broadcast %squeeze3A_328 : f32 to vector<16xf32>
        %mul3A_349 = arith.mulf %get3A_347, %mul3A_348 : vector<16xf32>
        %swap3A_350 = arith.index_cast %add3A_224 : i32 to index
        %swap3A_351 = arith.constant 112 : index
        %swap3A_352 = tpu.vector_load %arg13[%swap3A_350, %swap3A_351] {strides = array<i32>} : memref<80x144xf32, #tpu.memory_space<vmem>>, vector<1x16xf32>,
        %swap3A_353 = vector.shape_cast %swap3A_352 : vector<1x16xf32> to vector<16xf32>
        %swap3A_354 = vector.shape_cast %mul3A_349 : vector<16xf32> to vector<1x16xf32>
        tpu.vector_store %arg13[%swap3A_350, %swap3A_351], %swap3A_354 {strides = array<i32>} : memref<80x144xf32, #tpu.memory_space<vmem>>, vector<1x16xf32>,
      }
      %scan3A_211 = arith.constant 80 : i32
      %run_scoped3A_212 = arith.constant 1 : i32
      "tpu.region"() ({
        %run_scoped3A_220 = tpu.sem_alloc : memref<!tpu.dma_semaphore, #tpu.memory_space<semaphore_mem>>
        %dma_start3A_221 = arith.constant 0 : i32
        %dma_start3A_222 = tpu.memref_slice %arg9[%run_scoped3A_212, %dma_start3A_221] : memref<2x80xi32, #tpu.memory_space<vmem>> -> memref<1x80xi32, #tpu.memory_space<vmem>>
        %dma_start3A_223 = tpu.memref_squeeze %dma_start3A_222 : memref<1x80xi32, #tpu.memory_space<vmem>> -> memref<80xi32, #tpu.memory_space<vmem>>
        %dma_start3A_224 = arith.constant 0 : i32
        %dma_start3A_225 = arith.constant 0 : i32
        %dma_start3A_226 = tpu.memref_slice %arg14[%dma_start3A_224, %dma_start3A_225] : memref<10112x144xf32, #tpu.memory_space<vmem_shared>> -> memref<10112x144xf32, #tpu.memory_space<vmem_shared>>
        tpu.enqueue_indirect_dma source(%arg13 : memref<80x144xf32, #tpu.memory_space<vmem>>) target(%dma_start3A_226 : memref<10112x144xf32, #tpu.memory_space<vmem_shared>>) offsets(%dma_start3A_223 : memref<80xi32, #tpu.memory_space<vmem>>) semaphore(%run_scoped3A_220 : memref<!tpu.dma_semaphore, #tpu.memory_space<semaphore_mem>>) {add = true}
        %dma_wait3A_227 = arith.constant 0 : i32
        %dma_wait3A_228 = tpu.memref_slice %arg9[%run_scoped3A_212, %dma_wait3A_227] : memref<2x80xi32, #tpu.memory_space<vmem>> -> memref<1x80xi32, #tpu.memory_space<vmem>>
        %dma_wait3A_229 = tpu.memref_squeeze %dma_wait3A_228 : memref<1x80xi32, #tpu.memory_space<vmem>> -> memref<80xi32, #tpu.memory_space<vmem>>
        %dma_wait3A_230 = arith.constant 0 : i32
        %dma_wait3A_231 = arith.constant 0 : i32
        %dma_wait3A_232 = tpu.memref_slice %arg14[%dma_wait3A_230, %dma_wait3A_231] : memref<10112x144xf32, #tpu.memory_space<vmem_shared>> -> memref<10112x144xf32, #tpu.memory_space<vmem_shared>>
        tpu.wait_indirect_dma semaphore(%run_scoped3A_220 : memref<!tpu.dma_semaphore, #tpu.memory_space<semaphore_mem>>) src(%arg13 : memref<80x144xf32, #tpu.memory_space<vmem>>) dst(%dma_wait3A_232 : memref<10112x144xf32, #tpu.memory_space<vmem_shared>>)
        tpu.yield
      }) : () -> ()
      %add3A_213 = arith.constant 2 : i32
      %add3A_214 = arith.addi %add3A_170, %add3A_213 : i32
      %lt3A_215 = arith.constant 130 : i32
      %lt3A_216 = arith.cmpi slt, %add3A_214, %lt3A_215 : i32
      %convert_element_type3A_217 = arith.extui %lt3A_216 : i1 to i32
      %cond3A_218 = arith.constant 0 : i32
      %cond3A_219 = arith.cmpi ne, %convert_element_type3A_217, %cond3A_218 : i32
      scf.if %cond3A_219 {
        %add3A_220 = arith.constant 2 : i32
        %add3A_221 = arith.addi %add3A_170, %add3A_220 : i32
        %mul3A_222 = arith.constant 80 : i32
        %mul3A_223 = arith.muli %add3A_221, %mul3A_222 : i32
        %add3A_224 = arith.addi %mul3A_18, %mul3A_223 : i32
        %run_scoped3A_225 = arith.constant 1 : i32
        "tpu.region"() ({
          %run_scoped3A_263 = tpu.sem_alloc : memref<!tpu.dma_semaphore, #tpu.memory_space<semaphore_mem>>
          %dma_start3A_264 = arith.constant 0 : i32
          %dma_start3A_265 = tpu.memref_slice %arg8[%run_scoped3A_225, %dma_start3A_264] : memref<2x80xi32, #tpu.memory_space<vmem>> -> memref<1x80xi32, #tpu.memory_space<vmem>>
          %dma_start3A_266 = tpu.memref_squeeze %dma_start3A_265 : memref<1x80xi32, #tpu.memory_space<vmem>> -> memref<80xi32, #tpu.memory_space<vmem>>
          %dma_start3A_267 = tpu.memref_slice %arg2[%add3A_224] : memref<332800xi32, #tpu.memory_space<hbm>> -> memref<80xi32, #tpu.memory_space<hbm>>
          %dma_start3A_268 = arith.constant 0 : i32
          %dma_start3A_269 = tpu.memref_slice %arg8[%run_scoped3A_225, %dma_start3A_268] : memref<2x80xi32, #tpu.memory_space<vmem>> -> memref<1x80xi32, #tpu.memory_space<vmem>>
          %dma_start3A_270 = tpu.memref_squeeze %dma_start3A_269 : memref<1x80xi32, #tpu.memory_space<vmem>> -> memref<80xi32, #tpu.memory_space<vmem>>
          %dma_start3A_271 = tpu.memref_slice %arg2[%add3A_224] : memref<332800xi32, #tpu.memory_space<hbm>> -> memref<80xi32, #tpu.memory_space<hbm>>
          tpu.enqueue_dma source(%dma_start3A_271 : memref<80xi32, #tpu.memory_space<hbm>>) target(%dma_start3A_270 : memref<80xi32, #tpu.memory_space<vmem>>) target_semaphore(%run_scoped3A_263 : memref<!tpu.dma_semaphore, #tpu.memory_space<semaphore_mem>>)
          %dma_wait3A_272 = arith.constant 0 : i32
          %dma_wait3A_273 = tpu.memref_slice %arg8[%run_scoped3A_225, %dma_wait3A_272] : memref<2x80xi32, #tpu.memory_space<vmem>> -> memref<1x80xi32, #tpu.memory_space<vmem>>
          %dma_wait3A_274 = tpu.memref_squeeze %dma_wait3A_273 : memref<1x80xi32, #tpu.memory_space<vmem>> -> memref<80xi32, #tpu.memory_space<vmem>>
          %dma_wait3A_275 = tpu.memref_slice %arg2[%add3A_224] : memref<332800xi32, #tpu.memory_space<hbm>> -> memref<80xi32, #tpu.memory_space<hbm>>
          %dma_wait3A_276 = arith.constant 0 : i32
          %dma_wait3A_277 = tpu.memref_slice %arg8[%run_scoped3A_225, %dma_wait3A_276] : memref<2x80xi32, #tpu.memory_space<vmem>> -> memref<1x80xi32, #tpu.memory_space<vmem>>
          %dma_wait3A_278 = tpu.memref_squeeze %dma_wait3A_277 : memref<1x80xi32, #tpu.memory_space<vmem>> -> memref<80xi32, #tpu.memory_space<vmem>>
          %dma_wait3A_279 = tpu.memref_slice %arg2[%add3A_224] : memref<332800xi32, #tpu.memory_space<hbm>> -> memref<80xi32, #tpu.memory_space<hbm>>
          tpu.wait_dma2 semaphore(%run_scoped3A_263 : memref<!tpu.dma_semaphore, #tpu.memory_space<semaphore_mem>>) src(%dma_wait3A_279 : memref<80xi32, #tpu.memory_space<hbm>>) dst(%dma_wait3A_278 : memref<80xi32, #tpu.memory_space<vmem>>)
          tpu.yield
        }) : () -> ()
        %run_scoped3A_226 = arith.constant 1 : i32
        "tpu.region"() ({
          %run_scoped3A_263 = tpu.sem_alloc : memref<!tpu.dma_semaphore, #tpu.memory_space<semaphore_mem>>
          %dma_start3A_264 = arith.constant 0 : i32
          %dma_start3A_265 = tpu.memref_slice %arg9[%run_scoped3A_226, %dma_start3A_264] : memref<2x80xi32, #tpu.memory_space<vmem>> -> memref<1x80xi32, #tpu.memory_space<vmem>>
          %dma_start3A_266 = tpu.memref_squeeze %dma_start3A_265 : memref<1x80xi32, #tpu.memory_space<vmem>> -> memref<80xi32, #tpu.memory_space<vmem>>
          %dma_start3A_267 = tpu.memref_slice %arg3[%add3A_224] : memref<332800xi32, #tpu.memory_space<hbm>> -> memref<80xi32, #tpu.memory_space<hbm>>
          %dma_start3A_268 = arith.constant 0 : i32
          %dma_start3A_269 = tpu.memref_slice %arg9[%run_scoped3A_226, %dma_start3A_268] : memref<2x80xi32, #tpu.memory_space<vmem>> -> memref<1x80xi32, #tpu.memory_space<vmem>>
          %dma_start3A_270 = tpu.memref_squeeze %dma_start3A_269 : memref<1x80xi32, #tpu.memory_space<vmem>> -> memref<80xi32, #tpu.memory_space<vmem>>
          %dma_start3A_271 = tpu.memref_slice %arg3[%add3A_224] : memref<332800xi32, #tpu.memory_space<hbm>> -> memref<80xi32, #tpu.memory_space<hbm>>
          tpu.enqueue_dma source(%dma_start3A_271 : memref<80xi32, #tpu.memory_space<hbm>>) target(%dma_start3A_270 : memref<80xi32, #tpu.memory_space<vmem>>) target_semaphore(%run_scoped3A_263 : memref<!tpu.dma_semaphore, #tpu.memory_space<semaphore_mem>>)
          %dma_wait3A_272 = arith.constant 0 : i32
          %dma_wait3A_273 = tpu.memref_slice %arg9[%run_scoped3A_226, %dma_wait3A_272] : memref<2x80xi32, #tpu.memory_space<vmem>> -> memref<1x80xi32, #tpu.memory_space<vmem>>
          %dma_wait3A_274 = tpu.memref_squeeze %dma_wait3A_273 : memref<1x80xi32, #tpu.memory_space<vmem>> -> memref<80xi32, #tpu.memory_space<vmem>>
          %dma_wait3A_275 = tpu.memref_slice %arg3[%add3A_224] : memref<332800xi32, #tpu.memory_space<hbm>> -> memref<80xi32, #tpu.memory_space<hbm>>
          %dma_wait3A_276 = arith.constant 0 : i32
          %dma_wait3A_277 = tpu.memref_slice %arg9[%run_scoped3A_226, %dma_wait3A_276] : memref<2x80xi32, #tpu.memory_space<vmem>> -> memref<1x80xi32, #tpu.memory_space<vmem>>
          %dma_wait3A_278 = tpu.memref_squeeze %dma_wait3A_277 : memref<1x80xi32, #tpu.memory_space<vmem>> -> memref<80xi32, #tpu.memory_space<vmem>>
          %dma_wait3A_279 = tpu.memref_slice %arg3[%add3A_224] : memref<332800xi32, #tpu.memory_space<hbm>> -> memref<80xi32, #tpu.memory_space<hbm>>
          tpu.wait_dma2 semaphore(%run_scoped3A_263 : memref<!tpu.dma_semaphore, #tpu.memory_space<semaphore_mem>>) src(%dma_wait3A_279 : memref<80xi32, #tpu.memory_space<hbm>>) dst(%dma_wait3A_278 : memref<80xi32, #tpu.memory_space<vmem>>)
          tpu.yield
        }) : () -> ()
        %dma_start3A_227 = arith.constant 1 : i32
        %dma_start3A_228 = arith.constant 1 : i32
        %dma_start3A_229 = arith.constant 0 : i32
        %dma_start3A_230 = arith.constant 0 : i32
        %dma_start3A_231 = tpu.memref_slice %arg10[%dma_start3A_228, %dma_start3A_229, %dma_start3A_230] : memref<2x80x16xf32, #tpu.memory_space<vmem>> -> memref<1x80x16xf32, #tpu.memory_space<vmem>>
        %dma_start3A_232 = tpu.memref_squeeze %dma_start3A_231 : memref<1x80x16xf32, #tpu.memory_space<vmem>> -> memref<80x16xf32, #tpu.memory_space<vmem>>
        %dma_start3A_233 = arith.constant 0 : i32
        %dma_start3A_234 = tpu.memref_slice %arg8[%dma_start3A_227, %dma_start3A_233] : memref<2x80xi32, #tpu.memory_space<vmem>> -> memref<1x80xi32, #tpu.memory_space<vmem>>
        %dma_start3A_235 = tpu.memref_squeeze %dma_start3A_234 : memref<1x80xi32, #tpu.memory_space<vmem>> -> memref<80xi32, #tpu.memory_space<vmem>>
        %dma_start3A_236 = arith.constant 0 : i32
        %dma_start3A_237 = arith.constant 0 : i32
        %dma_start3A_238 = tpu.memref_slice %arg4[%dma_start3A_236, %dma_start3A_237] : memref<10112x16xf32, #tpu.memory_space<hbm>> -> memref<10112x16xf32, #tpu.memory_space<hbm>>
        tpu.enqueue_indirect_dma source(%dma_start3A_238 : memref<10112x16xf32, #tpu.memory_space<hbm>>) target(%dma_start3A_232 : memref<80x16xf32, #tpu.memory_space<vmem>>) offsets(%dma_start3A_235 : memref<80xi32, #tpu.memory_space<vmem>>) semaphore(%arg18 : memref<!tpu.dma_semaphore, #tpu.memory_space<semaphore_mem>>)
        %dma_start3A_239 = arith.constant 1 : i32
        %dma_start3A_240 = arith.constant 1 : i32
        %dma_start3A_241 = arith.constant 0 : i32
        %dma_start3A_242 = arith.constant 0 : i32
        %dma_start3A_243 = tpu.memref_slice %arg11[%dma_start3A_240, %dma_start3A_241, %dma_start3A_242] : memref<2x80x16xf32, #tpu.memory_space<vmem>> -> memref<1x80x16xf32, #tpu.memory_space<vmem>>
        %dma_start3A_244 = tpu.memref_squeeze %dma_start3A_243 : memref<1x80x16xf32, #tpu.memory_space<vmem>> -> memref<80x16xf32, #tpu.memory_space<vmem>>
        %dma_start3A_245 = arith.constant 0 : i32
        %dma_start3A_246 = tpu.memref_slice %arg9[%dma_start3A_239, %dma_start3A_245] : memref<2x80xi32, #tpu.memory_space<vmem>> -> memref<1x80xi32, #tpu.memory_space<vmem>>
        %dma_start3A_247 = tpu.memref_squeeze %dma_start3A_246 : memref<1x80xi32, #tpu.memory_space<vmem>> -> memref<80xi32, #tpu.memory_space<vmem>>
        %dma_start3A_248 = arith.constant 0 : i32
        %dma_start3A_249 = arith.constant 0 : i32
        %dma_start3A_250 = tpu.memref_slice %arg5[%dma_start3A_248, %dma_start3A_249] : memref<10112x16xf32, #tpu.memory_space<hbm>> -> memref<10112x16xf32, #tpu.memory_space<hbm>>
        tpu.enqueue_indirect_dma source(%dma_start3A_250 : memref<10112x16xf32, #tpu.memory_space<hbm>>) target(%dma_start3A_244 : memref<80x16xf32, #tpu.memory_space<vmem>>) offsets(%dma_start3A_247 : memref<80xi32, #tpu.memory_space<vmem>>) semaphore(%arg19 : memref<!tpu.dma_semaphore, #tpu.memory_space<semaphore_mem>>)
        %dma_start3A_251 = arith.constant 1 : i32
        %dma_start3A_252 = arith.constant 1 : i32
        %dma_start3A_253 = arith.constant 0 : i32
        %dma_start3A_254 = arith.constant 0 : i32
        %dma_start3A_255 = tpu.memref_slice %arg12[%dma_start3A_252, %dma_start3A_253, %dma_start3A_254] : memref<2x80x128xf32, #tpu.memory_space<vmem>> -> memref<1x80x128xf32, #tpu.memory_space<vmem>>
        %dma_start3A_256 = tpu.memref_squeeze %dma_start3A_255 : memref<1x80x128xf32, #tpu.memory_space<vmem>> -> memref<80x128xf32, #tpu.memory_space<vmem>>
        %dma_start3A_257 = arith.constant 0 : i32
        %dma_start3A_258 = tpu.memref_slice %arg8[%dma_start3A_251, %dma_start3A_257] : memref<2x80xi32, #tpu.memory_space<vmem>> -> memref<1x80xi32, #tpu.memory_space<vmem>>
        %dma_start3A_259 = tpu.memref_squeeze %dma_start3A_258 : memref<1x80xi32, #tpu.memory_space<vmem>> -> memref<80xi32, #tpu.memory_space<vmem>>
        %dma_start3A_260 = arith.constant 0 : i32
        %dma_start3A_261 = arith.constant 0 : i32
        %dma_start3A_262 = tpu.memref_slice %arg6[%dma_start3A_260, %dma_start3A_261] : memref<10112x128xf32, #tpu.memory_space<hbm>> -> memref<10112x128xf32, #tpu.memory_space<hbm>>
        tpu.enqueue_indirect_dma source(%dma_start3A_262 : memref<10112x128xf32, #tpu.memory_space<hbm>>) target(%dma_start3A_256 : memref<80x128xf32, #tpu.memory_space<vmem>>) offsets(%dma_start3A_259 : memref<80xi32, #tpu.memory_space<vmem>>) semaphore(%arg20 : memref<!tpu.dma_semaphore, #tpu.memory_space<semaphore_mem>>)
      } else {
      }
    }
    %scan3A_101 = arith.constant 65 : i32
    %barrier3A_102 = arith.constant 0 : index
    tpu.barrier barrier_id(%barrier3A_102)
    %scan3A_103 = arith.constant 0 : i32
    %scan3A_104 = arith.constant 7 : i32
    %scan3A_105 = arith.addi %scan3A_103, %scan3A_104 : i32
    %scan3A_106 = arith.constant 1 : i32
    scf.for %scan3A_112 = %scan3A_103 to %scan3A_105 step %scan3A_106  : i32 {
      %mul3A_113 = arith.constant 1 : i32
      %mul3A_114 = arith.muli %scan3A_112, %mul3A_113 : i32
      %add3A_115 = arith.constant 0 : i32
      %add3A_116 = arith.addi %add3A_115, %mul3A_114 : i32
      %mul3A_117 = arith.constant 80 : i32
      %mul3A_118 = arith.muli %add3A_116, %mul3A_117 : i32
      %add3A_119 = arith.addi %mul3A_9, %mul3A_118 : i32
      %mul3A_120 = arith.constant 80 : i32
      %mul3A_121 = arith.muli %add3A_116, %mul3A_120 : i32
      %add3A_122 = arith.addi %mul3A_9, %mul3A_121 : i32
      "tpu.region"() ({
        %run_scoped3A_123 = tpu.sem_alloc : memref<!tpu.dma_semaphore, #tpu.memory_space<semaphore_mem>>
        %dma_start3A_124 = arith.constant 0 : i32
        %dma_start3A_125 = tpu.memref_slice %arg7[%arg0, %add3A_122, %dma_start3A_124] : memref<2x10112x144xf32, #tpu.memory_space<hbm>> -> memref<1x80x144xf32, #tpu.memory_space<hbm>>
        %dma_start3A_126 = tpu.memref_squeeze %dma_start3A_125 : memref<1x80x144xf32, #tpu.memory_space<hbm>> -> memref<80x144xf32, #tpu.memory_space<hbm>>
        %dma_start3A_127 = arith.constant 0 : i32
        %dma_start3A_128 = tpu.memref_slice %arg14[%add3A_119, %dma_start3A_127] : memref<10112x144xf32, #tpu.memory_space<vmem_shared>> -> memref<80x144xf32, #tpu.memory_space<vmem_shared>>
        tpu.enqueue_dma source(%dma_start3A_128 : memref<80x144xf32, #tpu.memory_space<vmem_shared>>) target(%dma_start3A_126 : memref<80x144xf32, #tpu.memory_space<hbm>>) target_semaphore(%run_scoped3A_123 : memref<!tpu.dma_semaphore, #tpu.memory_space<semaphore_mem>>)
        %dma_wait3A = arith.constant 0 : i32
        %dma_wait3A_129 = tpu.memref_slice %arg7[%arg0, %add3A_122, %dma_wait3A] : memref<2x10112x144xf32, #tpu.memory_space<hbm>> -> memref<1x80x144xf32, #tpu.memory_space<hbm>>
        %dma_wait3A_130 = tpu.memref_squeeze %dma_wait3A_129 : memref<1x80x144xf32, #tpu.memory_space<hbm>> -> memref<80x144xf32, #tpu.memory_space<hbm>>
        %dma_wait3A_131 = arith.constant 0 : i32
        %dma_wait3A_132 = tpu.memref_slice %arg14[%add3A_119, %dma_wait3A_131] : memref<10112x144xf32, #tpu.memory_space<vmem_shared>> -> memref<80x144xf32, #tpu.memory_space<vmem_shared>>
        tpu.wait_dma2 semaphore(%run_scoped3A_123 : memref<!tpu.dma_semaphore, #tpu.memory_space<semaphore_mem>>) src(%dma_wait3A_132 : memref<80x144xf32, #tpu.memory_space<vmem_shared>>) dst(%dma_wait3A_130 : memref<80x144xf32, #tpu.memory_space<hbm>>)
        tpu.yield
      }) : () -> ()
    }
    %scan3A_107 = arith.constant 7 : i32
    %add3A_108 = arith.constant 560 : i32
    %add3A_109 = arith.addi %mul3A_9, %add3A_108 : i32
    %add3A_110 = arith.constant 560 : i32
    %add3A_111 = arith.addi %mul3A_9, %add3A_110 : i32
    "tpu.region"() ({
      %run_scoped3A_112 = tpu.sem_alloc : memref<!tpu.dma_semaphore, #tpu.memory_space<semaphore_mem>>
      %dma_start3A_113 = arith.constant 0 : i32
      %dma_start3A_114 = tpu.memref_slice %arg7[%arg0, %add3A_111, %dma_start3A_113] : memref<2x10112x144xf32, #tpu.memory_space<hbm>> -> memref<1x72x144xf32, #tpu.memory_space<hbm>>
      %dma_start3A_115 = tpu.memref_squeeze %dma_start3A_114 : memref<1x72x144xf32, #tpu.memory_space<hbm>> -> memref<72x144xf32, #tpu.memory_space<hbm>>
      %dma_start3A_116 = arith.constant 0 : i32
      %dma_start3A_117 = tpu.memref_slice %arg14[%add3A_109, %dma_start3A_116] : memref<10112x144xf32, #tpu.memory_space<vmem_shared>> -> memref<72x144xf32, #tpu.memory_space<vmem_shared>>
      tpu.enqueue_dma source(%dma_start3A_117 : memref<72x144xf32, #tpu.memory_space<vmem_shared>>) target(%dma_start3A_115 : memref<72x144xf32, #tpu.memory_space<hbm>>) target_semaphore(%run_scoped3A_112 : memref<!tpu.dma_semaphore, #tpu.memory_space<semaphore_mem>>)
      %dma_wait3A = arith.constant 0 : i32
      %dma_wait3A_118 = tpu.memref_slice %arg7[%arg0, %add3A_111, %dma_wait3A] : memref<2x10112x144xf32, #tpu.memory_space<hbm>> -> memref<1x72x144xf32, #tpu.memory_space<hbm>>
      %dma_wait3A_119 = tpu.memref_squeeze %dma_wait3A_118 : memref<1x72x144xf32, #tpu.memory_space<hbm>> -> memref<72x144xf32, #tpu.memory_space<hbm>>
      %dma_wait3A_120 = arith.constant 0 : i32
      %dma_wait3A_121 = tpu.memref_slice %arg14[%add3A_109, %dma_wait3A_120] : memref<10112x144xf32, #tpu.memory_space<vmem_shared>> -> memref<72x144xf32, #tpu.memory_space<vmem_shared>>
      tpu.wait_dma2 semaphore(%run_scoped3A_112 : memref<!tpu.dma_semaphore, #tpu.memory_space<semaphore_mem>>) src(%dma_wait3A_121 : memref<72x144xf32, #tpu.memory_space<vmem_shared>>) dst(%dma_wait3A_119 : memref<72x144xf32, #tpu.memory_space<hbm>>)
      tpu.yield
    }) : () -> ()
    return
  }
}

#map = affine_map<(d0, d1) -> (0)>
#map1 = affine_map<(d0, d1) -> (0, 0)>
#map2 = affine_map<(d0, d1) -> (0, 0, 0)>
module attributes {stable_mosaic.version = 14 : i64} {
  func.func @ker(%arg0: i32, %arg1: i32, %arg2: memref<332800xi32, #tpu.memory_space<hbm>>, %arg3: memref<332800xi32, #tpu.memory_space<hbm>>, %arg4: memref<10112x16xf32, #tpu.memory_space<hbm>>, %arg5: memref<10112x16xf32, #tpu.memory_space<hbm>>, %arg6: memref<10112x128xf32, #tpu.memory_space<hbm>>, %arg7: memref<2x10112x144xf32, #tpu.memory_space<hbm>>, %arg8: memref<2x80xi32, #tpu.memory_space<vmem>>, %arg9: memref<2x80xi32, #tpu.memory_space<vmem>>, %arg10: memref<2x80x16xf32, #tpu.memory_space<vmem>>, %arg11: memref<2x80x16xf32, #tpu.memory_space<vmem>>, %arg12: memref<2x80x128xf32, #tpu.memory_space<vmem>>, %arg13: memref<80x144xf32, #tpu.memory_space<vmem>>, %arg14: memref<10112x144xf32, #tpu.memory_space<vmem_shared>>, %arg15: memref<!tpu.dma_semaphore, #tpu.memory_space<semaphore_mem>>, %arg16: memref<!tpu.dma_semaphore, #tpu.memory_space<semaphore_mem>>, %arg17: memref<!tpu.dma_semaphore, #tpu.memory_space<semaphore_mem>>, %arg18: memref<!tpu.dma_semaphore, #tpu.memory_space<semaphore_mem>>, %arg19: memref<!tpu.dma_semaphore, #tpu.memory_space<semaphore_mem>>, %arg20: memref<!tpu.dma_semaphore, #tpu.memory_space<semaphore_mem>>) attributes {dimension_semantics = [#tpu.dimension_semantics<core_parallel>, #tpu.dimension_semantics<subcore_parallel>], iteration_bounds = array<i64: 2, 16>, scalar_prefetch = 0 : i64, scratch_operands = 13 : i64, tpu.core_type = #tpu.core_type<sc_vector_subcore>, window_params = [{transform_indices = #map}, {transform_indices = #map}, {transform_indices = #map1}, {transform_indices = #map1}, {transform_indices = #map1}, {transform_indices = #map2}]} {
    %mul3A = arith.constant 2 : i32
    %mul3A_0 = arith.muli %arg1, %mul3A : i32
    %add3A = arith.addi %mul3A_0, %arg0 : i32
    %broadcast_in_dim3A = arith.constant 0.000000e+00 : f32
    %broadcast_in_dim3A_1 = vector.broadcast %broadcast_in_dim3A : f32 to vector<16xf32>
    %iota3A = tpu.iota {dimensions = array<i32: 0>} : vector<16xi32>
    %lt3A = arith.constant 4 : i32
    %lt3A_2 = vector.broadcast %lt3A : i32 to vector<16xi32>
    %lt3A_3 = arith.cmpi slt, %iota3A, %lt3A_2 : vector<16xi32>
    %scan3A = arith.constant 0 : i32
    %scan3A_4 = arith.constant 80 : i32
    %scan3A_5 = arith.addi %scan3A, %scan3A_4 : i32
    %scan3A_6 = arith.constant 1 : i32
    scf.for %scan3A_112 = %scan3A to %scan3A_5 step %scan3A_6  : i32 {
      %mul3A_113 = arith.constant 1 : i32
      %mul3A_114 = arith.muli %scan3A_112, %mul3A_113 : i32
      %add3A_115 = arith.constant 0 : i32
      %add3A_116 = arith.addi %add3A_115, %mul3A_114 : i32
      %scan3A_117 = arith.constant 0 : i32
      %scan3A_118 = arith.constant 9 : i32
      %scan3A_119 = arith.addi %scan3A_117, %scan3A_118 : i32
      %scan3A_120 = arith.constant 1 : i32
      scf.for %scan3A_122 = %scan3A_117 to %scan3A_119 step %scan3A_120  : i32 {
        %mul3A_123 = arith.constant 16 : i32
        %mul3A_124 = arith.muli %scan3A_122, %mul3A_123 : i32
        %add3A_125 = arith.constant 0 : i32
        %add3A_126 = arith.addi %add3A_125, %mul3A_124 : i32
        %swap3A = arith.index_cast %add3A_116 : i32 to index
        %swap3A_127 = arith.index_cast %add3A_126 : i32 to index
        %swap3A_128 = tpu.vector_load %arg13[%swap3A, %swap3A_127] {strides = array<i32>} : memref<80x144xf32, #tpu.memory_space<vmem>>, vector<1x16xf32>,
        %swap3A_129 = vector.shape_cast %swap3A_128 : vector<1x16xf32> to vector<16xf32>
        %swap3A_130 = vector.shape_cast %broadcast_in_dim3A_1 : vector<16xf32> to vector<1x16xf32>
        tpu.vector_store %arg13[%swap3A, %swap3A_127], %swap3A_130 {strides = array<i32>} : memref<80x144xf32, #tpu.memory_space<vmem>>, vector<1x16xf32>,
      }
      %scan3A_121 = arith.constant 9 : i32
    }
    %scan3A_7 = arith.constant 80 : i32
    %mul3A_8 = arith.constant 632 : i32
    %mul3A_9 = arith.muli %arg1, %mul3A_8 : i32
    %scan3A_10 = arith.constant 0 : i32
    %scan3A_11 = arith.constant 7 : i32
    %scan3A_12 = arith.addi %scan3A_10, %scan3A_11 : i32
    %scan3A_13 = arith.constant 1 : i32
    scf.for %scan3A_112 = %scan3A_10 to %scan3A_12 step %scan3A_13  : i32 {
      %mul3A_113 = arith.constant 1 : i32
      %mul3A_114 = arith.muli %scan3A_112, %mul3A_113 : i32
      %add3A_115 = arith.constant 0 : i32
      %add3A_116 = arith.addi %add3A_115, %mul3A_114 : i32
      %mul3A_117 = arith.constant 80 : i32
      %mul3A_118 = arith.muli %add3A_116, %mul3A_117 : i32
      %add3A_119 = arith.addi %mul3A_9, %mul3A_118 : i32
      "tpu.region"() ({
        %run_scoped3A_120 = tpu.sem_alloc : memref<!tpu.dma_semaphore, #tpu.memory_space<semaphore_mem>>
        %dma_start3A_121 = arith.constant 0 : i32
        %dma_start3A_122 = tpu.memref_slice %arg14[%add3A_119, %dma_start3A_121] : memref<10112x144xf32, #tpu.memory_space<vmem_shared>> -> memref<80x144xf32, #tpu.memory_space<vmem_shared>>
        %dma_start3A_123 = arith.constant 0 : i32
        %dma_start3A_124 = tpu.memref_slice %arg14[%add3A_119, %dma_start3A_123] : memref<10112x144xf32, #tpu.memory_space<vmem_shared>> -> memref<80x144xf32, #tpu.memory_space<vmem_shared>>
        tpu.enqueue_dma source(%arg13 : memref<80x144xf32, #tpu.memory_space<vmem>>) target(%dma_start3A_124 : memref<80x144xf32, #tpu.memory_space<vmem_shared>>) target_semaphore(%run_scoped3A_120 : memref<!tpu.dma_semaphore, #tpu.memory_space<semaphore_mem>>)
        %dma_wait3A = arith.constant 0 : i32
        %dma_wait3A_125 = tpu.memref_slice %arg14[%add3A_119, %dma_wait3A] : memref<10112x144xf32, #tpu.memory_space<vmem_shared>> -> memref<80x144xf32, #tpu.memory_space<vmem_shared>>
        %dma_wait3A_126 = arith.constant 0 : i32
        %dma_wait3A_127 = tpu.memref_slice %arg14[%add3A_119, %dma_wait3A_126] : memref<10112x144xf32, #tpu.memory_space<vmem_shared>> -> memref<80x144xf32, #tpu.memory_space<vmem_shared>>
        tpu.wait_dma2 semaphore(%run_scoped3A_120 : memref<!tpu.dma_semaphore, #tpu.memory_space<semaphore_mem>>) src(%arg13 : memref<80x144xf32, #tpu.memory_space<vmem>>) dst(%dma_wait3A_127 : memref<80x144xf32, #tpu.memory_space<vmem_shared>>)
        tpu.yield
      }) : () -> ()
    }
    %scan3A_14 = arith.constant 7 : i32
    %add3A_15 = arith.constant 560 : i32
    %add3A_16 = arith.addi %mul3A_9, %add3A_15 : i32
    "tpu.region"() ({
      %run_scoped3A_112 = tpu.sem_alloc : memref<!tpu.dma_semaphore, #tpu.memory_space<semaphore_mem>>
      %dma_start3A_113 = arith.constant 0 : i32
      %dma_start3A_114 = arith.constant 0 : i32
      %dma_start3A_115 = tpu.memref_slice %arg13[%dma_start3A_113, %dma_start3A_114] : memref<80x144xf32, #tpu.memory_space<vmem>> -> memref<72x144xf32, #tpu.memory_space<vmem>>
      %dma_start3A_116 = arith.constant 0 : i32
      %dma_start3A_117 = tpu.memref_slice %arg14[%add3A_16, %dma_start3A_116] : memref<10112x144xf32, #tpu.memory_space<vmem_shared>> -> memref<72x144xf32, #tpu.memory_space<vmem_shared>>
      %dma_start3A_118 = arith.constant 0 : i32
      %dma_start3A_119 = tpu.memref_slice %arg14[%add3A_16, %dma_start3A_118] : memref<10112x144xf32, #tpu.memory_space<vmem_shared>> -> memref<72x144xf32, #tpu.memory_space<vmem_shared>>
      %dma_start3A_120 = arith.constant 0 : i32
      %dma_start3A_121 = arith.constant 0 : i32
      %dma_start3A_122 = tpu.memref_slice %arg13[%dma_start3A_120, %dma_start3A_121] : memref<80x144xf32, #tpu.memory_space<vmem>> -> memref<72x144xf32, #tpu.memory_space<vmem>>
      tpu.enqueue_dma source(%dma_start3A_122 : memref<72x144xf32, #tpu.memory_space<vmem>>) target(%dma_start3A_119 : memref<72x144xf32, #tpu.memory_space<vmem_shared>>) target_semaphore(%run_scoped3A_112 : memref<!tpu.dma_semaphore, #tpu.memory_space<semaphore_mem>>)
      %dma_wait3A = arith.constant 0 : i32
      %dma_wait3A_123 = arith.constant 0 : i32
      %dma_wait3A_124 = tpu.memref_slice %arg13[%dma_wait3A, %dma_wait3A_123] : memref<80x144xf32, #tpu.memory_space<vmem>> -> memref<72x144xf32, #tpu.memory_space<vmem>>
      %dma_wait3A_125 = arith.constant 0 : i32
      %dma_wait3A_126 = tpu.memref_slice %arg14[%add3A_16, %dma_wait3A_125] : memref<10112x144xf32, #tpu.memory_space<vmem_shared>> -> memref<72x144xf32, #tpu.memory_space<vmem_shared>>
      %dma_wait3A_127 = arith.constant 0 : i32
      %dma_wait3A_128 = tpu.memref_slice %arg14[%add3A_16, %dma_wait3A_127] : memref<10112x144xf32, #tpu.memory_space<vmem_shared>> -> memref<72x144xf32, #tpu.memory_space<vmem_shared>>
      %dma_wait3A_129 = arith.constant 0 : i32
      %dma_wait3A_130 = arith.constant 0 : i32
      %dma_wait3A_131 = tpu.memref_slice %arg13[%dma_wait3A_129, %dma_wait3A_130] : memref<80x144xf32, #tpu.memory_space<vmem>> -> memref<72x144xf32, #tpu.memory_space<vmem>>
      tpu.wait_dma2 semaphore(%run_scoped3A_112 : memref<!tpu.dma_semaphore, #tpu.memory_space<semaphore_mem>>) src(%dma_wait3A_131 : memref<72x144xf32, #tpu.memory_space<vmem>>) dst(%dma_wait3A_128 : memref<72x144xf32, #tpu.memory_space<vmem_shared>>)
      tpu.yield
    }) : () -> ()
    %barrier3A = arith.constant 0 : index
    tpu.barrier barrier_id(%barrier3A)
    %mul3A_17 = arith.constant 10400 : i32
    %mul3A_18 = arith.muli %add3A, %mul3A_17 : i32
    %add3A_19 = arith.constant 0 : i32
    %add3A_20 = arith.addi %mul3A_18, %add3A_19 : i32
    %run_scoped3A = arith.constant 0 : i32
    "tpu.region"() ({
      %run_scoped3A_112 = tpu.sem_alloc : memref<!tpu.dma_semaphore, #tpu.memory_space<semaphore_mem>>
      %dma_start3A_113 = arith.constant 0 : i32
      %dma_start3A_114 = tpu.memref_slice %arg8[%run_scoped3A, %dma_start3A_113] : memref<2x80xi32, #tpu.memory_space<vmem>> -> memref<1x80xi32, #tpu.memory_space<vmem>>
      %dma_start3A_115 = tpu.memref_squeeze %dma_start3A_114 : memref<1x80xi32, #tpu.memory_space<vmem>> -> memref<80xi32, #tpu.memory_space<vmem>>
      %dma_start3A_116 = tpu.memref_slice %arg2[%add3A_20] : memref<332800xi32, #tpu.memory_space<hbm>> -> memref<80xi32, #tpu.memory_space<hbm>>
      %dma_start3A_117 = arith.constant 0 : i32
      %dma_start3A_118 = tpu.memref_slice %arg8[%run_scoped3A, %dma_start3A_117] : memref<2x80xi32, #tpu.memory_space<vmem>> -> memref<1x80xi32, #tpu.memory_space<vmem>>
      %dma_start3A_119 = tpu.memref_squeeze %dma_start3A_118 : memref<1x80xi32, #tpu.memory_space<vmem>> -> memref<80xi32, #tpu.memory_space<vmem>>
      %dma_start3A_120 = tpu.memref_slice %arg2[%add3A_20] : memref<332800xi32, #tpu.memory_space<hbm>> -> memref<80xi32, #tpu.memory_space<hbm>>
      tpu.enqueue_dma source(%dma_start3A_120 : memref<80xi32, #tpu.memory_space<hbm>>) target(%dma_start3A_119 : memref<80xi32, #tpu.memory_space<vmem>>) target_semaphore(%run_scoped3A_112 : memref<!tpu.dma_semaphore, #tpu.memory_space<semaphore_mem>>)
      %dma_wait3A = arith.constant 0 : i32
      %dma_wait3A_121 = tpu.memref_slice %arg8[%run_scoped3A, %dma_wait3A] : memref<2x80xi32, #tpu.memory_space<vmem>> -> memref<1x80xi32, #tpu.memory_space<vmem>>
      %dma_wait3A_122 = tpu.memref_squeeze %dma_wait3A_121 : memref<1x80xi32, #tpu.memory_space<vmem>> -> memref<80xi32, #tpu.memory_space<vmem>>
      %dma_wait3A_123 = tpu.memref_slice %arg2[%add3A_20] : memref<332800xi32, #tpu.memory_space<hbm>> -> memref<80xi32, #tpu.memory_space<hbm>>
      %dma_wait3A_124 = arith.constant 0 : i32
      %dma_wait3A_125 = tpu.memref_slice %arg8[%run_scoped3A, %dma_wait3A_124] : memref<2x80xi32, #tpu.memory_space<vmem>> -> memref<1x80xi32, #tpu.memory_space<vmem>>
      %dma_wait3A_126 = tpu.memref_squeeze %dma_wait3A_125 : memref<1x80xi32, #tpu.memory_space<vmem>> -> memref<80xi32, #tpu.memory_space<vmem>>
      %dma_wait3A_127 = tpu.memref_slice %arg2[%add3A_20] : memref<332800xi32, #tpu.memory_space<hbm>> -> memref<80xi32, #tpu.memory_space<hbm>>
      tpu.wait_dma2 semaphore(%run_scoped3A_112 : memref<!tpu.dma_semaphore, #tpu.memory_space<semaphore_mem>>) src(%dma_wait3A_127 : memref<80xi32, #tpu.memory_space<hbm>>) dst(%dma_wait3A_126 : memref<80xi32, #tpu.memory_space<vmem>>)
      tpu.yield
    }) : () -> ()
    %run_scoped3A_21 = arith.constant 0 : i32
    "tpu.region"() ({
      %run_scoped3A_112 = tpu.sem_alloc : memref<!tpu.dma_semaphore, #tpu.memory_space<semaphore_mem>>
      %dma_start3A_113 = arith.constant 0 : i32
      %dma_start3A_114 = tpu.memref_slice %arg9[%run_scoped3A_21, %dma_start3A_113] : memref<2x80xi32, #tpu.memory_space<vmem>> -> memref<1x80xi32, #tpu.memory_space<vmem>>
      %dma_start3A_115 = tpu.memref_squeeze %dma_start3A_114 : memref<1x80xi32, #tpu.memory_space<vmem>> -> memref<80xi32, #tpu.memory_space<vmem>>
      %dma_start3A_116 = tpu.memref_slice %arg3[%add3A_20] : memref<332800xi32, #tpu.memory_space<hbm>> -> memref<80xi32, #tpu.memory_space<hbm>>
      %dma_start3A_117 = arith.constant 0 : i32
      %dma_start3A_118 = tpu.memref_slice %arg9[%run_scoped3A_21, %dma_start3A_117] : memref<2x80xi32, #tpu.memory_space<vmem>> -> memref<1x80xi32, #tpu.memory_space<vmem>>
      %dma_start3A_119 = tpu.memref_squeeze %dma_start3A_118 : memref<1x80xi32, #tpu.memory_space<vmem>> -> memref<80xi32, #tpu.memory_space<vmem>>
      %dma_start3A_120 = tpu.memref_slice %arg3[%add3A_20] : memref<332800xi32, #tpu.memory_space<hbm>> -> memref<80xi32, #tpu.memory_space<hbm>>
      tpu.enqueue_dma source(%dma_start3A_120 : memref<80xi32, #tpu.memory_space<hbm>>) target(%dma_start3A_119 : memref<80xi32, #tpu.memory_space<vmem>>) target_semaphore(%run_scoped3A_112 : memref<!tpu.dma_semaphore, #tpu.memory_space<semaphore_mem>>)
      %dma_wait3A = arith.constant 0 : i32
      %dma_wait3A_121 = tpu.memref_slice %arg9[%run_scoped3A_21, %dma_wait3A] : memref<2x80xi32, #tpu.memory_space<vmem>> -> memref<1x80xi32, #tpu.memory_space<vmem>>
      %dma_wait3A_122 = tpu.memref_squeeze %dma_wait3A_121 : memref<1x80xi32, #tpu.memory_space<vmem>> -> memref<80xi32, #tpu.memory_space<vmem>>
      %dma_wait3A_123 = tpu.memref_slice %arg3[%add3A_20] : memref<332800xi32, #tpu.memory_space<hbm>> -> memref<80xi32, #tpu.memory_space<hbm>>
      %dma_wait3A_124 = arith.constant 0 : i32
      %dma_wait3A_125 = tpu.memref_slice %arg9[%run_scoped3A_21, %dma_wait3A_124] : memref<2x80xi32, #tpu.memory_space<vmem>> -> memref<1x80xi32, #tpu.memory_space<vmem>>
      %dma_wait3A_126 = tpu.memref_squeeze %dma_wait3A_125 : memref<1x80xi32, #tpu.memory_space<vmem>> -> memref<80xi32, #tpu.memory_space<vmem>>
      %dma_wait3A_127 = tpu.memref_slice %arg3[%add3A_20] : memref<332800xi32, #tpu.memory_space<hbm>> -> memref<80xi32, #tpu.memory_space<hbm>>
      tpu.wait_dma2 semaphore(%run_scoped3A_112 : memref<!tpu.dma_semaphore, #tpu.memory_space<semaphore_mem>>) src(%dma_wait3A_127 : memref<80xi32, #tpu.memory_space<hbm>>) dst(%dma_wait3A_126 : memref<80xi32, #tpu.memory_space<vmem>>)
      tpu.yield
    }) : () -> ()
    %dma_start3A = arith.constant 0 : i32
    %dma_start3A_22 = arith.constant 0 : i32
    %dma_start3A_23 = arith.constant 0 : i32
    %dma_start3A_24 = arith.constant 0 : i32
    %dma_start3A_25 = tpu.memref_slice %arg10[%dma_start3A_22, %dma_start3A_23, %dma_start3A_24] : memref<2x80x16xf32, #tpu.memory_space<vmem>> -> memref<1x80x16xf32, #tpu.memory_space<vmem>>
    %dma_start3A_26 = tpu.memref_squeeze %dma_start3A_25 : memref<1x80x16xf32, #tpu.memory_space<vmem>> -> memref<80x16xf32, #tpu.memory_space<vmem>>
    %dma_start3A_27 = arith.constant 0 : i32
    %dma_start3A_28 = tpu.memref_slice %arg8[%dma_start3A, %dma_start3A_27] : memref<2x80xi32, #tpu.memory_space<vmem>> -> memref<1x80xi32, #tpu.memory_space<vmem>>
    %dma_start3A_29 = tpu.memref_squeeze %dma_start3A_28 : memref<1x80xi32, #tpu.memory_space<vmem>> -> memref<80xi32, #tpu.memory_space<vmem>>
    %dma_start3A_30 = arith.constant 0 : i32
    %dma_start3A_31 = arith.constant 0 : i32
    %dma_start3A_32 = tpu.memref_slice %arg4[%dma_start3A_30, %dma_start3A_31] : memref<10112x16xf32, #tpu.memory_space<hbm>> -> memref<10112x16xf32, #tpu.memory_space<hbm>>
    tpu.enqueue_indirect_dma source(%dma_start3A_32 : memref<10112x16xf32, #tpu.memory_space<hbm>>) target(%dma_start3A_26 : memref<80x16xf32, #tpu.memory_space<vmem>>) offsets(%dma_start3A_29 : memref<80xi32, #tpu.memory_space<vmem>>) semaphore(%arg15 : memref<!tpu.dma_semaphore, #tpu.memory_space<semaphore_mem>>)
    %dma_start3A_33 = arith.constant 0 : i32
    %dma_start3A_34 = arith.constant 0 : i32
    %dma_start3A_35 = arith.constant 0 : i32
    %dma_start3A_36 = arith.constant 0 : i32
    %dma_start3A_37 = tpu.memref_slice %arg11[%dma_start3A_34, %dma_start3A_35, %dma_start3A_36] : memref<2x80x16xf32, #tpu.memory_space<vmem>> -> memref<1x80x16xf32, #tpu.memory_space<vmem>>
    %dma_start3A_38 = tpu.memref_squeeze %dma_start3A_37 : memref<1x80x16xf32, #tpu.memory_space<vmem>> -> memref<80x16xf32, #tpu.memory_space<vmem>>
    %dma_start3A_39 = arith.constant 0 : i32
    %dma_start3A_40 = tpu.memref_slice %arg9[%dma_start3A_33, %dma_start3A_39] : memref<2x80xi32, #tpu.memory_space<vmem>> -> memref<1x80xi32, #tpu.memory_space<vmem>>
    %dma_start3A_41 = tpu.memref_squeeze %dma_start3A_40 : memref<1x80xi32, #tpu.memory_space<vmem>> -> memref<80xi32, #tpu.memory_space<vmem>>
    %dma_start3A_42 = arith.constant 0 : i32
    %dma_start3A_43 = arith.constant 0 : i32
    %dma_start3A_44 = tpu.memref_slice %arg5[%dma_start3A_42, %dma_start3A_43] : memref<10112x16xf32, #tpu.memory_space<hbm>> -> memref<10112x16xf32, #tpu.memory_space<hbm>>
    tpu.enqueue_indirect_dma source(%dma_start3A_44 : memref<10112x16xf32, #tpu.memory_space<hbm>>) target(%dma_start3A_38 : memref<80x16xf32, #tpu.memory_space<vmem>>) offsets(%dma_start3A_41 : memref<80xi32, #tpu.memory_space<vmem>>) semaphore(%arg16 : memref<!tpu.dma_semaphore, #tpu.memory_space<semaphore_mem>>)
    %dma_start3A_45 = arith.constant 0 : i32
    %dma_start3A_46 = arith.constant 0 : i32
    %dma_start3A_47 = arith.constant 0 : i32
    %dma_start3A_48 = arith.constant 0 : i32
    %dma_start3A_49 = tpu.memref_slice %arg12[%dma_start3A_46, %dma_start3A_47, %dma_start3A_48] : memref<2x80x128xf32, #tpu.memory_space<vmem>> -> memref<1x80x128xf32, #tpu.memory_space<vmem>>
    %dma_start3A_50 = tpu.memref_squeeze %dma_start3A_49 : memref<1x80x128xf32, #tpu.memory_space<vmem>> -> memref<80x128xf32, #tpu.memory_space<vmem>>
    %dma_start3A_51 = arith.constant 0 : i32
    %dma_start3A_52 = tpu.memref_slice %arg8[%dma_start3A_45, %dma_start3A_51] : memref<2x80xi32, #tpu.memory_space<vmem>> -> memref<1x80xi32, #tpu.memory_space<vmem>>
    %dma_start3A_53 = tpu.memref_squeeze %dma_start3A_52 : memref<1x80xi32, #tpu.memory_space<vmem>> -> memref<80xi32, #tpu.memory_space<vmem>>
    %dma_start3A_54 = arith.constant 0 : i32
    %dma_start3A_55 = arith.constant 0 : i32
    %dma_start3A_56 = tpu.memref_slice %arg6[%dma_start3A_54, %dma_start3A_55] : memref<10112x128xf32, #tpu.memory_space<hbm>> -> memref<10112x128xf32, #tpu.memory_space<hbm>>
    tpu.enqueue_indirect_dma source(%dma_start3A_56 : memref<10112x128xf32, #tpu.memory_space<hbm>>) target(%dma_start3A_50 : memref<80x128xf32, #tpu.memory_space<vmem>>) offsets(%dma_start3A_53 : memref<80xi32, #tpu.memory_space<vmem>>) semaphore(%arg17 : memref<!tpu.dma_semaphore, #tpu.memory_space<semaphore_mem>>)
    %add3A_57 = arith.constant 80 : i32
    %add3A_58 = arith.addi %mul3A_18, %add3A_57 : i32
    %run_scoped3A_59 = arith.constant 1 : i32
    "tpu.region"() ({
      %run_scoped3A_112 = tpu.sem_alloc : memref<!tpu.dma_semaphore, #tpu.memory_space<semaphore_mem>>
      %dma_start3A_113 = arith.constant 0 : i32
      %dma_start3A_114 = tpu.memref_slice %arg8[%run_scoped3A_59, %dma_start3A_113] : memref<2x80xi32, #tpu.memory_space<vmem>> -> memref<1x80xi32, #tpu.memory_space<vmem>>
      %dma_start3A_115 = tpu.memref_squeeze %dma_start3A_114 : memref<1x80xi32, #tpu.memory_space<vmem>> -> memref<80xi32, #tpu.memory_space<vmem>>
      %dma_start3A_116 = tpu.memref_slice %arg2[%add3A_58] : memref<332800xi32, #tpu.memory_space<hbm>> -> memref<80xi32, #tpu.memory_space<hbm>>
      %dma_start3A_117 = arith.constant 0 : i32
      %dma_start3A_118 = tpu.memref_slice %arg8[%run_scoped3A_59, %dma_start3A_117] : memref<2x80xi32, #tpu.memory_space<vmem>> -> memref<1x80xi32, #tpu.memory_space<vmem>>
      %dma_start3A_119 = tpu.memref_squeeze %dma_start3A_118 : memref<1x80xi32, #tpu.memory_space<vmem>> -> memref<80xi32, #tpu.memory_space<vmem>>
      %dma_start3A_120 = tpu.memref_slice %arg2[%add3A_58] : memref<332800xi32, #tpu.memory_space<hbm>> -> memref<80xi32, #tpu.memory_space<hbm>>
      tpu.enqueue_dma source(%dma_start3A_120 : memref<80xi32, #tpu.memory_space<hbm>>) target(%dma_start3A_119 : memref<80xi32, #tpu.memory_space<vmem>>) target_semaphore(%run_scoped3A_112 : memref<!tpu.dma_semaphore, #tpu.memory_space<semaphore_mem>>)
      %dma_wait3A = arith.constant 0 : i32
      %dma_wait3A_121 = tpu.memref_slice %arg8[%run_scoped3A_59, %dma_wait3A] : memref<2x80xi32, #tpu.memory_space<vmem>> -> memref<1x80xi32, #tpu.memory_space<vmem>>
      %dma_wait3A_122 = tpu.memref_squeeze %dma_wait3A_121 : memref<1x80xi32, #tpu.memory_space<vmem>> -> memref<80xi32, #tpu.memory_space<vmem>>
      %dma_wait3A_123 = tpu.memref_slice %arg2[%add3A_58] : memref<332800xi32, #tpu.memory_space<hbm>> -> memref<80xi32, #tpu.memory_space<hbm>>
      %dma_wait3A_124 = arith.constant 0 : i32
      %dma_wait3A_125 = tpu.memref_slice %arg8[%run_scoped3A_59, %dma_wait3A_124] : memref<2x80xi32, #tpu.memory_space<vmem>> -> memref<1x80xi32, #tpu.memory_space<vmem>>
      %dma_wait3A_126 = tpu.memref_squeeze %dma_wait3A_125 : memref<1x80xi32, #tpu.memory_space<vmem>> -> memref<80xi32, #tpu.memory_space<vmem>>
      %dma_wait3A_127 = tpu.memref_slice %arg2[%add3A_58] : memref<332800xi32, #tpu.memory_space<hbm>> -> memref<80xi32, #tpu.memory_space<hbm>>
      tpu.wait_dma2 semaphore(%run_scoped3A_112 : memref<!tpu.dma_semaphore, #tpu.memory_space<semaphore_mem>>) src(%dma_wait3A_127 : memref<80xi32, #tpu.memory_space<hbm>>) dst(%dma_wait3A_126 : memref<80xi32, #tpu.memory_space<vmem>>)
      tpu.yield
    }) : () -> ()
    %run_scoped3A_60 = arith.constant 1 : i32
    "tpu.region"() ({
      %run_scoped3A_112 = tpu.sem_alloc : memref<!tpu.dma_semaphore, #tpu.memory_space<semaphore_mem>>
      %dma_start3A_113 = arith.constant 0 : i32
      %dma_start3A_114 = tpu.memref_slice %arg9[%run_scoped3A_60, %dma_start3A_113] : memref<2x80xi32, #tpu.memory_space<vmem>> -> memref<1x80xi32, #tpu.memory_space<vmem>>
      %dma_start3A_115 = tpu.memref_squeeze %dma_start3A_114 : memref<1x80xi32, #tpu.memory_space<vmem>> -> memref<80xi32, #tpu.memory_space<vmem>>
      %dma_start3A_116 = tpu.memref_slice %arg3[%add3A_58] : memref<332800xi32, #tpu.memory_space<hbm>> -> memref<80xi32, #tpu.memory_space<hbm>>
      %dma_start3A_117 = arith.constant 0 : i32
      %dma_start3A_118 = tpu.memref_slice %arg9[%run_scoped3A_60, %dma_start3A_117] : memref<2x80xi32, #tpu.memory_space<vmem>> -> memref<1x80xi32, #tpu.memory_space<vmem>>
      %dma_start3A_119 = tpu.memref_squeeze %dma_start3A_118 : memref<1x80xi32, #tpu.memory_space<vmem>> -> memref<80xi32, #tpu.memory_space<vmem>>
      %dma_start3A_120 = tpu.memref_slice %arg3[%add3A_58] : memref<332800xi32, #tpu.memory_space<hbm>> -> memref<80xi32, #tpu.memory_space<hbm>>
      tpu.enqueue_dma source(%dma_start3A_120 : memref<80xi32, #tpu.memory_space<hbm>>) target(%dma_start3A_119 : memref<80xi32, #tpu.memory_space<vmem>>) target_semaphore(%run_scoped3A_112 : memref<!tpu.dma_semaphore, #tpu.memory_space<semaphore_mem>>)
      %dma_wait3A = arith.constant 0 : i32
      %dma_wait3A_121 = tpu.memref_slice %arg9[%run_scoped3A_60, %dma_wait3A] : memref<2x80xi32, #tpu.memory_space<vmem>> -> memref<1x80xi32, #tpu.memory_space<vmem>>
      %dma_wait3A_122 = tpu.memref_squeeze %dma_wait3A_121 : memref<1x80xi32, #tpu.memory_space<vmem>> -> memref<80xi32, #tpu.memory_space<vmem>>
      %dma_wait3A_123 = tpu.memref_slice %arg3[%add3A_58] : memref<332800xi32, #tpu.memory_space<hbm>> -> memref<80xi32, #tpu.memory_space<hbm>>
      %dma_wait3A_124 = arith.constant 0 : i32
      %dma_wait3A_125 = tpu.memref_slice %arg9[%run_scoped3A_60, %dma_wait3A_124] : memref<2x80xi32, #tpu.memory_space<vmem>> -> memref<1x80xi32, #tpu.memory_space<vmem>>
      %dma_wait3A_126 = tpu.memref_squeeze %dma_wait3A_125 : memref<1x80xi32, #tpu.memory_space<vmem>> -> memref<80xi32, #tpu.memory_space<vmem>>
      %dma_wait3A_127 = tpu.memref_slice %arg3[%add3A_58] : memref<332800xi32, #tpu.memory_space<hbm>> -> memref<80xi32, #tpu.memory_space<hbm>>
      tpu.wait_dma2 semaphore(%run_scoped3A_112 : memref<!tpu.dma_semaphore, #tpu.memory_space<semaphore_mem>>) src(%dma_wait3A_127 : memref<80xi32, #tpu.memory_space<hbm>>) dst(%dma_wait3A_126 : memref<80xi32, #tpu.memory_space<vmem>>)
      tpu.yield
    }) : () -> ()
    %dma_start3A_61 = arith.constant 1 : i32
    %dma_start3A_62 = arith.constant 1 : i32
    %dma_start3A_63 = arith.constant 0 : i32
    %dma_start3A_64 = arith.constant 0 : i32
    %dma_start3A_65 = tpu.memref_slice %arg10[%dma_start3A_62, %dma_start3A_63, %dma_start3A_64] : memref<2x80x16xf32, #tpu.memory_space<vmem>> -> memref<1x80x16xf32, #tpu.memory_space<vmem>>
    %dma_start3A_66 = tpu.memref_squeeze %dma_start3A_65 : memref<1x80x16xf32, #tpu.memory_space<vmem>> -> memref<80x16xf32, #tpu.memory_space<vmem>>
    %dma_start3A_67 = arith.constant 0 : i32
    %dma_start3A_68 = tpu.memref_slice %arg8[%dma_start3A_61, %dma_start3A_67] : memref<2x80xi32, #tpu.memory_space<vmem>> -> memref<1x80xi32, #tpu.memory_space<vmem>>
    %dma_start3A_69 = tpu.memref_squeeze %dma_start3A_68 : memref<1x80xi32, #tpu.memory_space<vmem>> -> memref<80xi32, #tpu.memory_space<vmem>>
    %dma_start3A_70 = arith.constant 0 : i32
    %dma_start3A_71 = arith.constant 0 : i32
    %dma_start3A_72 = tpu.memref_slice %arg4[%dma_start3A_70, %dma_start3A_71] : memref<10112x16xf32, #tpu.memory_space<hbm>> -> memref<10112x16xf32, #tpu.memory_space<hbm>>
    tpu.enqueue_indirect_dma source(%dma_start3A_72 : memref<10112x16xf32, #tpu.memory_space<hbm>>) target(%dma_start3A_66 : memref<80x16xf32, #tpu.memory_space<vmem>>) offsets(%dma_start3A_69 : memref<80xi32, #tpu.memory_space<vmem>>) semaphore(%arg18 : memref<!tpu.dma_semaphore, #tpu.memory_space<semaphore_mem>>)
    %dma_start3A_73 = arith.constant 1 : i32
    %dma_start3A_74 = arith.constant 1 : i32
    %dma_start3A_75 = arith.constant 0 : i32
    %dma_start3A_76 = arith.constant 0 : i32
    %dma_start3A_77 = tpu.memref_slice %arg11[%dma_start3A_74, %dma_start3A_75, %dma_start3A_76] : memref<2x80x16xf32, #tpu.memory_space<vmem>> -> memref<1x80x16xf32, #tpu.memory_space<vmem>>
    %dma_start3A_78 = tpu.memref_squeeze %dma_start3A_77 : memref<1x80x16xf32, #tpu.memory_space<vmem>> -> memref<80x16xf32, #tpu.memory_space<vmem>>
    %dma_start3A_79 = arith.constant 0 : i32
    %dma_start3A_80 = tpu.memref_slice %arg9[%dma_start3A_73, %dma_start3A_79] : memref<2x80xi32, #tpu.memory_space<vmem>> -> memref<1x80xi32, #tpu.memory_space<vmem>>
    %dma_start3A_81 = tpu.memref_squeeze %dma_start3A_80 : memref<1x80xi32, #tpu.memory_space<vmem>> -> memref<80xi32, #tpu.memory_space<vmem>>
    %dma_start3A_82 = arith.constant 0 : i32
    %dma_start3A_83 = arith.constant 0 : i32
    %dma_start3A_84 = tpu.memref_slice %arg5[%dma_start3A_82, %dma_start3A_83] : memref<10112x16xf32, #tpu.memory_space<hbm>> -> memref<10112x16xf32, #tpu.memory_space<hbm>>
    tpu.enqueue_indirect_dma source(%dma_start3A_84 : memref<10112x16xf32, #tpu.memory_space<hbm>>) target(%dma_start3A_78 : memref<80x16xf32, #tpu.memory_space<vmem>>) offsets(%dma_start3A_81 : memref<80xi32, #tpu.memory_space<vmem>>) semaphore(%arg19 : memref<!tpu.dma_semaphore, #tpu.memory_space<semaphore_mem>>)
    %dma_start3A_85 = arith.constant 1 : i32
    %dma_start3A_86 = arith.constant 1 : i32
    %dma_start3A_87 = arith.constant 0 : i32
    %dma_start3A_88 = arith.constant 0 : i32
    %dma_start3A_89 = tpu.memref_slice %arg12[%dma_start3A_86, %dma_start3A_87, %dma_start3A_88] : memref<2x80x128xf32, #tpu.memory_space<vmem>> -> memref<1x80x128xf32, #tpu.memory_space<vmem>>
    %dma_start3A_90 = tpu.memref_squeeze %dma_start3A_89 : memref<1x80x128xf32, #tpu.memory_space<vmem>> -> memref<80x128xf32, #tpu.memory_space<vmem>>
    %dma_start3A_91 = arith.constant 0 : i32
    %dma_start3A_92 = tpu.memref_slice %arg8[%dma_start3A_85, %dma_start3A_91] : memref<2x80xi32, #tpu.memory_space<vmem>> -> memref<1x80xi32, #tpu.memory_space<vmem>>
    %dma_start3A_93 = tpu.memref_squeeze %dma_start3A_92 : memref<1x80xi32, #tpu.memory_space<vmem>> -> memref<80xi32, #tpu.memory_space<vmem>>
    %dma_start3A_94 = arith.constant 0 : i32
    %dma_start3A_95 = arith.constant 0 : i32
    %dma_start3A_96 = tpu.memref_slice %arg6[%dma_start3A_94, %dma_start3A_95] : memref<10112x128xf32, #tpu.memory_space<hbm>> -> memref<10112x128xf32, #tpu.memory_space<hbm>>
    tpu.enqueue_indirect_dma source(%dma_start3A_96 : memref<10112x128xf32, #tpu.memory_space<hbm>>) target(%dma_start3A_90 : memref<80x128xf32, #tpu.memory_space<vmem>>) offsets(%dma_start3A_93 : memref<80xi32, #tpu.memory_space<vmem>>) semaphore(%arg20 : memref<!tpu.dma_semaphore, #tpu.memory_space<semaphore_mem>>)
    %scan3A_97 = arith.constant 0 : i32
    %scan3A_98 = arith.constant 65 : i32
    %scan3A_99 = arith.addi %scan3A_97, %scan3A_98 : i32
    %scan3A_100 = arith.constant 1 : i32
    scf.for %scan3A_112 = %scan3A_97 to %scan3A_99 step %scan3A_100  : i32 {
      %mul3A_113 = arith.constant 1 : i32
      %mul3A_114 = arith.muli %scan3A_112, %mul3A_113 : i32
      %add3A_115 = arith.constant 0 : i32
      %add3A_116 = arith.addi %add3A_115, %mul3A_114 : i32
      %mul3A_117 = arith.constant 2 : i32
      %mul3A_118 = arith.muli %add3A_116, %mul3A_117 : i32
      %add3A_119 = arith.constant 0 : i32
      %add3A_120 = arith.addi %mul3A_118, %add3A_119 : i32
      %dma_wait3A = arith.constant 0 : i32
      %dma_wait3A_121 = arith.constant 0 : i32
      %dma_wait3A_122 = arith.constant 0 : i32
      %dma_wait3A_123 = arith.constant 0 : i32
      %dma_wait3A_124 = tpu.memref_slice %arg10[%dma_wait3A_121, %dma_wait3A_122, %dma_wait3A_123] : memref<2x80x16xf32, #tpu.memory_space<vmem>> -> memref<1x80x16xf32, #tpu.memory_space<vmem>>
      %dma_wait3A_125 = tpu.memref_squeeze %dma_wait3A_124 : memref<1x80x16xf32, #tpu.memory_space<vmem>> -> memref<80x16xf32, #tpu.memory_space<vmem>>
      %dma_wait3A_126 = arith.constant 0 : i32
      %dma_wait3A_127 = tpu.memref_slice %arg8[%dma_wait3A, %dma_wait3A_126] : memref<2x80xi32, #tpu.memory_space<vmem>> -> memref<1x80xi32, #tpu.memory_space<vmem>>
      %dma_wait3A_128 = tpu.memref_squeeze %dma_wait3A_127 : memref<1x80xi32, #tpu.memory_space<vmem>> -> memref<80xi32, #tpu.memory_space<vmem>>
      %dma_wait3A_129 = arith.constant 0 : i32
      %dma_wait3A_130 = arith.constant 0 : i32
      %dma_wait3A_131 = tpu.memref_slice %arg4[%dma_wait3A_129, %dma_wait3A_130] : memref<10112x16xf32, #tpu.memory_space<hbm>> -> memref<10112x16xf32, #tpu.memory_space<hbm>>
      tpu.wait_indirect_dma semaphore(%arg15 : memref<!tpu.dma_semaphore, #tpu.memory_space<semaphore_mem>>) src(%dma_wait3A_131 : memref<10112x16xf32, #tpu.memory_space<hbm>>) dst(%dma_wait3A_125 : memref<80x16xf32, #tpu.memory_space<vmem>>)
      %dma_wait3A_132 = arith.constant 0 : i32
      %dma_wait3A_133 = arith.constant 0 : i32
      %dma_wait3A_134 = arith.constant 0 : i32
      %dma_wait3A_135 = arith.constant 0 : i32
      %dma_wait3A_136 = tpu.memref_slice %arg11[%dma_wait3A_133, %dma_wait3A_134, %dma_wait3A_135] : memref<2x80x16xf32, #tpu.memory_space<vmem>> -> memref<1x80x16xf32, #tpu.memory_space<vmem>>
      %dma_wait3A_137 = tpu.memref_squeeze %dma_wait3A_136 : memref<1x80x16xf32, #tpu.memory_space<vmem>> -> memref<80x16xf32, #tpu.memory_space<vmem>>
      %dma_wait3A_138 = arith.constant 0 : i32
      %dma_wait3A_139 = tpu.memref_slice %arg9[%dma_wait3A_132, %dma_wait3A_138] : memref<2x80xi32, #tpu.memory_space<vmem>> -> memref<1x80xi32, #tpu.memory_space<vmem>>
      %dma_wait3A_140 = tpu.memref_squeeze %dma_wait3A_139 : memref<1x80xi32, #tpu.memory_space<vmem>> -> memref<80xi32, #tpu.memory_space<vmem>>
      %dma_wait3A_141 = arith.constant 0 : i32
      %dma_wait3A_142 = arith.constant 0 : i32
      %dma_wait3A_143 = tpu.memref_slice %arg5[%dma_wait3A_141, %dma_wait3A_142] : memref<10112x16xf32, #tpu.memory_space<hbm>> -> memref<10112x16xf32, #tpu.memory_space<hbm>>
      tpu.wait_indirect_dma semaphore(%arg16 : memref<!tpu.dma_semaphore, #tpu.memory_space<semaphore_mem>>) src(%dma_wait3A_143 : memref<10112x16xf32, #tpu.memory_space<hbm>>) dst(%dma_wait3A_137 : memref<80x16xf32, #tpu.memory_space<vmem>>)
      %dma_wait3A_144 = arith.constant 0 : i32
      %dma_wait3A_145 = arith.constant 0 : i32
      %dma_wait3A_146 = arith.constant 0 : i32
      %dma_wait3A_147 = arith.constant 0 : i32
      %dma_wait3A_148 = tpu.memref_slice %arg12[%dma_wait3A_145, %dma_wait3A_146, %dma_wait3A_147] : memref<2x80x128xf32, #tpu.memory_space<vmem>> -> memref<1x80x128xf32, #tpu.memory_space<vmem>>
      %dma_wait3A_149 = tpu.memref_squeeze %dma_wait3A_148 : memref<1x80x128xf32, #tpu.memory_space<vmem>> -> memref<80x128xf32, #tpu.memory_space<vmem>>
      %dma_wait3A_150 = arith.constant 0 : i32
      %dma_wait3A_151 = tpu.memref_slice %arg8[%dma_wait3A_144, %dma_wait3A_150] : memref<2x80xi32, #tpu.memory_space<vmem>> -> memref<1x80xi32, #tpu.memory_space<vmem>>
      %dma_wait3A_152 = tpu.memref_squeeze %dma_wait3A_151 : memref<1x80xi32, #tpu.memory_space<vmem>> -> memref<80xi32, #tpu.memory_space<vmem>>
      %dma_wait3A_153 = arith.constant 0 : i32
      %dma_wait3A_154 = arith.constant 0 : i32
      %dma_wait3A_155 = tpu.memref_slice %arg6[%dma_wait3A_153, %dma_wait3A_154] : memref<10112x128xf32, #tpu.memory_space<hbm>> -> memref<10112x128xf32, #tpu.memory_space<hbm>>
      tpu.wait_indirect_dma semaphore(%arg17 : memref<!tpu.dma_semaphore, #tpu.memory_space<semaphore_mem>>) src(%dma_wait3A_155 : memref<10112x128xf32, #tpu.memory_space<hbm>>) dst(%dma_wait3A_149 : memref<80x128xf32, #tpu.memory_space<vmem>>)
      %scan3A_156 = arith.constant 0 : i32
      %scan3A_157 = arith.constant 80 : i32
      %scan3A_158 = arith.addi %scan3A_156, %scan3A_157 : i32
      %scan3A_159 = arith.constant 1 : i32
      scf.for %scan3A_220 = %scan3A_156 to %scan3A_158 step %scan3A_159  : i32 {
        %mul3A_221 = arith.constant 1 : i32
        %mul3A_222 = arith.muli %scan3A_220, %mul3A_221 : i32
        %add3A_223 = arith.constant 0 : i32
        %add3A_224 = arith.addi %add3A_223, %mul3A_222 : i32
        %get3A = arith.constant 0 : i32
        %get3A_225 = arith.index_cast %get3A : i32 to index
        %get3A_226 = arith.index_cast %add3A_224 : i32 to index
        %get3A_227 = arith.constant 0 : index
        %get3A_228 = tpu.vector_load %arg10[%get3A_225, %get3A_226, %get3A_227] {strides = array<i32>} : memref<2x80x16xf32, #tpu.memory_space<vmem>>, vector<1x1x16xf32>,
        %get3A_229 = vector.shape_cast %get3A_228 : vector<1x1x16xf32> to vector<16xf32>
        %get3A_230 = arith.constant 0 : i32
        %get3A_231 = arith.index_cast %get3A_230 : i32 to index
        %get3A_232 = arith.index_cast %add3A_224 : i32 to index
        %get3A_233 = arith.constant 0 : index
        %get3A_234 = tpu.vector_load %arg11[%get3A_231, %get3A_232, %get3A_233] {strides = array<i32>} : memref<2x80x16xf32, #tpu.memory_space<vmem>>, vector<1x1x16xf32>,
        %get3A_235 = vector.shape_cast %get3A_234 : vector<1x1x16xf32> to vector<16xf32>
        %add3A_236 = arith.addf %get3A_229, %get3A_235 : vector<16xf32>
        %mul3A_237 = arith.constant 2.000000e-01 : f32
        %mul3A_238 = vector.broadcast %mul3A_237 : f32 to vector<16xf32>
        %mul3A_239 = arith.mulf %mul3A_238, %add3A_236 : vector<16xf32>
        %max3A = arith.maximumf %add3A_236, %mul3A_239 : vector<16xf32>
        %exp3A = math.exp %max3A : vector<16xf32>
        %jit3A = arith.constant 0.000000e+00 : f32
        %broadcast_in_dim3A_240 = vector.broadcast %jit3A : f32 to vector<16xf32>
        %select_n3A = arith.select %lt3A_3, %exp3A, %broadcast_in_dim3A_240 : vector<16xi1>, vector<16xf32>
        %swap3A = arith.index_cast %add3A_224 : i32 to index
        %swap3A_241 = arith.constant 128 : index
        %swap3A_242 = tpu.vector_load %arg13[%swap3A, %swap3A_241] {strides = array<i32>} : memref<80x144xf32, #tpu.memory_space<vmem>>, vector<1x16xf32>,
        %swap3A_243 = vector.shape_cast %swap3A_242 : vector<1x16xf32> to vector<16xf32>
        %swap3A_244 = vector.shape_cast %select_n3A : vector<16xf32> to vector<1x16xf32>
        tpu.vector_store %arg13[%swap3A, %swap3A_241], %swap3A_244 {strides = array<i32>} : memref<80x144xf32, #tpu.memory_space<vmem>>, vector<1x16xf32>,
        %slice3A = vector.extract_strided_slice %exp3A {offsets = [0], sizes = [1], strides = [1]} : vector<16xf32> to vector<1xf32>
        %squeeze3A = vector.extract %slice3A[0] : f32 from vector<1xf32>
        %get3A_245 = arith.constant 0 : i32
        %get3A_246 = arith.index_cast %get3A_245 : i32 to index
        %get3A_247 = arith.index_cast %add3A_224 : i32 to index
        %get3A_248 = arith.constant 0 : index
        %get3A_249 = tpu.vector_load %arg12[%get3A_246, %get3A_247, %get3A_248] {strides = array<i32>} : memref<2x80x128xf32, #tpu.memory_space<vmem>>, vector<1x1x16xf32>,
        %get3A_250 = vector.shape_cast %get3A_249 : vector<1x1x16xf32> to vector<16xf32>
        %mul3A_251 = vector.broadcast %squeeze3A : f32 to vector<16xf32>
        %mul3A_252 = arith.mulf %get3A_250, %mul3A_251 : vector<16xf32>
        %swap3A_253 = arith.index_cast %add3A_224 : i32 to index
        %swap3A_254 = arith.constant 0 : index
        %swap3A_255 = tpu.vector_load %arg13[%swap3A_253, %swap3A_254] {strides = array<i32>} : memref<80x144xf32, #tpu.memory_space<vmem>>, vector<1x16xf32>,
        %swap3A_256 = vector.shape_cast %swap3A_255 : vector<1x16xf32> to vector<16xf32>
        %swap3A_257 = vector.shape_cast %mul3A_252 : vector<16xf32> to vector<1x16xf32>
        tpu.vector_store %arg13[%swap3A_253, %swap3A_254], %swap3A_257 {strides = array<i32>} : memref<80x144xf32, #tpu.memory_space<vmem>>, vector<1x16xf32>,
        %get3A_258 = arith.constant 0 : i32
        %get3A_259 = arith.index_cast %get3A_258 : i32 to index
        %get3A_260 = arith.index_cast %add3A_224 : i32 to index
        %get3A_261 = arith.constant 16 : index
        %get3A_262 = tpu.vector_load %arg12[%get3A_259, %get3A_260, %get3A_261] {strides = array<i32>} : memref<2x80x128xf32, #tpu.memory_space<vmem>>, vector<1x1x16xf32>,
        %get3A_263 = vector.shape_cast %get3A_262 : vector<1x1x16xf32> to vector<16xf32>
        %mul3A_264 = vector.broadcast %squeeze3A : f32 to vector<16xf32>
        %mul3A_265 = arith.mulf %get3A_263, %mul3A_264 : vector<16xf32>
        %swap3A_266 = arith.index_cast %add3A_224 : i32 to index
        %swap3A_267 = arith.constant 16 : index
        %swap3A_268 = tpu.vector_load %arg13[%swap3A_266, %swap3A_267] {strides = array<i32>} : memref<80x144xf32, #tpu.memory_space<vmem>>, vector<1x16xf32>,
        %swap3A_269 = vector.shape_cast %swap3A_268 : vector<1x16xf32> to vector<16xf32>
        %swap3A_270 = vector.shape_cast %mul3A_265 : vector<16xf32> to vector<1x16xf32>
        tpu.vector_store %arg13[%swap3A_266, %swap3A_267], %swap3A_270 {strides = array<i32>} : memref<80x144xf32, #tpu.memory_space<vmem>>, vector<1x16xf32>,
        %slice3A_271 = vector.extract_strided_slice %exp3A {offsets = [1], sizes = [1], strides = [1]} : vector<16xf32> to vector<1xf32>
        %squeeze3A_272 = vector.extract %slice3A_271[0] : f32 from vector<1xf32>
        %get3A_273 = arith.constant 0 : i32
        %get3A_274 = arith.index_cast %get3A_273 : i32 to index
        %get3A_275 = arith.index_cast %add3A_224 : i32 to index
        %get3A_276 = arith.constant 32 : index
        %get3A_277 = tpu.vector_load %arg12[%get3A_274, %get3A_275, %get3A_276] {strides = array<i32>} : memref<2x80x128xf32, #tpu.memory_space<vmem>>, vector<1x1x16xf32>,
        %get3A_278 = vector.shape_cast %get3A_277 : vector<1x1x16xf32> to vector<16xf32>
        %mul3A_279 = vector.broadcast %squeeze3A_272 : f32 to vector<16xf32>
        %mul3A_280 = arith.mulf %get3A_278, %mul3A_279 : vector<16xf32>
        %swap3A_281 = arith.index_cast %add3A_224 : i32 to index
        %swap3A_282 = arith.constant 32 : index
        %swap3A_283 = tpu.vector_load %arg13[%swap3A_281, %swap3A_282] {strides = array<i32>} : memref<80x144xf32, #tpu.memory_space<vmem>>, vector<1x16xf32>,
        %swap3A_284 = vector.shape_cast %swap3A_283 : vector<1x16xf32> to vector<16xf32>
        %swap3A_285 = vector.shape_cast %mul3A_280 : vector<16xf32> to vector<1x16xf32>
        tpu.vector_store %arg13[%swap3A_281, %swap3A_282], %swap3A_285 {strides = array<i32>} : memref<80x144xf32, #tpu.memory_space<vmem>>, vector<1x16xf32>,
        %get3A_286 = arith.constant 0 : i32
        %get3A_287 = arith.index_cast %get3A_286 : i32 to index
        %get3A_288 = arith.index_cast %add3A_224 : i32 to index
        %get3A_289 = arith.constant 48 : index
        %get3A_290 = tpu.vector_load %arg12[%get3A_287, %get3A_288, %get3A_289] {strides = array<i32>} : memref<2x80x128xf32, #tpu.memory_space<vmem>>, vector<1x1x16xf32>,
        %get3A_291 = vector.shape_cast %get3A_290 : vector<1x1x16xf32> to vector<16xf32>
        %mul3A_292 = vector.broadcast %squeeze3A_272 : f32 to vector<16xf32>
        %mul3A_293 = arith.mulf %get3A_291, %mul3A_292 : vector<16xf32>
        %swap3A_294 = arith.index_cast %add3A_224 : i32 to index
        %swap3A_295 = arith.constant 48 : index
        %swap3A_296 = tpu.vector_load %arg13[%swap3A_294, %swap3A_295] {strides = array<i32>} : memref<80x144xf32, #tpu.memory_space<vmem>>, vector<1x16xf32>,
        %swap3A_297 = vector.shape_cast %swap3A_296 : vector<1x16xf32> to vector<16xf32>
        %swap3A_298 = vector.shape_cast %mul3A_293 : vector<16xf32> to vector<1x16xf32>
        tpu.vector_store %arg13[%swap3A_294, %swap3A_295], %swap3A_298 {strides = array<i32>} : memref<80x144xf32, #tpu.memory_space<vmem>>, vector<1x16xf32>,
        %slice3A_299 = vector.extract_strided_slice %exp3A {offsets = [2], sizes = [1], strides = [1]} : vector<16xf32> to vector<1xf32>
        %squeeze3A_300 = vector.extract %slice3A_299[0] : f32 from vector<1xf32>
        %get3A_301 = arith.constant 0 : i32
        %get3A_302 = arith.index_cast %get3A_301 : i32 to index
        %get3A_303 = arith.index_cast %add3A_224 : i32 to index
        %get3A_304 = arith.constant 64 : index
        %get3A_305 = tpu.vector_load %arg12[%get3A_302, %get3A_303, %get3A_304] {strides = array<i32>} : memref<2x80x128xf32, #tpu.memory_space<vmem>>, vector<1x1x16xf32>,
        %get3A_306 = vector.shape_cast %get3A_305 : vector<1x1x16xf32> to vector<16xf32>
        %mul3A_307 = vector.broadcast %squeeze3A_300 : f32 to vector<16xf32>
        %mul3A_308 = arith.mulf %get3A_306, %mul3A_307 : vector<16xf32>
        %swap3A_309 = arith.index_cast %add3A_224 : i32 to index
        %swap3A_310 = arith.constant 64 : index
        %swap3A_311 = tpu.vector_load %arg13[%swap3A_309, %swap3A_310] {strides = array<i32>} : memref<80x144xf32, #tpu.memory_space<vmem>>, vector<1x16xf32>,
        %swap3A_312 = vector.shape_cast %swap3A_311 : vector<1x16xf32> to vector<16xf32>
        %swap3A_313 = vector.shape_cast %mul3A_308 : vector<16xf32> to vector<1x16xf32>
        tpu.vector_store %arg13[%swap3A_309, %swap3A_310], %swap3A_313 {strides = array<i32>} : memref<80x144xf32, #tpu.memory_space<vmem>>, vector<1x16xf32>,
        %get3A_314 = arith.constant 0 : i32
        %get3A_315 = arith.index_cast %get3A_314 : i32 to index
        %get3A_316 = arith.index_cast %add3A_224 : i32 to index
        %get3A_317 = arith.constant 80 : index
        %get3A_318 = tpu.vector_load %arg12[%get3A_315, %get3A_316, %get3A_317] {strides = array<i32>} : memref<2x80x128xf32, #tpu.memory_space<vmem>>, vector<1x1x16xf32>,
        %get3A_319 = vector.shape_cast %get3A_318 : vector<1x1x16xf32> to vector<16xf32>
        %mul3A_320 = vector.broadcast %squeeze3A_300 : f32 to vector<16xf32>
        %mul3A_321 = arith.mulf %get3A_319, %mul3A_320 : vector<16xf32>
        %swap3A_322 = arith.index_cast %add3A_224 : i32 to index
        %swap3A_323 = arith.constant 80 : index
        %swap3A_324 = tpu.vector_load %arg13[%swap3A_322, %swap3A_323] {strides = array<i32>} : memref<80x144xf32, #tpu.memory_space<vmem>>, vector<1x16xf32>,
        %swap3A_325 = vector.shape_cast %swap3A_324 : vector<1x16xf32> to vector<16xf32>
        %swap3A_326 = vector.shape_cast %mul3A_321 : vector<16xf32> to vector<1x16xf32>
        tpu.vector_store %arg13[%swap3A_322, %swap3A_323], %swap3A_326 {strides = array<i32>} : memref<80x144xf32, #tpu.memory_space<vmem>>, vector<1x16xf32>,
        %slice3A_327 = vector.extract_strided_slice %exp3A {offsets = [3], sizes = [1], strides = [1]} : vector<16xf32> to vector<1xf32>
        %squeeze3A_328 = vector.extract %slice3A_327[0] : f32 from vector<1xf32>
        %get3A_329 = arith.constant 0 : i32
        %get3A_330 = arith.index_cast %get3A_329 : i32 to index
        %get3A_331 = arith.index_cast %add3A_224 : i32 to index
        %get3A_332 = arith.constant 96 : index
        %get3A_333 = tpu.vector_load %arg12[%get3A_330, %get3A_331, %get3A_332] {strides = array<i32>} : memref<2x80x128xf32, #tpu.memory_space<vmem>>, vector<1x1x16xf32>,
        %get3A_334 = vector.shape_cast %get3A_333 : vector<1x1x16xf32> to vector<16xf32>
        %mul3A_335 = vector.broadcast %squeeze3A_328 : f32 to vector<16xf32>
        %mul3A_336 = arith.mulf %get3A_334, %mul3A_335 : vector<16xf32>
        %swap3A_337 = arith.index_cast %add3A_224 : i32 to index
        %swap3A_338 = arith.constant 96 : index
        %swap3A_339 = tpu.vector_load %arg13[%swap3A_337, %swap3A_338] {strides = array<i32>} : memref<80x144xf32, #tpu.memory_space<vmem>>, vector<1x16xf32>,
        %swap3A_340 = vector.shape_cast %swap3A_339 : vector<1x16xf32> to vector<16xf32>
        %swap3A_341 = vector.shape_cast %mul3A_336 : vector<16xf32> to vector<1x16xf32>
        tpu.vector_store %arg13[%swap3A_337, %swap3A_338], %swap3A_341 {strides = array<i32>} : memref<80x144xf32, #tpu.memory_space<vmem>>, vector<1x16xf32>,
        %get3A_342 = arith.constant 0 : i32
        %get3A_343 = arith.index_cast %get3A_342 : i32 to index
        %get3A_344 = arith.index_cast %add3A_224 : i32 to index
        %get3A_345 = arith.constant 112 : index
        %get3A_346 = tpu.vector_load %arg12[%get3A_343, %get3A_344, %get3A_345] {strides = array<i32>} : memref<2x80x128xf32, #tpu.memory_space<vmem>>, vector<1x1x16xf32>,
        %get3A_347 = vector.shape_cast %get3A_346 : vector<1x1x16xf32> to vector<16xf32>
        %mul3A_348 = vector.broadcast %squeeze3A_328 : f32 to vector<16xf32>
        %mul3A_349 = arith.mulf %get3A_347, %mul3A_348 : vector<16xf32>
        %swap3A_350 = arith.index_cast %add3A_224 : i32 to index
        %swap3A_351 = arith.constant 112 : index
        %swap3A_352 = tpu.vector_load %arg13[%swap3A_350, %swap3A_351] {strides = array<i32>} : memref<80x144xf32, #tpu.memory_space<vmem>>, vector<1x16xf32>,
        %swap3A_353 = vector.shape_cast %swap3A_352 : vector<1x16xf32> to vector<16xf32>
        %swap3A_354 = vector.shape_cast %mul3A_349 : vector<16xf32> to vector<1x16xf32>
        tpu.vector_store %arg13[%swap3A_350, %swap3A_351], %swap3A_354 {strides = array<i32>} : memref<80x144xf32, #tpu.memory_space<vmem>>, vector<1x16xf32>,
      }
      %scan3A_160 = arith.constant 80 : i32
      %run_scoped3A_161 = arith.constant 0 : i32
      "tpu.region"() ({
        %run_scoped3A_220 = tpu.sem_alloc : memref<!tpu.dma_semaphore, #tpu.memory_space<semaphore_mem>>
        %dma_start3A_221 = arith.constant 0 : i32
        %dma_start3A_222 = tpu.memref_slice %arg9[%run_scoped3A_161, %dma_start3A_221] : memref<2x80xi32, #tpu.memory_space<vmem>> -> memref<1x80xi32, #tpu.memory_space<vmem>>
        %dma_start3A_223 = tpu.memref_squeeze %dma_start3A_222 : memref<1x80xi32, #tpu.memory_space<vmem>> -> memref<80xi32, #tpu.memory_space<vmem>>
        %dma_start3A_224 = arith.constant 0 : i32
        %dma_start3A_225 = arith.constant 0 : i32
        %dma_start3A_226 = tpu.memref_slice %arg14[%dma_start3A_224, %dma_start3A_225] : memref<10112x144xf32, #tpu.memory_space<vmem_shared>> -> memref<10112x144xf32, #tpu.memory_space<vmem_shared>>
        tpu.enqueue_indirect_dma source(%arg13 : memref<80x144xf32, #tpu.memory_space<vmem>>) target(%dma_start3A_226 : memref<10112x144xf32, #tpu.memory_space<vmem_shared>>) offsets(%dma_start3A_223 : memref<80xi32, #tpu.memory_space<vmem>>) semaphore(%run_scoped3A_220 : memref<!tpu.dma_semaphore, #tpu.memory_space<semaphore_mem>>) {add = true}
        %dma_wait3A_227 = arith.constant 0 : i32
        %dma_wait3A_228 = tpu.memref_slice %arg9[%run_scoped3A_161, %dma_wait3A_227] : memref<2x80xi32, #tpu.memory_space<vmem>> -> memref<1x80xi32, #tpu.memory_space<vmem>>
        %dma_wait3A_229 = tpu.memref_squeeze %dma_wait3A_228 : memref<1x80xi32, #tpu.memory_space<vmem>> -> memref<80xi32, #tpu.memory_space<vmem>>
        %dma_wait3A_230 = arith.constant 0 : i32
        %dma_wait3A_231 = arith.constant 0 : i32
        %dma_wait3A_232 = tpu.memref_slice %arg14[%dma_wait3A_230, %dma_wait3A_231] : memref<10112x144xf32, #tpu.memory_space<vmem_shared>> -> memref<10112x144xf32, #tpu.memory_space<vmem_shared>>
        tpu.wait_indirect_dma semaphore(%run_scoped3A_220 : memref<!tpu.dma_semaphore, #tpu.memory_space<semaphore_mem>>) src(%arg13 : memref<80x144xf32, #tpu.memory_space<vmem>>) dst(%dma_wait3A_232 : memref<10112x144xf32, #tpu.memory_space<vmem_shared>>)
        tpu.yield
      }) : () -> ()
      %add3A_162 = arith.constant 2 : i32
      %add3A_163 = arith.addi %add3A_120, %add3A_162 : i32
      %lt3A_164 = arith.constant 130 : i32
      %lt3A_165 = arith.cmpi slt, %add3A_163, %lt3A_164 : i32
      %convert_element_type3A = arith.extui %lt3A_165 : i1 to i32
      %cond3A = arith.constant 0 : i32
      %cond3A_166 = arith.cmpi ne, %convert_element_type3A, %cond3A : i32
      scf.if %cond3A_166 {
        %add3A_220 = arith.constant 2 : i32
        %add3A_221 = arith.addi %add3A_120, %add3A_220 : i32
        %mul3A_222 = arith.constant 80 : i32
        %mul3A_223 = arith.muli %add3A_221, %mul3A_222 : i32
        %add3A_224 = arith.addi %mul3A_18, %mul3A_223 : i32
        %run_scoped3A_225 = arith.constant 0 : i32
        "tpu.region"() ({
          %run_scoped3A_263 = tpu.sem_alloc : memref<!tpu.dma_semaphore, #tpu.memory_space<semaphore_mem>>
          %dma_start3A_264 = arith.constant 0 : i32
          %dma_start3A_265 = tpu.memref_slice %arg8[%run_scoped3A_225, %dma_start3A_264] : memref<2x80xi32, #tpu.memory_space<vmem>> -> memref<1x80xi32, #tpu.memory_space<vmem>>
          %dma_start3A_266 = tpu.memref_squeeze %dma_start3A_265 : memref<1x80xi32, #tpu.memory_space<vmem>> -> memref<80xi32, #tpu.memory_space<vmem>>
          %dma_start3A_267 = tpu.memref_slice %arg2[%add3A_224] : memref<332800xi32, #tpu.memory_space<hbm>> -> memref<80xi32, #tpu.memory_space<hbm>>
          %dma_start3A_268 = arith.constant 0 : i32
          %dma_start3A_269 = tpu.memref_slice %arg8[%run_scoped3A_225, %dma_start3A_268] : memref<2x80xi32, #tpu.memory_space<vmem>> -> memref<1x80xi32, #tpu.memory_space<vmem>>
          %dma_start3A_270 = tpu.memref_squeeze %dma_start3A_269 : memref<1x80xi32, #tpu.memory_space<vmem>> -> memref<80xi32, #tpu.memory_space<vmem>>
          %dma_start3A_271 = tpu.memref_slice %arg2[%add3A_224] : memref<332800xi32, #tpu.memory_space<hbm>> -> memref<80xi32, #tpu.memory_space<hbm>>
          tpu.enqueue_dma source(%dma_start3A_271 : memref<80xi32, #tpu.memory_space<hbm>>) target(%dma_start3A_270 : memref<80xi32, #tpu.memory_space<vmem>>) target_semaphore(%run_scoped3A_263 : memref<!tpu.dma_semaphore, #tpu.memory_space<semaphore_mem>>)
          %dma_wait3A_272 = arith.constant 0 : i32
          %dma_wait3A_273 = tpu.memref_slice %arg8[%run_scoped3A_225, %dma_wait3A_272] : memref<2x80xi32, #tpu.memory_space<vmem>> -> memref<1x80xi32, #tpu.memory_space<vmem>>
          %dma_wait3A_274 = tpu.memref_squeeze %dma_wait3A_273 : memref<1x80xi32, #tpu.memory_space<vmem>> -> memref<80xi32, #tpu.memory_space<vmem>>
          %dma_wait3A_275 = tpu.memref_slice %arg2[%add3A_224] : memref<332800xi32, #tpu.memory_space<hbm>> -> memref<80xi32, #tpu.memory_space<hbm>>
          %dma_wait3A_276 = arith.constant 0 : i32
          %dma_wait3A_277 = tpu.memref_slice %arg8[%run_scoped3A_225, %dma_wait3A_276] : memref<2x80xi32, #tpu.memory_space<vmem>> -> memref<1x80xi32, #tpu.memory_space<vmem>>
          %dma_wait3A_278 = tpu.memref_squeeze %dma_wait3A_277 : memref<1x80xi32, #tpu.memory_space<vmem>> -> memref<80xi32, #tpu.memory_space<vmem>>
          %dma_wait3A_279 = tpu.memref_slice %arg2[%add3A_224] : memref<332800xi32, #tpu.memory_space<hbm>> -> memref<80xi32, #tpu.memory_space<hbm>>
          tpu.wait_dma2 semaphore(%run_scoped3A_263 : memref<!tpu.dma_semaphore, #tpu.memory_space<semaphore_mem>>) src(%dma_wait3A_279 : memref<80xi32, #tpu.memory_space<hbm>>) dst(%dma_wait3A_278 : memref<80xi32, #tpu.memory_space<vmem>>)
          tpu.yield
        }) : () -> ()
        %run_scoped3A_226 = arith.constant 0 : i32
        "tpu.region"() ({
          %run_scoped3A_263 = tpu.sem_alloc : memref<!tpu.dma_semaphore, #tpu.memory_space<semaphore_mem>>
          %dma_start3A_264 = arith.constant 0 : i32
          %dma_start3A_265 = tpu.memref_slice %arg9[%run_scoped3A_226, %dma_start3A_264] : memref<2x80xi32, #tpu.memory_space<vmem>> -> memref<1x80xi32, #tpu.memory_space<vmem>>
          %dma_start3A_266 = tpu.memref_squeeze %dma_start3A_265 : memref<1x80xi32, #tpu.memory_space<vmem>> -> memref<80xi32, #tpu.memory_space<vmem>>
          %dma_start3A_267 = tpu.memref_slice %arg3[%add3A_224] : memref<332800xi32, #tpu.memory_space<hbm>> -> memref<80xi32, #tpu.memory_space<hbm>>
          %dma_start3A_268 = arith.constant 0 : i32
          %dma_start3A_269 = tpu.memref_slice %arg9[%run_scoped3A_226, %dma_start3A_268] : memref<2x80xi32, #tpu.memory_space<vmem>> -> memref<1x80xi32, #tpu.memory_space<vmem>>
          %dma_start3A_270 = tpu.memref_squeeze %dma_start3A_269 : memref<1x80xi32, #tpu.memory_space<vmem>> -> memref<80xi32, #tpu.memory_space<vmem>>
          %dma_start3A_271 = tpu.memref_slice %arg3[%add3A_224] : memref<332800xi32, #tpu.memory_space<hbm>> -> memref<80xi32, #tpu.memory_space<hbm>>
          tpu.enqueue_dma source(%dma_start3A_271 : memref<80xi32, #tpu.memory_space<hbm>>) target(%dma_start3A_270 : memref<80xi32, #tpu.memory_space<vmem>>) target_semaphore(%run_scoped3A_263 : memref<!tpu.dma_semaphore, #tpu.memory_space<semaphore_mem>>)
          %dma_wait3A_272 = arith.constant 0 : i32
          %dma_wait3A_273 = tpu.memref_slice %arg9[%run_scoped3A_226, %dma_wait3A_272] : memref<2x80xi32, #tpu.memory_space<vmem>> -> memref<1x80xi32, #tpu.memory_space<vmem>>
          %dma_wait3A_274 = tpu.memref_squeeze %dma_wait3A_273 : memref<1x80xi32, #tpu.memory_space<vmem>> -> memref<80xi32, #tpu.memory_space<vmem>>
          %dma_wait3A_275 = tpu.memref_slice %arg3[%add3A_224] : memref<332800xi32, #tpu.memory_space<hbm>> -> memref<80xi32, #tpu.memory_space<hbm>>
          %dma_wait3A_276 = arith.constant 0 : i32
          %dma_wait3A_277 = tpu.memref_slice %arg9[%run_scoped3A_226, %dma_wait3A_276] : memref<2x80xi32, #tpu.memory_space<vmem>> -> memref<1x80xi32, #tpu.memory_space<vmem>>
          %dma_wait3A_278 = tpu.memref_squeeze %dma_wait3A_277 : memref<1x80xi32, #tpu.memory_space<vmem>> -> memref<80xi32, #tpu.memory_space<vmem>>
          %dma_wait3A_279 = tpu.memref_slice %arg3[%add3A_224] : memref<332800xi32, #tpu.memory_space<hbm>> -> memref<80xi32, #tpu.memory_space<hbm>>
          tpu.wait_dma2 semaphore(%run_scoped3A_263 : memref<!tpu.dma_semaphore, #tpu.memory_space<semaphore_mem>>) src(%dma_wait3A_279 : memref<80xi32, #tpu.memory_space<hbm>>) dst(%dma_wait3A_278 : memref<80xi32, #tpu.memory_space<vmem>>)
          tpu.yield
        }) : () -> ()
        %dma_start3A_227 = arith.constant 0 : i32
        %dma_start3A_228 = arith.constant 0 : i32
        %dma_start3A_229 = arith.constant 0 : i32
        %dma_start3A_230 = arith.constant 0 : i32
        %dma_start3A_231 = tpu.memref_slice %arg10[%dma_start3A_228, %dma_start3A_229, %dma_start3A_230] : memref<2x80x16xf32, #tpu.memory_space<vmem>> -> memref<1x80x16xf32, #tpu.memory_space<vmem>>
        %dma_start3A_232 = tpu.memref_squeeze %dma_start3A_231 : memref<1x80x16xf32, #tpu.memory_space<vmem>> -> memref<80x16xf32, #tpu.memory_space<vmem>>
        %dma_start3A_233 = arith.constant 0 : i32
        %dma_start3A_234 = tpu.memref_slice %arg8[%dma_start3A_227, %dma_start3A_233] : memref<2x80xi32, #tpu.memory_space<vmem>> -> memref<1x80xi32, #tpu.memory_space<vmem>>
        %dma_start3A_235 = tpu.memref_squeeze %dma_start3A_234 : memref<1x80xi32, #tpu.memory_space<vmem>> -> memref<80xi32, #tpu.memory_space<vmem>>
        %dma_start3A_236 = arith.constant 0 : i32
        %dma_start3A_237 = arith.constant 0 : i32
        %dma_start3A_238 = tpu.memref_slice %arg4[%dma_start3A_236, %dma_start3A_237] : memref<10112x16xf32, #tpu.memory_space<hbm>> -> memref<10112x16xf32, #tpu.memory_space<hbm>>
        tpu.enqueue_indirect_dma source(%dma_start3A_238 : memref<10112x16xf32, #tpu.memory_space<hbm>>) target(%dma_start3A_232 : memref<80x16xf32, #tpu.memory_space<vmem>>) offsets(%dma_start3A_235 : memref<80xi32, #tpu.memory_space<vmem>>) semaphore(%arg15 : memref<!tpu.dma_semaphore, #tpu.memory_space<semaphore_mem>>)
        %dma_start3A_239 = arith.constant 0 : i32
        %dma_start3A_240 = arith.constant 0 : i32
        %dma_start3A_241 = arith.constant 0 : i32
        %dma_start3A_242 = arith.constant 0 : i32
        %dma_start3A_243 = tpu.memref_slice %arg11[%dma_start3A_240, %dma_start3A_241, %dma_start3A_242] : memref<2x80x16xf32, #tpu.memory_space<vmem>> -> memref<1x80x16xf32, #tpu.memory_space<vmem>>
        %dma_start3A_244 = tpu.memref_squeeze %dma_start3A_243 : memref<1x80x16xf32, #tpu.memory_space<vmem>> -> memref<80x16xf32, #tpu.memory_space<vmem>>
        %dma_start3A_245 = arith.constant 0 : i32
        %dma_start3A_246 = tpu.memref_slice %arg9[%dma_start3A_239, %dma_start3A_245] : memref<2x80xi32, #tpu.memory_space<vmem>> -> memref<1x80xi32, #tpu.memory_space<vmem>>
        %dma_start3A_247 = tpu.memref_squeeze %dma_start3A_246 : memref<1x80xi32, #tpu.memory_space<vmem>> -> memref<80xi32, #tpu.memory_space<vmem>>
        %dma_start3A_248 = arith.constant 0 : i32
        %dma_start3A_249 = arith.constant 0 : i32
        %dma_start3A_250 = tpu.memref_slice %arg5[%dma_start3A_248, %dma_start3A_249] : memref<10112x16xf32, #tpu.memory_space<hbm>> -> memref<10112x16xf32, #tpu.memory_space<hbm>>
        tpu.enqueue_indirect_dma source(%dma_start3A_250 : memref<10112x16xf32, #tpu.memory_space<hbm>>) target(%dma_start3A_244 : memref<80x16xf32, #tpu.memory_space<vmem>>) offsets(%dma_start3A_247 : memref<80xi32, #tpu.memory_space<vmem>>) semaphore(%arg16 : memref<!tpu.dma_semaphore, #tpu.memory_space<semaphore_mem>>)
        %dma_start3A_251 = arith.constant 0 : i32
        %dma_start3A_252 = arith.constant 0 : i32
        %dma_start3A_253 = arith.constant 0 : i32
        %dma_start3A_254 = arith.constant 0 : i32
        %dma_start3A_255 = tpu.memref_slice %arg12[%dma_start3A_252, %dma_start3A_253, %dma_start3A_254] : memref<2x80x128xf32, #tpu.memory_space<vmem>> -> memref<1x80x128xf32, #tpu.memory_space<vmem>>
        %dma_start3A_256 = tpu.memref_squeeze %dma_start3A_255 : memref<1x80x128xf32, #tpu.memory_space<vmem>> -> memref<80x128xf32, #tpu.memory_space<vmem>>
        %dma_start3A_257 = arith.constant 0 : i32
        %dma_start3A_258 = tpu.memref_slice %arg8[%dma_start3A_251, %dma_start3A_257] : memref<2x80xi32, #tpu.memory_space<vmem>> -> memref<1x80xi32, #tpu.memory_space<vmem>>
        %dma_start3A_259 = tpu.memref_squeeze %dma_start3A_258 : memref<1x80xi32, #tpu.memory_space<vmem>> -> memref<80xi32, #tpu.memory_space<vmem>>
        %dma_start3A_260 = arith.constant 0 : i32
        %dma_start3A_261 = arith.constant 0 : i32
        %dma_start3A_262 = tpu.memref_slice %arg6[%dma_start3A_260, %dma_start3A_261] : memref<10112x128xf32, #tpu.memory_space<hbm>> -> memref<10112x128xf32, #tpu.memory_space<hbm>>
        tpu.enqueue_indirect_dma source(%dma_start3A_262 : memref<10112x128xf32, #tpu.memory_space<hbm>>) target(%dma_start3A_256 : memref<80x128xf32, #tpu.memory_space<vmem>>) offsets(%dma_start3A_259 : memref<80xi32, #tpu.memory_space<vmem>>) semaphore(%arg17 : memref<!tpu.dma_semaphore, #tpu.memory_space<semaphore_mem>>)
      } else {
      }
      %mul3A_167 = arith.constant 2 : i32
      %mul3A_168 = arith.muli %add3A_116, %mul3A_167 : i32
      %add3A_169 = arith.constant 1 : i32
      %add3A_170 = arith.addi %mul3A_168, %add3A_169 : i32
      %dma_wait3A_171 = arith.constant 1 : i32
      %dma_wait3A_172 = arith.constant 1 : i32
      %dma_wait3A_173 = arith.constant 0 : i32
      %dma_wait3A_174 = arith.constant 0 : i32
      %dma_wait3A_175 = tpu.memref_slice %arg10[%dma_wait3A_172, %dma_wait3A_173, %dma_wait3A_174] : memref<2x80x16xf32, #tpu.memory_space<vmem>> -> memref<1x80x16xf32, #tpu.memory_space<vmem>>
      %dma_wait3A_176 = tpu.memref_squeeze %dma_wait3A_175 : memref<1x80x16xf32, #tpu.memory_space<vmem>> -> memref<80x16xf32, #tpu.memory_space<vmem>>
      %dma_wait3A_177 = arith.constant 0 : i32
      %dma_wait3A_178 = tpu.memref_slice %arg8[%dma_wait3A_171, %dma_wait3A_177] : memref<2x80xi32, #tpu.memory_space<vmem>> -> memref<1x80xi32, #tpu.memory_space<vmem>>
      %dma_wait3A_179 = tpu.memref_squeeze %dma_wait3A_178 : memref<1x80xi32, #tpu.memory_space<vmem>> -> memref<80xi32, #tpu.memory_space<vmem>>
      %dma_wait3A_180 = arith.constant 0 : i32
      %dma_wait3A_181 = arith.constant 0 : i32
      %dma_wait3A_182 = tpu.memref_slice %arg4[%dma_wait3A_180, %dma_wait3A_181] : memref<10112x16xf32, #tpu.memory_space<hbm>> -> memref<10112x16xf32, #tpu.memory_space<hbm>>
      tpu.wait_indirect_dma semaphore(%arg18 : memref<!tpu.dma_semaphore, #tpu.memory_space<semaphore_mem>>) src(%dma_wait3A_182 : memref<10112x16xf32, #tpu.memory_space<hbm>>) dst(%dma_wait3A_176 : memref<80x16xf32, #tpu.memory_space<vmem>>)
      %dma_wait3A_183 = arith.constant 1 : i32
      %dma_wait3A_184 = arith.constant 1 : i32
      %dma_wait3A_185 = arith.constant 0 : i32
      %dma_wait3A_186 = arith.constant 0 : i32
      %dma_wait3A_187 = tpu.memref_slice %arg11[%dma_wait3A_184, %dma_wait3A_185, %dma_wait3A_186] : memref<2x80x16xf32, #tpu.memory_space<vmem>> -> memref<1x80x16xf32, #tpu.memory_space<vmem>>
      %dma_wait3A_188 = tpu.memref_squeeze %dma_wait3A_187 : memref<1x80x16xf32, #tpu.memory_space<vmem>> -> memref<80x16xf32, #tpu.memory_space<vmem>>
      %dma_wait3A_189 = arith.constant 0 : i32
      %dma_wait3A_190 = tpu.memref_slice %arg9[%dma_wait3A_183, %dma_wait3A_189] : memref<2x80xi32, #tpu.memory_space<vmem>> -> memref<1x80xi32, #tpu.memory_space<vmem>>
      %dma_wait3A_191 = tpu.memref_squeeze %dma_wait3A_190 : memref<1x80xi32, #tpu.memory_space<vmem>> -> memref<80xi32, #tpu.memory_space<vmem>>
      %dma_wait3A_192 = arith.constant 0 : i32
      %dma_wait3A_193 = arith.constant 0 : i32
      %dma_wait3A_194 = tpu.memref_slice %arg5[%dma_wait3A_192, %dma_wait3A_193] : memref<10112x16xf32, #tpu.memory_space<hbm>> -> memref<10112x16xf32, #tpu.memory_space<hbm>>
      tpu.wait_indirect_dma semaphore(%arg19 : memref<!tpu.dma_semaphore, #tpu.memory_space<semaphore_mem>>) src(%dma_wait3A_194 : memref<10112x16xf32, #tpu.memory_space<hbm>>) dst(%dma_wait3A_188 : memref<80x16xf32, #tpu.memory_space<vmem>>)
      %dma_wait3A_195 = arith.constant 1 : i32
      %dma_wait3A_196 = arith.constant 1 : i32
      %dma_wait3A_197 = arith.constant 0 : i32
      %dma_wait3A_198 = arith.constant 0 : i32
      %dma_wait3A_199 = tpu.memref_slice %arg12[%dma_wait3A_196, %dma_wait3A_197, %dma_wait3A_198] : memref<2x80x128xf32, #tpu.memory_space<vmem>> -> memref<1x80x128xf32, #tpu.memory_space<vmem>>
      %dma_wait3A_200 = tpu.memref_squeeze %dma_wait3A_199 : memref<1x80x128xf32, #tpu.memory_space<vmem>> -> memref<80x128xf32, #tpu.memory_space<vmem>>
      %dma_wait3A_201 = arith.constant 0 : i32
      %dma_wait3A_202 = tpu.memref_slice %arg8[%dma_wait3A_195, %dma_wait3A_201] : memref<2x80xi32, #tpu.memory_space<vmem>> -> memref<1x80xi32, #tpu.memory_space<vmem>>
      %dma_wait3A_203 = tpu.memref_squeeze %dma_wait3A_202 : memref<1x80xi32, #tpu.memory_space<vmem>> -> memref<80xi32, #tpu.memory_space<vmem>>
      %dma_wait3A_204 = arith.constant 0 : i32
      %dma_wait3A_205 = arith.constant 0 : i32
      %dma_wait3A_206 = tpu.memref_slice %arg6[%dma_wait3A_204, %dma_wait3A_205] : memref<10112x128xf32, #tpu.memory_space<hbm>> -> memref<10112x128xf32, #tpu.memory_space<hbm>>
      tpu.wait_indirect_dma semaphore(%arg20 : memref<!tpu.dma_semaphore, #tpu.memory_space<semaphore_mem>>) src(%dma_wait3A_206 : memref<10112x128xf32, #tpu.memory_space<hbm>>) dst(%dma_wait3A_200 : memref<80x128xf32, #tpu.memory_space<vmem>>)
      %scan3A_207 = arith.constant 0 : i32
      %scan3A_208 = arith.constant 80 : i32
      %scan3A_209 = arith.addi %scan3A_207, %scan3A_208 : i32
      %scan3A_210 = arith.constant 1 : i32
      scf.for %scan3A_220 = %scan3A_207 to %scan3A_209 step %scan3A_210  : i32 {
        %mul3A_221 = arith.constant 1 : i32
        %mul3A_222 = arith.muli %scan3A_220, %mul3A_221 : i32
        %add3A_223 = arith.constant 0 : i32
        %add3A_224 = arith.addi %add3A_223, %mul3A_222 : i32
        %get3A = arith.constant 1 : i32
        %get3A_225 = arith.index_cast %get3A : i32 to index
        %get3A_226 = arith.index_cast %add3A_224 : i32 to index
        %get3A_227 = arith.constant 0 : index
        %get3A_228 = tpu.vector_load %arg10[%get3A_225, %get3A_226, %get3A_227] {strides = array<i32>} : memref<2x80x16xf32, #tpu.memory_space<vmem>>, vector<1x1x16xf32>,
        %get3A_229 = vector.shape_cast %get3A_228 : vector<1x1x16xf32> to vector<16xf32>
        %get3A_230 = arith.constant 1 : i32
        %get3A_231 = arith.index_cast %get3A_230 : i32 to index
        %get3A_232 = arith.index_cast %add3A_224 : i32 to index
        %get3A_233 = arith.constant 0 : index
        %get3A_234 = tpu.vector_load %arg11[%get3A_231, %get3A_232, %get3A_233] {strides = array<i32>} : memref<2x80x16xf32, #tpu.memory_space<vmem>>, vector<1x1x16xf32>,
        %get3A_235 = vector.shape_cast %get3A_234 : vector<1x1x16xf32> to vector<16xf32>
        %add3A_236 = arith.addf %get3A_229, %get3A_235 : vector<16xf32>
        %mul3A_237 = arith.constant 2.000000e-01 : f32
        %mul3A_238 = vector.broadcast %mul3A_237 : f32 to vector<16xf32>
        %mul3A_239 = arith.mulf %mul3A_238, %add3A_236 : vector<16xf32>
        %max3A = arith.maximumf %add3A_236, %mul3A_239 : vector<16xf32>
        %exp3A = math.exp %max3A : vector<16xf32>
        %jit3A = arith.constant 0.000000e+00 : f32
        %broadcast_in_dim3A_240 = vector.broadcast %jit3A : f32 to vector<16xf32>
        %select_n3A = arith.select %lt3A_3, %exp3A, %broadcast_in_dim3A_240 : vector<16xi1>, vector<16xf32>
        %swap3A = arith.index_cast %add3A_224 : i32 to index
        %swap3A_241 = arith.constant 128 : index
        %swap3A_242 = tpu.vector_load %arg13[%swap3A, %swap3A_241] {strides = array<i32>} : memref<80x144xf32, #tpu.memory_space<vmem>>, vector<1x16xf32>,
        %swap3A_243 = vector.shape_cast %swap3A_242 : vector<1x16xf32> to vector<16xf32>
        %swap3A_244 = vector.shape_cast %select_n3A : vector<16xf32> to vector<1x16xf32>
        tpu.vector_store %arg13[%swap3A, %swap3A_241], %swap3A_244 {strides = array<i32>} : memref<80x144xf32, #tpu.memory_space<vmem>>, vector<1x16xf32>,
        %slice3A = vector.extract_strided_slice %exp3A {offsets = [0], sizes = [1], strides = [1]} : vector<16xf32> to vector<1xf32>
        %squeeze3A = vector.extract %slice3A[0] : f32 from vector<1xf32>
        %get3A_245 = arith.constant 1 : i32
        %get3A_246 = arith.index_cast %get3A_245 : i32 to index
        %get3A_247 = arith.index_cast %add3A_224 : i32 to index
        %get3A_248 = arith.constant 0 : index
        %get3A_249 = tpu.vector_load %arg12[%get3A_246, %get3A_247, %get3A_248] {strides = array<i32>} : memref<2x80x128xf32, #tpu.memory_space<vmem>>, vector<1x1x16xf32>,
        %get3A_250 = vector.shape_cast %get3A_249 : vector<1x1x16xf32> to vector<16xf32>
        %mul3A_251 = vector.broadcast %squeeze3A : f32 to vector<16xf32>
        %mul3A_252 = arith.mulf %get3A_250, %mul3A_251 : vector<16xf32>
        %swap3A_253 = arith.index_cast %add3A_224 : i32 to index
        %swap3A_254 = arith.constant 0 : index
        %swap3A_255 = tpu.vector_load %arg13[%swap3A_253, %swap3A_254] {strides = array<i32>} : memref<80x144xf32, #tpu.memory_space<vmem>>, vector<1x16xf32>,
        %swap3A_256 = vector.shape_cast %swap3A_255 : vector<1x16xf32> to vector<16xf32>
        %swap3A_257 = vector.shape_cast %mul3A_252 : vector<16xf32> to vector<1x16xf32>
        tpu.vector_store %arg13[%swap3A_253, %swap3A_254], %swap3A_257 {strides = array<i32>} : memref<80x144xf32, #tpu.memory_space<vmem>>, vector<1x16xf32>,
        %get3A_258 = arith.constant 1 : i32
        %get3A_259 = arith.index_cast %get3A_258 : i32 to index
        %get3A_260 = arith.index_cast %add3A_224 : i32 to index
        %get3A_261 = arith.constant 16 : index
        %get3A_262 = tpu.vector_load %arg12[%get3A_259, %get3A_260, %get3A_261] {strides = array<i32>} : memref<2x80x128xf32, #tpu.memory_space<vmem>>, vector<1x1x16xf32>,
        %get3A_263 = vector.shape_cast %get3A_262 : vector<1x1x16xf32> to vector<16xf32>
        %mul3A_264 = vector.broadcast %squeeze3A : f32 to vector<16xf32>
        %mul3A_265 = arith.mulf %get3A_263, %mul3A_264 : vector<16xf32>
        %swap3A_266 = arith.index_cast %add3A_224 : i32 to index
        %swap3A_267 = arith.constant 16 : index
        %swap3A_268 = tpu.vector_load %arg13[%swap3A_266, %swap3A_267] {strides = array<i32>} : memref<80x144xf32, #tpu.memory_space<vmem>>, vector<1x16xf32>,
        %swap3A_269 = vector.shape_cast %swap3A_268 : vector<1x16xf32> to vector<16xf32>
        %swap3A_270 = vector.shape_cast %mul3A_265 : vector<16xf32> to vector<1x16xf32>
        tpu.vector_store %arg13[%swap3A_266, %swap3A_267], %swap3A_270 {strides = array<i32>} : memref<80x144xf32, #tpu.memory_space<vmem>>, vector<1x16xf32>,
        %slice3A_271 = vector.extract_strided_slice %exp3A {offsets = [1], sizes = [1], strides = [1]} : vector<16xf32> to vector<1xf32>
        %squeeze3A_272 = vector.extract %slice3A_271[0] : f32 from vector<1xf32>
        %get3A_273 = arith.constant 1 : i32
        %get3A_274 = arith.index_cast %get3A_273 : i32 to index
        %get3A_275 = arith.index_cast %add3A_224 : i32 to index
        %get3A_276 = arith.constant 32 : index
        %get3A_277 = tpu.vector_load %arg12[%get3A_274, %get3A_275, %get3A_276] {strides = array<i32>} : memref<2x80x128xf32, #tpu.memory_space<vmem>>, vector<1x1x16xf32>,
        %get3A_278 = vector.shape_cast %get3A_277 : vector<1x1x16xf32> to vector<16xf32>
        %mul3A_279 = vector.broadcast %squeeze3A_272 : f32 to vector<16xf32>
        %mul3A_280 = arith.mulf %get3A_278, %mul3A_279 : vector<16xf32>
        %swap3A_281 = arith.index_cast %add3A_224 : i32 to index
        %swap3A_282 = arith.constant 32 : index
        %swap3A_283 = tpu.vector_load %arg13[%swap3A_281, %swap3A_282] {strides = array<i32>} : memref<80x144xf32, #tpu.memory_space<vmem>>, vector<1x16xf32>,
        %swap3A_284 = vector.shape_cast %swap3A_283 : vector<1x16xf32> to vector<16xf32>
        %swap3A_285 = vector.shape_cast %mul3A_280 : vector<16xf32> to vector<1x16xf32>
        tpu.vector_store %arg13[%swap3A_281, %swap3A_282], %swap3A_285 {strides = array<i32>} : memref<80x144xf32, #tpu.memory_space<vmem>>, vector<1x16xf32>,
        %get3A_286 = arith.constant 1 : i32
        %get3A_287 = arith.index_cast %get3A_286 : i32 to index
        %get3A_288 = arith.index_cast %add3A_224 : i32 to index
        %get3A_289 = arith.constant 48 : index
        %get3A_290 = tpu.vector_load %arg12[%get3A_287, %get3A_288, %get3A_289] {strides = array<i32>} : memref<2x80x128xf32, #tpu.memory_space<vmem>>, vector<1x1x16xf32>,
        %get3A_291 = vector.shape_cast %get3A_290 : vector<1x1x16xf32> to vector<16xf32>
        %mul3A_292 = vector.broadcast %squeeze3A_272 : f32 to vector<16xf32>
        %mul3A_293 = arith.mulf %get3A_291, %mul3A_292 : vector<16xf32>
        %swap3A_294 = arith.index_cast %add3A_224 : i32 to index
        %swap3A_295 = arith.constant 48 : index
        %swap3A_296 = tpu.vector_load %arg13[%swap3A_294, %swap3A_295] {strides = array<i32>} : memref<80x144xf32, #tpu.memory_space<vmem>>, vector<1x16xf32>,
        %swap3A_297 = vector.shape_cast %swap3A_296 : vector<1x16xf32> to vector<16xf32>
        %swap3A_298 = vector.shape_cast %mul3A_293 : vector<16xf32> to vector<1x16xf32>
        tpu.vector_store %arg13[%swap3A_294, %swap3A_295], %swap3A_298 {strides = array<i32>} : memref<80x144xf32, #tpu.memory_space<vmem>>, vector<1x16xf32>,
        %slice3A_299 = vector.extract_strided_slice %exp3A {offsets = [2], sizes = [1], strides = [1]} : vector<16xf32> to vector<1xf32>
        %squeeze3A_300 = vector.extract %slice3A_299[0] : f32 from vector<1xf32>
        %get3A_301 = arith.constant 1 : i32
        %get3A_302 = arith.index_cast %get3A_301 : i32 to index
        %get3A_303 = arith.index_cast %add3A_224 : i32 to index
        %get3A_304 = arith.constant 64 : index
        %get3A_305 = tpu.vector_load %arg12[%get3A_302, %get3A_303, %get3A_304] {strides = array<i32>} : memref<2x80x128xf32, #tpu.memory_space<vmem>>, vector<1x1x16xf32>,
        %get3A_306 = vector.shape_cast %get3A_305 : vector<1x1x16xf32> to vector<16xf32>
        %mul3A_307 = vector.broadcast %squeeze3A_300 : f32 to vector<16xf32>
        %mul3A_308 = arith.mulf %get3A_306, %mul3A_307 : vector<16xf32>
        %swap3A_309 = arith.index_cast %add3A_224 : i32 to index
        %swap3A_310 = arith.constant 64 : index
        %swap3A_311 = tpu.vector_load %arg13[%swap3A_309, %swap3A_310] {strides = array<i32>} : memref<80x144xf32, #tpu.memory_space<vmem>>, vector<1x16xf32>,
        %swap3A_312 = vector.shape_cast %swap3A_311 : vector<1x16xf32> to vector<16xf32>
        %swap3A_313 = vector.shape_cast %mul3A_308 : vector<16xf32> to vector<1x16xf32>
        tpu.vector_store %arg13[%swap3A_309, %swap3A_310], %swap3A_313 {strides = array<i32>} : memref<80x144xf32, #tpu.memory_space<vmem>>, vector<1x16xf32>,
        %get3A_314 = arith.constant 1 : i32
        %get3A_315 = arith.index_cast %get3A_314 : i32 to index
        %get3A_316 = arith.index_cast %add3A_224 : i32 to index
        %get3A_317 = arith.constant 80 : index
        %get3A_318 = tpu.vector_load %arg12[%get3A_315, %get3A_316, %get3A_317] {strides = array<i32>} : memref<2x80x128xf32, #tpu.memory_space<vmem>>, vector<1x1x16xf32>,
        %get3A_319 = vector.shape_cast %get3A_318 : vector<1x1x16xf32> to vector<16xf32>
        %mul3A_320 = vector.broadcast %squeeze3A_300 : f32 to vector<16xf32>
        %mul3A_321 = arith.mulf %get3A_319, %mul3A_320 : vector<16xf32>
        %swap3A_322 = arith.index_cast %add3A_224 : i32 to index
        %swap3A_323 = arith.constant 80 : index
        %swap3A_324 = tpu.vector_load %arg13[%swap3A_322, %swap3A_323] {strides = array<i32>} : memref<80x144xf32, #tpu.memory_space<vmem>>, vector<1x16xf32>,
        %swap3A_325 = vector.shape_cast %swap3A_324 : vector<1x16xf32> to vector<16xf32>
        %swap3A_326 = vector.shape_cast %mul3A_321 : vector<16xf32> to vector<1x16xf32>
        tpu.vector_store %arg13[%swap3A_322, %swap3A_323], %swap3A_326 {strides = array<i32>} : memref<80x144xf32, #tpu.memory_space<vmem>>, vector<1x16xf32>,
        %slice3A_327 = vector.extract_strided_slice %exp3A {offsets = [3], sizes = [1], strides = [1]} : vector<16xf32> to vector<1xf32>
        %squeeze3A_328 = vector.extract %slice3A_327[0] : f32 from vector<1xf32>
        %get3A_329 = arith.constant 1 : i32
        %get3A_330 = arith.index_cast %get3A_329 : i32 to index
        %get3A_331 = arith.index_cast %add3A_224 : i32 to index
        %get3A_332 = arith.constant 96 : index
        %get3A_333 = tpu.vector_load %arg12[%get3A_330, %get3A_331, %get3A_332] {strides = array<i32>} : memref<2x80x128xf32, #tpu.memory_space<vmem>>, vector<1x1x16xf32>,
        %get3A_334 = vector.shape_cast %get3A_333 : vector<1x1x16xf32> to vector<16xf32>
        %mul3A_335 = vector.broadcast %squeeze3A_328 : f32 to vector<16xf32>
        %mul3A_336 = arith.mulf %get3A_334, %mul3A_335 : vector<16xf32>
        %swap3A_337 = arith.index_cast %add3A_224 : i32 to index
        %swap3A_338 = arith.constant 96 : index
        %swap3A_339 = tpu.vector_load %arg13[%swap3A_337, %swap3A_338] {strides = array<i32>} : memref<80x144xf32, #tpu.memory_space<vmem>>, vector<1x16xf32>,
        %swap3A_340 = vector.shape_cast %swap3A_339 : vector<1x16xf32> to vector<16xf32>
        %swap3A_341 = vector.shape_cast %mul3A_336 : vector<16xf32> to vector<1x16xf32>
        tpu.vector_store %arg13[%swap3A_337, %swap3A_338], %swap3A_341 {strides = array<i32>} : memref<80x144xf32, #tpu.memory_space<vmem>>, vector<1x16xf32>,
        %get3A_342 = arith.constant 1 : i32
        %get3A_343 = arith.index_cast %get3A_342 : i32 to index
        %get3A_344 = arith.index_cast %add3A_224 : i32 to index
        %get3A_345 = arith.constant 112 : index
        %get3A_346 = tpu.vector_load %arg12[%get3A_343, %get3A_344, %get3A_345] {strides = array<i32>} : memref<2x80x128xf32, #tpu.memory_space<vmem>>, vector<1x1x16xf32>,
        %get3A_347 = vector.shape_cast %get3A_346 : vector<1x1x16xf32> to vector<16xf32>
        %mul3A_348 = vector.broadcast %squeeze3A_328 : f32 to vector<16xf32>
        %mul3A_349 = arith.mulf %get3A_347, %mul3A_348 : vector<16xf32>
        %swap3A_350 = arith.index_cast %add3A_224 : i32 to index
        %swap3A_351 = arith.constant 112 : index
        %swap3A_352 = tpu.vector_load %arg13[%swap3A_350, %swap3A_351] {strides = array<i32>} : memref<80x144xf32, #tpu.memory_space<vmem>>, vector<1x16xf32>,
        %swap3A_353 = vector.shape_cast %swap3A_352 : vector<1x16xf32> to vector<16xf32>
        %swap3A_354 = vector.shape_cast %mul3A_349 : vector<16xf32> to vector<1x16xf32>
        tpu.vector_store %arg13[%swap3A_350, %swap3A_351], %swap3A_354 {strides = array<i32>} : memref<80x144xf32, #tpu.memory_space<vmem>>, vector<1x16xf32>,
      }
      %scan3A_211 = arith.constant 80 : i32
      %run_scoped3A_212 = arith.constant 1 : i32
      "tpu.region"() ({
        %run_scoped3A_220 = tpu.sem_alloc : memref<!tpu.dma_semaphore, #tpu.memory_space<semaphore_mem>>
        %dma_start3A_221 = arith.constant 0 : i32
        %dma_start3A_222 = tpu.memref_slice %arg9[%run_scoped3A_212, %dma_start3A_221] : memref<2x80xi32, #tpu.memory_space<vmem>> -> memref<1x80xi32, #tpu.memory_space<vmem>>
        %dma_start3A_223 = tpu.memref_squeeze %dma_start3A_222 : memref<1x80xi32, #tpu.memory_space<vmem>> -> memref<80xi32, #tpu.memory_space<vmem>>
        %dma_start3A_224 = arith.constant 0 : i32
        %dma_start3A_225 = arith.constant 0 : i32
        %dma_start3A_226 = tpu.memref_slice %arg14[%dma_start3A_224, %dma_start3A_225] : memref<10112x144xf32, #tpu.memory_space<vmem_shared>> -> memref<10112x144xf32, #tpu.memory_space<vmem_shared>>
        tpu.enqueue_indirect_dma source(%arg13 : memref<80x144xf32, #tpu.memory_space<vmem>>) target(%dma_start3A_226 : memref<10112x144xf32, #tpu.memory_space<vmem_shared>>) offsets(%dma_start3A_223 : memref<80xi32, #tpu.memory_space<vmem>>) semaphore(%run_scoped3A_220 : memref<!tpu.dma_semaphore, #tpu.memory_space<semaphore_mem>>) {add = true}
        %dma_wait3A_227 = arith.constant 0 : i32
        %dma_wait3A_228 = tpu.memref_slice %arg9[%run_scoped3A_212, %dma_wait3A_227] : memref<2x80xi32, #tpu.memory_space<vmem>> -> memref<1x80xi32, #tpu.memory_space<vmem>>
        %dma_wait3A_229 = tpu.memref_squeeze %dma_wait3A_228 : memref<1x80xi32, #tpu.memory_space<vmem>> -> memref<80xi32, #tpu.memory_space<vmem>>
        %dma_wait3A_230 = arith.constant 0 : i32
        %dma_wait3A_231 = arith.constant 0 : i32
        %dma_wait3A_232 = tpu.memref_slice %arg14[%dma_wait3A_230, %dma_wait3A_231] : memref<10112x144xf32, #tpu.memory_space<vmem_shared>> -> memref<10112x144xf32, #tpu.memory_space<vmem_shared>>
        tpu.wait_indirect_dma semaphore(%run_scoped3A_220 : memref<!tpu.dma_semaphore, #tpu.memory_space<semaphore_mem>>) src(%arg13 : memref<80x144xf32, #tpu.memory_space<vmem>>) dst(%dma_wait3A_232 : memref<10112x144xf32, #tpu.memory_space<vmem_shared>>)
        tpu.yield
      }) : () -> ()
      %add3A_213 = arith.constant 2 : i32
      %add3A_214 = arith.addi %add3A_170, %add3A_213 : i32
      %lt3A_215 = arith.constant 130 : i32
      %lt3A_216 = arith.cmpi slt, %add3A_214, %lt3A_215 : i32
      %convert_element_type3A_217 = arith.extui %lt3A_216 : i1 to i32
      %cond3A_218 = arith.constant 0 : i32
      %cond3A_219 = arith.cmpi ne, %convert_element_type3A_217, %cond3A_218 : i32
      scf.if %cond3A_219 {
        %add3A_220 = arith.constant 2 : i32
        %add3A_221 = arith.addi %add3A_170, %add3A_220 : i32
        %mul3A_222 = arith.constant 80 : i32
        %mul3A_223 = arith.muli %add3A_221, %mul3A_222 : i32
        %add3A_224 = arith.addi %mul3A_18, %mul3A_223 : i32
        %run_scoped3A_225 = arith.constant 1 : i32
        "tpu.region"() ({
          %run_scoped3A_263 = tpu.sem_alloc : memref<!tpu.dma_semaphore, #tpu.memory_space<semaphore_mem>>
          %dma_start3A_264 = arith.constant 0 : i32
          %dma_start3A_265 = tpu.memref_slice %arg8[%run_scoped3A_225, %dma_start3A_264] : memref<2x80xi32, #tpu.memory_space<vmem>> -> memref<1x80xi32, #tpu.memory_space<vmem>>
          %dma_start3A_266 = tpu.memref_squeeze %dma_start3A_265 : memref<1x80xi32, #tpu.memory_space<vmem>> -> memref<80xi32, #tpu.memory_space<vmem>>
          %dma_start3A_267 = tpu.memref_slice %arg2[%add3A_224] : memref<332800xi32, #tpu.memory_space<hbm>> -> memref<80xi32, #tpu.memory_space<hbm>>
          %dma_start3A_268 = arith.constant 0 : i32
          %dma_start3A_269 = tpu.memref_slice %arg8[%run_scoped3A_225, %dma_start3A_268] : memref<2x80xi32, #tpu.memory_space<vmem>> -> memref<1x80xi32, #tpu.memory_space<vmem>>
          %dma_start3A_270 = tpu.memref_squeeze %dma_start3A_269 : memref<1x80xi32, #tpu.memory_space<vmem>> -> memref<80xi32, #tpu.memory_space<vmem>>
          %dma_start3A_271 = tpu.memref_slice %arg2[%add3A_224] : memref<332800xi32, #tpu.memory_space<hbm>> -> memref<80xi32, #tpu.memory_space<hbm>>
          tpu.enqueue_dma source(%dma_start3A_271 : memref<80xi32, #tpu.memory_space<hbm>>) target(%dma_start3A_270 : memref<80xi32, #tpu.memory_space<vmem>>) target_semaphore(%run_scoped3A_263 : memref<!tpu.dma_semaphore, #tpu.memory_space<semaphore_mem>>)
          %dma_wait3A_272 = arith.constant 0 : i32
          %dma_wait3A_273 = tpu.memref_slice %arg8[%run_scoped3A_225, %dma_wait3A_272] : memref<2x80xi32, #tpu.memory_space<vmem>> -> memref<1x80xi32, #tpu.memory_space<vmem>>
          %dma_wait3A_274 = tpu.memref_squeeze %dma_wait3A_273 : memref<1x80xi32, #tpu.memory_space<vmem>> -> memref<80xi32, #tpu.memory_space<vmem>>
          %dma_wait3A_275 = tpu.memref_slice %arg2[%add3A_224] : memref<332800xi32, #tpu.memory_space<hbm>> -> memref<80xi32, #tpu.memory_space<hbm>>
          %dma_wait3A_276 = arith.constant 0 : i32
          %dma_wait3A_277 = tpu.memref_slice %arg8[%run_scoped3A_225, %dma_wait3A_276] : memref<2x80xi32, #tpu.memory_space<vmem>> -> memref<1x80xi32, #tpu.memory_space<vmem>>
          %dma_wait3A_278 = tpu.memref_squeeze %dma_wait3A_277 : memref<1x80xi32, #tpu.memory_space<vmem>> -> memref<80xi32, #tpu.memory_space<vmem>>
          %dma_wait3A_279 = tpu.memref_slice %arg2[%add3A_224] : memref<332800xi32, #tpu.memory_space<hbm>> -> memref<80xi32, #tpu.memory_space<hbm>>
          tpu.wait_dma2 semaphore(%run_scoped3A_263 : memref<!tpu.dma_semaphore, #tpu.memory_space<semaphore_mem>>) src(%dma_wait3A_279 : memref<80xi32, #tpu.memory_space<hbm>>) dst(%dma_wait3A_278 : memref<80xi32, #tpu.memory_space<vmem>>)
          tpu.yield
        }) : () -> ()
        %run_scoped3A_226 = arith.constant 1 : i32
        "tpu.region"() ({
          %run_scoped3A_263 = tpu.sem_alloc : memref<!tpu.dma_semaphore, #tpu.memory_space<semaphore_mem>>
          %dma_start3A_264 = arith.constant 0 : i32
          %dma_start3A_265 = tpu.memref_slice %arg9[%run_scoped3A_226, %dma_start3A_264] : memref<2x80xi32, #tpu.memory_space<vmem>> -> memref<1x80xi32, #tpu.memory_space<vmem>>
          %dma_start3A_266 = tpu.memref_squeeze %dma_start3A_265 : memref<1x80xi32, #tpu.memory_space<vmem>> -> memref<80xi32, #tpu.memory_space<vmem>>
          %dma_start3A_267 = tpu.memref_slice %arg3[%add3A_224] : memref<332800xi32, #tpu.memory_space<hbm>> -> memref<80xi32, #tpu.memory_space<hbm>>
          %dma_start3A_268 = arith.constant 0 : i32
          %dma_start3A_269 = tpu.memref_slice %arg9[%run_scoped3A_226, %dma_start3A_268] : memref<2x80xi32, #tpu.memory_space<vmem>> -> memref<1x80xi32, #tpu.memory_space<vmem>>
          %dma_start3A_270 = tpu.memref_squeeze %dma_start3A_269 : memref<1x80xi32, #tpu.memory_space<vmem>> -> memref<80xi32, #tpu.memory_space<vmem>>
          %dma_start3A_271 = tpu.memref_slice %arg3[%add3A_224] : memref<332800xi32, #tpu.memory_space<hbm>> -> memref<80xi32, #tpu.memory_space<hbm>>
          tpu.enqueue_dma source(%dma_start3A_271 : memref<80xi32, #tpu.memory_space<hbm>>) target(%dma_start3A_270 : memref<80xi32, #tpu.memory_space<vmem>>) target_semaphore(%run_scoped3A_263 : memref<!tpu.dma_semaphore, #tpu.memory_space<semaphore_mem>>)
          %dma_wait3A_272 = arith.constant 0 : i32
          %dma_wait3A_273 = tpu.memref_slice %arg9[%run_scoped3A_226, %dma_wait3A_272] : memref<2x80xi32, #tpu.memory_space<vmem>> -> memref<1x80xi32, #tpu.memory_space<vmem>>
          %dma_wait3A_274 = tpu.memref_squeeze %dma_wait3A_273 : memref<1x80xi32, #tpu.memory_space<vmem>> -> memref<80xi32, #tpu.memory_space<vmem>>
          %dma_wait3A_275 = tpu.memref_slice %arg3[%add3A_224] : memref<332800xi32, #tpu.memory_space<hbm>> -> memref<80xi32, #tpu.memory_space<hbm>>
          %dma_wait3A_276 = arith.constant 0 : i32
          %dma_wait3A_277 = tpu.memref_slice %arg9[%run_scoped3A_226, %dma_wait3A_276] : memref<2x80xi32, #tpu.memory_space<vmem>> -> memref<1x80xi32, #tpu.memory_space<vmem>>
          %dma_wait3A_278 = tpu.memref_squeeze %dma_wait3A_277 : memref<1x80xi32, #tpu.memory_space<vmem>> -> memref<80xi32, #tpu.memory_space<vmem>>
          %dma_wait3A_279 = tpu.memref_slice %arg3[%add3A_224] : memref<332800xi32, #tpu.memory_space<hbm>> -> memref<80xi32, #tpu.memory_space<hbm>>
          tpu.wait_dma2 semaphore(%run_scoped3A_263 : memref<!tpu.dma_semaphore, #tpu.memory_space<semaphore_mem>>) src(%dma_wait3A_279 : memref<80xi32, #tpu.memory_space<hbm>>) dst(%dma_wait3A_278 : memref<80xi32, #tpu.memory_space<vmem>>)
          tpu.yield
        }) : () -> ()
        %dma_start3A_227 = arith.constant 1 : i32
        %dma_start3A_228 = arith.constant 1 : i32
        %dma_start3A_229 = arith.constant 0 : i32
        %dma_start3A_230 = arith.constant 0 : i32
        %dma_start3A_231 = tpu.memref_slice %arg10[%dma_start3A_228, %dma_start3A_229, %dma_start3A_230] : memref<2x80x16xf32, #tpu.memory_space<vmem>> -> memref<1x80x16xf32, #tpu.memory_space<vmem>>
        %dma_start3A_232 = tpu.memref_squeeze %dma_start3A_231 : memref<1x80x16xf32, #tpu.memory_space<vmem>> -> memref<80x16xf32, #tpu.memory_space<vmem>>
        %dma_start3A_233 = arith.constant 0 : i32
        %dma_start3A_234 = tpu.memref_slice %arg8[%dma_start3A_227, %dma_start3A_233] : memref<2x80xi32, #tpu.memory_space<vmem>> -> memref<1x80xi32, #tpu.memory_space<vmem>>
        %dma_start3A_235 = tpu.memref_squeeze %dma_start3A_234 : memref<1x80xi32, #tpu.memory_space<vmem>> -> memref<80xi32, #tpu.memory_space<vmem>>
        %dma_start3A_236 = arith.constant 0 : i32
        %dma_start3A_237 = arith.constant 0 : i32
        %dma_start3A_238 = tpu.memref_slice %arg4[%dma_start3A_236, %dma_start3A_237] : memref<10112x16xf32, #tpu.memory_space<hbm>> -> memref<10112x16xf32, #tpu.memory_space<hbm>>
        tpu.enqueue_indirect_dma source(%dma_start3A_238 : memref<10112x16xf32, #tpu.memory_space<hbm>>) target(%dma_start3A_232 : memref<80x16xf32, #tpu.memory_space<vmem>>) offsets(%dma_start3A_235 : memref<80xi32, #tpu.memory_space<vmem>>) semaphore(%arg18 : memref<!tpu.dma_semaphore, #tpu.memory_space<semaphore_mem>>)
        %dma_start3A_239 = arith.constant 1 : i32
        %dma_start3A_240 = arith.constant 1 : i32
        %dma_start3A_241 = arith.constant 0 : i32
        %dma_start3A_242 = arith.constant 0 : i32
        %dma_start3A_243 = tpu.memref_slice %arg11[%dma_start3A_240, %dma_start3A_241, %dma_start3A_242] : memref<2x80x16xf32, #tpu.memory_space<vmem>> -> memref<1x80x16xf32, #tpu.memory_space<vmem>>
        %dma_start3A_244 = tpu.memref_squeeze %dma_start3A_243 : memref<1x80x16xf32, #tpu.memory_space<vmem>> -> memref<80x16xf32, #tpu.memory_space<vmem>>
        %dma_start3A_245 = arith.constant 0 : i32
        %dma_start3A_246 = tpu.memref_slice %arg9[%dma_start3A_239, %dma_start3A_245] : memref<2x80xi32, #tpu.memory_space<vmem>> -> memref<1x80xi32, #tpu.memory_space<vmem>>
        %dma_start3A_247 = tpu.memref_squeeze %dma_start3A_246 : memref<1x80xi32, #tpu.memory_space<vmem>> -> memref<80xi32, #tpu.memory_space<vmem>>
        %dma_start3A_248 = arith.constant 0 : i32
        %dma_start3A_249 = arith.constant 0 : i32
        %dma_start3A_250 = tpu.memref_slice %arg5[%dma_start3A_248, %dma_start3A_249] : memref<10112x16xf32, #tpu.memory_space<hbm>> -> memref<10112x16xf32, #tpu.memory_space<hbm>>
        tpu.enqueue_indirect_dma source(%dma_start3A_250 : memref<10112x16xf32, #tpu.memory_space<hbm>>) target(%dma_start3A_244 : memref<80x16xf32, #tpu.memory_space<vmem>>) offsets(%dma_start3A_247 : memref<80xi32, #tpu.memory_space<vmem>>) semaphore(%arg19 : memref<!tpu.dma_semaphore, #tpu.memory_space<semaphore_mem>>)
        %dma_start3A_251 = arith.constant 1 : i32
        %dma_start3A_252 = arith.constant 1 : i32
        %dma_start3A_253 = arith.constant 0 : i32
        %dma_start3A_254 = arith.constant 0 : i32
        %dma_start3A_255 = tpu.memref_slice %arg12[%dma_start3A_252, %dma_start3A_253, %dma_start3A_254] : memref<2x80x128xf32, #tpu.memory_space<vmem>> -> memref<1x80x128xf32, #tpu.memory_space<vmem>>
        %dma_start3A_256 = tpu.memref_squeeze %dma_start3A_255 : memref<1x80x128xf32, #tpu.memory_space<vmem>> -> memref<80x128xf32, #tpu.memory_space<vmem>>
        %dma_start3A_257 = arith.constant 0 : i32
        %dma_start3A_258 = tpu.memref_slice %arg8[%dma_start3A_251, %dma_start3A_257] : memref<2x80xi32, #tpu.memory_space<vmem>> -> memref<1x80xi32, #tpu.memory_space<vmem>>
        %dma_start3A_259 = tpu.memref_squeeze %dma_start3A_258 : memref<1x80xi32, #tpu.memory_space<vmem>> -> memref<80xi32, #tpu.memory_space<vmem>>
        %dma_start3A_260 = arith.constant 0 : i32
        %dma_start3A_261 = arith.constant 0 : i32
        %dma_start3A_262 = tpu.memref_slice %arg6[%dma_start3A_260, %dma_start3A_261] : memref<10112x128xf32, #tpu.memory_space<hbm>> -> memref<10112x128xf32, #tpu.memory_space<hbm>>
        tpu.enqueue_indirect_dma source(%dma_start3A_262 : memref<10112x128xf32, #tpu.memory_space<hbm>>) target(%dma_start3A_256 : memref<80x128xf32, #tpu.memory_space<vmem>>) offsets(%dma_start3A_259 : memref<80xi32, #tpu.memory_space<vmem>>) semaphore(%arg20 : memref<!tpu.dma_semaphore, #tpu.memory_space<semaphore_mem>>)
      } else {
      }
    }
    %scan3A_101 = arith.constant 65 : i32
    %barrier3A_102 = arith.constant 0 : index
    tpu.barrier barrier_id(%barrier3A_102)
    %scan3A_103 = arith.constant 0 : i32
    %scan3A_104 = arith.constant 7 : i32
    %scan3A_105 = arith.addi %scan3A_103, %scan3A_104 : i32
    %scan3A_106 = arith.constant 1 : i32
    scf.for %scan3A_112 = %scan3A_103 to %scan3A_105 step %scan3A_106  : i32 {
      %mul3A_113 = arith.constant 1 : i32
      %mul3A_114 = arith.muli %scan3A_112, %mul3A_113 : i32
      %add3A_115 = arith.constant 0 : i32
      %add3A_116 = arith.addi %add3A_115, %mul3A_114 : i32
      %mul3A_117 = arith.constant 80 : i32
      %mul3A_118 = arith.muli %add3A_116, %mul3A_117 : i32
      %add3A_119 = arith.addi %mul3A_9, %mul3A_118 : i32
      %mul3A_120 = arith.constant 80 : i32
      %mul3A_121 = arith.muli %add3A_116, %mul3A_120 : i32
      %add3A_122 = arith.addi %mul3A_9, %mul3A_121 : i32
      "tpu.region"() ({
        %run_scoped3A_123 = tpu.sem_alloc : memref<!tpu.dma_semaphore, #tpu.memory_space<semaphore_mem>>
        %dma_start3A_124 = arith.constant 0 : i32
        %dma_start3A_125 = tpu.memref_slice %arg7[%arg0, %add3A_122, %dma_start3A_124] : memref<2x10112x144xf32, #tpu.memory_space<hbm>> -> memref<1x80x144xf32, #tpu.memory_space<hbm>>
        %dma_start3A_126 = tpu.memref_squeeze %dma_start3A_125 : memref<1x80x144xf32, #tpu.memory_space<hbm>> -> memref<80x144xf32, #tpu.memory_space<hbm>>
        %dma_start3A_127 = arith.constant 0 : i32
        %dma_start3A_128 = tpu.memref_slice %arg14[%add3A_119, %dma_start3A_127] : memref<10112x144xf32, #tpu.memory_space<vmem_shared>> -> memref<80x144xf32, #tpu.memory_space<vmem_shared>>
        tpu.enqueue_dma source(%dma_start3A_128 : memref<80x144xf32, #tpu.memory_space<vmem_shared>>) target(%dma_start3A_126 : memref<80x144xf32, #tpu.memory_space<hbm>>) target_semaphore(%run_scoped3A_123 : memref<!tpu.dma_semaphore, #tpu.memory_space<semaphore_mem>>)
        %dma_wait3A = arith.constant 0 : i32
        %dma_wait3A_129 = tpu.memref_slice %arg7[%arg0, %add3A_122, %dma_wait3A] : memref<2x10112x144xf32, #tpu.memory_space<hbm>> -> memref<1x80x144xf32, #tpu.memory_space<hbm>>
        %dma_wait3A_130 = tpu.memref_squeeze %dma_wait3A_129 : memref<1x80x144xf32, #tpu.memory_space<hbm>> -> memref<80x144xf32, #tpu.memory_space<hbm>>
        %dma_wait3A_131 = arith.constant 0 : i32
        %dma_wait3A_132 = tpu.memref_slice %arg14[%add3A_119, %dma_wait3A_131] : memref<10112x144xf32, #tpu.memory_space<vmem_shared>> -> memref<80x144xf32, #tpu.memory_space<vmem_shared>>
        tpu.wait_dma2 semaphore(%run_scoped3A_123 : memref<!tpu.dma_semaphore, #tpu.memory_space<semaphore_mem>>) src(%dma_wait3A_132 : memref<80x144xf32, #tpu.memory_space<vmem_shared>>) dst(%dma_wait3A_130 : memref<80x144xf32, #tpu.memory_space<hbm>>)
        tpu.yield
      }) : () -> ()
    }
    %scan3A_107 = arith.constant 7 : i32
    %add3A_108 = arith.constant 560 : i32
    %add3A_109 = arith.addi %mul3A_9, %add3A_108 : i32
    %add3A_110 = arith.constant 560 : i32
    %add3A_111 = arith.addi %mul3A_9, %add3A_110 : i32
    "tpu.region"() ({
      %run_scoped3A_112 = tpu.sem_alloc : memref<!tpu.dma_semaphore, #tpu.memory_space<semaphore_mem>>
      %dma_start3A_113 = arith.constant 0 : i32
      %dma_start3A_114 = tpu.memref_slice %arg7[%arg0, %add3A_111, %dma_start3A_113] : memref<2x10112x144xf32, #tpu.memory_space<hbm>> -> memref<1x72x144xf32, #tpu.memory_space<hbm>>
      %dma_start3A_115 = tpu.memref_squeeze %dma_start3A_114 : memref<1x72x144xf32, #tpu.memory_space<hbm>> -> memref<72x144xf32, #tpu.memory_space<hbm>>
      %dma_start3A_116 = arith.constant 0 : i32
      %dma_start3A_117 = tpu.memref_slice %arg14[%add3A_109, %dma_start3A_116] : memref<10112x144xf32, #tpu.memory_space<vmem_shared>> -> memref<72x144xf32, #tpu.memory_space<vmem_shared>>
      tpu.enqueue_dma source(%dma_start3A_117 : memref<72x144xf32, #tpu.memory_space<vmem_shared>>) target(%dma_start3A_115 : memref<72x144xf32, #tpu.memory_space<hbm>>) target_semaphore(%run_scoped3A_112 : memref<!tpu.dma_semaphore, #tpu.memory_space<semaphore_mem>>)
      %dma_wait3A = arith.constant 0 : i32
      %dma_wait3A_118 = tpu.memref_slice %arg7[%arg0, %add3A_111, %dma_wait3A] : memref<2x10112x144xf32, #tpu.memory_space<hbm>> -> memref<1x72x144xf32, #tpu.memory_space<hbm>>
      %dma_wait3A_119 = tpu.memref_squeeze %dma_wait3A_118 : memref<1x72x144xf32, #tpu.memory_space<hbm>> -> memref<72x144xf32, #tpu.memory_space<hbm>>
      %dma_wait3A_120 = arith.constant 0 : i32
      %dma_wait3A_121 = tpu.memref_slice %arg14[%add3A_109, %dma_wait3A_120] : memref<10112x144xf32, #tpu.memory_space<vmem_shared>> -> memref<72x144xf32, #tpu.memory_space<vmem_shared>>
      tpu.wait_dma2 semaphore(%run_scoped3A_112 : memref<!tpu.dma_semaphore, #tpu.memory_space<semaphore_mem>>) src(%dma_wait3A_121 : memref<72x144xf32, #tpu.memory_space<vmem_shared>>) dst(%dma_wait3A_119 : memref<72x144xf32, #tpu.memory_space<hbm>>)
      tpu.yield
    }) : () -> ()
    return
  }
}

module attributes {stable_mosaic.version = 14 : i64} {
  func.func @body(%arg0: i32, %arg1: memref<1264x128xf32, #tpu.memory_space<vmem>>, %arg2: memref<128x128xf32, #tpu.memory_space<vmem>>, %arg3: memref<128x16xf32, #tpu.memory_space<vmem>>, %arg4: memref<128x16xf32, #tpu.memory_space<vmem>>, %arg5: memref<1264x128xf32, #tpu.memory_space<vmem>>, %arg6: memref<1264x16xf32, #tpu.memory_space<vmem>>, %arg7: memref<1264x16xf32, #tpu.memory_space<vmem>>) attributes {dimension_semantics = [#tpu.dimension_semantics<arbitrary>], iteration_bounds = array<i64: 8>, scalar_prefetch = 0 : i64, scratch_operands = 0 : i64, tpu.core_type = #tpu.core_type<tc>, window_params = [{transform_indices = @transform_0, window_bounds = array<i64: 1264, 128>}, {pipeline_mode = #tpu.pipeline_mode<synchronous>, transform_indices = @transform_1, window_bounds = array<i64: 128, 128>}, {pipeline_mode = #tpu.pipeline_mode<synchronous>, transform_indices = @transform_2, window_bounds = array<i64: 128, 16>}, {pipeline_mode = #tpu.pipeline_mode<synchronous>, transform_indices = @transform_3, window_bounds = array<i64: 128, 16>}, {transform_indices = @transform_4, window_bounds = array<i64: 1264, 128>}, {transform_indices = @transform_5, window_bounds = array<i64: 1264, 16>}, {transform_indices = @transform_6, window_bounds = array<i64: 1264, 16>}]} {
    %get3A = arith.constant 0 : index
    %get3A_0 = arith.constant 0 : index
    %get3A_1 = vector.load %arg1[%get3A, %get3A_0] : memref<1264x128xf32, #tpu.memory_space<vmem>>, vector<1264x128xf32>
    %get3A_2 = arith.constant 0 : index
    %get3A_3 = arith.constant 0 : index
    %get3A_4 = vector.load %arg2[%get3A_2, %get3A_3] : memref<128x128xf32, #tpu.memory_space<vmem>>, vector<128x128xf32>
    %dot_general3A = arith.constant dense<0.000000e+00> : vector<1264x128xf32>
    %dot_general3A_5 = tpu.matmul %get3A_1, %get3A_4, %dot_general3A {dimension_numbers = #tpu.dot_dimension_numbers<[1], [0], [0], [1], [0, 0, 1, 1], [], []>, precision = #tpu.contract_precision<fp32>, transpose_lhs_hint = false} : vector<1264x128xf32>, vector<128x128xf32>, vector<1264x128xf32> -> vector<1264x128xf32>
    %swap3A = arith.constant 0 : index
    %swap3A_6 = arith.constant 0 : index
    %swap3A_7 = vector.load %arg5[%swap3A, %swap3A_6] : memref<1264x128xf32, #tpu.memory_space<vmem>>, vector<1264x128xf32>
    tpu.vector_store %arg5[%swap3A, %swap3A_6], %dot_general3A_5 {strides = array<i32>} : memref<1264x128xf32, #tpu.memory_space<vmem>>, vector<1264x128xf32>,
    %get3A_8 = arith.constant 0 : index
    %get3A_9 = arith.constant 0 : index
    %get3A_10 = vector.load %arg3[%get3A_8, %get3A_9] : memref<128x16xf32, #tpu.memory_space<vmem>>, vector<128x16xf32>
    %dot_general3A_11 = arith.constant dense<0.000000e+00> : vector<1264x16xf32>
    %dot_general3A_12 = tpu.matmul %dot_general3A_5, %get3A_10, %dot_general3A_11 {dimension_numbers = #tpu.dot_dimension_numbers<[1], [0], [0], [1], [0, 0, 1, 1], [], []>, precision = #tpu.contract_precision<fp32>, transpose_lhs_hint = false} : vector<1264x128xf32>, vector<128x16xf32>, vector<1264x16xf32> -> vector<1264x16xf32>
    %swap3A_13 = arith.constant 0 : index
    %swap3A_14 = arith.constant 0 : index
    %swap3A_15 = vector.load %arg6[%swap3A_13, %swap3A_14] : memref<1264x16xf32, #tpu.memory_space<vmem>>, vector<1264x16xf32>
    tpu.vector_store %arg6[%swap3A_13, %swap3A_14], %dot_general3A_12 {strides = array<i32>} : memref<1264x16xf32, #tpu.memory_space<vmem>>, vector<1264x16xf32>,
    %get3A_16 = arith.constant 0 : index
    %get3A_17 = arith.constant 0 : index
    %get3A_18 = vector.load %arg4[%get3A_16, %get3A_17] : memref<128x16xf32, #tpu.memory_space<vmem>>, vector<128x16xf32>
    %dot_general3A_19 = arith.constant dense<0.000000e+00> : vector<1264x16xf32>
    %dot_general3A_20 = tpu.matmul %dot_general3A_5, %get3A_18, %dot_general3A_19 {dimension_numbers = #tpu.dot_dimension_numbers<[1], [0], [0], [1], [0, 0, 1, 1], [], []>, precision = #tpu.contract_precision<fp32>, transpose_lhs_hint = false} : vector<1264x128xf32>, vector<128x16xf32>, vector<1264x16xf32> -> vector<1264x16xf32>
    %swap3A_21 = arith.constant 0 : index
    %swap3A_22 = arith.constant 0 : index
    %swap3A_23 = vector.load %arg7[%swap3A_21, %swap3A_22] : memref<1264x16xf32, #tpu.memory_space<vmem>>, vector<1264x16xf32>
    tpu.vector_store %arg7[%swap3A_21, %swap3A_22], %dot_general3A_20 {strides = array<i32>} : memref<1264x16xf32, #tpu.memory_space<vmem>>, vector<1264x16xf32>,
    return
  }
  func.func @transform_0(%arg0: i32) -> (i32, i32) {
    %c0_i32 = arith.constant 0 : i32
    %c0_i32_0 = arith.constant 0 : i32
    return %arg0, %c0_i32 : i32, i32
  }
  func.func @transform_1(%arg0: i32) -> (i32, i32) {
    %c0_i32 = arith.constant 0 : i32
    %c0_i32_0 = arith.constant 0 : i32
    %c0_i32_1 = arith.constant 0 : i32
    return %c0_i32, %c0_i32_0 : i32, i32
  }
  func.func @transform_2(%arg0: i32) -> (i32, i32) {
    %c0_i32 = arith.constant 0 : i32
    %c0_i32_0 = arith.constant 0 : i32
    %c0_i32_1 = arith.constant 0 : i32
    return %c0_i32, %c0_i32_0 : i32, i32
  }
  func.func @transform_3(%arg0: i32) -> (i32, i32) {
    %c0_i32 = arith.constant 0 : i32
    %c0_i32_0 = arith.constant 0 : i32
    %c0_i32_1 = arith.constant 0 : i32
    return %c0_i32, %c0_i32_0 : i32, i32
  }
  func.func @transform_4(%arg0: i32) -> (i32, i32) {
    %c0_i32 = arith.constant 0 : i32
    %c0_i32_0 = arith.constant 0 : i32
    return %arg0, %c0_i32 : i32, i32
  }
  func.func @transform_5(%arg0: i32) -> (i32, i32) {
    %c0_i32 = arith.constant 0 : i32
    %c0_i32_0 = arith.constant 0 : i32
    return %arg0, %c0_i32 : i32, i32
  }
  func.func @transform_6(%arg0: i32) -> (i32, i32) {
    %c0_i32 = arith.constant 0 : i32
    %c0_i32_0 = arith.constant 0 : i32
    return %arg0, %c0_i32 : i32, i32
  }
}

module attributes {stable_mosaic.version = 14 : i64} {
  func.func @body(%arg0: i32, %arg1: memref<2x1264x144xf32, #tpu.memory_space<vmem>>, %arg2: memref<144x128xf32, #tpu.memory_space<vmem>>, %arg3: memref<144x128xf32, #tpu.memory_space<vmem>>, %arg4: memref<1x128xf32, #tpu.memory_space<vmem>>, %arg5: memref<1264x128xf32, #tpu.memory_space<vmem>>) attributes {dimension_semantics = [#tpu.dimension_semantics<arbitrary>], iteration_bounds = array<i64: 8>, scalar_prefetch = 0 : i64, scratch_operands = 0 : i64, tpu.core_type = #tpu.core_type<tc>, window_params = [{transform_indices = @transform_0, window_bounds = array<i64: 2, 1264, 144>}, {pipeline_mode = #tpu.pipeline_mode<synchronous>, transform_indices = @transform_1, window_bounds = array<i64: 144, 128>}, {pipeline_mode = #tpu.pipeline_mode<synchronous>, transform_indices = @transform_2, window_bounds = array<i64: 144, 128>}, {pipeline_mode = #tpu.pipeline_mode<synchronous>, transform_indices = @transform_3, window_bounds = array<i64: 1, 128>}, {transform_indices = @transform_4, window_bounds = array<i64: 1264, 128>}]} {
    %get3A = arith.constant 0 : index
    %get3A_0 = arith.constant 0 : index
    %get3A_1 = arith.constant 0 : index
    %get3A_2 = vector.load %arg1[%get3A, %get3A_0, %get3A_1] : memref<2x1264x144xf32, #tpu.memory_space<vmem>>, vector<1x1264x144xf32>
    %get3A_3 = vector.shape_cast %get3A_2 : vector<1x1264x144xf32> to vector<1264x144xf32>
    %get3A_4 = arith.constant 1 : index
    %get3A_5 = arith.constant 0 : index
    %get3A_6 = arith.constant 0 : index
    %get3A_7 = vector.load %arg1[%get3A_4, %get3A_5, %get3A_6] : memref<2x1264x144xf32, #tpu.memory_space<vmem>>, vector<1x1264x144xf32>
    %get3A_8 = vector.shape_cast %get3A_7 : vector<1x1264x144xf32> to vector<1264x144xf32>
    %add3A = arith.addf %get3A_3, %get3A_8 : vector<1264x144xf32>
    %get3A_9 = arith.constant 0 : index
    %get3A_10 = arith.constant 0 : index
    %get3A_11 = vector.load %arg2[%get3A_9, %get3A_10] : memref<144x128xf32, #tpu.memory_space<vmem>>, vector<144x128xf32>
    %dot_general3A = arith.constant dense<0.000000e+00> : vector<1264x128xf32>
    %dot_general3A_12 = tpu.matmul %add3A, %get3A_11, %dot_general3A {dimension_numbers = #tpu.dot_dimension_numbers<[1], [0], [0], [1], [0, 0, 1, 1], [], []>, precision = #tpu.contract_precision<fp32>, transpose_lhs_hint = false} : vector<1264x144xf32>, vector<144x128xf32>, vector<1264x128xf32> -> vector<1264x128xf32>
    %get3A_13 = arith.constant 0 : index
    %get3A_14 = arith.constant 0 : index
    %get3A_15 = vector.load %arg3[%get3A_13, %get3A_14] : memref<144x128xf32, #tpu.memory_space<vmem>>, vector<144x128xf32>
    %dot_general3A_16 = arith.constant dense<0.000000e+00> : vector<1264x128xf32>
    %dot_general3A_17 = tpu.matmul %add3A, %get3A_15, %dot_general3A_16 {dimension_numbers = #tpu.dot_dimension_numbers<[1], [0], [0], [1], [0, 0, 1, 1], [], []>, precision = #tpu.contract_precision<fp32>, transpose_lhs_hint = false} : vector<1264x144xf32>, vector<144x128xf32>, vector<1264x128xf32> -> vector<1264x128xf32>
    %add3A_18 = arith.constant 1.000000e-16 : f32
    %add3A_19 = vector.broadcast %add3A_18 : f32 to vector<1264x128xf32>
    %add3A_20 = arith.addf %dot_general3A_17, %add3A_19 : vector<1264x128xf32>
    %div3A = arith.divf %dot_general3A_12, %add3A_20 : vector<1264x128xf32>
    %get3A_21 = arith.constant 0 : index
    %get3A_22 = arith.constant 0 : index
    %get3A_23 = vector.load %arg4[%get3A_21, %get3A_22] : memref<1x128xf32, #tpu.memory_space<vmem>>, vector<1x128xf32>
    %add3A_24 = vector.broadcast %get3A_23 : vector<1x128xf32> to vector<1264x128xf32>
    %add3A_25 = arith.addf %div3A, %add3A_24 : vector<1264x128xf32>
    %max3A = arith.constant 0.000000e+00 : f32
    %max3A_26 = vector.broadcast %max3A : f32 to vector<1264x128xf32>
    %max3A_27 = arith.maximumf %add3A_25, %max3A_26 : vector<1264x128xf32>
    %swap3A = arith.constant 0 : index
    %swap3A_28 = arith.constant 0 : index
    %swap3A_29 = vector.load %arg5[%swap3A, %swap3A_28] : memref<1264x128xf32, #tpu.memory_space<vmem>>, vector<1264x128xf32>
    tpu.vector_store %arg5[%swap3A, %swap3A_28], %max3A_27 {strides = array<i32>} : memref<1264x128xf32, #tpu.memory_space<vmem>>, vector<1264x128xf32>,
    return
  }
  func.func @transform_0(%arg0: i32) -> (i32, i32, i32) {
    %c0_i32 = arith.constant 0 : i32
    %c0_i32_0 = arith.constant 0 : i32
    %c0_i32_1 = arith.constant 0 : i32
    return %c0_i32, %arg0, %c0_i32_0 : i32, i32, i32
  }
  func.func @transform_1(%arg0: i32) -> (i32, i32) {
    %c0_i32 = arith.constant 0 : i32
    %c0_i32_0 = arith.constant 0 : i32
    %c0_i32_1 = arith.constant 0 : i32
    return %c0_i32, %c0_i32_0 : i32, i32
  }
  func.func @transform_2(%arg0: i32) -> (i32, i32) {
    %c0_i32 = arith.constant 0 : i32
    %c0_i32_0 = arith.constant 0 : i32
    %c0_i32_1 = arith.constant 0 : i32
    return %c0_i32, %c0_i32_0 : i32, i32
  }
  func.func @transform_3(%arg0: i32) -> (i32, i32) {
    %c0_i32 = arith.constant 0 : i32
    %c0_i32_0 = arith.constant 0 : i32
    %c0_i32_1 = arith.constant 0 : i32
    return %c0_i32, %c0_i32_0 : i32, i32
  }
  func.func @transform_4(%arg0: i32) -> (i32, i32) {
    %c0_i32 = arith.constant 0 : i32
    %c0_i32_0 = arith.constant 0 : i32
    return %arg0, %c0_i32 : i32, i32
  }
}

module attributes {stable_mosaic.version = 14 : i64} {
  func.func @body(%arg0: i32, %arg1: memref<1264x128xf32, #tpu.memory_space<vmem>>, %arg2: memref<128x64xf32, #tpu.memory_space<vmem>>, %arg3: memref<64x16xf32, #tpu.memory_space<vmem>>, %arg4: memref<64x16xf32, #tpu.memory_space<vmem>>, %arg5: memref<1264x64xf32, #tpu.memory_space<vmem>>, %arg6: memref<1264x16xf32, #tpu.memory_space<vmem>>, %arg7: memref<1264x16xf32, #tpu.memory_space<vmem>>) attributes {dimension_semantics = [#tpu.dimension_semantics<arbitrary>], iteration_bounds = array<i64: 8>, scalar_prefetch = 0 : i64, scratch_operands = 0 : i64, tpu.core_type = #tpu.core_type<tc>, window_params = [{transform_indices = @transform_0, window_bounds = array<i64: 1264, 128>}, {pipeline_mode = #tpu.pipeline_mode<synchronous>, transform_indices = @transform_1, window_bounds = array<i64: 128, 64>}, {pipeline_mode = #tpu.pipeline_mode<synchronous>, transform_indices = @transform_2, window_bounds = array<i64: 64, 16>}, {pipeline_mode = #tpu.pipeline_mode<synchronous>, transform_indices = @transform_3, window_bounds = array<i64: 64, 16>}, {transform_indices = @transform_4, window_bounds = array<i64: 1264, 64>}, {transform_indices = @transform_5, window_bounds = array<i64: 1264, 16>}, {transform_indices = @transform_6, window_bounds = array<i64: 1264, 16>}]} {
    %get3A = arith.constant 0 : index
    %get3A_0 = arith.constant 0 : index
    %get3A_1 = vector.load %arg1[%get3A, %get3A_0] : memref<1264x128xf32, #tpu.memory_space<vmem>>, vector<1264x128xf32>
    %get3A_2 = arith.constant 0 : index
    %get3A_3 = arith.constant 0 : index
    %get3A_4 = vector.load %arg2[%get3A_2, %get3A_3] : memref<128x64xf32, #tpu.memory_space<vmem>>, vector<128x64xf32>
    %dot_general3A = arith.constant dense<0.000000e+00> : vector<1264x64xf32>
    %dot_general3A_5 = tpu.matmul %get3A_1, %get3A_4, %dot_general3A {dimension_numbers = #tpu.dot_dimension_numbers<[1], [0], [0], [1], [0, 0, 1, 1], [], []>, precision = #tpu.contract_precision<fp32>, transpose_lhs_hint = false} : vector<1264x128xf32>, vector<128x64xf32>, vector<1264x64xf32> -> vector<1264x64xf32>
    %swap3A = arith.constant 0 : index
    %swap3A_6 = arith.constant 0 : index
    %swap3A_7 = vector.load %arg5[%swap3A, %swap3A_6] : memref<1264x64xf32, #tpu.memory_space<vmem>>, vector<1264x64xf32>
    tpu.vector_store %arg5[%swap3A, %swap3A_6], %dot_general3A_5 {strides = array<i32>} : memref<1264x64xf32, #tpu.memory_space<vmem>>, vector<1264x64xf32>,
    %get3A_8 = arith.constant 0 : index
    %get3A_9 = arith.constant 0 : index
    %get3A_10 = vector.load %arg3[%get3A_8, %get3A_9] : memref<64x16xf32, #tpu.memory_space<vmem>>, vector<64x16xf32>
    %dot_general3A_11 = arith.constant dense<0.000000e+00> : vector<1264x16xf32>
    %dot_general3A_12 = tpu.matmul %dot_general3A_5, %get3A_10, %dot_general3A_11 {dimension_numbers = #tpu.dot_dimension_numbers<[1], [0], [0], [1], [0, 0, 1, 1], [], []>, precision = #tpu.contract_precision<fp32>, transpose_lhs_hint = false} : vector<1264x64xf32>, vector<64x16xf32>, vector<1264x16xf32> -> vector<1264x16xf32>
    %swap3A_13 = arith.constant 0 : index
    %swap3A_14 = arith.constant 0 : index
    %swap3A_15 = vector.load %arg6[%swap3A_13, %swap3A_14] : memref<1264x16xf32, #tpu.memory_space<vmem>>, vector<1264x16xf32>
    tpu.vector_store %arg6[%swap3A_13, %swap3A_14], %dot_general3A_12 {strides = array<i32>} : memref<1264x16xf32, #tpu.memory_space<vmem>>, vector<1264x16xf32>,
    %get3A_16 = arith.constant 0 : index
    %get3A_17 = arith.constant 0 : index
    %get3A_18 = vector.load %arg4[%get3A_16, %get3A_17] : memref<64x16xf32, #tpu.memory_space<vmem>>, vector<64x16xf32>
    %dot_general3A_19 = arith.constant dense<0.000000e+00> : vector<1264x16xf32>
    %dot_general3A_20 = tpu.matmul %dot_general3A_5, %get3A_18, %dot_general3A_19 {dimension_numbers = #tpu.dot_dimension_numbers<[1], [0], [0], [1], [0, 0, 1, 1], [], []>, precision = #tpu.contract_precision<fp32>, transpose_lhs_hint = false} : vector<1264x64xf32>, vector<64x16xf32>, vector<1264x16xf32> -> vector<1264x16xf32>
    %swap3A_21 = arith.constant 0 : index
    %swap3A_22 = arith.constant 0 : index
    %swap3A_23 = vector.load %arg7[%swap3A_21, %swap3A_22] : memref<1264x16xf32, #tpu.memory_space<vmem>>, vector<1264x16xf32>
    tpu.vector_store %arg7[%swap3A_21, %swap3A_22], %dot_general3A_20 {strides = array<i32>} : memref<1264x16xf32, #tpu.memory_space<vmem>>, vector<1264x16xf32>,
    return
  }
  func.func @transform_0(%arg0: i32) -> (i32, i32) {
    %c0_i32 = arith.constant 0 : i32
    %c0_i32_0 = arith.constant 0 : i32
    return %arg0, %c0_i32 : i32, i32
  }
  func.func @transform_1(%arg0: i32) -> (i32, i32) {
    %c0_i32 = arith.constant 0 : i32
    %c0_i32_0 = arith.constant 0 : i32
    %c0_i32_1 = arith.constant 0 : i32
    return %c0_i32, %c0_i32_0 : i32, i32
  }
  func.func @transform_2(%arg0: i32) -> (i32, i32) {
    %c0_i32 = arith.constant 0 : i32
    %c0_i32_0 = arith.constant 0 : i32
    %c0_i32_1 = arith.constant 0 : i32
    return %c0_i32, %c0_i32_0 : i32, i32
  }
  func.func @transform_3(%arg0: i32) -> (i32, i32) {
    %c0_i32 = arith.constant 0 : i32
    %c0_i32_0 = arith.constant 0 : i32
    %c0_i32_1 = arith.constant 0 : i32
    return %c0_i32, %c0_i32_0 : i32, i32
  }
  func.func @transform_4(%arg0: i32) -> (i32, i32) {
    %c0_i32 = arith.constant 0 : i32
    %c0_i32_0 = arith.constant 0 : i32
    return %arg0, %c0_i32 : i32, i32
  }
  func.func @transform_5(%arg0: i32) -> (i32, i32) {
    %c0_i32 = arith.constant 0 : i32
    %c0_i32_0 = arith.constant 0 : i32
    return %arg0, %c0_i32 : i32, i32
  }
  func.func @transform_6(%arg0: i32) -> (i32, i32) {
    %c0_i32 = arith.constant 0 : i32
    %c0_i32_0 = arith.constant 0 : i32
    return %arg0, %c0_i32 : i32, i32
  }
}

module attributes {stable_mosaic.version = 14 : i64} {
  func.func @body(%arg0: i32, %arg1: memref<2x1264x80xf32, #tpu.memory_space<vmem>>, %arg2: memref<80x64xf32, #tpu.memory_space<vmem>>, %arg3: memref<80x64xf32, #tpu.memory_space<vmem>>, %arg4: memref<1x64xf32, #tpu.memory_space<vmem>>, %arg5: memref<1264x64xf32, #tpu.memory_space<vmem>>) attributes {dimension_semantics = [#tpu.dimension_semantics<arbitrary>], iteration_bounds = array<i64: 8>, scalar_prefetch = 0 : i64, scratch_operands = 0 : i64, tpu.core_type = #tpu.core_type<tc>, window_params = [{transform_indices = @transform_0, window_bounds = array<i64: 2, 1264, 80>}, {pipeline_mode = #tpu.pipeline_mode<synchronous>, transform_indices = @transform_1, window_bounds = array<i64: 80, 64>}, {pipeline_mode = #tpu.pipeline_mode<synchronous>, transform_indices = @transform_2, window_bounds = array<i64: 80, 64>}, {pipeline_mode = #tpu.pipeline_mode<synchronous>, transform_indices = @transform_3, window_bounds = array<i64: 1, 64>}, {transform_indices = @transform_4, window_bounds = array<i64: 1264, 64>}]} {
    %get3A = arith.constant 0 : index
    %get3A_0 = arith.constant 0 : index
    %get3A_1 = arith.constant 0 : index
    %get3A_2 = vector.load %arg1[%get3A, %get3A_0, %get3A_1] : memref<2x1264x80xf32, #tpu.memory_space<vmem>>, vector<1x1264x80xf32>
    %get3A_3 = vector.shape_cast %get3A_2 : vector<1x1264x80xf32> to vector<1264x80xf32>
    %get3A_4 = arith.constant 1 : index
    %get3A_5 = arith.constant 0 : index
    %get3A_6 = arith.constant 0 : index
    %get3A_7 = vector.load %arg1[%get3A_4, %get3A_5, %get3A_6] : memref<2x1264x80xf32, #tpu.memory_space<vmem>>, vector<1x1264x80xf32>
    %get3A_8 = vector.shape_cast %get3A_7 : vector<1x1264x80xf32> to vector<1264x80xf32>
    %add3A = arith.addf %get3A_3, %get3A_8 : vector<1264x80xf32>
    %get3A_9 = arith.constant 0 : index
    %get3A_10 = arith.constant 0 : index
    %get3A_11 = vector.load %arg2[%get3A_9, %get3A_10] : memref<80x64xf32, #tpu.memory_space<vmem>>, vector<80x64xf32>
    %dot_general3A = arith.constant dense<0.000000e+00> : vector<1264x64xf32>
    %dot_general3A_12 = tpu.matmul %add3A, %get3A_11, %dot_general3A {dimension_numbers = #tpu.dot_dimension_numbers<[1], [0], [0], [1], [0, 0, 1, 1], [], []>, precision = #tpu.contract_precision<fp32>, transpose_lhs_hint = false} : vector<1264x80xf32>, vector<80x64xf32>, vector<1264x64xf32> -> vector<1264x64xf32>
    %get3A_13 = arith.constant 0 : index
    %get3A_14 = arith.constant 0 : index
    %get3A_15 = vector.load %arg3[%get3A_13, %get3A_14] : memref<80x64xf32, #tpu.memory_space<vmem>>, vector<80x64xf32>
    %dot_general3A_16 = arith.constant dense<0.000000e+00> : vector<1264x64xf32>
    %dot_general3A_17 = tpu.matmul %add3A, %get3A_15, %dot_general3A_16 {dimension_numbers = #tpu.dot_dimension_numbers<[1], [0], [0], [1], [0, 0, 1, 1], [], []>, precision = #tpu.contract_precision<fp32>, transpose_lhs_hint = false} : vector<1264x80xf32>, vector<80x64xf32>, vector<1264x64xf32> -> vector<1264x64xf32>
    %add3A_18 = arith.constant 1.000000e-16 : f32
    %add3A_19 = vector.broadcast %add3A_18 : f32 to vector<1264x64xf32>
    %add3A_20 = arith.addf %dot_general3A_17, %add3A_19 : vector<1264x64xf32>
    %div3A = arith.divf %dot_general3A_12, %add3A_20 : vector<1264x64xf32>
    %get3A_21 = arith.constant 0 : index
    %get3A_22 = arith.constant 0 : index
    %get3A_23 = vector.load %arg4[%get3A_21, %get3A_22] : memref<1x64xf32, #tpu.memory_space<vmem>>, vector<1x64xf32>
    %add3A_24 = vector.broadcast %get3A_23 : vector<1x64xf32> to vector<1264x64xf32>
    %add3A_25 = arith.addf %div3A, %add3A_24 : vector<1264x64xf32>
    %swap3A = arith.constant 0 : index
    %swap3A_26 = arith.constant 0 : index
    %swap3A_27 = vector.load %arg5[%swap3A, %swap3A_26] : memref<1264x64xf32, #tpu.memory_space<vmem>>, vector<1264x64xf32>
    tpu.vector_store %arg5[%swap3A, %swap3A_26], %add3A_25 {strides = array<i32>} : memref<1264x64xf32, #tpu.memory_space<vmem>>, vector<1264x64xf32>,
    return
  }
  func.func @transform_0(%arg0: i32) -> (i32, i32, i32) {
    %c0_i32 = arith.constant 0 : i32
    %c0_i32_0 = arith.constant 0 : i32
    %c0_i32_1 = arith.constant 0 : i32
    return %c0_i32, %arg0, %c0_i32_0 : i32, i32, i32
  }
  func.func @transform_1(%arg0: i32) -> (i32, i32) {
    %c0_i32 = arith.constant 0 : i32
    %c0_i32_0 = arith.constant 0 : i32
    %c0_i32_1 = arith.constant 0 : i32
    return %c0_i32, %c0_i32_0 : i32, i32
  }
  func.func @transform_2(%arg0: i32) -> (i32, i32) {
    %c0_i32 = arith.constant 0 : i32
    %c0_i32_0 = arith.constant 0 : i32
    %c0_i32_1 = arith.constant 0 : i32
    return %c0_i32, %c0_i32_0 : i32, i32
  }
  func.func @transform_3(%arg0: i32) -> (i32, i32) {
    %c0_i32 = arith.constant 0 : i32
    %c0_i32_0 = arith.constant 0 : i32
    %c0_i32_1 = arith.constant 0 : i32
    return %c0_i32, %c0_i32_0 : i32, i32
  }
  func.func @transform_4(%arg0: i32) -> (i32, i32) {
    %c0_i32 = arith.constant 0 : i32
    %c0_i32_0 = arith.constant 0 : i32
    return %arg0, %c0_i32 : i32, i32
  }
}

</mosaic_0001>

<sc_bundles>
// kernel: kernel.11.cloned.1.call-start
scs
__scs_entry_jumppad:
0x0: {  	(pc) =	sbr.rel $0x88, $3  }
0x1: {  	(tag) =	ssettag $0x0;
	lr =	simm.s32 $0x1  }
0x2: {  	[smem:$0x3F93] =	sst lr;
	_ =	strace $0xD0000000  }
0x3: {  	_ = 	snop  }
0x4: {  	_ = 	snop  }
0x5: {  	_ = 	snop  }
0x6: {  	_ = 	snop  }
0x7: {  	_ = 	snop  }
__scs_overlays_trampoline_lowered:
0x8: {  	[smem:$0x3FA2] =	sst s0  }
0x9: {  	[smem:$0x3FA3] =	sst s1  }
0xa: {  	[smem:$0x3FA4] =	sst s2  }
0xb: {  	[smem:$0x3FA5] =	sst s3  }
0xc: {  	[smem:$0x3FA6] =	sst s4  }
0xd: {  	[smem:$0x3FA7] =	sst s5  }
0xe: {  	[smem:$0x3FA8] =	sst s6  }
0xf: {  	[smem:$0x3FA9] =	sst s7  }
0x10: {  	[smem:$0x3FAA] =	sst s8  }
0x11: {  	[smem:$0x3FAB] =	sst s9;
	s0 =	simm.s32 @!p0 $0x0  }
0x12: {  	s1 =	sld [smem:$0x3F91];
	s0 =	simm.s32 @p0 $0x1  }
0x13: {  	[smem:$0x3FAC] =	sst s0;
	s0 =	simm.s32 @!p1 $0x0  }
0x14: {  	s2 =	sld [smem:$0x3F90];
	s0 =	simm.s32 @p1 $0x1  }
0x15: {  	[smem:$0x3FAD] =	sst s0;
	s0 =	simm.s32 @!p2 $0x0  }
0x16: {  	s3 =	sld [smem:$0x3FDB];
	s0 =	simm.s32 @p2 $0x1  }
0x17: {  	s4 =	simm.s32 $0x1BF5;
	[smem:$0x3FAF] =	sst s0  }
0x18: {  	s0 =	sld [smem:$0x3F92];
	_ =	swait.ge [sflag:s4], $0x0  }
0x19: {  	s7 =	sld [smem:$0x3F93]  }
0x1a: {  	s8 =	sadd.s32 $0xFFFFE003, lr  }
0x1b: {  	s9 =	sadd.s32 $0xFFFFFEF7, lr;
	s5 =	simm.s32 $0xFFFFFFFF;
	p2 =	slt.u32 s8, $0xFFFFF086  }
0x1c: {  	p1 =	slt.u32 s9, $0xF7A;
	s5 =	simm.s32 @!p2 $0x0  }
0x1d: {  	s5 =	simm.s32 @p1 $0x1;
	p0 =	seq.s32 s7, s2  }
0x1e: {  	s7 =	smul.u32 @!p0 $0xF7A, s2;
	p2 =	seq.s32 @!p0 s5, $0x0  }
0x1f: {  	s9 =	smul.u32 $0xF7A, s1;
	s8 =	simm.s32 @!p0 $0x1BF5;
	p2 =	por !p2, p0  }
0x20: {  	[sflag:s8] =	ssyncset.s32 @!p0 $0xFFFFF086;
	s6 =	sadd.s32 @!p0 s3, s7;
	s7 =	simm.s32 @!p0 $0x108  }
0x21: {  	s3 =	sadd.s32 s3, s9;
	s6 =	sadd.s32 @!p0 $0x88, s6;
	s7 =	simm.s32 @p2 $0x1082  }
0x22: {  	[simem:s7], [sflag:s8] =	dma.local @!p0 [hbm:s6], $0xF7A  }
0x23: {  	s9 =	sor.u32 $0xD0000000, s2;
	s6 =	simm.s32 $0x108;
	_ =	swait.ge @!p0 [sflag:s8], $0x0  }
0x24: {  	s3 =	sadd.s32 $0x88, s3;
	s6 =	simm.s32 @!p1 $0x1082;
	[sflag:s4] =	ssyncset.s32 $0xFFFFF086  }
0x25: {  	[simem:s6], [sflag:s4] =	dma.local [hbm:s3], $0xF7A  }
0x26: {  	[smem:$0x3F93] =	sst s1;
	(tag) =	ssettag s2;
	_ =	strace s9  }
0x27: {  	s1 =	sld [smem:$0x3FA3]  }
0x28: {  	s2 =	sld [smem:$0x3FA4]  }
0x29: {  	s4 =	sld [smem:$0x3FA6]  }
0x2a: {  	p0 =	seq.s32 s5, $0x0;
	s5 =	sld [smem:$0x3FA7]  }
0x2b: {  	s6 =	sld [smem:$0x3FA8]  }
0x2c: {  	s7 =	sld [smem:$0x3FA9]  }
0x2d: {  	s3 =	simm.s32 $0x108;
	s8 =	sld [smem:$0x3FAA]  }
0x2e: {  	s3 =	simm.s32 @!p0 $0x1082;
	s9 =	sld [smem:$0x3FAB]  }
0x2f: {  	lr =	sadd.s32 s0, s3;
	s0 =	sld [smem:$0x3FA2]  }
0x30: {  	s3 =	sld [smem:$0x3FA5]  }
0x31: {  	[smem:$0x3FAE] =	sst s10  }
0x32: {  	s10 =	sld [smem:$0x3FAC];
	_ =	sdelay $0x3  }
0x33: {  	p0 =	seq.s32 s10, $0x1;
	s10 =	sld [smem:$0x3FAE];
	_ =	sdelay $0x3  }
0x34: {  	[smem:$0x3FAE] =	sst s10  }
0x35: {  	s10 =	sld [smem:$0x3FAD];
	_ =	sdelay $0x3  }
0x36: {  	p1 =	seq.s32 s10, $0x1;
	s10 =	sld [smem:$0x3FAE];
	_ =	sdelay $0x3  }
0x37: {  	[smem:$0x3FAE] =	sst s10  }
0x38: {  	s10 =	sld [smem:$0x3FAF]  }
0x39: {  	_ = 	snop;
	(pc) =	sbr.ind lr, $3  }
0x3a: {  	_ = 	snop  }
0x3b: {  	_ = 	snop  }
0x3c: {  	p2 =	seq.s32 s10, $0x1;
	s10 =	sld [smem:$0x3FAE]  }
0x3d: {  	_ =	shalt  }
0x3e: {  	_ =	shalt  }
0x3f: {  	_ =	shalt  }
0x40: {  	_ =	shalt  }
0x41: {  	_ =	shalt  }
0x42: {  	_ =	shalt  }
0x43: {  	_ =	shalt  }
0x44: {  	_ =	shalt  }
0x45: {  	_ =	shalt  }
0x46: {  	_ =	shalt  }
0x47: {  	_ =	shalt  }
0x48: {  	_ =	shalt  }
0x49: {  	_ =	shalt  }
0x4a: {  	_ =	shalt  }
0x4b: {  	_ =	shalt  }
0x4c: {  	_ =	shalt  }
0x4d: {  	_ =	shalt  }
0x4e: {  	_ =	shalt  }
0x4f: {  	_ =	shalt  }
0x50: {  	_ =	shalt  }
0x51: {  	_ =	shalt  }
0x52: {  	_ =	shalt  }
0x53: {  	_ =	shalt  }
0x54: {  	_ =	shalt  }
0x55: {  	_ =	shalt  }
0x56: {  	_ =	shalt  }
0x57: {  	_ =	shalt  }
0x58: {  	_ =	shalt  }
0x59: {  	_ =	shalt  }
0x5a: {  	_ =	shalt  }
0x5b: {  	_ =	shalt  }
0x5c: {  	_ =	shalt  }
0x5d: {  	_ =	shalt  }
0x5e: {  	_ =	shalt  }
0x5f: {  	_ =	shalt  }
0x60: {  	_ =	shalt  }
0x61: {  	_ =	shalt  }
0x62: {  	_ =	shalt  }
0x63: {  	_ =	shalt  }
0x64: {  	_ =	shalt  }
0x65: {  	_ =	shalt  }
0x66: {  	_ =	shalt  }
0x67: {  	_ =	shalt  }
0x68: {  	_ =	shalt  }
0x69: {  	_ =	shalt  }
0x6a: {  	_ =	shalt  }
0x6b: {  	_ =	shalt  }
0x6c: {  	_ =	shalt  }
0x6d: {  	_ =	shalt  }
0x6e: {  	_ =	shalt  }
0x6f: {  	_ =	shalt  }
0x70: {  	_ =	shalt  }
0x71: {  	_ =	shalt  }
0x72: {  	_ =	shalt  }
0x73: {  	_ =	shalt  }
0x74: {  	_ =	shalt  }
0x75: {  	_ =	shalt  }
0x76: {  	_ =	shalt  }
0x77: {  	_ =	shalt  }
0x78: {  	_ =	shalt  }
0x79: {  	_ =	shalt  }
0x7a: {  	_ =	shalt  }
0x7b: {  	_ =	shalt  }
0x7c: {  	_ =	shalt  }
0x7d: {  	_ =	shalt  }
0x7e: {  	_ =	shalt  }
0x7f: {  	_ =	shalt  }
0x80: {  	_ =	shalt  }
0x81: {  	_ =	shalt  }
0x82: {  	_ =	shalt  }
0x83: {  	_ =	shalt  }
0x84: {  	_ =	shalt  }
0x85: {  	_ =	shalt  }
0x86: {  	_ =	shalt  }
0x87: {  	_ =	shalt  }
.Lfunc_end0:
.L_simem_size_0:
called_computation_lowered:
.L_overlay_start_0:
0x88: {  	s2 =	sld [smem:$0x3FD9]  }
0x89: {  	s3 =	sld [smem:$0x3FFE];
	_ =	sdelay $0x1  }
0x8a: {  	s1 =	srdreg.scid  }
0x8b: {  	s0 =	sand.u32 $0x1, s1  }
0x8c: {  	s17 =	sshll.u32 s0, $0xA;
	s2 =	sadd.s32 s3, s2  }
0x8d: {  	s2 =	sadd.s32 s2, s17  }
0x8e: {  	[smem:$0x3FBA] =	sst s2  }
0x8f: {  	_ = 	snop  }
0x90: {  	s2 =	sld [smem:$0x3FD0];
	(tm) =	ssettm $0x1  }
0x91: {  	s18 =	sld [smem:$0x3FFB];
	_ =	sdelay $0x3  }
0x92: {  	_ =	strace s18  }
0x93: {  	s3 =	sld [smem:$0x3FFC];
	_ =	sdelay $0x3  }
0x94: {  	_ =	strace s3  }
0x95: {  	s3 =	sld [smem:$0x3FFD];
	_ =	sdelay $0x3  }
0x96: {  	_ =	strace s3  }
0x97: {  	_ =	strace $0x8FFFFFFF  }
0x98: {  	s19 =	sld [smem:$0x3FDB];
	_ =	sdelay $0x1  }
0x99: {  	s4 =	simm.s32 $_scs_section_size  }
0x9a: {  	s5 =	simm.s32 $_size__tile_overlayer_lowered;
	s6 =	simm.s32 $_tile_overlayer_lowered  }
0x9b: {  	s22 =	simm.s32 $0x1BFF;
	s21 =	sshll.u32 s6, $0x1;
	s3 =	sadd.s32 s4, s19  }
0x9c: {  	s7 =	simm.s32 $0x0;
	s20 =	sshll.u32 s5, $0x1;
	s5 =	sadd.s32 s21, s3  }
0x9d: {  	[timem:s7], [sflag:s22] =	dma.local [hbm:s5], s20  }
0x9e: {  	_ =	swait.ge [sflag:s22], s20  }
0x9f: {  	s4 =	ssub.s32 $0x0, s20;
	[sflag:s22] =	ssyncset.done $0x0  }
0xa0: {  	[sflag:s22] =	ssyncadd.s32 s4;
	_ =	sdelay $0x1  }
0xa1: {  	s23 =	simm.s32 $0x1B8B  }
0xa2: {  	_ =	swait.ge [sflag:s23], $0x1  }
0xa3: {  	[sflag:s23] =	ssyncset.done $0x0  }
0xa4: {  	s25 =	simm.s32 $0x1B8E;
	s24 =	sld [smem:$0x3FFE];
	[sflag:s23] =	ssyncadd.s32 $0xFFFFFFFF  }
0xa5: {  	s26 =	simm.s32 $execute0_lowered;
	[smem:$0x3FD2] =	sst s25  }
0xa6: {  	s5 =	sshll.u32 s26, $0x1;
	_ =	strace $0x80000046;
	[dreg:$0x1] =	wrdreg $0xFFFFFFFF  }
0xa7: {  	s28 =	simm.s32 $_size_execute0_lowered;
	s3 =	sadd.s32 s3, s5;
	[dreg:$0x0] =	wrdreg $0x0  }
0xa8: {  	s5 =	sshll.u32 s28, $0x1;
	[dreg:$0x2] =	wrdreg s3  }
0xa9: {  	[dreg:$0x3] =	wrdreg s5  }
0xaa: {  	[dreg:$0x4] =	wrdreg $0xC0  }
0xab: {  	_ =	task [dreg:s7], $0x5FFFF  }
0xac: {  	[dreg:$0x1] =	wrdreg $0xFFFFFFFF  }
0xad: {  	[dreg:$0x0] =	wrdreg $0x60  }
0xae: {  	[dreg:$0x2] =	wrdreg s24  }
0xaf: {  	[dreg:$0x3] =	wrdreg s2  }
0xb0: {  	[dreg:$0x4] =	wrdreg $0x92400  }
0xb1: {  	[dreg:$0x5] =	wrdreg $0x9  }
0xb2: {  	_ =	task.clear_ibuf [dreg:s7], $0x6FFFF;
	_ =	strace $0x90000046  }
0xb3: {  	s29 =	simm.s32 $0x9;
	_ =	strace $0x80000048  }
0xb4: {  	_ =	swait.ge [sflag:s29], $0x1  }
0xb5: {  	[sflag:s29] =	ssyncadd.s32 $0xFFFFFFFF  }
0xb6: {  	_ =	strace $0x90000048  }
0xb7: {  	_ =	sfence  }
0xb8: {  	s30 =	sld [smem:$0x0];
	_ =	sdelay $0x2  }
0xb9: {  	s31 =	sshll.u32 s1, $0xD;
	s1 =	sshrl.u32 s1, $0x2  }
0xba: {  	s3 =	sand.u32 $0x4000, s31;
	s1 =	sadd.s32 s1, s30  }
0xbb: {  	s0 =	sor.u32 s3, s0;
	s1 =	sshll.u32 s1, $0x11  }
0xbc: {  	s0 =	sor.u32 s1, s0  }
0xbd: {  	s0 =	sadd.s32 $0x8F2B, s0  }
0xbe: {  	[sflag:s0] =	ssyncadd.remote.s32 $0x1  }
0xbf: {  	_ =	sfence.sel $0xFFFF  }
0xc0: {  	[dreg:$0x0] =	wrdreg $0xFFFFFFFF;
	(pc) =	sbr.abs _section_cstart, $3  }
0xc1: {  	[dreg:$0x1] =	wrdreg $0xFFFFFFFF  }
0xc2: {  	_ =	task.clear_ibuf [dreg:s7], $0x2FFFF;
	_ =	strace $0x9FFFFFFF  }
0xc3: {  	(tm) =	ssettm $0x7FFFFFFF  }
tec
execute0_lowered:
.L_overlay_start_1:
0x0: {  	(tag) =	ssettag $0x1  }
0x1: {  	s5 =	rddreg [dreg:$0x0]  }
0x2: {  	s1 =	rddreg [dreg:$0x1]  }
0x3: {  	s2 =	rddreg [dreg:$0x2];
	s4 =	simm.s32 $0x0  }
0x4: {  	s0 =	srdreg.scid;
	s22 =	stileid.u32;
	s28 =	simm.s32 $0x2  }
0x5: {  	s29 =	simm.s32 $0x3;
	s30 =	simm.s32 $0x4;
	s31 =	simm.s32 $0x5  }
0x6: {  	[smem:$0x7FF] =	sst s4;
	s3 =	sand.u32 $0x1, s0;
	s6 =	smul.u32 $0x278, s22  }
0x7: {  	s7 =	sadd.s32 $0x43600, s5;
	s0 =	smul.u32 $0x16380, s22;
	s10 =	sshll.u32 s22, $0x1  }
0x8: {  	_ =	strace $0x80000047;
	s8 =	ssub.s32 $0x2, s3;
	s11 =	smul.u32 $0x163800, s3  }
0x9: {  	s26 =	sor.u32 s3, s10;
	s9 =	sshrl.u32 s8, $0x1;
	s10 =	sadd.s32 $0x13B00, s0  }
0xa: {  	s6 =	sadd.s32 $0x50, s6;
	s18 =	sadd.s32 $0x5A00, s0;
	s19 =	sadd.s32 $0x8700, s0  }
0xb: {  	s8 =	ssub.s32 s8, s9;
	s14 =	sadd.s32 s11, s10;
	s3 =	smul.u32 $0x90, s6  }
0xc: {  	s12 =	sadd.s32 s11, s0;
	s9 =	smul.u32 $0x28A0, s26;
	s16 =	sadd.s32 s11, s18  }
0xd: {  	s13 =	sshrl.u32 s14, $0x3;
	s12 =	sshrl.u32 s12, $0x3;
	s14 =	sadd.s32 s11, s19  }
0xe: {  	s17 =	sshrl.u32 s16, $0x3;
	s16 =	sadd.s32 $0x2600, s5;
	s8 =	smax.u32 s8, $0x1  }
0xf: {  	s13 =	sadd.s32 s7, s13;
	s12 =	sadd.s32 s7, s12;
	s15 =	sadd.s32 s11, s3  }
0x10: {  	s20 =	sshrl.u32 s14, $0x3;
	s14 =	sadd.s32 $0x2EE00, s5;
	[dreg:$0x10] =	wrdreg s8  }
0x11: {  	s26 =	sshrl.u32 s9, $0x3;
	s3 =	sadd.s32 s3, s2;
	[dreg:$0x4] =	wrdreg s13  }
0x12: {  	[dreg:$0x5] =	wrdreg s12;
	s12 =	sshrl.u32 s15, $0x3;
	s21 =	sadd.s32 s7, s20  }
0x13: {  	s20 =	sadd.s32 $0xE100, s0;
	s15 =	sadd.s32 $0x29E00, s5;
	s12 =	sadd.s32 s7, s12  }
0x14: {  	[dreg:$0x8] =	wrdreg s21;
	s21 =	sadd.s32 $0x10E00, s0;
	s24 =	sadd.s32 s11, s20  }
0x15: {  	[dreg:$0x6] =	wrdreg s12;
	s12 =	sadd.s32 s7, s17;
	s25 =	sshrl.u32 s24, $0x3  }
0x16: {  	s17 =	sadd.s32 s10, s2;
	[dreg:$0x7] =	wrdreg s12;
	s12 =	sadd.s32 $0xB400, s0  }
0x17: {  	s0 =	sadd.s32 s0, s2;
	s23 =	sadd.s32 s11, s12;
	s11 =	sadd.s32 s11, s21  }
0x18: {  	s12 =	sadd.s32 s12, s2;
	s0 =	sshrl.u32 s0, $0x3;
	s13 =	sshrl.u32 s23, $0x3  }
0x19: {  	s11 =	sshrl.u32 s11, $0x3;
	[dreg:$0x18] =	wrdreg s0;
	s13 =	sadd.s32 s7, s13  }
0x1a: {  	s23 =	sadd.s32 $0xA, s26;
	[dreg:$0x9] =	wrdreg s13;
	s13 =	sadd.s32 s7, s25  }
0x1b: {  	s0 =	simm.s32 $0x6;
	s7 =	sadd.s32 s7, s11;
	[dreg:$0xa] =	wrdreg s13  }
0x1c: {  	s11 =	sadd.s32 s14, s26;
	s25 =	smul.u32 $0x240, s6;
	[dreg:$0xb] =	wrdreg s7  }
0x1d: {  	s13 =	sadd.s32 $0x39200, s5;
	[dreg:$0xd] =	wrdreg s11;
	s5 =	sadd.s32 s14, s23  }
0x1e: {  	s7 =	smul.u32 $0x58E00, s22;
	s10 =	sadd.s32 s13, s26;
	[dreg:$0xf] =	wrdreg s5  }
0x1f: {  	s22 =	sadd.s32 $0xA0, s9;
	s24 =	sadd.s32 s13, s23;
	[dreg:$0xc] =	wrdreg s10  }
0x20: {  	s23 =	sadd.s32 $0xF0, s9;
	s5 =	sshrl.u32 s25, $0x2;
	[dreg:$0xe] =	wrdreg s24  }
0x21: {  	s26 =	sshrl.u32 s7, $0x2;
	s9 =	sadd.s32 $0x16800, s7;
	s10 =	sadd.s32 $0x21C00, s7  }
0x22: {  	s5 =	sadd.s32 s5, s2;
	s25 =	sadd.s32 $0x2D000, s7;
	s6 =	sadd.s32 s26, s2  }
0x23: {  	[dreg:$0x12] =	wrdreg s5;
	s24 =	sshrl.u32 s10, $0x2;
	s26 =	sadd.s32 $0x38400, s7  }
0x24: {  	s7 =	sadd.s32 $0x43800, s7;
	s10 =	sadd.s32 s18, s2;
	s18 =	sadd.s32 s20, s2  }
0x25: {  	s20 =	sshrl.u32 s3, $0x3;
	s3 =	simm.s32 $0x0;
	[dreg:$0x11] =	wrdreg s6  }
0x26: {  	s6 =	sshrl.u32 s9, $0x2;
	s5 =	sadd.s32 s24, s2;
	s9 =	sshrl.u32 s7, $0x2  }
0x27: {  	[dreg:$0x19] =	wrdreg s20;
	s20 =	simm.s32 $0xF0;
	s11 =	sadd.s32 s6, s2  }
0x28: {  	[dreg:$0x14] =	wrdreg s5;
	s5 =	sshrl.u32 s25, $0x2;
	s6 =	sshrl.u32 s26, $0x2  }
0x29: {  	s25 =	sshrl.u32 s12, $0x3;
	s26 =	sshrl.u32 s18, $0x3;
	s12 =	simm.s32 $0x7  }
0x2a: {  	s18 =	simm.s32 $0xA0;
	[dreg:$0x13] =	wrdreg s11;
	s5 =	sadd.s32 s5, s2  }
0x2b: {  	s8 =	sadd.s32 s6, s2;
	s11 =	sadd.s32 s19, s2;
	[dreg:$0x1c] =	wrdreg s25  }
0x2c: {  	s19 =	sadd.s32 s21, s2;
	s21 =	sshrl.u32 s10, $0x3;
	[dreg:$0x1d] =	wrdreg s26  }
.Ltmp0:
0x2d: {  	s25 =	simm.s32 $0x3D40;
	[dreg:$0x15] =	wrdreg s5;
	(pc) =	sbr.rel .LBB2_1-.Ltmp0, $4  }
0x2e: {  	s26 =	simm.s32 $0x1;
	[dreg:$0x16] =	wrdreg s8;
	s5 =	sadd.s32 s9, s2  }
0x2f: {  	[dreg:$0x1a] =	wrdreg s21;
	s24 =	sshrl.u32 s11, $0x3;
	s10 =	sshrl.u32 s19, $0x3  }
0x30: {  	s11 =	simm.s32 $0x6540;
	s19 =	simm.s32 $0x50;
	[dreg:$0x17] =	wrdreg s5  }
0x31: {  	v0 =	vimm.f32 $0.0e+00;
	vm0 =	vmmov $0xf;
	s21 =	simm.s32 $0x640;
	[dreg:$0x1b] =	wrdreg s24;
	s24 =	simm.s32 $0x1040  }
.LBB2_10:
0x32: {  	s5 =	stileid.u32;
	[bflag:$0x0] =	sbarrier.arrive $0xFFFF  }
0x33: {  	s5 =	sshll.u32 s5, $0x6;
	s6 =	rddreg [dreg:$0x5]  }
0x34: {  	s7 =	rddreg [dreg:$0x18];
	s5 =	sor.u32 $0x1C07, s5  }
0x35: {  	[hbm:s6], [sflag:s5] =	dma.local [spmem:s7], $0x5A0  }
0x36: {  	_ =	swait.ge [sflag:s12], $0x5A0  }
0x37: {  	[sflag:s12] =	ssyncset.done $0x0;
	s8 =	rddreg [dreg:$0x6]  }
0x38: {  	s9 =	rddreg [dreg:$0x19];
	[sflag:s12] =	ssyncadd.s32 $0xFFFFFA60  }
0x39: {  	[hbm:s8], [sflag:s5] =	dma.local [spmem:s9], $0x5A0  }
0x3a: {  	_ =	swait.ge [sflag:s12], $0x5A0  }
0x3b: {  	[sflag:s12] =	ssyncset.done $0x0;
	s8 =	rddreg [dreg:$0x7]  }
0x3c: {  	s9 =	rddreg [dreg:$0x1a];
	[sflag:s12] =	ssyncadd.s32 $0xFFFFFA60  }
0x3d: {  	[hbm:s8], [sflag:s5] =	dma.local [spmem:s9], $0x5A0  }
0x3e: {  	_ =	swait.ge [sflag:s12], $0x5A0  }
0x3f: {  	[sflag:s12] =	ssyncset.done $0x0;
	s8 =	rddreg [dreg:$0x8]  }
0x40: {  	s9 =	rddreg [dreg:$0x1b];
	[sflag:s12] =	ssyncadd.s32 $0xFFFFFA60  }
0x41: {  	[hbm:s8], [sflag:s5] =	dma.local [spmem:s9], $0x5A0  }
0x42: {  	_ =	swait.ge [sflag:s12], $0x5A0  }
0x43: {  	[sflag:s12] =	ssyncset.done $0x0;
	s8 =	rddreg [dreg:$0x9]  }
0x44: {  	s9 =	rddreg [dreg:$0x1c];
	[sflag:s12] =	ssyncadd.s32 $0xFFFFFA60  }
0x45: {  	[hbm:s8], [sflag:s5] =	dma.local [spmem:s9], $0x5A0  }
0x46: {  	_ =	swait.ge [sflag:s12], $0x5A0  }
0x47: {  	[sflag:s12] =	ssyncset.done $0x0;
	s7 =	rddreg [dreg:$0xa]  }
0x48: {  	s8 =	rddreg [dreg:$0x1d];
	[sflag:s12] =	ssyncadd.s32 $0xFFFFFA60  }
0x49: {  	[hbm:s7], [sflag:s5] =	dma.local [spmem:s8], $0x5A0  }
0x4a: {  	_ =	swait.ge [sflag:s12], $0x5A0  }
0x4b: {  	[sflag:s12] =	ssyncset.done $0x0  }
0x4c: {  	s9 =	rddreg [dreg:$0xb];
	[sflag:s12] =	ssyncadd.s32 $0xFFFFFA60  }
0x4d: {  	[hbm:s9], [sflag:s5] =	dma.local [spmem:s10], $0x5A0  }
0x4e: {  	_ =	swait.ge [sflag:s12], $0x5A0  }
0x4f: {  	[sflag:s12] =	ssyncset.done $0x0  }
0x50: {  	s7 =	sshrl.u32 s17, $0x3;
	s8 =	rddreg [dreg:$0x4];
	[sflag:s12] =	ssyncadd.s32 $0xFFFFFA60  }
0x51: {  	[hbm:s8], [sflag:s5] =	dma.local [spmem:s7], $0x510  }
0x52: {  	_ =	swait.ge [sflag:s12], $0x510  }
0x53: {  	s3 =	sadd.s32 $0x1, s3;
	s9 =	rddreg [dreg:$0x10]  }
0x54: {  	p0 =	sne.s32 s3, s9  }
.Ltmp1:
0x55: {  	_ = 	snop;
	(pc) =	sbr.rel @!p0 .LBB2_11-.Ltmp1, $3  }
0x56: {  	_ =	sdelay $0x1  }
0x57: {  	[sflag:s12] =	ssyncset.done $0x0  }
0x58: {  	[sflag:s12] =	ssyncadd.s32 $0xFFFFFAF0  }
.LBB2_1:
0x59: {  	s5 =	simm.s32 $0x80;
	s6 =	simm.s32 $0x440  }
.LBB2_2:
0x5a: {  	p0 =	sne.s32 s6, $0xB3C0;
	[tilespmem:s5+$0x6540] =	vst v0  }
0x5b: {  	[tilespmem:s5+$0x64C0] =	vst v0  }
0x5c: {  	[tilespmem:s5+$0x64D0] =	vst v0  }
0x5d: {  	[tilespmem:s5+$0x64E0] =	vst v0  }
.Ltmp2:
0x5e: {  	[tilespmem:s5+$0x64F0] =	vst v0;
	(pc) =	sbr.rel @p0 .LBB2_2-.Ltmp2, $4  }
0x5f: {  	[tilespmem:s5+$0x6500] =	vst v0  }
0x60: {  	[tilespmem:s5+$0x6510] =	vst v0  }
0x61: {  	[tilespmem:s5+$0x6520] =	vst v0  }
0x62: {  	[tilespmem:s5+$0x6530] =	vst v0;
	s5 =	sshra.s32 s6, $0x2;
	s6 =	sadd.s32 $0x240, s6  }
0x63: {  	[tilespmem:s5+$0x6540] =	vst v0  }
0x64: {  	[tilespmem:s5+$0x64C0] =	vst v0  }
0x65: {  	[tilespmem:s5+$0x64D0] =	vst v0  }
0x66: {  	[tilespmem:s5+$0x64E0] =	vst v0  }
0x67: {  	[tilespmem:s5+$0x64F0] =	vst v0  }
0x68: {  	[tilespmem:s5+$0x6500] =	vst v0  }
0x69: {  	[tilespmem:s5+$0x6510] =	vst v0  }
0x6a: {  	[tilespmem:s5+$0x6520] =	vst v0  }
0x6b: {  	[tilespmem:s5+$0x6530] =	vst v0;
	s8 =	rddreg [dreg:$0x11]  }
0x6c: {  	[spmem:s8] =	stream.linear.scatter [tilespmem:s11], [sflag:$0x7], $0x2D00, $0x38;
	[tilespmem:$0x1F5C0] =	vst v63  }
0x6d: {  	_ =	swait.ge [sflag:s12], $0x2D00  }
0x6e: {  	[sflag:s12] =	ssyncset.done $0x0  }
0x6f: {  	s9 =	rddreg [dreg:$0x12];
	[sflag:s12] =	ssyncadd.s32 $0xFFFFD300  }
0x70: {  	[spmem:s9] =	stream.linear.scatter [tilespmem:s11], [sflag:$0x7], $0x2D00, $0x38;
	[tilespmem:$0x1F5C0] =	vst v63  }
0x71: {  	_ =	swait.ge [sflag:s12], $0x2D00  }
0x72: {  	[sflag:s12] =	ssyncset.done $0x0  }
0x73: {  	s6 =	rddreg [dreg:$0x13];
	[sflag:s12] =	ssyncadd.s32 $0xFFFFD300  }
0x74: {  	[spmem:s6] =	stream.linear.scatter [tilespmem:s11], [sflag:$0x7], $0x2D00, $0x38;
	[tilespmem:$0x1F5C0] =	vst v63  }
0x75: {  	_ =	swait.ge [sflag:s12], $0x2D00  }
0x76: {  	[sflag:s12] =	ssyncset.done $0x0  }
0x77: {  	s7 =	rddreg [dreg:$0x14];
	[sflag:s12] =	ssyncadd.s32 $0xFFFFD300  }
0x78: {  	[spmem:s7] =	stream.linear.scatter [tilespmem:s11], [sflag:$0x7], $0x2D00, $0x38;
	[tilespmem:$0x1F5C0] =	vst v63  }
0x79: {  	_ =	swait.ge [sflag:s12], $0x2D00  }
0x7a: {  	[sflag:s12] =	ssyncset.done $0x0  }
0x7b: {  	s8 =	rddreg [dreg:$0x15];
	[sflag:s12] =	ssyncadd.s32 $0xFFFFD300  }
0x7c: {  	[spmem:s8] =	stream.linear.scatter [tilespmem:s11], [sflag:$0x7], $0x2D00, $0x38;
	[tilespmem:$0x1F5C0] =	vst v63  }
0x7d: {  	_ =	swait.ge [sflag:s12], $0x2D00  }
0x7e: {  	[sflag:s12] =	ssyncset.done $0x0  }
0x7f: {  	s9 =	rddreg [dreg:$0x16];
	[sflag:s12] =	ssyncadd.s32 $0xFFFFD300  }
0x80: {  	[spmem:s9] =	stream.linear.scatter [tilespmem:s11], [sflag:$0x7], $0x2D00, $0x38;
	[tilespmem:$0x1F5C0] =	vst v63  }
0x81: {  	_ =	swait.ge [sflag:s12], $0x2D00  }
0x82: {  	[sflag:s12] =	ssyncset.done $0x0  }
0x83: {  	s6 =	rddreg [dreg:$0x17];
	[sflag:s12] =	ssyncadd.s32 $0xFFFFD300  }
0x84: {  	[spmem:s6] =	stream.linear.scatter [tilespmem:s11], [sflag:$0x7], $0x2D00, $0x38;
	[tilespmem:$0x1F5C0] =	vst v63  }
0x85: {  	_ =	swait.ge [sflag:s12], $0x2D00  }
0x86: {  	[sflag:s12] =	ssyncset.done $0x0  }
0x87: {  	[sflag:s12] =	ssyncadd.s32 $0xFFFFD300  }
0x88: {  	[spmem:s17] =	stream.linear.scatter [tilespmem:s11], [sflag:$0x7], $0x2880, $0x38;
	[tilespmem:$0x1F5C0] =	vst v63  }
0x89: {  	_ =	swait.ge [sflag:s12], $0x2880  }
0x8a: {  	[sflag:s12] =	ssyncset.done $0x0  }
0x8b: {  	[sflag:s12] =	ssyncadd.s32 $0xFFFFD780  }
0x8c: {  	[bflag:$0x0] =	sbarrier.arrive $0xFFFF  }
0x8d: {  	s5 =	simm.s32 $0x0;
	s6 =	rddreg [dreg:$0xc]  }
0x8e: {  	[tilespmem:s5], [sflag:$0x7] =	stream.linear.gather [hbm4b:s6+s5], $0x50, $0x38;
	[tilespmem:$0x1F5C0] =	vst v63  }
0x8f: {  	_ =	swait.ge [sflag:s12], $0x50  }
0x90: {  	[sflag:s12] =	ssyncset.done $0x0  }
0x91: {  	s7 =	rddreg [dreg:$0xd];
	[sflag:s12] =	ssyncadd.s32 $0xFFFFFFB0  }
0x92: {  	[tilespmem:s18], [sflag:$0x7] =	stream.linear.gather [hbm4b:s7+s5], $0x50, $0x38;
	[tilespmem:$0x1F5C0] =	vst v63  }
0x93: {  	_ =	swait.ge [sflag:s12], $0x50  }
0x94: {  	[sflag:s12] =	ssyncset.done $0x0  }
0x95: {  	s8 =	simm.s32 $0x140;
	[sflag:s12] =	ssyncadd.s32 $0xFFFFFFB0  }
0x96: {  	[tilespmem:s8], [sflag:$0x1] =	stream.indirect.gather [hbm4b:s1+s19], $0x10, s5, s19, $0xb8;
	[tilespmem:$0x1F5C0] =	vst v63  }
0x97: {  	s9 =	simm.s32 $0xB40  }
0x98: {  	[tilespmem:s9], [sflag:$0x2] =	stream.indirect.gather [hbm4b:s15+s19], $0x10, s18, s19, $0xb8;
	[tilespmem:$0x1F5C0] =	vst v63  }
0x99: {  	s7 =	simm.s32 $0x1540  }
0x9a: {  	[tilespmem:s7], [sflag:$0x3] =	stream.indirect.gather [hbm4b:s16+s19], $0x80, s5, s19, $0xb8;
	[tilespmem:$0x1F5C0] =	vst v63  }
0x9b: {  	s8 =	rddreg [dreg:$0xe]  }
0x9c: {  	[tilespmem:s19], [sflag:$0x7] =	stream.linear.gather [hbm4b:s8+s5], $0x50, $0x38;
	[tilespmem:$0x1F5C0] =	vst v63  }
0x9d: {  	_ =	swait.ge [sflag:s12], $0x50  }
0x9e: {  	[sflag:s12] =	ssyncset.done $0x0  }
0x9f: {  	s9 =	rddreg [dreg:$0xf];
	[sflag:s12] =	ssyncadd.s32 $0xFFFFFFB0  }
0xa0: {  	[tilespmem:s20], [sflag:$0x7] =	stream.linear.gather [hbm4b:s9+s5], $0x50, $0x38;
	[tilespmem:$0x1F5C0] =	vst v63  }
0xa1: {  	_ =	swait.ge [sflag:s12], $0x50  }
0xa2: {  	[sflag:s12] =	ssyncset.done $0x0  }
0xa3: {  	[sflag:s12] =	ssyncadd.s32 $0xFFFFFFB0  }
0xa4: {  	[tilespmem:s21], [sflag:$0x4] =	stream.indirect.gather [hbm4b:s1+s19], $0x10, s19, s19, $0xb8;
	[tilespmem:$0x1F5C0] =	vst v63  }
0xa5: {  	_ = 	snop  }
0xa6: {  	[tilespmem:s24], [sflag:$0x5] =	stream.indirect.gather [hbm4b:s15+s19], $0x10, s20, s19, $0xb8;
	[tilespmem:$0x1F5C0] =	vst v63  }
0xa7: {  	_ = 	snop  }
0xa8: {  	[tilespmem:s25], [sflag:$0x6] =	stream.indirect.gather [hbm4b:s16+s19], $0x80, s19, s19, $0xb8;
	[tilespmem:$0x1F5C0] =	vst v63  }
.LBB2_4:
0xa9: {  	_ =	swait.ge [sflag:s26], $0x500  }
0xaa: {  	[sflag:s26] =	ssyncset.done $0x0  }
0xab: {  	[sflag:s26] =	ssyncadd.s32 $0xFFFFFB00  }
0xac: {  	_ =	swait.ge [sflag:s28], $0x500  }
0xad: {  	[sflag:s28] =	ssyncset.done $0x0  }
0xae: {  	[sflag:s28] =	ssyncadd.s32 $0xFFFFFB00  }
0xaf: {  	_ =	swait.ge [sflag:s29], $0x2800  }
0xb0: {  	[sflag:s29] =	ssyncset.done $0x0  }
0xb1: {  	s6 =	simm.s32 $0x0;
	[sflag:s29] =	ssyncadd.s32 $0xFFFFD800  }
0xb2: {  	v1 =	vld [tilespmem:s6+$0x140]  }
0xb3: {  	v2 =	vld [tilespmem:s6+$0xB40];
	_ =	sdelay $0x4  }
0xb4: {  	v1 =	vadd.f32 v2, v1;
	_ =	sdelay $0x1  }
0xb5: {  	v2 =	vmul.f32 $2.000000030e-01, v1;
	_ =	sdelay $0x1  }
0xb6: {  	v1 =	vmax.f32 v1, v2  }
0xb7: {  	v1 =	vmul.f32 $1.442695020e+00, v1;
	_ =	sdelay $0x1  }
0xb8: {  	(erf) = vpow2.f32 v1;
	_ =	sdelay $0x8  }
0xb9: {  	v1 =	vpop (erf)  }
0xba: {  	s6 =	simm.s32 $0x6580;
	v2 =	vnsel vm0, $0x0, v1  }
0xbb: {  	s7 =	simm.s32 $0x1580;
	[tilespmem:s6+$0x40] =	vst v2  }
0xbc: {  	v2 =	vld [tilespmem:s7+$0xFFFFFFC0];
	_ =	sdelay $0x2  }
0xbd: {  	v3 =	vbroadcast v1, $0x0;
	_ =	sdelay $0x1  }
0xbe: {  	v2 =	vmul.f32 v3, v2;
	_ =	sdelay $0x1  }
0xbf: {  	[tilespmem:s6+$0xFFFFFFC0] =	vst v2  }
0xc0: {  	v2 =	vld [tilespmem:s7+$0xFFFFFFD0];
	_ =	sdelay $0x4  }
0xc1: {  	v2 =	vmul.f32 v3, v2;
	_ =	sdelay $0x1  }
0xc2: {  	[tilespmem:s6+$0xFFFFFFD0] =	vst v2  }
0xc3: {  	v2 =	vld [tilespmem:s7+$0xFFFFFFE0];
	_ =	sdelay $0x2  }
0xc4: {  	v3 =	vbroadcast v1, $0x1;
	_ =	sdelay $0x1  }
0xc5: {  	v2 =	vmul.f32 v3, v2;
	_ =	sdelay $0x1  }
0xc6: {  	[tilespmem:s6+$0xFFFFFFE0] =	vst v2  }
0xc7: {  	v2 =	vld [tilespmem:s7+$0xFFFFFFF0];
	_ =	sdelay $0x4  }
0xc8: {  	v2 =	vmul.f32 v2, v3;
	_ =	sdelay $0x1  }
0xc9: {  	[tilespmem:s6+$0xFFFFFFF0] =	vst v2  }
0xca: {  	v2 =	vld [tilespmem:s7+$0x0];
	_ =	sdelay $0x2  }
0xcb: {  	v3 =	vbroadcast v1, $0x2;
	_ =	sdelay $0x1  }
0xcc: {  	v2 =	vmul.f32 v2, v3;
	_ =	sdelay $0x1  }
0xcd: {  	[tilespmem:s6+$0x0] =	vst v2  }
0xce: {  	v2 =	vld [tilespmem:s7+$0x10];
	_ =	sdelay $0x4  }
0xcf: {  	v2 =	vmul.f32 v2, v3;
	_ =	sdelay $0x1  }
0xd0: {  	[tilespmem:s6+$0x10] =	vst v2  }
0xd1: {  	v2 =	vld [tilespmem:s7+$0x20];
	_ =	sdelay $0x2  }
0xd2: {  	v1 =	vbroadcast v1, $0x3;
	_ =	sdelay $0x1  }
0xd3: {  	v2 =	vmul.f32 v2, v1;
	_ =	sdelay $0x1  }
0xd4: {  	[tilespmem:s6+$0x20] =	vst v2  }
0xd5: {  	v2 =	vld [tilespmem:s7+$0x30];
	_ =	sdelay $0x4  }
0xd6: {  	v1 =	vmul.f32 v2, v1;
	_ =	sdelay $0x1  }
0xd7: {  	s9 =	simm.s32 $0x10;
	[tilespmem:s6+$0x30] =	vst v1  }
0xd8: {  	s8 =	simm.s32 $0x80;
	v1 =	vld [tilespmem:s9+$0x140]  }
.LBB2_5:
0xd9: {  	p0 =	sne.s32 s8, $0x13C0;
	v2 =	vld [tilespmem:s9+$0xB40];
	_ =	sdelay $0x4  }
0xda: {  	v1 =	vadd.f32 v2, v1;
	_ =	sdelay $0x1  }
0xdb: {  	v2 =	vmul.f32 $2.000000030e-01, v1;
	_ =	sdelay $0x1  }
0xdc: {  	v1 =	vmax.f32 v1, v2  }
0xdd: {  	v1 =	vmul.f32 $1.442695020e+00, v1;
	_ =	sdelay $0x1  }
0xde: {  	(erf) = vpow2.f32 v1;
	_ =	sdelay $0x8  }
0xdf: {  	v1 =	vpop (erf)  }
0xe0: {  	s6 =	sadd.s32 $0x90, s6;
	v2 =	vnsel vm0, $0x0, v1  }
0xe1: {  	s7 =	sadd.s32 $0x80, s7;
	[tilespmem:s6+$0x40] =	vst v2  }
0xe2: {  	v2 =	vld [tilespmem:s7+$0xFFFFFFC0];
	_ =	sdelay $0x2  }
0xe3: {  	v3 =	vbroadcast v1, $0x0;
	_ =	sdelay $0x1  }
0xe4: {  	v2 =	vmul.f32 v3, v2;
	_ =	sdelay $0x1  }
0xe5: {  	[tilespmem:s6+$0xFFFFFFC0] =	vst v2  }
0xe6: {  	v2 =	vld [tilespmem:s7+$0xFFFFFFD0];
	_ =	sdelay $0x4  }
0xe7: {  	v2 =	vmul.f32 v3, v2;
	_ =	sdelay $0x1  }
0xe8: {  	[tilespmem:s6+$0xFFFFFFD0] =	vst v2  }
0xe9: {  	v2 =	vld [tilespmem:s7+$0xFFFFFFE0];
	_ =	sdelay $0x2  }
0xea: {  	v3 =	vbroadcast v1, $0x1;
	_ =	sdelay $0x1  }
0xeb: {  	v2 =	vmul.f32 v3, v2;
	_ =	sdelay $0x1  }
0xec: {  	[tilespmem:s6+$0xFFFFFFE0] =	vst v2  }
0xed: {  	v2 =	vld [tilespmem:s7+$0xFFFFFFF0];
	_ =	sdelay $0x4  }
0xee: {  	v2 =	vmul.f32 v2, v3;
	_ =	sdelay $0x1  }
0xef: {  	[tilespmem:s6+$0xFFFFFFF0] =	vst v2  }
0xf0: {  	v2 =	vld [tilespmem:s7+$0x0];
	_ =	sdelay $0x2  }
0xf1: {  	v3 =	vbroadcast v1, $0x2;
	_ =	sdelay $0x1  }
0xf2: {  	v2 =	vmul.f32 v2, v3;
	_ =	sdelay $0x1  }
0xf3: {  	[tilespmem:s6+$0x0] =	vst v2  }
0xf4: {  	v2 =	vld [tilespmem:s7+$0x10];
	_ =	sdelay $0x4  }
0xf5: {  	v2 =	vmul.f32 v2, v3;
	_ =	sdelay $0x1  }
0xf6: {  	[tilespmem:s6+$0x10] =	vst v2  }
0xf7: {  	v2 =	vld [tilespmem:s7+$0x20];
	_ =	sdelay $0x2  }
0xf8: {  	v1 =	vbroadcast v1, $0x3;
	_ =	sdelay $0x1  }
0xf9: {  	v2 =	vmul.f32 v2, v1;
	_ =	sdelay $0x1  }
0xfa: {  	[tilespmem:s6+$0x20] =	vst v2  }
0xfb: {  	v2 =	vld [tilespmem:s7+$0x30];
	_ =	sdelay $0x3  }
.Ltmp3:
0xfc: {  	(pc) =	sbr.rel @p0 .LBB2_5-.Ltmp3, $3  }
0xfd: {  	v1 =	vmul.f32 v2, v1;
	_ =	sdelay $0x1  }
0xfe: {  	s9 =	sshra.s32 s8, $0x2;
	[tilespmem:s6+$0x30] =	vst v1  }
0xff: {  	s8 =	sadd.s32 $0x40, s8;
	v1 =	vld [tilespmem:s9+$0x140]  }
0x100: {  	v2 =	vld [tilespmem:s9+$0xB40];
	_ =	sdelay $0x4  }
0x101: {  	v1 =	vadd.f32 v2, v1;
	_ =	sdelay $0x1  }
0x102: {  	v2 =	vmul.f32 $2.000000030e-01, v1;
	_ =	sdelay $0x1  }
0x103: {  	v1 =	vmax.f32 v1, v2  }
0x104: {  	v1 =	vmul.f32 $1.442695020e+00, v1;
	_ =	sdelay $0x1  }
0x105: {  	(erf) = vpow2.f32 v1;
	_ =	sdelay $0x8  }
0x106: {  	v1 =	vpop (erf)  }
0x107: {  	s6 =	sadd.s32 $0x90, s6;
	v2 =	vnsel vm0, $0x0, v1  }
0x108: {  	s7 =	sadd.s32 $0x80, s7;
	[tilespmem:s6+$0x40] =	vst v2  }
0x109: {  	v2 =	vld [tilespmem:s7+$0xFFFFFFC0];
	_ =	sdelay $0x2  }
0x10a: {  	v3 =	vbroadcast v1, $0x0;
	_ =	sdelay $0x1  }
0x10b: {  	v2 =	vmul.f32 v3, v2;
	_ =	sdelay $0x1  }
0x10c: {  	[tilespmem:s6+$0xFFFFFFC0] =	vst v2  }
0x10d: {  	v2 =	vld [tilespmem:s7+$0xFFFFFFD0];
	_ =	sdelay $0x4  }
0x10e: {  	v2 =	vmul.f32 v3, v2;
	_ =	sdelay $0x1  }
0x10f: {  	[tilespmem:s6+$0xFFFFFFD0] =	vst v2  }
0x110: {  	v2 =	vld [tilespmem:s7+$0xFFFFFFE0];
	_ =	sdelay $0x2  }
0x111: {  	v3 =	vbroadcast v1, $0x1;
	_ =	sdelay $0x1  }
0x112: {  	v2 =	vmul.f32 v3, v2;
	_ =	sdelay $0x1  }
0x113: {  	[tilespmem:s6+$0xFFFFFFE0] =	vst v2  }
0x114: {  	v2 =	vld [tilespmem:s7+$0xFFFFFFF0];
	_ =	sdelay $0x4  }
0x115: {  	v2 =	vmul.f32 v2, v3;
	_ =	sdelay $0x1  }
0x116: {  	[tilespmem:s6+$0xFFFFFFF0] =	vst v2  }
0x117: {  	v2 =	vld [tilespmem:s7+$0x0];
	_ =	sdelay $0x2  }
0x118: {  	v3 =	vbroadcast v1, $0x2;
	_ =	sdelay $0x1  }
0x119: {  	v2 =	vmul.f32 v2, v3;
	_ =	sdelay $0x1  }
0x11a: {  	[tilespmem:s6+$0x0] =	vst v2  }
0x11b: {  	v2 =	vld [tilespmem:s7+$0x10];
	_ =	sdelay $0x4  }
0x11c: {  	v2 =	vmul.f32 v2, v3;
	_ =	sdelay $0x1  }
0x11d: {  	[tilespmem:s6+$0x10] =	vst v2  }
0x11e: {  	v2 =	vld [tilespmem:s7+$0x20];
	_ =	sdelay $0x2  }
0x11f: {  	v1 =	vbroadcast v1, $0x3;
	_ =	sdelay $0x1  }
0x120: {  	v2 =	vmul.f32 v2, v1;
	_ =	sdelay $0x1  }
0x121: {  	[tilespmem:s6+$0x20] =	vst v2  }
0x122: {  	v2 =	vld [tilespmem:s7+$0x30];
	_ =	sdelay $0x4  }
0x123: {  	v1 =	vmul.f32 v2, v1  }
0x124: {  	p0 =	seq.s32 s5, $0x40  }
0x125: {  	[tilespmem:s6+$0x30] =	vst v1;
	s6 =	smul.u32 @!p0 $0xA0, s5  }
0x126: {  	[spmem:s2] =	stream.indirect.scatter.add.f32 [tilespmem:s11], [sflag:$0x7], $0x90, s18, s19, $0xb8;
	[tilespmem:$0x1F5C0] =	vst v63  }
0x127: {  	_ =	swait.ge [sflag:s12], $0x2D00;
	s6 =	sadd.s32 @!p0 s6, s22  }
0x128: {  	[sflag:s12] =	ssyncset.done $0x0;
	s6 =	sshrl.u32 @!p0 s6, $0x3  }
0x129: {  	s8 =	simm.s32 @!p0 $0x0;
	[sflag:s12] =	ssyncadd.s32 $0xFFFFD300;
	s7 =	sadd.s32 @!p0 s13, s6  }
0x12a: {  	[tilespmem:s8], [sflag:$0x7] =	stream.linear.gather @!p0 [hbm4b:s7+s8], $0x50, $0x38;
	[tilespmem:$0x1F5C0] =	vst v63  }
0x12b: {  	s7 =	simm.s32 @!p0 $0x7  }
0x12c: {  	_ =	swait.ge @!p0 [sflag:s7], $0x50  }
0x12d: {  	[sflag:s7] =	ssyncset.done @!p0 $0x0  }
0x12e: {  	s9 =	simm.s32 @!p0 $0xA0;
	s6 =	sadd.s32 @!p0 s14, s6;
	[sflag:s7] =	ssyncadd.s32 @!p0 $0xFFFFFFB0  }
0x12f: {  	[tilespmem:s9], [sflag:$0x7] =	stream.linear.gather @!p0 [hbm4b:s6+s8], $0x50, $0x38;
	[tilespmem:$0x1F5C0] =	vst v63  }
0x130: {  	_ =	swait.ge @!p0 [sflag:s7], $0x50  }
0x131: {  	[sflag:s7] =	ssyncset.done @!p0 $0x0  }
0x132: {  	s6 =	simm.s32 @!p0 $0x50;
	[sflag:s7] =	ssyncadd.s32 @!p0 $0xFFFFFFB0;
	s7 =	simm.s32 @!p0 $0x140  }
0x133: {  	[tilespmem:s7], [sflag:$0x1] =	stream.indirect.gather @!p0 [hbm4b:s1+s6], $0x10, s8, s6, $0xb8;
	[tilespmem:$0x1F5C0] =	vst v63  }
0x134: {  	s7 =	simm.s32 @!p0 $0xB40  }
0x135: {  	[tilespmem:s7], [sflag:$0x2] =	stream.indirect.gather @!p0 [hbm4b:s15+s6], $0x10, s9, s6, $0xb8;
	[tilespmem:$0x1F5C0] =	vst v63  }
0x136: {  	s7 =	simm.s32 @!p0 $0x1540  }
0x137: {  	[tilespmem:s7], [sflag:$0x3] =	stream.indirect.gather @!p0 [hbm4b:s16+s6], $0x80, s8, s6, $0xb8;
	[tilespmem:$0x1F5C0] =	vst v63  }
0x138: {  	_ =	swait.ge [sflag:s30], $0x500  }
0x139: {  	[sflag:s30] =	ssyncset.done $0x0  }
0x13a: {  	[sflag:s30] =	ssyncadd.s32 $0xFFFFFB00  }
0x13b: {  	_ =	swait.ge [sflag:s31], $0x500  }
0x13c: {  	[sflag:s31] =	ssyncset.done $0x0  }
0x13d: {  	[sflag:s31] =	ssyncadd.s32 $0xFFFFFB00  }
0x13e: {  	_ =	swait.ge [sflag:s0], $0x2800  }
0x13f: {  	[sflag:s0] =	ssyncset.done $0x0  }
0x140: {  	s9 =	simm.s32 $0x0;
	[sflag:s0] =	ssyncadd.s32 $0xFFFFD800  }
0x141: {  	v1 =	vld [tilespmem:s9+$0x640]  }
0x142: {  	v2 =	vld [tilespmem:s9+$0x1040];
	_ =	sdelay $0x4  }
0x143: {  	v1 =	vadd.f32 v2, v1;
	_ =	sdelay $0x1  }
0x144: {  	v2 =	vmul.f32 $2.000000030e-01, v1;
	_ =	sdelay $0x1  }
0x145: {  	v1 =	vmax.f32 v1, v2  }
0x146: {  	v1 =	vmul.f32 $1.442695020e+00, v1;
	_ =	sdelay $0x1  }
0x147: {  	(erf) = vpow2.f32 v1;
	_ =	sdelay $0x8  }
0x148: {  	v1 =	vpop (erf)  }
0x149: {  	s6 =	simm.s32 $0x6580;
	v2 =	vnsel vm0, $0x0, v1  }
0x14a: {  	s7 =	simm.s32 $0x3DB0;
	[tilespmem:s6+$0x40] =	vst v2  }
0x14b: {  	v2 =	vld [tilespmem:s7+$0xFFFFFF90];
	_ =	sdelay $0x2  }
0x14c: {  	v3 =	vbroadcast v1, $0x0;
	_ =	sdelay $0x1  }
0x14d: {  	v2 =	vmul.f32 v3, v2;
	_ =	sdelay $0x1  }
0x14e: {  	[tilespmem:s6+$0xFFFFFFC0] =	vst v2  }
0x14f: {  	v2 =	vld [tilespmem:s7+$0xFFFFFFA0];
	_ =	sdelay $0x4  }
0x150: {  	v2 =	vmul.f32 v3, v2;
	_ =	sdelay $0x1  }
0x151: {  	[tilespmem:s6+$0xFFFFFFD0] =	vst v2  }
0x152: {  	v2 =	vld [tilespmem:s7+$0xFFFFFFB0];
	_ =	sdelay $0x2  }
0x153: {  	v3 =	vbroadcast v1, $0x1;
	_ =	sdelay $0x1  }
0x154: {  	v2 =	vmul.f32 v3, v2;
	_ =	sdelay $0x1  }
0x155: {  	[tilespmem:s6+$0xFFFFFFE0] =	vst v2  }
0x156: {  	v2 =	vld [tilespmem:s7+$0xFFFFFFC0];
	_ =	sdelay $0x4  }
0x157: {  	v2 =	vmul.f32 v2, v3;
	_ =	sdelay $0x1  }
0x158: {  	[tilespmem:s6+$0xFFFFFFF0] =	vst v2  }
0x159: {  	v2 =	vld [tilespmem:s7+$0xFFFFFFD0];
	_ =	sdelay $0x2  }
0x15a: {  	v3 =	vbroadcast v1, $0x2;
	_ =	sdelay $0x1  }
0x15b: {  	v2 =	vmul.f32 v2, v3;
	_ =	sdelay $0x1  }
0x15c: {  	[tilespmem:s6+$0x0] =	vst v2  }
0x15d: {  	v2 =	vld [tilespmem:s7+$0xFFFFFFE0];
	_ =	sdelay $0x4  }
0x15e: {  	v2 =	vmul.f32 v2, v3;
	_ =	sdelay $0x1  }
0x15f: {  	[tilespmem:s6+$0x10] =	vst v2  }
0x160: {  	v2 =	vld [tilespmem:s7+$0xFFFFFFF0];
	_ =	sdelay $0x2  }
0x161: {  	v1 =	vbroadcast v1, $0x3;
	_ =	sdelay $0x1  }
0x162: {  	v2 =	vmul.f32 v2, v1;
	_ =	sdelay $0x1  }
0x163: {  	[tilespmem:s6+$0x20] =	vst v2  }
0x164: {  	v2 =	vld [tilespmem:s7+$0x0];
	_ =	sdelay $0x4  }
0x165: {  	v1 =	vmul.f32 v2, v1;
	_ =	sdelay $0x1  }
0x166: {  	s9 =	simm.s32 $0x10;
	[tilespmem:s6+$0x30] =	vst v1  }
0x167: {  	s8 =	simm.s32 $0x80;
	v1 =	vld [tilespmem:s9+$0x640]  }
.LBB2_7:
0x168: {  	p1 =	sne.s32 s8, $0x13C0;
	v2 =	vld [tilespmem:s9+$0x1040];
	_ =	sdelay $0x4  }
0x169: {  	v1 =	vadd.f32 v2, v1;
	_ =	sdelay $0x1  }
0x16a: {  	v2 =	vmul.f32 $2.000000030e-01, v1;
	_ =	sdelay $0x1  }
0x16b: {  	v1 =	vmax.f32 v1, v2  }
0x16c: {  	v1 =	vmul.f32 $1.442695020e+00, v1;
	_ =	sdelay $0x1  }
0x16d: {  	(erf) = vpow2.f32 v1;
	_ =	sdelay $0x8  }
0x16e: {  	v1 =	vpop (erf)  }
0x16f: {  	s6 =	sadd.s32 $0x90, s6;
	v2 =	vnsel vm0, $0x0, v1  }
0x170: {  	s7 =	sadd.s32 $0x80, s7;
	[tilespmem:s6+$0x40] =	vst v2  }
0x171: {  	v2 =	vld [tilespmem:s7+$0xFFFFFF90];
	_ =	sdelay $0x2  }
0x172: {  	v3 =	vbroadcast v1, $0x0;
	_ =	sdelay $0x1  }
0x173: {  	v2 =	vmul.f32 v3, v2;
	_ =	sdelay $0x1  }
0x174: {  	[tilespmem:s6+$0xFFFFFFC0] =	vst v2  }
0x175: {  	v2 =	vld [tilespmem:s7+$0xFFFFFFA0];
	_ =	sdelay $0x4  }
0x176: {  	v2 =	vmul.f32 v3, v2;
	_ =	sdelay $0x1  }
0x177: {  	[tilespmem:s6+$0xFFFFFFD0] =	vst v2  }
0x178: {  	v2 =	vld [tilespmem:s7+$0xFFFFFFB0];
	_ =	sdelay $0x2  }
0x179: {  	v3 =	vbroadcast v1, $0x1;
	_ =	sdelay $0x1  }
0x17a: {  	v2 =	vmul.f32 v3, v2;
	_ =	sdelay $0x1  }
0x17b: {  	[tilespmem:s6+$0xFFFFFFE0] =	vst v2  }
0x17c: {  	v2 =	vld [tilespmem:s7+$0xFFFFFFC0];
	_ =	sdelay $0x4  }
0x17d: {  	v2 =	vmul.f32 v2, v3;
	_ =	sdelay $0x1  }
0x17e: {  	[tilespmem:s6+$0xFFFFFFF0] =	vst v2  }
0x17f: {  	v2 =	vld [tilespmem:s7+$0xFFFFFFD0];
	_ =	sdelay $0x2  }
0x180: {  	v3 =	vbroadcast v1, $0x2;
	_ =	sdelay $0x1  }
0x181: {  	v2 =	vmul.f32 v2, v3;
	_ =	sdelay $0x1  }
0x182: {  	[tilespmem:s6+$0x0] =	vst v2  }
0x183: {  	v2 =	vld [tilespmem:s7+$0xFFFFFFE0];
	_ =	sdelay $0x4  }
0x184: {  	v2 =	vmul.f32 v2, v3;
	_ =	sdelay $0x1  }
0x185: {  	[tilespmem:s6+$0x10] =	vst v2  }
0x186: {  	v2 =	vld [tilespmem:s7+$0xFFFFFFF0];
	_ =	sdelay $0x2  }
0x187: {  	v1 =	vbroadcast v1, $0x3;
	_ =	sdelay $0x1  }
0x188: {  	v2 =	vmul.f32 v2, v1;
	_ =	sdelay $0x1  }
0x189: {  	[tilespmem:s6+$0x20] =	vst v2  }
0x18a: {  	v2 =	vld [tilespmem:s7+$0x0];
	_ =	sdelay $0x3  }
.Ltmp4:
0x18b: {  	(pc) =	sbr.rel @p1 .LBB2_7-.Ltmp4, $3  }
0x18c: {  	v1 =	vmul.f32 v2, v1;
	_ =	sdelay $0x1  }
0x18d: {  	s9 =	sshra.s32 s8, $0x2;
	[tilespmem:s6+$0x30] =	vst v1  }
0x18e: {  	s8 =	sadd.s32 $0x40, s8;
	v1 =	vld [tilespmem:s9+$0x640]  }
0x18f: {  	v2 =	vld [tilespmem:s9+$0x1040];
	_ =	sdelay $0x4  }
0x190: {  	v1 =	vadd.f32 v2, v1;
	_ =	sdelay $0x1  }
0x191: {  	v2 =	vmul.f32 $2.000000030e-01, v1;
	_ =	sdelay $0x1  }
0x192: {  	v1 =	vmax.f32 v1, v2  }
0x193: {  	v1 =	vmul.f32 $1.442695020e+00, v1;
	_ =	sdelay $0x1  }
0x194: {  	(erf) = vpow2.f32 v1;
	_ =	sdelay $0x8  }
0x195: {  	v1 =	vpop (erf)  }
0x196: {  	s6 =	sadd.s32 $0x90, s6;
	v2 =	vnsel vm0, $0x0, v1  }
0x197: {  	s7 =	sadd.s32 $0x80, s7;
	[tilespmem:s6+$0x40] =	vst v2  }
0x198: {  	v2 =	vld [tilespmem:s7+$0xFFFFFF90];
	_ =	sdelay $0x2  }
0x199: {  	v3 =	vbroadcast v1, $0x0;
	_ =	sdelay $0x1  }
0x19a: {  	v2 =	vmul.f32 v3, v2;
	_ =	sdelay $0x1  }
0x19b: {  	[tilespmem:s6+$0xFFFFFFC0] =	vst v2  }
0x19c: {  	v2 =	vld [tilespmem:s7+$0xFFFFFFA0];
	_ =	sdelay $0x4  }
0x19d: {  	v2 =	vmul.f32 v3, v2;
	_ =	sdelay $0x1  }
0x19e: {  	[tilespmem:s6+$0xFFFFFFD0] =	vst v2  }
0x19f: {  	v2 =	vld [tilespmem:s7+$0xFFFFFFB0];
	_ =	sdelay $0x2  }
0x1a0: {  	v3 =	vbroadcast v1, $0x1;
	_ =	sdelay $0x1  }
0x1a1: {  	v2 =	vmul.f32 v3, v2;
	_ =	sdelay $0x1  }
0x1a2: {  	[tilespmem:s6+$0xFFFFFFE0] =	vst v2  }
0x1a3: {  	v2 =	vld [tilespmem:s7+$0xFFFFFFC0];
	_ =	sdelay $0x4  }
0x1a4: {  	v2 =	vmul.f32 v2, v3;
	_ =	sdelay $0x1  }
0x1a5: {  	[tilespmem:s6+$0xFFFFFFF0] =	vst v2  }
0x1a6: {  	v2 =	vld [tilespmem:s7+$0xFFFFFFD0];
	_ =	sdelay $0x2  }
0x1a7: {  	v3 =	vbroadcast v1, $0x2;
	_ =	sdelay $0x1  }
0x1a8: {  	v2 =	vmul.f32 v2, v3;
	_ =	sdelay $0x1  }
0x1a9: {  	[tilespmem:s6+$0x0] =	vst v2  }
0x1aa: {  	v2 =	vld [tilespmem:s7+$0xFFFFFFE0];
	_ =	sdelay $0x4  }
0x1ab: {  	v2 =	vmul.f32 v2, v3;
	_ =	sdelay $0x1  }
0x1ac: {  	[tilespmem:s6+$0x10] =	vst v2  }
0x1ad: {  	v2 =	vld [tilespmem:s7+$0xFFFFFFF0];
	_ =	sdelay $0x2  }
0x1ae: {  	v1 =	vbroadcast v1, $0x3;
	_ =	sdelay $0x1  }
0x1af: {  	v2 =	vmul.f32 v2, v1;
	_ =	sdelay $0x1  }
0x1b0: {  	[tilespmem:s6+$0x20] =	vst v2  }
0x1b1: {  	v2 =	vld [tilespmem:s7+$0x0];
	_ =	sdelay $0x4  }
0x1b2: {  	v1 =	vmul.f32 v2, v1;
	_ =	sdelay $0x1  }
.Ltmp5:
0x1b3: {  	[tilespmem:s6+$0x30] =	vst v1;
	(pc) =	sbr.rel @p0 .LBB2_10-.Ltmp5, $4  }
0x1b4: {  	[spmem:s2] =	stream.indirect.scatter.add.f32 [tilespmem:s11], [sflag:$0x7], $0x90, s20, s19, $0xb8;
	[tilespmem:$0x1F5C0] =	vst v63  }
0x1b5: {  	_ =	swait.ge [sflag:s12], $0x2D00  }
0x1b6: {  	[sflag:s12] =	ssyncset.done $0x0  }
0x1b7: {  	[sflag:s12] =	ssyncadd.s32 $0xFFFFD300  }
0x1b8: {  	s6 =	smul.u32 $0xA0, s5;
	_ =	sdelay $0x1  }
0x1b9: {  	s6 =	sadd.s32 s6, s23  }
0x1ba: {  	s6 =	sshrl.u32 s6, $0x3  }
0x1bb: {  	s7 =	sadd.s32 s13, s6  }
0x1bc: {  	[tilespmem:s19], [sflag:$0x7] =	stream.linear.gather [hbm4b:s7+s4], $0x50, $0x38;
	[tilespmem:$0x1F5C0] =	vst v63  }
0x1bd: {  	_ =	swait.ge [sflag:s12], $0x50  }
0x1be: {  	[sflag:s12] =	ssyncset.done $0x0  }
0x1bf: {  	s6 =	sadd.s32 s14, s6;
	[sflag:s12] =	ssyncadd.s32 $0xFFFFFFB0  }
0x1c0: {  	[tilespmem:s20], [sflag:$0x7] =	stream.linear.gather [hbm4b:s6+s4], $0x50, $0x38;
	[tilespmem:$0x1F5C0] =	vst v63  }
0x1c1: {  	_ =	swait.ge [sflag:s12], $0x50  }
0x1c2: {  	[sflag:s12] =	ssyncset.done $0x0  }
0x1c3: {  	[sflag:s12] =	ssyncadd.s32 $0xFFFFFFB0  }
0x1c4: {  	[tilespmem:s21], [sflag:$0x4] =	stream.indirect.gather [hbm4b:s1+s19], $0x10, s19, s19, $0xb8;
	[tilespmem:$0x1F5C0] =	vst v63  }
.Ltmp6:
0x1c5: {  	_ = 	snop;
	(pc) =	sbr.rel .LBB2_4-.Ltmp6, $4  }
0x1c6: {  	_ = 	snop  }
0x1c7: {  	[tilespmem:s24], [sflag:$0x5] =	stream.indirect.gather [hbm4b:s15+s19], $0x10, s20, s19, $0xb8;
	[tilespmem:$0x1F5C0] =	vst v63  }
0x1c8: {  	s5 =	sadd.s32 $0x1, s5  }
0x1c9: {  	[tilespmem:s25], [sflag:$0x6] =	stream.indirect.gather [hbm4b:s16+s19], $0x80, s19, s19, $0xb8;
	[tilespmem:$0x1F5C0] =	vst v63  }
.LBB2_11:
0x1ca: {  	_ =	sfence.sel $0x180000  }
0x1cb: {  	[bflag:$0x0] =	sbarrier.arrive $0xFFFF  }
0x1cc: {  	_ =	strace $0x90000047  }
0x1cd: {  	s0 =	stileid.u32;
	[bflag:$0x2] =	sbarrier.arrive $0xFFFF  }
0x1ce: {  	p0 =	sne.s32 s0, $0x0;
	s0 =	rddreg [dreg:$0x3]  }
0x1cf: {  	s0 =	sadd.s32 @!p0 $0x100000, s0  }
0x1d0: {  	[sflag:s0] =	ssyncadd.tile.s32 @!p0 $0x1;
	_ =	shalt  }
.Lfunc_end2:
_tile_overlayer_lowered:
.L_overlay_start_2:
0x1d1: {  	(tag) =	ssettag $0x2  }
0x1d2: {  	s0 =	rddreg [dreg:$0x0];
	s2 =	stileid.u32  }
0x1d3: {  	s1 =	rddreg [dreg:$0x1];
	p0 =	sne.s32 s2, $0x0  }
0x1d4: {  	s3 =	rddreg [dreg:$0x2];
	[bflag:$0x3] =	sbarrier.arrive $0xFFFF;
	s2 =	simm.s32 @!p0 $0x1C07  }
0x1d5: {  	[timem:s3], [sflag:s2] =	dma.local @!p0 [hbm:s0], s1  }
0x1d6: {  	s0 =	simm.s32 @!p0 $0x7  }
0x1d7: {  	_ =	swait.ge @!p0 [sflag:s0], s1  }
0x1d8: {  	s1 =	ssub.s32 @!p0 $0x0, s1;
	[sflag:s0] =	ssyncset.done @!p0 $0x0  }
0x1d9: {  	[sflag:s0] =	ssyncadd.s32 @!p0 s1  }
0x1da: {  	[bflag:$0x3] =	sbarrier.arrive $0xFFFF  }
0x1db: {  	_ =	shalt  }

// kernel: kernel.14.cloned.1.call-start
scs
__scs_entry_jumppad:
0x0: {  	(pc) =	sbr.rel $0x88, $3  }
0x1: {  	(tag) =	ssettag $0x0;
	lr =	simm.s32 $0x1  }
0x2: {  	[smem:$0x3F93] =	sst lr;
	_ =	strace $0xD0000000  }
0x3: {  	_ = 	snop  }
0x4: {  	_ = 	snop  }
0x5: {  	_ = 	snop  }
0x6: {  	_ = 	snop  }
0x7: {  	_ = 	snop  }
__scs_overlays_trampoline_lowered:
0x8: {  	[smem:$0x3FA2] =	sst s0  }
0x9: {  	[smem:$0x3FA3] =	sst s1  }
0xa: {  	[smem:$0x3FA4] =	sst s2  }
0xb: {  	[smem:$0x3FA5] =	sst s3  }
0xc: {  	[smem:$0x3FA6] =	sst s4  }
0xd: {  	[smem:$0x3FA7] =	sst s5  }
0xe: {  	[smem:$0x3FA8] =	sst s6  }
0xf: {  	[smem:$0x3FA9] =	sst s7  }
0x10: {  	[smem:$0x3FAA] =	sst s8  }
0x11: {  	[smem:$0x3FAB] =	sst s9;
	s0 =	simm.s32 @!p0 $0x0  }
0x12: {  	s1 =	sld [smem:$0x3F91];
	s0 =	simm.s32 @p0 $0x1  }
0x13: {  	[smem:$0x3FAC] =	sst s0;
	s0 =	simm.s32 @!p1 $0x0  }
0x14: {  	s2 =	sld [smem:$0x3F90];
	s0 =	simm.s32 @p1 $0x1  }
0x15: {  	[smem:$0x3FAD] =	sst s0;
	s0 =	simm.s32 @!p2 $0x0  }
0x16: {  	s3 =	sld [smem:$0x3FDB];
	s0 =	simm.s32 @p2 $0x1  }
0x17: {  	s4 =	simm.s32 $0x1BF5;
	[smem:$0x3FAF] =	sst s0  }
0x18: {  	s0 =	sld [smem:$0x3F92];
	_ =	swait.ge [sflag:s4], $0x0  }
0x19: {  	s7 =	sld [smem:$0x3F93]  }
0x1a: {  	s8 =	sadd.s32 $0xFFFFE003, lr  }
0x1b: {  	s9 =	sadd.s32 $0xFFFFFEF7, lr;
	s5 =	simm.s32 $0xFFFFFFFF;
	p2 =	slt.u32 s8, $0xFFFFF086  }
0x1c: {  	p1 =	slt.u32 s9, $0xF7A;
	s5 =	simm.s32 @!p2 $0x0  }
0x1d: {  	s5 =	simm.s32 @p1 $0x1;
	p0 =	seq.s32 s7, s2  }
0x1e: {  	s7 =	smul.u32 @!p0 $0xF7A, s2;
	p2 =	seq.s32 @!p0 s5, $0x0  }
0x1f: {  	s9 =	smul.u32 $0xF7A, s1;
	s8 =	simm.s32 @!p0 $0x1BF5;
	p2 =	por !p2, p0  }
0x20: {  	[sflag:s8] =	ssyncset.s32 @!p0 $0xFFFFF086;
	s6 =	sadd.s32 @!p0 s3, s7;
	s7 =	simm.s32 @!p0 $0x108  }
0x21: {  	s3 =	sadd.s32 s3, s9;
	s6 =	sadd.s32 @!p0 $0x88, s6;
	s7 =	simm.s32 @p2 $0x1082  }
0x22: {  	[simem:s7], [sflag:s8] =	dma.local @!p0 [hbm:s6], $0xF7A  }
0x23: {  	s9 =	sor.u32 $0xD0000000, s2;
	s6 =	simm.s32 $0x108;
	_ =	swait.ge @!p0 [sflag:s8], $0x0  }
0x24: {  	s3 =	sadd.s32 $0x88, s3;
	s6 =	simm.s32 @!p1 $0x1082;
	[sflag:s4] =	ssyncset.s32 $0xFFFFF086  }
0x25: {  	[simem:s6], [sflag:s4] =	dma.local [hbm:s3], $0xF7A  }
0x26: {  	[smem:$0x3F93] =	sst s1;
	(tag) =	ssettag s2;
	_ =	strace s9  }
0x27: {  	s1 =	sld [smem:$0x3FA3]  }
0x28: {  	s2 =	sld [smem:$0x3FA4]  }
0x29: {  	s4 =	sld [smem:$0x3FA6]  }
0x2a: {  	p0 =	seq.s32 s5, $0x0;
	s5 =	sld [smem:$0x3FA7]  }
0x2b: {  	s6 =	sld [smem:$0x3FA8]  }
0x2c: {  	s7 =	sld [smem:$0x3FA9]  }
0x2d: {  	s3 =	simm.s32 $0x108;
	s8 =	sld [smem:$0x3FAA]  }
0x2e: {  	s3 =	simm.s32 @!p0 $0x1082;
	s9 =	sld [smem:$0x3FAB]  }
0x2f: {  	lr =	sadd.s32 s0, s3;
	s0 =	sld [smem:$0x3FA2]  }
0x30: {  	s3 =	sld [smem:$0x3FA5]  }
0x31: {  	[smem:$0x3FAE] =	sst s10  }
0x32: {  	s10 =	sld [smem:$0x3FAC];
	_ =	sdelay $0x3  }
0x33: {  	p0 =	seq.s32 s10, $0x1;
	s10 =	sld [smem:$0x3FAE];
	_ =	sdelay $0x3  }
0x34: {  	[smem:$0x3FAE] =	sst s10  }
0x35: {  	s10 =	sld [smem:$0x3FAD];
	_ =	sdelay $0x3  }
0x36: {  	p1 =	seq.s32 s10, $0x1;
	s10 =	sld [smem:$0x3FAE];
	_ =	sdelay $0x3  }
0x37: {  	[smem:$0x3FAE] =	sst s10  }
0x38: {  	s10 =	sld [smem:$0x3FAF]  }
0x39: {  	_ = 	snop;
	(pc) =	sbr.ind lr, $3  }
0x3a: {  	_ = 	snop  }
0x3b: {  	_ = 	snop  }
0x3c: {  	p2 =	seq.s32 s10, $0x1;
	s10 =	sld [smem:$0x3FAE]  }
0x3d: {  	_ =	shalt  }
0x3e: {  	_ =	shalt  }
0x3f: {  	_ =	shalt  }
0x40: {  	_ =	shalt  }
0x41: {  	_ =	shalt  }
0x42: {  	_ =	shalt  }
0x43: {  	_ =	shalt  }
0x44: {  	_ =	shalt  }
0x45: {  	_ =	shalt  }
0x46: {  	_ =	shalt  }
0x47: {  	_ =	shalt  }
0x48: {  	_ =	shalt  }
0x49: {  	_ =	shalt  }
0x4a: {  	_ =	shalt  }
0x4b: {  	_ =	shalt  }
0x4c: {  	_ =	shalt  }
0x4d: {  	_ =	shalt  }
0x4e: {  	_ =	shalt  }
0x4f: {  	_ =	shalt  }
0x50: {  	_ =	shalt  }
0x51: {  	_ =	shalt  }
0x52: {  	_ =	shalt  }
0x53: {  	_ =	shalt  }
0x54: {  	_ =	shalt  }
0x55: {  	_ =	shalt  }
0x56: {  	_ =	shalt  }
0x57: {  	_ =	shalt  }
0x58: {  	_ =	shalt  }
0x59: {  	_ =	shalt  }
0x5a: {  	_ =	shalt  }
0x5b: {  	_ =	shalt  }
0x5c: {  	_ =	shalt  }
0x5d: {  	_ =	shalt  }
0x5e: {  	_ =	shalt  }
0x5f: {  	_ =	shalt  }
0x60: {  	_ =	shalt  }
0x61: {  	_ =	shalt  }
0x62: {  	_ =	shalt  }
0x63: {  	_ =	shalt  }
0x64: {  	_ =	shalt  }
0x65: {  	_ =	shalt  }
0x66: {  	_ =	shalt  }
0x67: {  	_ =	shalt  }
0x68: {  	_ =	shalt  }
0x69: {  	_ =	shalt  }
0x6a: {  	_ =	shalt  }
0x6b: {  	_ =	shalt  }
0x6c: {  	_ =	shalt  }
0x6d: {  	_ =	shalt  }
0x6e: {  	_ =	shalt  }
0x6f: {  	_ =	shalt  }
0x70: {  	_ =	shalt  }
0x71: {  	_ =	shalt  }
0x72: {  	_ =	shalt  }
0x73: {  	_ =	shalt  }
0x74: {  	_ =	shalt  }
0x75: {  	_ =	shalt  }
0x76: {  	_ =	shalt  }
0x77: {  	_ =	shalt  }
0x78: {  	_ =	shalt  }
0x79: {  	_ =	shalt  }
0x7a: {  	_ =	shalt  }
0x7b: {  	_ =	shalt  }
0x7c: {  	_ =	shalt  }
0x7d: {  	_ =	shalt  }
0x7e: {  	_ =	shalt  }
0x7f: {  	_ =	shalt  }
0x80: {  	_ =	shalt  }
0x81: {  	_ =	shalt  }
0x82: {  	_ =	shalt  }
0x83: {  	_ =	shalt  }
0x84: {  	_ =	shalt  }
0x85: {  	_ =	shalt  }
0x86: {  	_ =	shalt  }
0x87: {  	_ =	shalt  }
.Lfunc_end0:
.L_simem_size_0:
called_computation.1_lowered:
.L_overlay_start_0:
0x88: {  	s2 =	sld [smem:$0x3FD9]  }
0x89: {  	s3 =	sld [smem:$0x3FFE];
	_ =	sdelay $0x1  }
0x8a: {  	s1 =	srdreg.scid  }
0x8b: {  	s0 =	sand.u32 $0x1, s1  }
0x8c: {  	s17 =	sshll.u32 s0, $0xA;
	s2 =	sadd.s32 s3, s2  }
0x8d: {  	s2 =	sadd.s32 s2, s17  }
0x8e: {  	[smem:$0x3FBA] =	sst s2  }
0x8f: {  	_ = 	snop  }
0x90: {  	s2 =	sld [smem:$0x3FD0];
	(tm) =	ssettm $0x1  }
0x91: {  	s18 =	sld [smem:$0x3FFB];
	_ =	sdelay $0x3  }
0x92: {  	_ =	strace s18  }
0x93: {  	s3 =	sld [smem:$0x3FFC];
	_ =	sdelay $0x3  }
0x94: {  	_ =	strace s3  }
0x95: {  	s3 =	sld [smem:$0x3FFD];
	_ =	sdelay $0x3  }
0x96: {  	_ =	strace s3  }
0x97: {  	_ =	strace $0x8FFFFFFF  }
0x98: {  	s19 =	sld [smem:$0x3FDB];
	_ =	sdelay $0x1  }
0x99: {  	s4 =	simm.s32 $_scs_section_size  }
0x9a: {  	s5 =	simm.s32 $_size__tile_overlayer_lowered;
	s6 =	simm.s32 $_tile_overlayer_lowered  }
0x9b: {  	s22 =	simm.s32 $0x1BFF;
	s21 =	sshll.u32 s6, $0x1;
	s3 =	sadd.s32 s4, s19  }
0x9c: {  	s7 =	simm.s32 $0x0;
	s20 =	sshll.u32 s5, $0x1;
	s5 =	sadd.s32 s21, s3  }
0x9d: {  	[timem:s7], [sflag:s22] =	dma.local [hbm:s5], s20  }
0x9e: {  	_ =	swait.ge [sflag:s22], s20  }
0x9f: {  	s4 =	ssub.s32 $0x0, s20;
	[sflag:s22] =	ssyncset.done $0x0  }
0xa0: {  	[sflag:s22] =	ssyncadd.s32 s4;
	_ =	sdelay $0x1  }
0xa1: {  	s23 =	simm.s32 $0x1B8B  }
0xa2: {  	_ =	swait.ge [sflag:s23], $0x1  }
0xa3: {  	[sflag:s23] =	ssyncset.done $0x0  }
0xa4: {  	s25 =	simm.s32 $0x1B8E;
	s24 =	sld [smem:$0x3FFE];
	[sflag:s23] =	ssyncadd.s32 $0xFFFFFFFF  }
0xa5: {  	s26 =	simm.s32 $execute0_lowered;
	[smem:$0x3FD2] =	sst s25  }
0xa6: {  	s5 =	sshll.u32 s26, $0x1;
	_ =	strace $0x80000049;
	[dreg:$0x1] =	wrdreg $0xFFFFFFFF  }
0xa7: {  	s28 =	simm.s32 $_size_execute0_lowered;
	s3 =	sadd.s32 s3, s5;
	[dreg:$0x0] =	wrdreg $0x0  }
0xa8: {  	s5 =	sshll.u32 s28, $0x1;
	[dreg:$0x2] =	wrdreg s3  }
0xa9: {  	[dreg:$0x3] =	wrdreg s5  }
0xaa: {  	[dreg:$0x4] =	wrdreg $0xC0  }
0xab: {  	_ =	task [dreg:s7], $0x5FFFF  }
0xac: {  	[dreg:$0x1] =	wrdreg $0xFFFFFFFF  }
0xad: {  	[dreg:$0x0] =	wrdreg $0x60  }
0xae: {  	[dreg:$0x2] =	wrdreg s24  }
0xaf: {  	[dreg:$0x3] =	wrdreg s2  }
0xb0: {  	[dreg:$0x4] =	wrdreg $0x92400  }
0xb1: {  	[dreg:$0x5] =	wrdreg $0x9  }
0xb2: {  	_ =	task.clear_ibuf [dreg:s7], $0x6FFFF;
	_ =	strace $0x90000049  }
0xb3: {  	s29 =	simm.s32 $0x9;
	_ =	strace $0x8000004B  }
0xb4: {  	_ =	swait.ge [sflag:s29], $0x1  }
0xb5: {  	[sflag:s29] =	ssyncadd.s32 $0xFFFFFFFF  }
0xb6: {  	_ =	strace $0x9000004B  }
0xb7: {  	_ =	sfence  }
0xb8: {  	s30 =	sld [smem:$0x0];
	_ =	sdelay $0x2  }
0xb9: {  	s31 =	sshll.u32 s1, $0xD;
	s1 =	sshrl.u32 s1, $0x2  }
0xba: {  	s3 =	sand.u32 $0x4000, s31;
	s1 =	sadd.s32 s1, s30  }
0xbb: {  	s0 =	sor.u32 s3, s0;
	s1 =	sshll.u32 s1, $0x11  }
0xbc: {  	s0 =	sor.u32 s1, s0  }
0xbd: {  	s0 =	sadd.s32 $0x8F2B, s0  }
0xbe: {  	[sflag:s0] =	ssyncadd.remote.s32 $0x1  }
0xbf: {  	_ =	sfence.sel $0xFFFF  }
0xc0: {  	[dreg:$0x0] =	wrdreg $0xFFFFFFFF;
	(pc) =	sbr.abs _section_cstart, $3  }
0xc1: {  	[dreg:$0x1] =	wrdreg $0xFFFFFFFF  }
0xc2: {  	_ =	task.clear_ibuf [dreg:s7], $0x2FFFF;
	_ =	strace $0x9FFFFFFF  }
0xc3: {  	(tm) =	ssettm $0x7FFFFFFF  }
tec
execute0_lowered:
.L_overlay_start_1:
0x0: {  	(tag) =	ssettag $0x1  }
0x1: {  	s5 =	rddreg [dreg:$0x0]  }
0x2: {  	s1 =	rddreg [dreg:$0x1]  }
0x3: {  	s2 =	rddreg [dreg:$0x2];
	s4 =	simm.s32 $0x0  }
0x4: {  	s0 =	srdreg.scid;
	s22 =	stileid.u32;
	s28 =	simm.s32 $0x2  }
0x5: {  	s29 =	simm.s32 $0x3;
	s30 =	simm.s32 $0x4;
	s31 =	simm.s32 $0x5  }
0x6: {  	[smem:$0x7FF] =	sst s4;
	s3 =	sand.u32 $0x1, s0;
	s6 =	smul.u32 $0x278, s22  }
0x7: {  	s7 =	sadd.s32 $0x43600, s5;
	s0 =	smul.u32 $0x16380, s22;
	s10 =	sshll.u32 s22, $0x1  }
0x8: {  	_ =	strace $0x8000004A;
	s8 =	ssub.s32 $0x2, s3;
	s11 =	smul.u32 $0x163800, s3  }
0x9: {  	s26 =	sor.u32 s3, s10;
	s9 =	sshrl.u32 s8, $0x1;
	s10 =	sadd.s32 $0x13B00, s0  }
0xa: {  	s6 =	sadd.s32 $0x50, s6;
	s18 =	sadd.s32 $0x5A00, s0;
	s19 =	sadd.s32 $0x8700, s0  }
0xb: {  	s8 =	ssub.s32 s8, s9;
	s14 =	sadd.s32 s11, s10;
	s3 =	smul.u32 $0x90, s6  }
0xc: {  	s12 =	sadd.s32 s11, s0;
	s9 =	smul.u32 $0x28A0, s26;
	s16 =	sadd.s32 s11, s18  }
0xd: {  	s13 =	sshrl.u32 s14, $0x3;
	s12 =	sshrl.u32 s12, $0x3;
	s14 =	sadd.s32 s11, s19  }
0xe: {  	s17 =	sshrl.u32 s16, $0x3;
	s16 =	sadd.s32 $0x2600, s5;
	s8 =	smax.u32 s8, $0x1  }
0xf: {  	s13 =	sadd.s32 s7, s13;
	s12 =	sadd.s32 s7, s12;
	s15 =	sadd.s32 s11, s3  }
0x10: {  	s20 =	sshrl.u32 s14, $0x3;
	s14 =	sadd.s32 $0x2EE00, s5;
	[dreg:$0x10] =	wrdreg s8  }
0x11: {  	s26 =	sshrl.u32 s9, $0x3;
	s3 =	sadd.s32 s3, s2;
	[dreg:$0x4] =	wrdreg s13  }
0x12: {  	[dreg:$0x5] =	wrdreg s12;
	s12 =	sshrl.u32 s15, $0x3;
	s21 =	sadd.s32 s7, s20  }
0x13: {  	s20 =	sadd.s32 $0xE100, s0;
	s15 =	sadd.s32 $0x29E00, s5;
	s12 =	sadd.s32 s7, s12  }
0x14: {  	[dreg:$0x8] =	wrdreg s21;
	s21 =	sadd.s32 $0x10E00, s0;
	s24 =	sadd.s32 s11, s20  }
0x15: {  	[dreg:$0x6] =	wrdreg s12;
	s12 =	sadd.s32 s7, s17;
	s25 =	sshrl.u32 s24, $0x3  }
0x16: {  	s17 =	sadd.s32 s10, s2;
	[dreg:$0x7] =	wrdreg s12;
	s12 =	sadd.s32 $0xB400, s0  }
0x17: {  	s0 =	sadd.s32 s0, s2;
	s23 =	sadd.s32 s11, s12;
	s11 =	sadd.s32 s11, s21  }
0x18: {  	s12 =	sadd.s32 s12, s2;
	s0 =	sshrl.u32 s0, $0x3;
	s13 =	sshrl.u32 s23, $0x3  }
0x19: {  	s11 =	sshrl.u32 s11, $0x3;
	[dreg:$0x18] =	wrdreg s0;
	s13 =	sadd.s32 s7, s13  }
0x1a: {  	s23 =	sadd.s32 $0xA, s26;
	[dreg:$0x9] =	wrdreg s13;
	s13 =	sadd.s32 s7, s25  }
0x1b: {  	s0 =	simm.s32 $0x6;
	s7 =	sadd.s32 s7, s11;
	[dreg:$0xa] =	wrdreg s13  }
0x1c: {  	s11 =	sadd.s32 s14, s26;
	s25 =	smul.u32 $0x240, s6;
	[dreg:$0xb] =	wrdreg s7  }
0x1d: {  	s13 =	sadd.s32 $0x39200, s5;
	[dreg:$0xd] =	wrdreg s11;
	s5 =	sadd.s32 s14, s23  }
0x1e: {  	s7 =	smul.u32 $0x58E00, s22;
	s10 =	sadd.s32 s13, s26;
	[dreg:$0xf] =	wrdreg s5  }
0x1f: {  	s22 =	sadd.s32 $0xA0, s9;
	s24 =	sadd.s32 s13, s23;
	[dreg:$0xc] =	wrdreg s10  }
0x20: {  	s23 =	sadd.s32 $0xF0, s9;
	s5 =	sshrl.u32 s25, $0x2;
	[dreg:$0xe] =	wrdreg s24  }
0x21: {  	s26 =	sshrl.u32 s7, $0x2;
	s9 =	sadd.s32 $0x16800, s7;
	s10 =	sadd.s32 $0x21C00, s7  }
0x22: {  	s5 =	sadd.s32 s5, s2;
	s25 =	sadd.s32 $0x2D000, s7;
	s6 =	sadd.s32 s26, s2  }
0x23: {  	[dreg:$0x12] =	wrdreg s5;
	s24 =	sshrl.u32 s10, $0x2;
	s26 =	sadd.s32 $0x38400, s7  }
0x24: {  	s7 =	sadd.s32 $0x43800, s7;
	s10 =	sadd.s32 s18, s2;
	s18 =	sadd.s32 s20, s2  }
0x25: {  	s20 =	sshrl.u32 s3, $0x3;
	s3 =	simm.s32 $0x0;
	[dreg:$0x11] =	wrdreg s6  }
0x26: {  	s6 =	sshrl.u32 s9, $0x2;
	s5 =	sadd.s32 s24, s2;
	s9 =	sshrl.u32 s7, $0x2  }
0x27: {  	[dreg:$0x19] =	wrdreg s20;
	s20 =	simm.s32 $0xF0;
	s11 =	sadd.s32 s6, s2  }
0x28: {  	[dreg:$0x14] =	wrdreg s5;
	s5 =	sshrl.u32 s25, $0x2;
	s6 =	sshrl.u32 s26, $0x2  }
0x29: {  	s25 =	sshrl.u32 s12, $0x3;
	s26 =	sshrl.u32 s18, $0x3;
	s12 =	simm.s32 $0x7  }
0x2a: {  	s18 =	simm.s32 $0xA0;
	[dreg:$0x13] =	wrdreg s11;
	s5 =	sadd.s32 s5, s2  }
0x2b: {  	s8 =	sadd.s32 s6, s2;
	s11 =	sadd.s32 s19, s2;
	[dreg:$0x1c] =	wrdreg s25  }
0x2c: {  	s19 =	sadd.s32 s21, s2;
	s21 =	sshrl.u32 s10, $0x3;
	[dreg:$0x1d] =	wrdreg s26  }
.Ltmp0:
0x2d: {  	s25 =	simm.s32 $0x3D40;
	[dreg:$0x15] =	wrdreg s5;
	(pc) =	sbr.rel .LBB2_1-.Ltmp0, $4  }
0x2e: {  	s26 =	simm.s32 $0x1;
	[dreg:$0x16] =	wrdreg s8;
	s5 =	sadd.s32 s9, s2  }
0x2f: {  	[dreg:$0x1a] =	wrdreg s21;
	s24 =	sshrl.u32 s11, $0x3;
	s10 =	sshrl.u32 s19, $0x3  }
0x30: {  	s11 =	simm.s32 $0x6540;
	s19 =	simm.s32 $0x50;
	[dreg:$0x17] =	wrdreg s5  }
0x31: {  	v0 =	vimm.f32 $0.0e+00;
	vm0 =	vmmov $0xf;
	s21 =	simm.s32 $0x640;
	[dreg:$0x1b] =	wrdreg s24;
	s24 =	simm.s32 $0x1040  }
.LBB2_10:
0x32: {  	s5 =	stileid.u32;
	[bflag:$0x0] =	sbarrier.arrive $0xFFFF  }
0x33: {  	s5 =	sshll.u32 s5, $0x6;
	s6 =	rddreg [dreg:$0x5]  }
0x34: {  	s7 =	rddreg [dreg:$0x18];
	s5 =	sor.u32 $0x1C07, s5  }
0x35: {  	[hbm:s6], [sflag:s5] =	dma.local [spmem:s7], $0x5A0  }
0x36: {  	_ =	swait.ge [sflag:s12], $0x5A0  }
0x37: {  	[sflag:s12] =	ssyncset.done $0x0;
	s8 =	rddreg [dreg:$0x6]  }
0x38: {  	s9 =	rddreg [dreg:$0x19];
	[sflag:s12] =	ssyncadd.s32 $0xFFFFFA60  }
0x39: {  	[hbm:s8], [sflag:s5] =	dma.local [spmem:s9], $0x5A0  }
0x3a: {  	_ =	swait.ge [sflag:s12], $0x5A0  }
0x3b: {  	[sflag:s12] =	ssyncset.done $0x0;
	s8 =	rddreg [dreg:$0x7]  }
0x3c: {  	s9 =	rddreg [dreg:$0x1a];
	[sflag:s12] =	ssyncadd.s32 $0xFFFFFA60  }
0x3d: {  	[hbm:s8], [sflag:s5] =	dma.local [spmem:s9], $0x5A0  }
0x3e: {  	_ =	swait.ge [sflag:s12], $0x5A0  }
0x3f: {  	[sflag:s12] =	ssyncset.done $0x0;
	s8 =	rddreg [dreg:$0x8]  }
0x40: {  	s9 =	rddreg [dreg:$0x1b];
	[sflag:s12] =	ssyncadd.s32 $0xFFFFFA60  }
0x41: {  	[hbm:s8], [sflag:s5] =	dma.local [spmem:s9], $0x5A0  }
0x42: {  	_ =	swait.ge [sflag:s12], $0x5A0  }
0x43: {  	[sflag:s12] =	ssyncset.done $0x0;
	s8 =	rddreg [dreg:$0x9]  }
0x44: {  	s9 =	rddreg [dreg:$0x1c];
	[sflag:s12] =	ssyncadd.s32 $0xFFFFFA60  }
0x45: {  	[hbm:s8], [sflag:s5] =	dma.local [spmem:s9], $0x5A0  }
0x46: {  	_ =	swait.ge [sflag:s12], $0x5A0  }
0x47: {  	[sflag:s12] =	ssyncset.done $0x0;
	s7 =	rddreg [dreg:$0xa]  }
0x48: {  	s8 =	rddreg [dreg:$0x1d];
	[sflag:s12] =	ssyncadd.s32 $0xFFFFFA60  }
0x49: {  	[hbm:s7], [sflag:s5] =	dma.local [spmem:s8], $0x5A0  }
0x4a: {  	_ =	swait.ge [sflag:s12], $0x5A0  }
0x4b: {  	[sflag:s12] =	ssyncset.done $0x0  }
0x4c: {  	s9 =	rddreg [dreg:$0xb];
	[sflag:s12] =	ssyncadd.s32 $0xFFFFFA60  }
0x4d: {  	[hbm:s9], [sflag:s5] =	dma.local [spmem:s10], $0x5A0  }
0x4e: {  	_ =	swait.ge [sflag:s12], $0x5A0  }
0x4f: {  	[sflag:s12] =	ssyncset.done $0x0  }
0x50: {  	s7 =	sshrl.u32 s17, $0x3;
	s8 =	rddreg [dreg:$0x4];
	[sflag:s12] =	ssyncadd.s32 $0xFFFFFA60  }
0x51: {  	[hbm:s8], [sflag:s5] =	dma.local [spmem:s7], $0x510  }
0x52: {  	_ =	swait.ge [sflag:s12], $0x510  }
0x53: {  	s3 =	sadd.s32 $0x1, s3;
	s9 =	rddreg [dreg:$0x10]  }
0x54: {  	p0 =	sne.s32 s3, s9  }
.Ltmp1:
0x55: {  	_ = 	snop;
	(pc) =	sbr.rel @!p0 .LBB2_11-.Ltmp1, $3  }
0x56: {  	_ =	sdelay $0x1  }
0x57: {  	[sflag:s12] =	ssyncset.done $0x0  }
0x58: {  	[sflag:s12] =	ssyncadd.s32 $0xFFFFFAF0  }
.LBB2_1:
0x59: {  	s5 =	simm.s32 $0x80;
	s6 =	simm.s32 $0x440  }
.LBB2_2:
0x5a: {  	p0 =	sne.s32 s6, $0xB3C0;
	[tilespmem:s5+$0x6540] =	vst v0  }
0x5b: {  	[tilespmem:s5+$0x64C0] =	vst v0  }
0x5c: {  	[tilespmem:s5+$0x64D0] =	vst v0  }
0x5d: {  	[tilespmem:s5+$0x64E0] =	vst v0  }
.Ltmp2:
0x5e: {  	[tilespmem:s5+$0x64F0] =	vst v0;
	(pc) =	sbr.rel @p0 .LBB2_2-.Ltmp2, $4  }
0x5f: {  	[tilespmem:s5+$0x6500] =	vst v0  }
0x60: {  	[tilespmem:s5+$0x6510] =	vst v0  }
0x61: {  	[tilespmem:s5+$0x6520] =	vst v0  }
0x62: {  	[tilespmem:s5+$0x6530] =	vst v0;
	s5 =	sshra.s32 s6, $0x2;
	s6 =	sadd.s32 $0x240, s6  }
0x63: {  	[tilespmem:s5+$0x6540] =	vst v0  }
0x64: {  	[tilespmem:s5+$0x64C0] =	vst v0  }
0x65: {  	[tilespmem:s5+$0x64D0] =	vst v0  }
0x66: {  	[tilespmem:s5+$0x64E0] =	vst v0  }
0x67: {  	[tilespmem:s5+$0x64F0] =	vst v0  }
0x68: {  	[tilespmem:s5+$0x6500] =	vst v0  }
0x69: {  	[tilespmem:s5+$0x6510] =	vst v0  }
0x6a: {  	[tilespmem:s5+$0x6520] =	vst v0  }
0x6b: {  	[tilespmem:s5+$0x6530] =	vst v0;
	s8 =	rddreg [dreg:$0x11]  }
0x6c: {  	[spmem:s8] =	stream.linear.scatter [tilespmem:s11], [sflag:$0x7], $0x2D00, $0x38;
	[tilespmem:$0x1F5C0] =	vst v63  }
0x6d: {  	_ =	swait.ge [sflag:s12], $0x2D00  }
0x6e: {  	[sflag:s12] =	ssyncset.done $0x0  }
0x6f: {  	s9 =	rddreg [dreg:$0x12];
	[sflag:s12] =	ssyncadd.s32 $0xFFFFD300  }
0x70: {  	[spmem:s9] =	stream.linear.scatter [tilespmem:s11], [sflag:$0x7], $0x2D00, $0x38;
	[tilespmem:$0x1F5C0] =	vst v63  }
0x71: {  	_ =	swait.ge [sflag:s12], $0x2D00  }
0x72: {  	[sflag:s12] =	ssyncset.done $0x0  }
0x73: {  	s6 =	rddreg [dreg:$0x13];
	[sflag:s12] =	ssyncadd.s32 $0xFFFFD300  }
0x74: {  	[spmem:s6] =	stream.linear.scatter [tilespmem:s11], [sflag:$0x7], $0x2D00, $0x38;
	[tilespmem:$0x1F5C0] =	vst v63  }
0x75: {  	_ =	swait.ge [sflag:s12], $0x2D00  }
0x76: {  	[sflag:s12] =	ssyncset.done $0x0  }
0x77: {  	s7 =	rddreg [dreg:$0x14];
	[sflag:s12] =	ssyncadd.s32 $0xFFFFD300  }
0x78: {  	[spmem:s7] =	stream.linear.scatter [tilespmem:s11], [sflag:$0x7], $0x2D00, $0x38;
	[tilespmem:$0x1F5C0] =	vst v63  }
0x79: {  	_ =	swait.ge [sflag:s12], $0x2D00  }
0x7a: {  	[sflag:s12] =	ssyncset.done $0x0  }
0x7b: {  	s8 =	rddreg [dreg:$0x15];
	[sflag:s12] =	ssyncadd.s32 $0xFFFFD300  }
0x7c: {  	[spmem:s8] =	stream.linear.scatter [tilespmem:s11], [sflag:$0x7], $0x2D00, $0x38;
	[tilespmem:$0x1F5C0] =	vst v63  }
0x7d: {  	_ =	swait.ge [sflag:s12], $0x2D00  }
0x7e: {  	[sflag:s12] =	ssyncset.done $0x0  }
0x7f: {  	s9 =	rddreg [dreg:$0x16];
	[sflag:s12] =	ssyncadd.s32 $0xFFFFD300  }
0x80: {  	[spmem:s9] =	stream.linear.scatter [tilespmem:s11], [sflag:$0x7], $0x2D00, $0x38;
	[tilespmem:$0x1F5C0] =	vst v63  }
0x81: {  	_ =	swait.ge [sflag:s12], $0x2D00  }
0x82: {  	[sflag:s12] =	ssyncset.done $0x0  }
0x83: {  	s6 =	rddreg [dreg:$0x17];
	[sflag:s12] =	ssyncadd.s32 $0xFFFFD300  }
0x84: {  	[spmem:s6] =	stream.linear.scatter [tilespmem:s11], [sflag:$0x7], $0x2D00, $0x38;
	[tilespmem:$0x1F5C0] =	vst v63  }
0x85: {  	_ =	swait.ge [sflag:s12], $0x2D00  }
0x86: {  	[sflag:s12] =	ssyncset.done $0x0  }
0x87: {  	[sflag:s12] =	ssyncadd.s32 $0xFFFFD300  }
0x88: {  	[spmem:s17] =	stream.linear.scatter [tilespmem:s11], [sflag:$0x7], $0x2880, $0x38;
	[tilespmem:$0x1F5C0] =	vst v63  }
0x89: {  	_ =	swait.ge [sflag:s12], $0x2880  }
0x8a: {  	[sflag:s12] =	ssyncset.done $0x0  }
0x8b: {  	[sflag:s12] =	ssyncadd.s32 $0xFFFFD780  }
0x8c: {  	[bflag:$0x0] =	sbarrier.arrive $0xFFFF  }
0x8d: {  	s5 =	simm.s32 $0x0;
	s6 =	rddreg [dreg:$0xc]  }
0x8e: {  	[tilespmem:s5], [sflag:$0x7] =	stream.linear.gather [hbm4b:s6+s5], $0x50, $0x38;
	[tilespmem:$0x1F5C0] =	vst v63  }
0x8f: {  	_ =	swait.ge [sflag:s12], $0x50  }
0x90: {  	[sflag:s12] =	ssyncset.done $0x0  }
0x91: {  	s7 =	rddreg [dreg:$0xd];
	[sflag:s12] =	ssyncadd.s32 $0xFFFFFFB0  }
0x92: {  	[tilespmem:s18], [sflag:$0x7] =	stream.linear.gather [hbm4b:s7+s5], $0x50, $0x38;
	[tilespmem:$0x1F5C0] =	vst v63  }
0x93: {  	_ =	swait.ge [sflag:s12], $0x50  }
0x94: {  	[sflag:s12] =	ssyncset.done $0x0  }
0x95: {  	s8 =	simm.s32 $0x140;
	[sflag:s12] =	ssyncadd.s32 $0xFFFFFFB0  }
0x96: {  	[tilespmem:s8], [sflag:$0x1] =	stream.indirect.gather [hbm4b:s1+s19], $0x10, s5, s19, $0xb8;
	[tilespmem:$0x1F5C0] =	vst v63  }
0x97: {  	s9 =	simm.s32 $0xB40  }
0x98: {  	[tilespmem:s9], [sflag:$0x2] =	stream.indirect.gather [hbm4b:s15+s19], $0x10, s18, s19, $0xb8;
	[tilespmem:$0x1F5C0] =	vst v63  }
0x99: {  	s7 =	simm.s32 $0x1540  }
0x9a: {  	[tilespmem:s7], [sflag:$0x3] =	stream.indirect.gather [hbm4b:s16+s19], $0x80, s5, s19, $0xb8;
	[tilespmem:$0x1F5C0] =	vst v63  }
0x9b: {  	s8 =	rddreg [dreg:$0xe]  }
0x9c: {  	[tilespmem:s19], [sflag:$0x7] =	stream.linear.gather [hbm4b:s8+s5], $0x50, $0x38;
	[tilespmem:$0x1F5C0] =	vst v63  }
0x9d: {  	_ =	swait.ge [sflag:s12], $0x50  }
0x9e: {  	[sflag:s12] =	ssyncset.done $0x0  }
0x9f: {  	s9 =	rddreg [dreg:$0xf];
	[sflag:s12] =	ssyncadd.s32 $0xFFFFFFB0  }
0xa0: {  	[tilespmem:s20], [sflag:$0x7] =	stream.linear.gather [hbm4b:s9+s5], $0x50, $0x38;
	[tilespmem:$0x1F5C0] =	vst v63  }
0xa1: {  	_ =	swait.ge [sflag:s12], $0x50  }
0xa2: {  	[sflag:s12] =	ssyncset.done $0x0  }
0xa3: {  	[sflag:s12] =	ssyncadd.s32 $0xFFFFFFB0  }
0xa4: {  	[tilespmem:s21], [sflag:$0x4] =	stream.indirect.gather [hbm4b:s1+s19], $0x10, s19, s19, $0xb8;
	[tilespmem:$0x1F5C0] =	vst v63  }
0xa5: {  	_ = 	snop  }
0xa6: {  	[tilespmem:s24], [sflag:$0x5] =	stream.indirect.gather [hbm4b:s15+s19], $0x10, s20, s19, $0xb8;
	[tilespmem:$0x1F5C0] =	vst v63  }
0xa7: {  	_ = 	snop  }
0xa8: {  	[tilespmem:s25], [sflag:$0x6] =	stream.indirect.gather [hbm4b:s16+s19], $0x80, s19, s19, $0xb8;
	[tilespmem:$0x1F5C0] =	vst v63  }
.LBB2_4:
0xa9: {  	_ =	swait.ge [sflag:s26], $0x500  }
0xaa: {  	[sflag:s26] =	ssyncset.done $0x0  }
0xab: {  	[sflag:s26] =	ssyncadd.s32 $0xFFFFFB00  }
0xac: {  	_ =	swait.ge [sflag:s28], $0x500  }
0xad: {  	[sflag:s28] =	ssyncset.done $0x0  }
0xae: {  	[sflag:s28] =	ssyncadd.s32 $0xFFFFFB00  }
0xaf: {  	_ =	swait.ge [sflag:s29], $0x2800  }
0xb0: {  	[sflag:s29] =	ssyncset.done $0x0  }
0xb1: {  	s6 =	simm.s32 $0x0;
	[sflag:s29] =	ssyncadd.s32 $0xFFFFD800  }
0xb2: {  	v1 =	vld [tilespmem:s6+$0x140]  }
0xb3: {  	v2 =	vld [tilespmem:s6+$0xB40];
	_ =	sdelay $0x4  }
0xb4: {  	v1 =	vadd.f32 v2, v1;
	_ =	sdelay $0x1  }
0xb5: {  	v2 =	vmul.f32 $2.000000030e-01, v1;
	_ =	sdelay $0x1  }
0xb6: {  	v1 =	vmax.f32 v1, v2  }
0xb7: {  	v1 =	vmul.f32 $1.442695020e+00, v1;
	_ =	sdelay $0x1  }
0xb8: {  	(erf) = vpow2.f32 v1;
	_ =	sdelay $0x8  }
0xb9: {  	v1 =	vpop (erf)  }
0xba: {  	s6 =	simm.s32 $0x6580;
	v2 =	vnsel vm0, $0x0, v1  }
0xbb: {  	s7 =	simm.s32 $0x1580;
	[tilespmem:s6+$0x40] =	vst v2  }
0xbc: {  	v2 =	vld [tilespmem:s7+$0xFFFFFFC0];
	_ =	sdelay $0x2  }
0xbd: {  	v3 =	vbroadcast v1, $0x0;
	_ =	sdelay $0x1  }
0xbe: {  	v2 =	vmul.f32 v3, v2;
	_ =	sdelay $0x1  }
0xbf: {  	[tilespmem:s6+$0xFFFFFFC0] =	vst v2  }
0xc0: {  	v2 =	vld [tilespmem:s7+$0xFFFFFFD0];
	_ =	sdelay $0x4  }
0xc1: {  	v2 =	vmul.f32 v3, v2;
	_ =	sdelay $0x1  }
0xc2: {  	[tilespmem:s6+$0xFFFFFFD0] =	vst v2  }
0xc3: {  	v2 =	vld [tilespmem:s7+$0xFFFFFFE0];
	_ =	sdelay $0x2  }
0xc4: {  	v3 =	vbroadcast v1, $0x1;
	_ =	sdelay $0x1  }
0xc5: {  	v2 =	vmul.f32 v3, v2;
	_ =	sdelay $0x1  }
0xc6: {  	[tilespmem:s6+$0xFFFFFFE0] =	vst v2  }
0xc7: {  	v2 =	vld [tilespmem:s7+$0xFFFFFFF0];
	_ =	sdelay $0x4  }
0xc8: {  	v2 =	vmul.f32 v2, v3;
	_ =	sdelay $0x1  }
0xc9: {  	[tilespmem:s6+$0xFFFFFFF0] =	vst v2  }
0xca: {  	v2 =	vld [tilespmem:s7+$0x0];
	_ =	sdelay $0x2  }
0xcb: {  	v3 =	vbroadcast v1, $0x2;
	_ =	sdelay $0x1  }
0xcc: {  	v2 =	vmul.f32 v2, v3;
	_ =	sdelay $0x1  }
0xcd: {  	[tilespmem:s6+$0x0] =	vst v2  }
0xce: {  	v2 =	vld [tilespmem:s7+$0x10];
	_ =	sdelay $0x4  }
0xcf: {  	v2 =	vmul.f32 v2, v3;
	_ =	sdelay $0x1  }
0xd0: {  	[tilespmem:s6+$0x10] =	vst v2  }
0xd1: {  	v2 =	vld [tilespmem:s7+$0x20];
	_ =	sdelay $0x2  }
0xd2: {  	v1 =	vbroadcast v1, $0x3;
	_ =	sdelay $0x1  }
0xd3: {  	v2 =	vmul.f32 v2, v1;
	_ =	sdelay $0x1  }
0xd4: {  	[tilespmem:s6+$0x20] =	vst v2  }
0xd5: {  	v2 =	vld [tilespmem:s7+$0x30];
	_ =	sdelay $0x4  }
0xd6: {  	v1 =	vmul.f32 v2, v1;
	_ =	sdelay $0x1  }
0xd7: {  	s9 =	simm.s32 $0x10;
	[tilespmem:s6+$0x30] =	vst v1  }
0xd8: {  	s8 =	simm.s32 $0x80;
	v1 =	vld [tilespmem:s9+$0x140]  }
.LBB2_5:
0xd9: {  	p0 =	sne.s32 s8, $0x13C0;
	v2 =	vld [tilespmem:s9+$0xB40];
	_ =	sdelay $0x4  }
0xda: {  	v1 =	vadd.f32 v2, v1;
	_ =	sdelay $0x1  }
0xdb: {  	v2 =	vmul.f32 $2.000000030e-01, v1;
	_ =	sdelay $0x1  }
0xdc: {  	v1 =	vmax.f32 v1, v2  }
0xdd: {  	v1 =	vmul.f32 $1.442695020e+00, v1;
	_ =	sdelay $0x1  }
0xde: {  	(erf) = vpow2.f32 v1;
	_ =	sdelay $0x8  }
0xdf: {  	v1 =	vpop (erf)  }
0xe0: {  	s6 =	sadd.s32 $0x90, s6;
	v2 =	vnsel vm0, $0x0, v1  }
0xe1: {  	s7 =	sadd.s32 $0x80, s7;
	[tilespmem:s6+$0x40] =	vst v2  }
0xe2: {  	v2 =	vld [tilespmem:s7+$0xFFFFFFC0];
	_ =	sdelay $0x2  }
0xe3: {  	v3 =	vbroadcast v1, $0x0;
	_ =	sdelay $0x1  }
0xe4: {  	v2 =	vmul.f32 v3, v2;
	_ =	sdelay $0x1  }
0xe5: {  	[tilespmem:s6+$0xFFFFFFC0] =	vst v2  }
0xe6: {  	v2 =	vld [tilespmem:s7+$0xFFFFFFD0];
	_ =	sdelay $0x4  }
0xe7: {  	v2 =	vmul.f32 v3, v2;
	_ =	sdelay $0x1  }
0xe8: {  	[tilespmem:s6+$0xFFFFFFD0] =	vst v2  }
0xe9: {  	v2 =	vld [tilespmem:s7+$0xFFFFFFE0];
	_ =	sdelay $0x2  }
0xea: {  	v3 =	vbroadcast v1, $0x1;
	_ =	sdelay $0x1  }
0xeb: {  	v2 =	vmul.f32 v3, v2;
	_ =	sdelay $0x1  }
0xec: {  	[tilespmem:s6+$0xFFFFFFE0] =	vst v2  }
0xed: {  	v2 =	vld [tilespmem:s7+$0xFFFFFFF0];
	_ =	sdelay $0x4  }
0xee: {  	v2 =	vmul.f32 v2, v3;
	_ =	sdelay $0x1  }
0xef: {  	[tilespmem:s6+$0xFFFFFFF0] =	vst v2  }
0xf0: {  	v2 =	vld [tilespmem:s7+$0x0];
	_ =	sdelay $0x2  }
0xf1: {  	v3 =	vbroadcast v1, $0x2;
	_ =	sdelay $0x1  }
0xf2: {  	v2 =	vmul.f32 v2, v3;
	_ =	sdelay $0x1  }
0xf3: {  	[tilespmem:s6+$0x0] =	vst v2  }
0xf4: {  	v2 =	vld [tilespmem:s7+$0x10];
	_ =	sdelay $0x4  }
0xf5: {  	v2 =	vmul.f32 v2, v3;
	_ =	sdelay $0x1  }
0xf6: {  	[tilespmem:s6+$0x10] =	vst v2  }
0xf7: {  	v2 =	vld [tilespmem:s7+$0x20];
	_ =	sdelay $0x2  }
0xf8: {  	v1 =	vbroadcast v1, $0x3;
	_ =	sdelay $0x1  }
0xf9: {  	v2 =	vmul.f32 v2, v1;
	_ =	sdelay $0x1  }
0xfa: {  	[tilespmem:s6+$0x20] =	vst v2  }
0xfb: {  	v2 =	vld [tilespmem:s7+$0x30];
	_ =	sdelay $0x3  }
.Ltmp3:
0xfc: {  	(pc) =	sbr.rel @p0 .LBB2_5-.Ltmp3, $3  }
0xfd: {  	v1 =	vmul.f32 v2, v1;
	_ =	sdelay $0x1  }
0xfe: {  	s9 =	sshra.s32 s8, $0x2;
	[tilespmem:s6+$0x30] =	vst v1  }
0xff: {  	s8 =	sadd.s32 $0x40, s8;
	v1 =	vld [tilespmem:s9+$0x140]  }
0x100: {  	v2 =	vld [tilespmem:s9+$0xB40];
	_ =	sdelay $0x4  }
0x101: {  	v1 =	vadd.f32 v2, v1;
	_ =	sdelay $0x1  }
0x102: {  	v2 =	vmul.f32 $2.000000030e-01, v1;
	_ =	sdelay $0x1  }
0x103: {  	v1 =	vmax.f32 v1, v2  }
0x104: {  	v1 =	vmul.f32 $1.442695020e+00, v1;
	_ =	sdelay $0x1  }
0x105: {  	(erf) = vpow2.f32 v1;
	_ =	sdelay $0x8  }
0x106: {  	v1 =	vpop (erf)  }
0x107: {  	s6 =	sadd.s32 $0x90, s6;
	v2 =	vnsel vm0, $0x0, v1  }
0x108: {  	s7 =	sadd.s32 $0x80, s7;
	[tilespmem:s6+$0x40] =	vst v2  }
0x109: {  	v2 =	vld [tilespmem:s7+$0xFFFFFFC0];
	_ =	sdelay $0x2  }
0x10a: {  	v3 =	vbroadcast v1, $0x0;
	_ =	sdelay $0x1  }
0x10b: {  	v2 =	vmul.f32 v3, v2;
	_ =	sdelay $0x1  }
0x10c: {  	[tilespmem:s6+$0xFFFFFFC0] =	vst v2  }
0x10d: {  	v2 =	vld [tilespmem:s7+$0xFFFFFFD0];
	_ =	sdelay $0x4  }
0x10e: {  	v2 =	vmul.f32 v3, v2;
	_ =	sdelay $0x1  }
0x10f: {  	[tilespmem:s6+$0xFFFFFFD0] =	vst v2  }
0x110: {  	v2 =	vld [tilespmem:s7+$0xFFFFFFE0];
	_ =	sdelay $0x2  }
0x111: {  	v3 =	vbroadcast v1, $0x1;
	_ =	sdelay $0x1  }
0x112: {  	v2 =	vmul.f32 v3, v2;
	_ =	sdelay $0x1  }
0x113: {  	[tilespmem:s6+$0xFFFFFFE0] =	vst v2  }
0x114: {  	v2 =	vld [tilespmem:s7+$0xFFFFFFF0];
	_ =	sdelay $0x4  }
0x115: {  	v2 =	vmul.f32 v2, v3;
	_ =	sdelay $0x1  }
0x116: {  	[tilespmem:s6+$0xFFFFFFF0] =	vst v2  }
0x117: {  	v2 =	vld [tilespmem:s7+$0x0];
	_ =	sdelay $0x2  }
0x118: {  	v3 =	vbroadcast v1, $0x2;
	_ =	sdelay $0x1  }
0x119: {  	v2 =	vmul.f32 v2, v3;
	_ =	sdelay $0x1  }
0x11a: {  	[tilespmem:s6+$0x0] =	vst v2  }
0x11b: {  	v2 =	vld [tilespmem:s7+$0x10];
	_ =	sdelay $0x4  }
0x11c: {  	v2 =	vmul.f32 v2, v3;
	_ =	sdelay $0x1  }
0x11d: {  	[tilespmem:s6+$0x10] =	vst v2  }
0x11e: {  	v2 =	vld [tilespmem:s7+$0x20];
	_ =	sdelay $0x2  }
0x11f: {  	v1 =	vbroadcast v1, $0x3;
	_ =	sdelay $0x1  }
0x120: {  	v2 =	vmul.f32 v2, v1;
	_ =	sdelay $0x1  }
0x121: {  	[tilespmem:s6+$0x20] =	vst v2  }
0x122: {  	v2 =	vld [tilespmem:s7+$0x30];
	_ =	sdelay $0x4  }
0x123: {  	v1 =	vmul.f32 v2, v1  }
0x124: {  	p0 =	seq.s32 s5, $0x40  }
0x125: {  	[tilespmem:s6+$0x30] =	vst v1;
	s6 =	smul.u32 @!p0 $0xA0, s5  }
0x126: {  	[spmem:s2] =	stream.indirect.scatter.add.f32 [tilespmem:s11], [sflag:$0x7], $0x90, s18, s19, $0xb8;
	[tilespmem:$0x1F5C0] =	vst v63  }
0x127: {  	_ =	swait.ge [sflag:s12], $0x2D00;
	s6 =	sadd.s32 @!p0 s6, s22  }
0x128: {  	[sflag:s12] =	ssyncset.done $0x0;
	s6 =	sshrl.u32 @!p0 s6, $0x3  }
0x129: {  	s8 =	simm.s32 @!p0 $0x0;
	[sflag:s12] =	ssyncadd.s32 $0xFFFFD300;
	s7 =	sadd.s32 @!p0 s13, s6  }
0x12a: {  	[tilespmem:s8], [sflag:$0x7] =	stream.linear.gather @!p0 [hbm4b:s7+s8], $0x50, $0x38;
	[tilespmem:$0x1F5C0] =	vst v63  }
0x12b: {  	s7 =	simm.s32 @!p0 $0x7  }
0x12c: {  	_ =	swait.ge @!p0 [sflag:s7], $0x50  }
0x12d: {  	[sflag:s7] =	ssyncset.done @!p0 $0x0  }
0x12e: {  	s9 =	simm.s32 @!p0 $0xA0;
	s6 =	sadd.s32 @!p0 s14, s6;
	[sflag:s7] =	ssyncadd.s32 @!p0 $0xFFFFFFB0  }
0x12f: {  	[tilespmem:s9], [sflag:$0x7] =	stream.linear.gather @!p0 [hbm4b:s6+s8], $0x50, $0x38;
	[tilespmem:$0x1F5C0] =	vst v63  }
0x130: {  	_ =	swait.ge @!p0 [sflag:s7], $0x50  }
0x131: {  	[sflag:s7] =	ssyncset.done @!p0 $0x0  }
0x132: {  	s6 =	simm.s32 @!p0 $0x50;
	[sflag:s7] =	ssyncadd.s32 @!p0 $0xFFFFFFB0;
	s7 =	simm.s32 @!p0 $0x140  }
0x133: {  	[tilespmem:s7], [sflag:$0x1] =	stream.indirect.gather @!p0 [hbm4b:s1+s6], $0x10, s8, s6, $0xb8;
	[tilespmem:$0x1F5C0] =	vst v63  }
0x134: {  	s7 =	simm.s32 @!p0 $0xB40  }
0x135: {  	[tilespmem:s7], [sflag:$0x2] =	stream.indirect.gather @!p0 [hbm4b:s15+s6], $0x10, s9, s6, $0xb8;
	[tilespmem:$0x1F5C0] =	vst v63  }
0x136: {  	s7 =	simm.s32 @!p0 $0x1540  }
0x137: {  	[tilespmem:s7], [sflag:$0x3] =	stream.indirect.gather @!p0 [hbm4b:s16+s6], $0x80, s8, s6, $0xb8;
	[tilespmem:$0x1F5C0] =	vst v63  }
0x138: {  	_ =	swait.ge [sflag:s30], $0x500  }
0x139: {  	[sflag:s30] =	ssyncset.done $0x0  }
0x13a: {  	[sflag:s30] =	ssyncadd.s32 $0xFFFFFB00  }
0x13b: {  	_ =	swait.ge [sflag:s31], $0x500  }
0x13c: {  	[sflag:s31] =	ssyncset.done $0x0  }
0x13d: {  	[sflag:s31] =	ssyncadd.s32 $0xFFFFFB00  }
0x13e: {  	_ =	swait.ge [sflag:s0], $0x2800  }
0x13f: {  	[sflag:s0] =	ssyncset.done $0x0  }
0x140: {  	s9 =	simm.s32 $0x0;
	[sflag:s0] =	ssyncadd.s32 $0xFFFFD800  }
0x141: {  	v1 =	vld [tilespmem:s9+$0x640]  }
0x142: {  	v2 =	vld [tilespmem:s9+$0x1040];
	_ =	sdelay $0x4  }
0x143: {  	v1 =	vadd.f32 v2, v1;
	_ =	sdelay $0x1  }
0x144: {  	v2 =	vmul.f32 $2.000000030e-01, v1;
	_ =	sdelay $0x1  }
0x145: {  	v1 =	vmax.f32 v1, v2  }
0x146: {  	v1 =	vmul.f32 $1.442695020e+00, v1;
	_ =	sdelay $0x1  }
0x147: {  	(erf) = vpow2.f32 v1;
	_ =	sdelay $0x8  }
0x148: {  	v1 =	vpop (erf)  }
0x149: {  	s6 =	simm.s32 $0x6580;
	v2 =	vnsel vm0, $0x0, v1  }
0x14a: {  	s7 =	simm.s32 $0x3DB0;
	[tilespmem:s6+$0x40] =	vst v2  }
0x14b: {  	v2 =	vld [tilespmem:s7+$0xFFFFFF90];
	_ =	sdelay $0x2  }
0x14c: {  	v3 =	vbroadcast v1, $0x0;
	_ =	sdelay $0x1  }
0x14d: {  	v2 =	vmul.f32 v3, v2;
	_ =	sdelay $0x1  }
0x14e: {  	[tilespmem:s6+$0xFFFFFFC0] =	vst v2  }
0x14f: {  	v2 =	vld [tilespmem:s7+$0xFFFFFFA0];
	_ =	sdelay $0x4  }
0x150: {  	v2 =	vmul.f32 v3, v2;
	_ =	sdelay $0x1  }
0x151: {  	[tilespmem:s6+$0xFFFFFFD0] =	vst v2  }
0x152: {  	v2 =	vld [tilespmem:s7+$0xFFFFFFB0];
	_ =	sdelay $0x2  }
0x153: {  	v3 =	vbroadcast v1, $0x1;
	_ =	sdelay $0x1  }
0x154: {  	v2 =	vmul.f32 v3, v2;
	_ =	sdelay $0x1  }
0x155: {  	[tilespmem:s6+$0xFFFFFFE0] =	vst v2  }
0x156: {  	v2 =	vld [tilespmem:s7+$0xFFFFFFC0];
	_ =	sdelay $0x4  }
0x157: {  	v2 =	vmul.f32 v2, v3;
	_ =	sdelay $0x1  }
0x158: {  	[tilespmem:s6+$0xFFFFFFF0] =	vst v2  }
0x159: {  	v2 =	vld [tilespmem:s7+$0xFFFFFFD0];
	_ =	sdelay $0x2  }
0x15a: {  	v3 =	vbroadcast v1, $0x2;
	_ =	sdelay $0x1  }
0x15b: {  	v2 =	vmul.f32 v2, v3;
	_ =	sdelay $0x1  }
0x15c: {  	[tilespmem:s6+$0x0] =	vst v2  }
0x15d: {  	v2 =	vld [tilespmem:s7+$0xFFFFFFE0];
	_ =	sdelay $0x4  }
0x15e: {  	v2 =	vmul.f32 v2, v3;
	_ =	sdelay $0x1  }
0x15f: {  	[tilespmem:s6+$0x10] =	vst v2  }
0x160: {  	v2 =	vld [tilespmem:s7+$0xFFFFFFF0];
	_ =	sdelay $0x2  }
0x161: {  	v1 =	vbroadcast v1, $0x3;
	_ =	sdelay $0x1  }
0x162: {  	v2 =	vmul.f32 v2, v1;
	_ =	sdelay $0x1  }
0x163: {  	[tilespmem:s6+$0x20] =	vst v2  }
0x164: {  	v2 =	vld [tilespmem:s7+$0x0];
	_ =	sdelay $0x4  }
0x165: {  	v1 =	vmul.f32 v2, v1;
	_ =	sdelay $0x1  }
0x166: {  	s9 =	simm.s32 $0x10;
	[tilespmem:s6+$0x30] =	vst v1  }
0x167: {  	s8 =	simm.s32 $0x80;
	v1 =	vld [tilespmem:s9+$0x640]  }
.LBB2_7:
0x168: {  	p1 =	sne.s32 s8, $0x13C0;
	v2 =	vld [tilespmem:s9+$0x1040];
	_ =	sdelay $0x4  }
0x169: {  	v1 =	vadd.f32 v2, v1;
	_ =	sdelay $0x1  }
0x16a: {  	v2 =	vmul.f32 $2.000000030e-01, v1;
	_ =	sdelay $0x1  }
0x16b: {  	v1 =	vmax.f32 v1, v2  }
0x16c: {  	v1 =	vmul.f32 $1.442695020e+00, v1;
	_ =	sdelay $0x1  }
0x16d: {  	(erf) = vpow2.f32 v1;
	_ =	sdelay $0x8  }
0x16e: {  	v1 =	vpop (erf)  }
0x16f: {  	s6 =	sadd.s32 $0x90, s6;
	v2 =	vnsel vm0, $0x0, v1  }
0x170: {  	s7 =	sadd.s32 $0x80, s7;
	[tilespmem:s6+$0x40] =	vst v2  }
0x171: {  	v2 =	vld [tilespmem:s7+$0xFFFFFF90];
	_ =	sdelay $0x2  }
0x172: {  	v3 =	vbroadcast v1, $0x0;
	_ =	sdelay $0x1  }
0x173: {  	v2 =	vmul.f32 v3, v2;
	_ =	sdelay $0x1  }
0x174: {  	[tilespmem:s6+$0xFFFFFFC0] =	vst v2  }
0x175: {  	v2 =	vld [tilespmem:s7+$0xFFFFFFA0];
	_ =	sdelay $0x4  }
0x176: {  	v2 =	vmul.f32 v3, v2;
	_ =	sdelay $0x1  }
0x177: {  	[tilespmem:s6+$0xFFFFFFD0] =	vst v2  }
0x178: {  	v2 =	vld [tilespmem:s7+$0xFFFFFFB0];
	_ =	sdelay $0x2  }
0x179: {  	v3 =	vbroadcast v1, $0x1;
	_ =	sdelay $0x1  }
0x17a: {  	v2 =	vmul.f32 v3, v2;
	_ =	sdelay $0x1  }
0x17b: {  	[tilespmem:s6+$0xFFFFFFE0] =	vst v2  }
0x17c: {  	v2 =	vld [tilespmem:s7+$0xFFFFFFC0];
	_ =	sdelay $0x4  }
0x17d: {  	v2 =	vmul.f32 v2, v3;
	_ =	sdelay $0x1  }
0x17e: {  	[tilespmem:s6+$0xFFFFFFF0] =	vst v2  }
0x17f: {  	v2 =	vld [tilespmem:s7+$0xFFFFFFD0];
	_ =	sdelay $0x2  }
0x180: {  	v3 =	vbroadcast v1, $0x2;
	_ =	sdelay $0x1  }
0x181: {  	v2 =	vmul.f32 v2, v3;
	_ =	sdelay $0x1  }
0x182: {  	[tilespmem:s6+$0x0] =	vst v2  }
0x183: {  	v2 =	vld [tilespmem:s7+$0xFFFFFFE0];
	_ =	sdelay $0x4  }
0x184: {  	v2 =	vmul.f32 v2, v3;
	_ =	sdelay $0x1  }
0x185: {  	[tilespmem:s6+$0x10] =	vst v2  }
0x186: {  	v2 =	vld [tilespmem:s7+$0xFFFFFFF0];
	_ =	sdelay $0x2  }
0x187: {  	v1 =	vbroadcast v1, $0x3;
	_ =	sdelay $0x1  }
0x188: {  	v2 =	vmul.f32 v2, v1;
	_ =	sdelay $0x1  }
0x189: {  	[tilespmem:s6+$0x20] =	vst v2  }
0x18a: {  	v2 =	vld [tilespmem:s7+$0x0];
	_ =	sdelay $0x3  }
.Ltmp4:
0x18b: {  	(pc) =	sbr.rel @p1 .LBB2_7-.Ltmp4, $3  }
0x18c: {  	v1 =	vmul.f32 v2, v1;
	_ =	sdelay $0x1  }
0x18d: {  	s9 =	sshra.s32 s8, $0x2;
	[tilespmem:s6+$0x30] =	vst v1  }
0x18e: {  	s8 =	sadd.s32 $0x40, s8;
	v1 =	vld [tilespmem:s9+$0x640]  }
0x18f: {  	v2 =	vld [tilespmem:s9+$0x1040];
	_ =	sdelay $0x4  }
0x190: {  	v1 =	vadd.f32 v2, v1;
	_ =	sdelay $0x1  }
0x191: {  	v2 =	vmul.f32 $2.000000030e-01, v1;
	_ =	sdelay $0x1  }
0x192: {  	v1 =	vmax.f32 v1, v2  }
0x193: {  	v1 =	vmul.f32 $1.442695020e+00, v1;
	_ =	sdelay $0x1  }
0x194: {  	(erf) = vpow2.f32 v1;
	_ =	sdelay $0x8  }
0x195: {  	v1 =	vpop (erf)  }
0x196: {  	s6 =	sadd.s32 $0x90, s6;
	v2 =	vnsel vm0, $0x0, v1  }
0x197: {  	s7 =	sadd.s32 $0x80, s7;
	[tilespmem:s6+$0x40] =	vst v2  }
0x198: {  	v2 =	vld [tilespmem:s7+$0xFFFFFF90];
	_ =	sdelay $0x2  }
0x199: {  	v3 =	vbroadcast v1, $0x0;
	_ =	sdelay $0x1  }
0x19a: {  	v2 =	vmul.f32 v3, v2;
	_ =	sdelay $0x1  }
0x19b: {  	[tilespmem:s6+$0xFFFFFFC0] =	vst v2  }
0x19c: {  	v2 =	vld [tilespmem:s7+$0xFFFFFFA0];
	_ =	sdelay $0x4  }
0x19d: {  	v2 =	vmul.f32 v3, v2;
	_ =	sdelay $0x1  }
0x19e: {  	[tilespmem:s6+$0xFFFFFFD0] =	vst v2  }
0x19f: {  	v2 =	vld [tilespmem:s7+$0xFFFFFFB0];
	_ =	sdelay $0x2  }
0x1a0: {  	v3 =	vbroadcast v1, $0x1;
	_ =	sdelay $0x1  }
0x1a1: {  	v2 =	vmul.f32 v3, v2;
	_ =	sdelay $0x1  }
0x1a2: {  	[tilespmem:s6+$0xFFFFFFE0] =	vst v2  }
0x1a3: {  	v2 =	vld [tilespmem:s7+$0xFFFFFFC0];
	_ =	sdelay $0x4  }
0x1a4: {  	v2 =	vmul.f32 v2, v3;
	_ =	sdelay $0x1  }
0x1a5: {  	[tilespmem:s6+$0xFFFFFFF0] =	vst v2  }
0x1a6: {  	v2 =	vld [tilespmem:s7+$0xFFFFFFD0];
	_ =	sdelay $0x2  }
0x1a7: {  	v3 =	vbroadcast v1, $0x2;
	_ =	sdelay $0x1  }
0x1a8: {  	v2 =	vmul.f32 v2, v3;
	_ =	sdelay $0x1  }
0x1a9: {  	[tilespmem:s6+$0x0] =	vst v2  }
0x1aa: {  	v2 =	vld [tilespmem:s7+$0xFFFFFFE0];
	_ =	sdelay $0x4  }
0x1ab: {  	v2 =	vmul.f32 v2, v3;
	_ =	sdelay $0x1  }
0x1ac: {  	[tilespmem:s6+$0x10] =	vst v2  }
0x1ad: {  	v2 =	vld [tilespmem:s7+$0xFFFFFFF0];
	_ =	sdelay $0x2  }
0x1ae: {  	v1 =	vbroadcast v1, $0x3;
	_ =	sdelay $0x1  }
0x1af: {  	v2 =	vmul.f32 v2, v1;
	_ =	sdelay $0x1  }
0x1b0: {  	[tilespmem:s6+$0x20] =	vst v2  }
0x1b1: {  	v2 =	vld [tilespmem:s7+$0x0];
	_ =	sdelay $0x4  }
0x1b2: {  	v1 =	vmul.f32 v2, v1;
	_ =	sdelay $0x1  }
.Ltmp5:
0x1b3: {  	[tilespmem:s6+$0x30] =	vst v1;
	(pc) =	sbr.rel @p0 .LBB2_10-.Ltmp5, $4  }
0x1b4: {  	[spmem:s2] =	stream.indirect.scatter.add.f32 [tilespmem:s11], [sflag:$0x7], $0x90, s20, s19, $0xb8;
	[tilespmem:$0x1F5C0] =	vst v63  }
0x1b5: {  	_ =	swait.ge [sflag:s12], $0x2D00  }
0x1b6: {  	[sflag:s12] =	ssyncset.done $0x0  }
0x1b7: {  	[sflag:s12] =	ssyncadd.s32 $0xFFFFD300  }
0x1b8: {  	s6 =	smul.u32 $0xA0, s5;
	_ =	sdelay $0x1  }
0x1b9: {  	s6 =	sadd.s32 s6, s23  }
0x1ba: {  	s6 =	sshrl.u32 s6, $0x3  }
0x1bb: {  	s7 =	sadd.s32 s13, s6  }
0x1bc: {  	[tilespmem:s19], [sflag:$0x7] =	stream.linear.gather [hbm4b:s7+s4], $0x50, $0x38;
	[tilespmem:$0x1F5C0] =	vst v63  }
0x1bd: {  	_ =	swait.ge [sflag:s12], $0x50  }
0x1be: {  	[sflag:s12] =	ssyncset.done $0x0  }
0x1bf: {  	s6 =	sadd.s32 s14, s6;
	[sflag:s12] =	ssyncadd.s32 $0xFFFFFFB0  }
0x1c0: {  	[tilespmem:s20], [sflag:$0x7] =	stream.linear.gather [hbm4b:s6+s4], $0x50, $0x38;
	[tilespmem:$0x1F5C0] =	vst v63  }
0x1c1: {  	_ =	swait.ge [sflag:s12], $0x50  }
0x1c2: {  	[sflag:s12] =	ssyncset.done $0x0  }
0x1c3: {  	[sflag:s12] =	ssyncadd.s32 $0xFFFFFFB0  }
0x1c4: {  	[tilespmem:s21], [sflag:$0x4] =	stream.indirect.gather [hbm4b:s1+s19], $0x10, s19, s19, $0xb8;
	[tilespmem:$0x1F5C0] =	vst v63  }
.Ltmp6:
0x1c5: {  	_ = 	snop;
	(pc) =	sbr.rel .LBB2_4-.Ltmp6, $4  }
0x1c6: {  	_ = 	snop  }
0x1c7: {  	[tilespmem:s24], [sflag:$0x5] =	stream.indirect.gather [hbm4b:s15+s19], $0x10, s20, s19, $0xb8;
	[tilespmem:$0x1F5C0] =	vst v63  }
0x1c8: {  	s5 =	sadd.s32 $0x1, s5  }
0x1c9: {  	[tilespmem:s25], [sflag:$0x6] =	stream.indirect.gather [hbm4b:s16+s19], $0x80, s19, s19, $0xb8;
	[tilespmem:$0x1F5C0] =	vst v63  }
.LBB2_11:
0x1ca: {  	_ =	sfence.sel $0x180000  }
0x1cb: {  	[bflag:$0x0] =	sbarrier.arrive $0xFFFF  }
0x1cc: {  	_ =	strace $0x9000004A  }
0x1cd: {  	s0 =	stileid.u32;
	[bflag:$0x2] =	sbarrier.arrive $0xFFFF  }
0x1ce: {  	p0 =	sne.s32 s0, $0x0;
	s0 =	rddreg [dreg:$0x3]  }
0x1cf: {  	s0 =	sadd.s32 @!p0 $0x100000, s0  }
0x1d0: {  	[sflag:s0] =	ssyncadd.tile.s32 @!p0 $0x1;
	_ =	shalt  }
.Lfunc_end2:
_tile_overlayer_lowered:
.L_overlay_start_2:
0x1d1: {  	(tag) =	ssettag $0x2  }
0x1d2: {  	s0 =	rddreg [dreg:$0x0];
	s2 =	stileid.u32  }
0x1d3: {  	s1 =	rddreg [dreg:$0x1];
	p0 =	sne.s32 s2, $0x0  }
0x1d4: {  	s3 =	rddreg [dreg:$0x2];
	[bflag:$0x3] =	sbarrier.arrive $0xFFFF;
	s2 =	simm.s32 @!p0 $0x1C07  }
0x1d5: {  	[timem:s3], [sflag:s2] =	dma.local @!p0 [hbm:s0], s1  }
0x1d6: {  	s0 =	simm.s32 @!p0 $0x7  }
0x1d7: {  	_ =	swait.ge @!p0 [sflag:s0], s1  }
0x1d8: {  	s1 =	ssub.s32 @!p0 $0x0, s1;
	[sflag:s0] =	ssyncset.done @!p0 $0x0  }
0x1d9: {  	[sflag:s0] =	ssyncadd.s32 @!p0 s1  }
0x1da: {  	[bflag:$0x3] =	sbarrier.arrive $0xFFFF  }
0x1db: {  	_ =	shalt  }

// kernel: kernel.17.cloned.1.call-start
scs
__scs_entry_jumppad:
0x0: {  	(pc) =	sbr.rel $0x88, $3  }
0x1: {  	(tag) =	ssettag $0x0;
	lr =	simm.s32 $0x1  }
0x2: {  	[smem:$0x3F93] =	sst lr;
	_ =	strace $0xD0000000  }
0x3: {  	_ = 	snop  }
0x4: {  	_ = 	snop  }
0x5: {  	_ = 	snop  }
0x6: {  	_ = 	snop  }
0x7: {  	_ = 	snop  }
__scs_overlays_trampoline_lowered:
0x8: {  	[smem:$0x3FA2] =	sst s0  }
0x9: {  	[smem:$0x3FA3] =	sst s1  }
0xa: {  	[smem:$0x3FA4] =	sst s2  }
0xb: {  	[smem:$0x3FA5] =	sst s3  }
0xc: {  	[smem:$0x3FA6] =	sst s4  }
0xd: {  	[smem:$0x3FA7] =	sst s5  }
0xe: {  	[smem:$0x3FA8] =	sst s6  }
0xf: {  	[smem:$0x3FA9] =	sst s7  }
0x10: {  	[smem:$0x3FAA] =	sst s8  }
0x11: {  	[smem:$0x3FAB] =	sst s9;
	s0 =	simm.s32 @!p0 $0x0  }
0x12: {  	s1 =	sld [smem:$0x3F91];
	s0 =	simm.s32 @p0 $0x1  }
0x13: {  	[smem:$0x3FAC] =	sst s0;
	s0 =	simm.s32 @!p1 $0x0  }
0x14: {  	s2 =	sld [smem:$0x3F90];
	s0 =	simm.s32 @p1 $0x1  }
0x15: {  	[smem:$0x3FAD] =	sst s0;
	s0 =	simm.s32 @!p2 $0x0  }
0x16: {  	s3 =	sld [smem:$0x3FDB];
	s0 =	simm.s32 @p2 $0x1  }
0x17: {  	s4 =	simm.s32 $0x1BF5;
	[smem:$0x3FAF] =	sst s0  }
0x18: {  	s0 =	sld [smem:$0x3F92];
	_ =	swait.ge [sflag:s4], $0x0  }
0x19: {  	s7 =	sld [smem:$0x3F93]  }
0x1a: {  	s8 =	sadd.s32 $0xFFFFE003, lr  }
0x1b: {  	s9 =	sadd.s32 $0xFFFFFEF7, lr;
	s5 =	simm.s32 $0xFFFFFFFF;
	p2 =	slt.u32 s8, $0xFFFFF086  }
0x1c: {  	p1 =	slt.u32 s9, $0xF7A;
	s5 =	simm.s32 @!p2 $0x0  }
0x1d: {  	s5 =	simm.s32 @p1 $0x1;
	p0 =	seq.s32 s7, s2  }
0x1e: {  	s7 =	smul.u32 @!p0 $0xF7A, s2;
	p2 =	seq.s32 @!p0 s5, $0x0  }
0x1f: {  	s9 =	smul.u32 $0xF7A, s1;
	s8 =	simm.s32 @!p0 $0x1BF5;
	p2 =	por !p2, p0  }
0x20: {  	[sflag:s8] =	ssyncset.s32 @!p0 $0xFFFFF086;
	s6 =	sadd.s32 @!p0 s3, s7;
	s7 =	simm.s32 @!p0 $0x108  }
0x21: {  	s3 =	sadd.s32 s3, s9;
	s6 =	sadd.s32 @!p0 $0x88, s6;
	s7 =	simm.s32 @p2 $0x1082  }
0x22: {  	[simem:s7], [sflag:s8] =	dma.local @!p0 [hbm:s6], $0xF7A  }
0x23: {  	s9 =	sor.u32 $0xD0000000, s2;
	s6 =	simm.s32 $0x108;
	_ =	swait.ge @!p0 [sflag:s8], $0x0  }
0x24: {  	s3 =	sadd.s32 $0x88, s3;
	s6 =	simm.s32 @!p1 $0x1082;
	[sflag:s4] =	ssyncset.s32 $0xFFFFF086  }
0x25: {  	[simem:s6], [sflag:s4] =	dma.local [hbm:s3], $0xF7A  }
0x26: {  	[smem:$0x3F93] =	sst s1;
	(tag) =	ssettag s2;
	_ =	strace s9  }
0x27: {  	s1 =	sld [smem:$0x3FA3]  }
0x28: {  	s2 =	sld [smem:$0x3FA4]  }
0x29: {  	s4 =	sld [smem:$0x3FA6]  }
0x2a: {  	p0 =	seq.s32 s5, $0x0;
	s5 =	sld [smem:$0x3FA7]  }
0x2b: {  	s6 =	sld [smem:$0x3FA8]  }
0x2c: {  	s7 =	sld [smem:$0x3FA9]  }
0x2d: {  	s3 =	simm.s32 $0x108;
	s8 =	sld [smem:$0x3FAA]  }
0x2e: {  	s3 =	simm.s32 @!p0 $0x1082;
	s9 =	sld [smem:$0x3FAB]  }
0x2f: {  	lr =	sadd.s32 s0, s3;
	s0 =	sld [smem:$0x3FA2]  }
0x30: {  	s3 =	sld [smem:$0x3FA5]  }
0x31: {  	[smem:$0x3FAE] =	sst s10  }
0x32: {  	s10 =	sld [smem:$0x3FAC];
	_ =	sdelay $0x3  }
0x33: {  	p0 =	seq.s32 s10, $0x1;
	s10 =	sld [smem:$0x3FAE];
	_ =	sdelay $0x3  }
0x34: {  	[smem:$0x3FAE] =	sst s10  }
0x35: {  	s10 =	sld [smem:$0x3FAD];
	_ =	sdelay $0x3  }
0x36: {  	p1 =	seq.s32 s10, $0x1;
	s10 =	sld [smem:$0x3FAE];
	_ =	sdelay $0x3  }
0x37: {  	[smem:$0x3FAE] =	sst s10  }
0x38: {  	s10 =	sld [smem:$0x3FAF]  }
0x39: {  	_ = 	snop;
	(pc) =	sbr.ind lr, $3  }
0x3a: {  	_ = 	snop  }
0x3b: {  	_ = 	snop  }
0x3c: {  	p2 =	seq.s32 s10, $0x1;
	s10 =	sld [smem:$0x3FAE]  }
0x3d: {  	_ =	shalt  }
0x3e: {  	_ =	shalt  }
0x3f: {  	_ =	shalt  }
0x40: {  	_ =	shalt  }
0x41: {  	_ =	shalt  }
0x42: {  	_ =	shalt  }
0x43: {  	_ =	shalt  }
0x44: {  	_ =	shalt  }
0x45: {  	_ =	shalt  }
0x46: {  	_ =	shalt  }
0x47: {  	_ =	shalt  }
0x48: {  	_ =	shalt  }
0x49: {  	_ =	shalt  }
0x4a: {  	_ =	shalt  }
0x4b: {  	_ =	shalt  }
0x4c: {  	_ =	shalt  }
0x4d: {  	_ =	shalt  }
0x4e: {  	_ =	shalt  }
0x4f: {  	_ =	shalt  }
0x50: {  	_ =	shalt  }
0x51: {  	_ =	shalt  }
0x52: {  	_ =	shalt  }
0x53: {  	_ =	shalt  }
0x54: {  	_ =	shalt  }
0x55: {  	_ =	shalt  }
0x56: {  	_ =	shalt  }
0x57: {  	_ =	shalt  }
0x58: {  	_ =	shalt  }
0x59: {  	_ =	shalt  }
0x5a: {  	_ =	shalt  }
0x5b: {  	_ =	shalt  }
0x5c: {  	_ =	shalt  }
0x5d: {  	_ =	shalt  }
0x5e: {  	_ =	shalt  }
0x5f: {  	_ =	shalt  }
0x60: {  	_ =	shalt  }
0x61: {  	_ =	shalt  }
0x62: {  	_ =	shalt  }
0x63: {  	_ =	shalt  }
0x64: {  	_ =	shalt  }
0x65: {  	_ =	shalt  }
0x66: {  	_ =	shalt  }
0x67: {  	_ =	shalt  }
0x68: {  	_ =	shalt  }
0x69: {  	_ =	shalt  }
0x6a: {  	_ =	shalt  }
0x6b: {  	_ =	shalt  }
0x6c: {  	_ =	shalt  }
0x6d: {  	_ =	shalt  }
0x6e: {  	_ =	shalt  }
0x6f: {  	_ =	shalt  }
0x70: {  	_ =	shalt  }
0x71: {  	_ =	shalt  }
0x72: {  	_ =	shalt  }
0x73: {  	_ =	shalt  }
0x74: {  	_ =	shalt  }
0x75: {  	_ =	shalt  }
0x76: {  	_ =	shalt  }
0x77: {  	_ =	shalt  }
0x78: {  	_ =	shalt  }
0x79: {  	_ =	shalt  }
0x7a: {  	_ =	shalt  }
0x7b: {  	_ =	shalt  }
0x7c: {  	_ =	shalt  }
0x7d: {  	_ =	shalt  }
0x7e: {  	_ =	shalt  }
0x7f: {  	_ =	shalt  }
0x80: {  	_ =	shalt  }
0x81: {  	_ =	shalt  }
0x82: {  	_ =	shalt  }
0x83: {  	_ =	shalt  }
0x84: {  	_ =	shalt  }
0x85: {  	_ =	shalt  }
0x86: {  	_ =	shalt  }
0x87: {  	_ =	shalt  }
.Lfunc_end0:
.L_simem_size_0:
called_computation.2_lowered:
.L_overlay_start_0:
0x88: {  	s2 =	sld [smem:$0x3FD9]  }
0x89: {  	s3 =	sld [smem:$0x3FFE];
	_ =	sdelay $0x1  }
0x8a: {  	s1 =	srdreg.scid  }
0x8b: {  	s0 =	sand.u32 $0x1, s1  }
0x8c: {  	s17 =	sshll.u32 s0, $0xA;
	s2 =	sadd.s32 s3, s2  }
0x8d: {  	s2 =	sadd.s32 s2, s17  }
0x8e: {  	[smem:$0x3FBA] =	sst s2  }
0x8f: {  	_ = 	snop  }
0x90: {  	s2 =	sld [smem:$0x3FD0];
	(tm) =	ssettm $0x1  }
0x91: {  	s18 =	sld [smem:$0x3FFB];
	_ =	sdelay $0x3  }
0x92: {  	_ =	strace s18  }
0x93: {  	s3 =	sld [smem:$0x3FFC];
	_ =	sdelay $0x3  }
0x94: {  	_ =	strace s3  }
0x95: {  	s3 =	sld [smem:$0x3FFD];
	_ =	sdelay $0x3  }
0x96: {  	_ =	strace s3  }
0x97: {  	_ =	strace $0x8FFFFFFF  }
0x98: {  	s19 =	sld [smem:$0x3FDB];
	_ =	sdelay $0x1  }
0x99: {  	s4 =	simm.s32 $_scs_section_size  }
0x9a: {  	s5 =	simm.s32 $_size__tile_overlayer_lowered;
	s6 =	simm.s32 $_tile_overlayer_lowered  }
0x9b: {  	s22 =	simm.s32 $0x1BFF;
	s21 =	sshll.u32 s6, $0x1;
	s3 =	sadd.s32 s4, s19  }
0x9c: {  	s7 =	simm.s32 $0x0;
	s20 =	sshll.u32 s5, $0x1;
	s5 =	sadd.s32 s21, s3  }
0x9d: {  	[timem:s7], [sflag:s22] =	dma.local [hbm:s5], s20  }
0x9e: {  	_ =	swait.ge [sflag:s22], s20  }
0x9f: {  	s4 =	ssub.s32 $0x0, s20;
	[sflag:s22] =	ssyncset.done $0x0  }
0xa0: {  	[sflag:s22] =	ssyncadd.s32 s4;
	_ =	sdelay $0x1  }
0xa1: {  	s23 =	simm.s32 $0x1B8B  }
0xa2: {  	_ =	swait.ge [sflag:s23], $0x1  }
0xa3: {  	[sflag:s23] =	ssyncset.done $0x0  }
0xa4: {  	s25 =	simm.s32 $0x1B8E;
	s24 =	sld [smem:$0x3FFE];
	[sflag:s23] =	ssyncadd.s32 $0xFFFFFFFF  }
0xa5: {  	s26 =	simm.s32 $execute0_lowered;
	[smem:$0x3FD2] =	sst s25  }
0xa6: {  	s5 =	sshll.u32 s26, $0x1;
	_ =	strace $0x8000004C;
	[dreg:$0x1] =	wrdreg $0xFFFFFFFF  }
0xa7: {  	s28 =	simm.s32 $_size_execute0_lowered;
	s3 =	sadd.s32 s3, s5;
	[dreg:$0x0] =	wrdreg $0x0  }
0xa8: {  	s5 =	sshll.u32 s28, $0x1;
	[dreg:$0x2] =	wrdreg s3  }
0xa9: {  	[dreg:$0x3] =	wrdreg s5  }
0xaa: {  	[dreg:$0x4] =	wrdreg $0xC0  }
0xab: {  	_ =	task [dreg:s7], $0x5FFFF  }
0xac: {  	[dreg:$0x1] =	wrdreg $0xFFFFFFFF  }
0xad: {  	[dreg:$0x0] =	wrdreg $0x60  }
0xae: {  	[dreg:$0x2] =	wrdreg s24  }
0xaf: {  	[dreg:$0x3] =	wrdreg s2  }
0xb0: {  	[dreg:$0x4] =	wrdreg $0x56400  }
0xb1: {  	[dreg:$0x5] =	wrdreg $0x9  }
0xb2: {  	_ =	task.clear_ibuf [dreg:s7], $0x6FFFF;
	_ =	strace $0x9000004C  }
0xb3: {  	s29 =	simm.s32 $0x9;
	_ =	strace $0x8000004E  }
0xb4: {  	_ =	swait.ge [sflag:s29], $0x1  }
0xb5: {  	[sflag:s29] =	ssyncadd.s32 $0xFFFFFFFF  }
0xb6: {  	_ =	strace $0x9000004E  }
0xb7: {  	_ =	sfence  }
0xb8: {  	s30 =	sld [smem:$0x0];
	_ =	sdelay $0x2  }
0xb9: {  	s31 =	sshll.u32 s1, $0xD;
	s1 =	sshrl.u32 s1, $0x2  }
0xba: {  	s3 =	sand.u32 $0x4000, s31;
	s1 =	sadd.s32 s1, s30  }
0xbb: {  	s0 =	sor.u32 s3, s0;
	s1 =	sshll.u32 s1, $0x11  }
0xbc: {  	s0 =	sor.u32 s1, s0  }
0xbd: {  	s0 =	sadd.s32 $0x8F2B, s0  }
0xbe: {  	[sflag:s0] =	ssyncadd.remote.s32 $0x1  }
0xbf: {  	_ =	sfence.sel $0xFFFF  }
0xc0: {  	[dreg:$0x0] =	wrdreg $0xFFFFFFFF;
	(pc) =	sbr.abs _section_cstart, $3  }
0xc1: {  	[dreg:$0x1] =	wrdreg $0xFFFFFFFF  }
0xc2: {  	_ =	task.clear_ibuf [dreg:s7], $0x2FFFF;
	_ =	strace $0x9FFFFFFF  }
0xc3: {  	(tm) =	ssettm $0x7FFFFFFF  }
tec
execute0_lowered:
.L_overlay_start_1:
0x0: {  	(tag) =	ssettag $0x1  }
0x1: {  	s5 =	rddreg [dreg:$0x0]  }
0x2: {  	s1 =	rddreg [dreg:$0x1]  }
0x3: {  	s2 =	rddreg [dreg:$0x2];
	s4 =	simm.s32 $0x0  }
0x4: {  	s0 =	srdreg.scid;
	s22 =	stileid.u32;
	s28 =	simm.s32 $0x2  }
0x5: {  	s29 =	simm.s32 $0x3;
	s30 =	simm.s32 $0x4;
	s31 =	simm.s32 $0x5  }
0x6: {  	[smem:$0x7FF] =	sst s4;
	s3 =	sand.u32 $0x1, s0;
	s6 =	smul.u32 $0x278, s22  }
0x7: {  	s7 =	sadd.s32 $0x43600, s5;
	s0 =	smul.u32 $0xC580, s22;
	s10 =	sshll.u32 s22, $0x1  }
0x8: {  	_ =	strace $0x8000004D;
	s8 =	ssub.s32 $0x2, s3;
	s11 =	smul.u32 $0xC5800, s3  }
0x9: {  	s26 =	sor.u32 s3, s10;
	s9 =	sshrl.u32 s8, $0x1;
	s10 =	sadd.s32 $0xAF00, s0  }
0xa: {  	s6 =	sadd.s32 $0x50, s6;
	s18 =	sadd.s32 $0x3200, s0;
	s19 =	sadd.s32 $0x4B00, s0  }
0xb: {  	s8 =	ssub.s32 s8, s9;
	s14 =	sadd.s32 s11, s10;
	s3 =	smul.u32 $0x50, s6  }
0xc: {  	s12 =	sadd.s32 s11, s0;
	s9 =	smul.u32 $0x28A0, s26;
	s16 =	sadd.s32 s11, s18  }
0xd: {  	s13 =	sshrl.u32 s14, $0x3;
	s12 =	sshrl.u32 s12, $0x3;
	s14 =	sadd.s32 s11, s19  }
0xe: {  	s17 =	sshrl.u32 s16, $0x3;
	s16 =	sadd.s32 $0x2600, s5;
	s8 =	smax.u32 s8, $0x1  }
0xf: {  	s13 =	sadd.s32 s7, s13;
	s12 =	sadd.s32 s7, s12;
	s15 =	sadd.s32 s11, s3  }
0x10: {  	s20 =	sshrl.u32 s14, $0x3;
	s14 =	sadd.s32 $0x2EE00, s5;
	[dreg:$0x10] =	wrdreg s8  }
0x11: {  	s26 =	sshrl.u32 s9, $0x3;
	s3 =	sadd.s32 s3, s2;
	[dreg:$0x4] =	wrdreg s13  }
0x12: {  	[dreg:$0x5] =	wrdreg s12;
	s12 =	sshrl.u32 s15, $0x3;
	s21 =	sadd.s32 s7, s20  }
0x13: {  	s20 =	sadd.s32 $0x7D00, s0;
	s15 =	sadd.s32 $0x7600, s5;
	s12 =	sadd.s32 s7, s12  }
0x14: {  	[dreg:$0x8] =	wrdreg s21;
	s21 =	sadd.s32 $0x9600, s0;
	s24 =	sadd.s32 s11, s20  }
0x15: {  	[dreg:$0x6] =	wrdreg s12;
	s12 =	sadd.s32 s7, s17;
	s25 =	sshrl.u32 s24, $0x3  }
0x16: {  	s17 =	sadd.s32 s10, s2;
	[dreg:$0x7] =	wrdreg s12;
	s12 =	sadd.s32 $0x6400, s0  }
0x17: {  	s0 =	sadd.s32 s0, s2;
	s23 =	sadd.s32 s11, s12;
	s11 =	sadd.s32 s11, s21  }
0x18: {  	s12 =	sadd.s32 s12, s2;
	s0 =	sshrl.u32 s0, $0x3;
	s13 =	sshrl.u32 s23, $0x3  }
0x19: {  	s11 =	sshrl.u32 s11, $0x3;
	[dreg:$0x18] =	wrdreg s0;
	s13 =	sadd.s32 s7, s13  }
0x1a: {  	s23 =	sadd.s32 $0xA, s26;
	[dreg:$0x9] =	wrdreg s13;
	s13 =	sadd.s32 s7, s25  }
0x1b: {  	s0 =	simm.s32 $0x6;
	s7 =	sadd.s32 s7, s11;
	[dreg:$0xa] =	wrdreg s13  }
0x1c: {  	s11 =	sadd.s32 s14, s26;
	s25 =	smul.u32 $0x140, s6;
	[dreg:$0xb] =	wrdreg s7  }
0x1d: {  	s13 =	sadd.s32 $0x39200, s5;
	[dreg:$0xd] =	wrdreg s11;
	s5 =	sadd.s32 s14, s23  }
0x1e: {  	s7 =	smul.u32 $0x31600, s22;
	s10 =	sadd.s32 s13, s26;
	[dreg:$0xf] =	wrdreg s5  }
0x1f: {  	s22 =	sadd.s32 $0xA0, s9;
	s24 =	sadd.s32 s13, s23;
	[dreg:$0xc] =	wrdreg s10  }
0x20: {  	s23 =	sadd.s32 $0xF0, s9;
	s5 =	sshrl.u32 s25, $0x2;
	[dreg:$0xe] =	wrdreg s24  }
0x21: {  	s26 =	sshrl.u32 s7, $0x2;
	s9 =	sadd.s32 $0xC800, s7;
	s10 =	sadd.s32 $0x12C00, s7  }
0x22: {  	s5 =	sadd.s32 s5, s2;
	s25 =	sadd.s32 $0x19000, s7;
	s6 =	sadd.s32 s26, s2  }
0x23: {  	[dreg:$0x12] =	wrdreg s5;
	s24 =	sshrl.u32 s10, $0x2;
	s26 =	sadd.s32 $0x1F400, s7  }
0x24: {  	s7 =	sadd.s32 $0x25800, s7;
	s10 =	sadd.s32 s18, s2;
	s18 =	sadd.s32 s20, s2  }
0x25: {  	s20 =	sshrl.u32 s3, $0x3;
	s3 =	simm.s32 $0x0;
	[dreg:$0x11] =	wrdreg s6  }
0x26: {  	s6 =	sshrl.u32 s9, $0x2;
	s5 =	sadd.s32 s24, s2;
	s9 =	sshrl.u32 s7, $0x2  }
0x27: {  	[dreg:$0x19] =	wrdreg s20;
	s20 =	simm.s32 $0xF0;
	s11 =	sadd.s32 s6, s2  }
0x28: {  	[dreg:$0x14] =	wrdreg s5;
	s5 =	sshrl.u32 s25, $0x2;
	s6 =	sshrl.u32 s26, $0x2  }
0x29: {  	s25 =	sshrl.u32 s12, $0x3;
	s26 =	sshrl.u32 s18, $0x3;
	s12 =	simm.s32 $0x7  }
0x2a: {  	s18 =	simm.s32 $0xA0;
	[dreg:$0x13] =	wrdreg s11;
	s5 =	sadd.s32 s5, s2  }
0x2b: {  	s8 =	sadd.s32 s6, s2;
	s11 =	sadd.s32 s19, s2;
	[dreg:$0x1c] =	wrdreg s25  }
0x2c: {  	s19 =	sadd.s32 s21, s2;
	s21 =	sshrl.u32 s10, $0x3;
	[dreg:$0x1d] =	wrdreg s26  }
.Ltmp0:
0x2d: {  	s25 =	simm.s32 $0x2940;
	[dreg:$0x15] =	wrdreg s5;
	(pc) =	sbr.rel .LBB2_1-.Ltmp0, $4  }
0x2e: {  	s26 =	simm.s32 $0x1;
	[dreg:$0x16] =	wrdreg s8;
	s5 =	sadd.s32 s9, s2  }
0x2f: {  	[dreg:$0x1a] =	wrdreg s21;
	s24 =	sshrl.u32 s11, $0x3;
	s10 =	sshrl.u32 s19, $0x3  }
0x30: {  	s11 =	simm.s32 $0x3D40;
	s19 =	simm.s32 $0x50;
	[dreg:$0x17] =	wrdreg s5  }
0x31: {  	v0 =	vimm.f32 $0.0e+00;
	vm0 =	vmmov $0x1;
	s21 =	simm.s32 $0x640;
	[dreg:$0x1b] =	wrdreg s24;
	s24 =	simm.s32 $0x1040  }
.LBB2_10:
0x32: {  	s5 =	stileid.u32;
	[bflag:$0x0] =	sbarrier.arrive $0xFFFF  }
0x33: {  	s5 =	sshll.u32 s5, $0x6;
	s6 =	rddreg [dreg:$0x5]  }
0x34: {  	s7 =	rddreg [dreg:$0x18];
	s5 =	sor.u32 $0x1C07, s5  }
0x35: {  	[hbm:s6], [sflag:s5] =	dma.local [spmem:s7], $0x320  }
0x36: {  	_ =	swait.ge [sflag:s12], $0x320  }
0x37: {  	[sflag:s12] =	ssyncset.done $0x0;
	s8 =	rddreg [dreg:$0x6]  }
0x38: {  	s9 =	rddreg [dreg:$0x19];
	[sflag:s12] =	ssyncadd.s32 $0xFFFFFCE0  }
0x39: {  	[hbm:s8], [sflag:s5] =	dma.local [spmem:s9], $0x320  }
0x3a: {  	_ =	swait.ge [sflag:s12], $0x320  }
0x3b: {  	[sflag:s12] =	ssyncset.done $0x0;
	s8 =	rddreg [dreg:$0x7]  }
0x3c: {  	s9 =	rddreg [dreg:$0x1a];
	[sflag:s12] =	ssyncadd.s32 $0xFFFFFCE0  }
0x3d: {  	[hbm:s8], [sflag:s5] =	dma.local [spmem:s9], $0x320  }
0x3e: {  	_ =	swait.ge [sflag:s12], $0x320  }
0x3f: {  	[sflag:s12] =	ssyncset.done $0x0;
	s8 =	rddreg [dreg:$0x8]  }
0x40: {  	s9 =	rddreg [dreg:$0x1b];
	[sflag:s12] =	ssyncadd.s32 $0xFFFFFCE0  }
0x41: {  	[hbm:s8], [sflag:s5] =	dma.local [spmem:s9], $0x320  }
0x42: {  	_ =	swait.ge [sflag:s12], $0x320  }
0x43: {  	[sflag:s12] =	ssyncset.done $0x0;
	s8 =	rddreg [dreg:$0x9]  }
0x44: {  	s9 =	rddreg [dreg:$0x1c];
	[sflag:s12] =	ssyncadd.s32 $0xFFFFFCE0  }
0x45: {  	[hbm:s8], [sflag:s5] =	dma.local [spmem:s9], $0x320  }
0x46: {  	_ =	swait.ge [sflag:s12], $0x320  }
0x47: {  	[sflag:s12] =	ssyncset.done $0x0;
	s7 =	rddreg [dreg:$0xa]  }
0x48: {  	s8 =	rddreg [dreg:$0x1d];
	[sflag:s12] =	ssyncadd.s32 $0xFFFFFCE0  }
0x49: {  	[hbm:s7], [sflag:s5] =	dma.local [spmem:s8], $0x320  }
0x4a: {  	_ =	swait.ge [sflag:s12], $0x320  }
0x4b: {  	[sflag:s12] =	ssyncset.done $0x0  }
0x4c: {  	s9 =	rddreg [dreg:$0xb];
	[sflag:s12] =	ssyncadd.s32 $0xFFFFFCE0  }
0x4d: {  	[hbm:s9], [sflag:s5] =	dma.local [spmem:s10], $0x320  }
0x4e: {  	_ =	swait.ge [sflag:s12], $0x320  }
0x4f: {  	[sflag:s12] =	ssyncset.done $0x0  }
0x50: {  	s7 =	sshrl.u32 s17, $0x3;
	s8 =	rddreg [dreg:$0x4];
	[sflag:s12] =	ssyncadd.s32 $0xFFFFFCE0  }
0x51: {  	[hbm:s8], [sflag:s5] =	dma.local [spmem:s7], $0x2D0  }
0x52: {  	_ =	swait.ge [sflag:s12], $0x2D0  }
0x53: {  	s3 =	sadd.s32 $0x1, s3;
	s9 =	rddreg [dreg:$0x10]  }
0x54: {  	p0 =	sne.s32 s3, s9  }
.Ltmp1:
0x55: {  	_ = 	snop;
	(pc) =	sbr.rel @!p0 .LBB2_11-.Ltmp1, $3  }
0x56: {  	_ =	sdelay $0x1  }
0x57: {  	[sflag:s12] =	ssyncset.done $0x0  }
0x58: {  	[sflag:s12] =	ssyncadd.s32 $0xFFFFFD30  }
.LBB2_1:
0x59: {  	s6 =	simm.s32 $0x240;
	s5 =	simm.s32 $0x40  }
.LBB2_2:
0x5a: {  	p0 =	sne.s32 s6, $0x63C0;
	[tilespmem:s5+$0x3D40] =	vst v0;
	s7 =	smov.u32 s6;
	s6 =	sadd.s32 $0x140, s6  }
.Ltmp2:
0x5b: {  	[tilespmem:s5+$0x3D30] =	vst v0;
	(pc) =	sbr.rel @p0 .LBB2_2-.Ltmp2, $4  }
0x5c: {  	[tilespmem:s5+$0x3D20] =	vst v0  }
0x5d: {  	[tilespmem:s5+$0x3D00] =	vst v0  }
0x5e: {  	[tilespmem:s5+$0x3D10] =	vst v0  }
0x5f: {  	s5 =	sshra.s32 s7, $0x2  }
0x60: {  	[tilespmem:s5+$0x3D40] =	vst v0  }
0x61: {  	[tilespmem:s5+$0x3D30] =	vst v0  }
0x62: {  	[tilespmem:s5+$0x3D20] =	vst v0  }
0x63: {  	[tilespmem:s5+$0x3D00] =	vst v0  }
0x64: {  	[tilespmem:s5+$0x3D10] =	vst v0;
	s8 =	rddreg [dreg:$0x11]  }
0x65: {  	[spmem:s8] =	stream.linear.scatter [tilespmem:s11], [sflag:$0x7], $0x1900, $0x38;
	[tilespmem:$0x11BC0] =	vst v63  }
0x66: {  	_ =	swait.ge [sflag:s12], $0x1900  }
0x67: {  	[sflag:s12] =	ssyncset.done $0x0  }
0x68: {  	s9 =	rddreg [dreg:$0x12];
	[sflag:s12] =	ssyncadd.s32 $0xFFFFE700  }
0x69: {  	[spmem:s9] =	stream.linear.scatter [tilespmem:s11], [sflag:$0x7], $0x1900, $0x38;
	[tilespmem:$0x11BC0] =	vst v63  }
0x6a: {  	_ =	swait.ge [sflag:s12], $0x1900  }
0x6b: {  	[sflag:s12] =	ssyncset.done $0x0  }
0x6c: {  	s6 =	rddreg [dreg:$0x13];
	[sflag:s12] =	ssyncadd.s32 $0xFFFFE700  }
0x6d: {  	[spmem:s6] =	stream.linear.scatter [tilespmem:s11], [sflag:$0x7], $0x1900, $0x38;
	[tilespmem:$0x11BC0] =	vst v63  }
0x6e: {  	_ =	swait.ge [sflag:s12], $0x1900  }
0x6f: {  	[sflag:s12] =	ssyncset.done $0x0  }
0x70: {  	s7 =	rddreg [dreg:$0x14];
	[sflag:s12] =	ssyncadd.s32 $0xFFFFE700  }
0x71: {  	[spmem:s7] =	stream.linear.scatter [tilespmem:s11], [sflag:$0x7], $0x1900, $0x38;
	[tilespmem:$0x11BC0] =	vst v63  }
0x72: {  	_ =	swait.ge [sflag:s12], $0x1900  }
0x73: {  	[sflag:s12] =	ssyncset.done $0x0  }
0x74: {  	s8 =	rddreg [dreg:$0x15];
	[sflag:s12] =	ssyncadd.s32 $0xFFFFE700  }
0x75: {  	[spmem:s8] =	stream.linear.scatter [tilespmem:s11], [sflag:$0x7], $0x1900, $0x38;
	[tilespmem:$0x11BC0] =	vst v63  }
0x76: {  	_ =	swait.ge [sflag:s12], $0x1900  }
0x77: {  	[sflag:s12] =	ssyncset.done $0x0  }
0x78: {  	s9 =	rddreg [dreg:$0x16];
	[sflag:s12] =	ssyncadd.s32 $0xFFFFE700  }
0x79: {  	[spmem:s9] =	stream.linear.scatter [tilespmem:s11], [sflag:$0x7], $0x1900, $0x38;
	[tilespmem:$0x11BC0] =	vst v63  }
0x7a: {  	_ =	swait.ge [sflag:s12], $0x1900  }
0x7b: {  	[sflag:s12] =	ssyncset.done $0x0  }
0x7c: {  	s6 =	rddreg [dreg:$0x17];
	[sflag:s12] =	ssyncadd.s32 $0xFFFFE700  }
0x7d: {  	[spmem:s6] =	stream.linear.scatter [tilespmem:s11], [sflag:$0x7], $0x1900, $0x38;
	[tilespmem:$0x11BC0] =	vst v63  }
0x7e: {  	_ =	swait.ge [sflag:s12], $0x1900  }
0x7f: {  	[sflag:s12] =	ssyncset.done $0x0  }
0x80: {  	[sflag:s12] =	ssyncadd.s32 $0xFFFFE700  }
0x81: {  	[spmem:s17] =	stream.linear.scatter [tilespmem:s11], [sflag:$0x7], $0x1680, $0x38;
	[tilespmem:$0x11BC0] =	vst v63  }
0x82: {  	_ =	swait.ge [sflag:s12], $0x1680  }
0x83: {  	[sflag:s12] =	ssyncset.done $0x0  }
0x84: {  	[sflag:s12] =	ssyncadd.s32 $0xFFFFE980  }
0x85: {  	[bflag:$0x0] =	sbarrier.arrive $0xFFFF  }
0x86: {  	s5 =	simm.s32 $0x0;
	s6 =	rddreg [dreg:$0xc]  }
0x87: {  	[tilespmem:s5], [sflag:$0x7] =	stream.linear.gather [hbm4b:s6+s5], $0x50, $0x38;
	[tilespmem:$0x11BC0] =	vst v63  }
0x88: {  	_ =	swait.ge [sflag:s12], $0x50  }
0x89: {  	[sflag:s12] =	ssyncset.done $0x0  }
0x8a: {  	s7 =	rddreg [dreg:$0xd];
	[sflag:s12] =	ssyncadd.s32 $0xFFFFFFB0  }
0x8b: {  	[tilespmem:s18], [sflag:$0x7] =	stream.linear.gather [hbm4b:s7+s5], $0x50, $0x38;
	[tilespmem:$0x11BC0] =	vst v63  }
0x8c: {  	_ =	swait.ge [sflag:s12], $0x50  }
0x8d: {  	[sflag:s12] =	ssyncset.done $0x0  }
0x8e: {  	s8 =	simm.s32 $0x140;
	[sflag:s12] =	ssyncadd.s32 $0xFFFFFFB0  }
0x8f: {  	[tilespmem:s8], [sflag:$0x1] =	stream.indirect.gather [hbm4b:s15+s19], $0x10, s5, s19, $0xb8;
	[tilespmem:$0x11BC0] =	vst v63  }
0x90: {  	s9 =	simm.s32 $0xB40  }
0x91: {  	[tilespmem:s9], [sflag:$0x2] =	stream.indirect.gather [hbm4b:s16+s19], $0x10, s18, s19, $0xb8;
	[tilespmem:$0x11BC0] =	vst v63  }
0x92: {  	s7 =	simm.s32 $0x1540  }
0x93: {  	[tilespmem:s7], [sflag:$0x3] =	stream.indirect.gather [hbm4b:s1+s19], $0x40, s5, s19, $0xb8;
	[tilespmem:$0x11BC0] =	vst v63  }
0x94: {  	s8 =	rddreg [dreg:$0xe]  }
0x95: {  	[tilespmem:s19], [sflag:$0x7] =	stream.linear.gather [hbm4b:s8+s5], $0x50, $0x38;
	[tilespmem:$0x11BC0] =	vst v63  }
0x96: {  	_ =	swait.ge [sflag:s12], $0x50  }
0x97: {  	[sflag:s12] =	ssyncset.done $0x0  }
0x98: {  	s9 =	rddreg [dreg:$0xf];
	[sflag:s12] =	ssyncadd.s32 $0xFFFFFFB0  }
0x99: {  	[tilespmem:s20], [sflag:$0x7] =	stream.linear.gather [hbm4b:s9+s5], $0x50, $0x38;
	[tilespmem:$0x11BC0] =	vst v63  }
0x9a: {  	_ =	swait.ge [sflag:s12], $0x50  }
0x9b: {  	[sflag:s12] =	ssyncset.done $0x0  }
0x9c: {  	[sflag:s12] =	ssyncadd.s32 $0xFFFFFFB0  }
0x9d: {  	[tilespmem:s21], [sflag:$0x4] =	stream.indirect.gather [hbm4b:s15+s19], $0x10, s19, s19, $0xb8;
	[tilespmem:$0x11BC0] =	vst v63  }
0x9e: {  	_ = 	snop  }
0x9f: {  	[tilespmem:s24], [sflag:$0x5] =	stream.indirect.gather [hbm4b:s16+s19], $0x10, s20, s19, $0xb8;
	[tilespmem:$0x11BC0] =	vst v63  }
0xa0: {  	_ = 	snop  }
0xa1: {  	[tilespmem:s25], [sflag:$0x6] =	stream.indirect.gather [hbm4b:s1+s19], $0x40, s19, s19, $0xb8;
	[tilespmem:$0x11BC0] =	vst v63  }
.LBB2_4:
0xa2: {  	_ =	swait.ge [sflag:s26], $0x500  }
0xa3: {  	[sflag:s26] =	ssyncset.done $0x0  }
0xa4: {  	[sflag:s26] =	ssyncadd.s32 $0xFFFFFB00  }
0xa5: {  	_ =	swait.ge [sflag:s28], $0x500  }
0xa6: {  	[sflag:s28] =	ssyncset.done $0x0  }
0xa7: {  	[sflag:s28] =	ssyncadd.s32 $0xFFFFFB00  }
0xa8: {  	_ =	swait.ge [sflag:s29], $0x1400  }
0xa9: {  	[sflag:s29] =	ssyncset.done $0x0  }
0xaa: {  	s6 =	simm.s32 $0x0;
	[sflag:s29] =	ssyncadd.s32 $0xFFFFEC00  }
0xab: {  	v1 =	vld [tilespmem:s6+$0x140]  }
0xac: {  	v2 =	vld [tilespmem:s6+$0xB40];
	_ =	sdelay $0x4  }
0xad: {  	v1 =	vadd.f32 v2, v1;
	_ =	sdelay $0x1  }
0xae: {  	v2 =	vmul.f32 $2.000000030e-01, v1;
	_ =	sdelay $0x1  }
0xaf: {  	v1 =	vmax.f32 v1, v2  }
0xb0: {  	v1 =	vmul.f32 $1.442695020e+00, v1;
	_ =	sdelay $0x1  }
0xb1: {  	(erf) = vpow2.f32 v1;
	_ =	sdelay $0x8  }
0xb2: {  	v1 =	vpop (erf)  }
0xb3: {  	s6 =	simm.s32 $0x3D60;
	v2 =	vnsel vm0, $0x0, v1  }
0xb4: {  	s7 =	simm.s32 $0x1560;
	[tilespmem:s6+$0x20] =	vst v2  }
0xb5: {  	v2 =	vld [tilespmem:s7+$0xFFFFFFE0];
	_ =	sdelay $0x2  }
0xb6: {  	v1 =	vbroadcast v1, $0x0;
	_ =	sdelay $0x1  }
0xb7: {  	v2 =	vmul.f32 v1, v2;
	_ =	sdelay $0x1  }
0xb8: {  	[tilespmem:s6+$0xFFFFFFE0] =	vst v2  }
0xb9: {  	v2 =	vld [tilespmem:s7+$0xFFFFFFF0];
	_ =	sdelay $0x4  }
0xba: {  	v2 =	vmul.f32 v1, v2;
	_ =	sdelay $0x1  }
0xbb: {  	[tilespmem:s6+$0xFFFFFFF0] =	vst v2  }
0xbc: {  	v2 =	vld [tilespmem:s7+$0x0];
	_ =	sdelay $0x4  }
0xbd: {  	v2 =	vmul.f32 v1, v2;
	_ =	sdelay $0x1  }
0xbe: {  	[tilespmem:s6+$0x0] =	vst v2  }
0xbf: {  	v2 =	vld [tilespmem:s7+$0x10];
	_ =	sdelay $0x4  }
0xc0: {  	v1 =	vmul.f32 v2, v1;
	_ =	sdelay $0x1  }
0xc1: {  	s9 =	simm.s32 $0x10;
	[tilespmem:s6+$0x10] =	vst v1  }
0xc2: {  	s8 =	simm.s32 $0x80;
	v1 =	vld [tilespmem:s9+$0x140]  }
.LBB2_5:
0xc3: {  	p0 =	sne.s32 s8, $0x13C0;
	v2 =	vld [tilespmem:s9+$0xB40];
	_ =	sdelay $0x4  }
0xc4: {  	v1 =	vadd.f32 v2, v1;
	_ =	sdelay $0x1  }
0xc5: {  	v2 =	vmul.f32 $2.000000030e-01, v1;
	_ =	sdelay $0x1  }
0xc6: {  	v1 =	vmax.f32 v1, v2  }
0xc7: {  	v1 =	vmul.f32 $1.442695020e+00, v1;
	_ =	sdelay $0x1  }
0xc8: {  	(erf) = vpow2.f32 v1;
	_ =	sdelay $0x8  }
0xc9: {  	v1 =	vpop (erf)  }
0xca: {  	s6 =	sadd.s32 $0x50, s6;
	v2 =	vnsel vm0, $0x0, v1  }
0xcb: {  	s7 =	sadd.s32 $0x40, s7;
	[tilespmem:s6+$0x20] =	vst v2  }
0xcc: {  	v2 =	vld [tilespmem:s7+$0xFFFFFFE0];
	_ =	sdelay $0x2  }
0xcd: {  	v1 =	vbroadcast v1, $0x0;
	_ =	sdelay $0x1  }
0xce: {  	v2 =	vmul.f32 v1, v2;
	_ =	sdelay $0x1  }
0xcf: {  	[tilespmem:s6+$0xFFFFFFE0] =	vst v2  }
0xd0: {  	v2 =	vld [tilespmem:s7+$0xFFFFFFF0];
	_ =	sdelay $0x4  }
0xd1: {  	v2 =	vmul.f32 v1, v2;
	_ =	sdelay $0x1  }
0xd2: {  	[tilespmem:s6+$0xFFFFFFF0] =	vst v2  }
0xd3: {  	v2 =	vld [tilespmem:s7+$0x0];
	_ =	sdelay $0x4  }
0xd4: {  	v2 =	vmul.f32 v1, v2;
	_ =	sdelay $0x1  }
0xd5: {  	[tilespmem:s6+$0x0] =	vst v2  }
0xd6: {  	v2 =	vld [tilespmem:s7+$0x10];
	_ =	sdelay $0x3  }
.Ltmp3:
0xd7: {  	(pc) =	sbr.rel @p0 .LBB2_5-.Ltmp3, $3  }
0xd8: {  	v1 =	vmul.f32 v2, v1;
	_ =	sdelay $0x1  }
0xd9: {  	s9 =	sshra.s32 s8, $0x2;
	[tilespmem:s6+$0x10] =	vst v1  }
0xda: {  	s8 =	sadd.s32 $0x40, s8;
	v1 =	vld [tilespmem:s9+$0x140]  }
0xdb: {  	v2 =	vld [tilespmem:s9+$0xB40];
	_ =	sdelay $0x4  }
0xdc: {  	v1 =	vadd.f32 v2, v1;
	_ =	sdelay $0x1  }
0xdd: {  	v2 =	vmul.f32 $2.000000030e-01, v1;
	_ =	sdelay $0x1  }
0xde: {  	v1 =	vmax.f32 v1, v2  }
0xdf: {  	v1 =	vmul.f32 $1.442695020e+00, v1;
	_ =	sdelay $0x1  }
0xe0: {  	(erf) = vpow2.f32 v1;
	_ =	sdelay $0x8  }
0xe1: {  	v1 =	vpop (erf)  }
0xe2: {  	s6 =	sadd.s32 $0x50, s6;
	v2 =	vnsel vm0, $0x0, v1  }
0xe3: {  	s7 =	sadd.s32 $0x40, s7;
	[tilespmem:s6+$0x20] =	vst v2  }
0xe4: {  	v2 =	vld [tilespmem:s7+$0xFFFFFFE0];
	_ =	sdelay $0x2  }
0xe5: {  	v1 =	vbroadcast v1, $0x0;
	_ =	sdelay $0x1  }
0xe6: {  	v2 =	vmul.f32 v1, v2;
	_ =	sdelay $0x1  }
0xe7: {  	[tilespmem:s6+$0xFFFFFFE0] =	vst v2  }
0xe8: {  	v2 =	vld [tilespmem:s7+$0xFFFFFFF0];
	_ =	sdelay $0x4  }
0xe9: {  	v2 =	vmul.f32 v1, v2;
	_ =	sdelay $0x1  }
0xea: {  	[tilespmem:s6+$0xFFFFFFF0] =	vst v2  }
0xeb: {  	v2 =	vld [tilespmem:s7+$0x0];
	_ =	sdelay $0x4  }
0xec: {  	v2 =	vmul.f32 v1, v2;
	_ =	sdelay $0x1  }
0xed: {  	[tilespmem:s6+$0x0] =	vst v2  }
0xee: {  	v2 =	vld [tilespmem:s7+$0x10];
	_ =	sdelay $0x4  }
0xef: {  	v1 =	vmul.f32 v2, v1  }
0xf0: {  	p0 =	seq.s32 s5, $0x40  }
0xf1: {  	[tilespmem:s6+$0x10] =	vst v1;
	s6 =	smul.u32 @!p0 $0xA0, s5  }
0xf2: {  	[spmem:s2] =	stream.indirect.scatter.add.f32 [tilespmem:s11], [sflag:$0x7], $0x50, s18, s19, $0xb8;
	[tilespmem:$0x11BC0] =	vst v63  }
0xf3: {  	_ =	swait.ge [sflag:s12], $0x1900;
	s6 =	sadd.s32 @!p0 s6, s22  }
0xf4: {  	[sflag:s12] =	ssyncset.done $0x0;
	s6 =	sshrl.u32 @!p0 s6, $0x3  }
0xf5: {  	s8 =	simm.s32 @!p0 $0x0;
	[sflag:s12] =	ssyncadd.s32 $0xFFFFE700;
	s7 =	sadd.s32 @!p0 s13, s6  }
0xf6: {  	[tilespmem:s8], [sflag:$0x7] =	stream.linear.gather @!p0 [hbm4b:s7+s8], $0x50, $0x38;
	[tilespmem:$0x11BC0] =	vst v63  }
0xf7: {  	s7 =	simm.s32 @!p0 $0x7  }
0xf8: {  	_ =	swait.ge @!p0 [sflag:s7], $0x50  }
0xf9: {  	[sflag:s7] =	ssyncset.done @!p0 $0x0  }
0xfa: {  	s9 =	simm.s32 @!p0 $0xA0;
	s6 =	sadd.s32 @!p0 s14, s6;
	[sflag:s7] =	ssyncadd.s32 @!p0 $0xFFFFFFB0  }
0xfb: {  	[tilespmem:s9], [sflag:$0x7] =	stream.linear.gather @!p0 [hbm4b:s6+s8], $0x50, $0x38;
	[tilespmem:$0x11BC0] =	vst v63  }
0xfc: {  	_ =	swait.ge @!p0 [sflag:s7], $0x50  }
0xfd: {  	[sflag:s7] =	ssyncset.done @!p0 $0x0  }
0xfe: {  	s6 =	simm.s32 @!p0 $0x50;
	[sflag:s7] =	ssyncadd.s32 @!p0 $0xFFFFFFB0;
	s7 =	simm.s32 @!p0 $0x140  }
0xff: {  	[tilespmem:s7], [sflag:$0x1] =	stream.indirect.gather @!p0 [hbm4b:s15+s6], $0x10, s8, s6, $0xb8;
	[tilespmem:$0x11BC0] =	vst v63  }
0x100: {  	s7 =	simm.s32 @!p0 $0xB40  }
0x101: {  	[tilespmem:s7], [sflag:$0x2] =	stream.indirect.gather @!p0 [hbm4b:s16+s6], $0x10, s9, s6, $0xb8;
	[tilespmem:$0x11BC0] =	vst v63  }
0x102: {  	s7 =	simm.s32 @!p0 $0x1540  }
0x103: {  	[tilespmem:s7], [sflag:$0x3] =	stream.indirect.gather @!p0 [hbm4b:s1+s6], $0x40, s8, s6, $0xb8;
	[tilespmem:$0x11BC0] =	vst v63  }
0x104: {  	_ =	swait.ge [sflag:s30], $0x500  }
0x105: {  	[sflag:s30] =	ssyncset.done $0x0  }
0x106: {  	[sflag:s30] =	ssyncadd.s32 $0xFFFFFB00  }
0x107: {  	_ =	swait.ge [sflag:s31], $0x500  }
0x108: {  	[sflag:s31] =	ssyncset.done $0x0  }
0x109: {  	[sflag:s31] =	ssyncadd.s32 $0xFFFFFB00  }
0x10a: {  	_ =	swait.ge [sflag:s0], $0x1400  }
0x10b: {  	[sflag:s0] =	ssyncset.done $0x0  }
0x10c: {  	s9 =	simm.s32 $0x0;
	[sflag:s0] =	ssyncadd.s32 $0xFFFFEC00  }
0x10d: {  	v1 =	vld [tilespmem:s9+$0x640]  }
0x10e: {  	v2 =	vld [tilespmem:s9+$0x1040];
	_ =	sdelay $0x4  }
0x10f: {  	v1 =	vadd.f32 v2, v1;
	_ =	sdelay $0x1  }
0x110: {  	v2 =	vmul.f32 $2.000000030e-01, v1;
	_ =	sdelay $0x1  }
0x111: {  	v1 =	vmax.f32 v1, v2  }
0x112: {  	v1 =	vmul.f32 $1.442695020e+00, v1;
	_ =	sdelay $0x1  }
0x113: {  	(erf) = vpow2.f32 v1;
	_ =	sdelay $0x8  }
0x114: {  	v1 =	vpop (erf)  }
0x115: {  	s6 =	simm.s32 $0x3D60;
	v2 =	vnsel vm0, $0x0, v1  }
0x116: {  	s7 =	simm.s32 $0x2970;
	[tilespmem:s6+$0x20] =	vst v2  }
0x117: {  	v2 =	vld [tilespmem:s7+$0xFFFFFFD0];
	_ =	sdelay $0x2  }
0x118: {  	v1 =	vbroadcast v1, $0x0;
	_ =	sdelay $0x1  }
0x119: {  	v2 =	vmul.f32 v1, v2;
	_ =	sdelay $0x1  }
0x11a: {  	[tilespmem:s6+$0xFFFFFFE0] =	vst v2  }
0x11b: {  	v2 =	vld [tilespmem:s7+$0xFFFFFFE0];
	_ =	sdelay $0x4  }
0x11c: {  	v2 =	vmul.f32 v1, v2;
	_ =	sdelay $0x1  }
0x11d: {  	[tilespmem:s6+$0xFFFFFFF0] =	vst v2  }
0x11e: {  	v2 =	vld [tilespmem:s7+$0xFFFFFFF0];
	_ =	sdelay $0x4  }
0x11f: {  	v2 =	vmul.f32 v1, v2;
	_ =	sdelay $0x1  }
0x120: {  	[tilespmem:s6+$0x0] =	vst v2  }
0x121: {  	v2 =	vld [tilespmem:s7+$0x0];
	_ =	sdelay $0x4  }
0x122: {  	v1 =	vmul.f32 v2, v1;
	_ =	sdelay $0x1  }
0x123: {  	s9 =	simm.s32 $0x10;
	[tilespmem:s6+$0x10] =	vst v1  }
0x124: {  	s8 =	simm.s32 $0x80;
	v1 =	vld [tilespmem:s9+$0x640]  }
.LBB2_7:
0x125: {  	p1 =	sne.s32 s8, $0x13C0;
	v2 =	vld [tilespmem:s9+$0x1040];
	_ =	sdelay $0x4  }
0x126: {  	v1 =	vadd.f32 v2, v1;
	_ =	sdelay $0x1  }
0x127: {  	v2 =	vmul.f32 $2.000000030e-01, v1;
	_ =	sdelay $0x1  }
0x128: {  	v1 =	vmax.f32 v1, v2  }
0x129: {  	v1 =	vmul.f32 $1.442695020e+00, v1;
	_ =	sdelay $0x1  }
0x12a: {  	(erf) = vpow2.f32 v1;
	_ =	sdelay $0x8  }
0x12b: {  	v1 =	vpop (erf)  }
0x12c: {  	s6 =	sadd.s32 $0x50, s6;
	v2 =	vnsel vm0, $0x0, v1  }
0x12d: {  	s7 =	sadd.s32 $0x40, s7;
	[tilespmem:s6+$0x20] =	vst v2  }
0x12e: {  	v2 =	vld [tilespmem:s7+$0xFFFFFFD0];
	_ =	sdelay $0x2  }
0x12f: {  	v1 =	vbroadcast v1, $0x0;
	_ =	sdelay $0x1  }
0x130: {  	v2 =	vmul.f32 v1, v2;
	_ =	sdelay $0x1  }
0x131: {  	[tilespmem:s6+$0xFFFFFFE0] =	vst v2  }
0x132: {  	v2 =	vld [tilespmem:s7+$0xFFFFFFE0];
	_ =	sdelay $0x4  }
0x133: {  	v2 =	vmul.f32 v1, v2;
	_ =	sdelay $0x1  }
0x134: {  	[tilespmem:s6+$0xFFFFFFF0] =	vst v2  }
0x135: {  	v2 =	vld [tilespmem:s7+$0xFFFFFFF0];
	_ =	sdelay $0x4  }
0x136: {  	v2 =	vmul.f32 v1, v2;
	_ =	sdelay $0x1  }
0x137: {  	[tilespmem:s6+$0x0] =	vst v2  }
0x138: {  	v2 =	vld [tilespmem:s7+$0x0];
	_ =	sdelay $0x3  }
.Ltmp4:
0x139: {  	(pc) =	sbr.rel @p1 .LBB2_7-.Ltmp4, $3  }
0x13a: {  	v1 =	vmul.f32 v2, v1;
	_ =	sdelay $0x1  }
0x13b: {  	s9 =	sshra.s32 s8, $0x2;
	[tilespmem:s6+$0x10] =	vst v1  }
0x13c: {  	s8 =	sadd.s32 $0x40, s8;
	v1 =	vld [tilespmem:s9+$0x640]  }
0x13d: {  	v2 =	vld [tilespmem:s9+$0x1040];
	_ =	sdelay $0x4  }
0x13e: {  	v1 =	vadd.f32 v2, v1;
	_ =	sdelay $0x1  }
0x13f: {  	v2 =	vmul.f32 $2.000000030e-01, v1;
	_ =	sdelay $0x1  }
0x140: {  	v1 =	vmax.f32 v1, v2  }
0x141: {  	v1 =	vmul.f32 $1.442695020e+00, v1;
	_ =	sdelay $0x1  }
0x142: {  	(erf) = vpow2.f32 v1;
	_ =	sdelay $0x8  }
0x143: {  	v1 =	vpop (erf)  }
0x144: {  	s6 =	sadd.s32 $0x50, s6;
	v2 =	vnsel vm0, $0x0, v1  }
0x145: {  	s7 =	sadd.s32 $0x40, s7;
	[tilespmem:s6+$0x20] =	vst v2  }
0x146: {  	v2 =	vld [tilespmem:s7+$0xFFFFFFD0];
	_ =	sdelay $0x2  }
0x147: {  	v1 =	vbroadcast v1, $0x0;
	_ =	sdelay $0x1  }
0x148: {  	v2 =	vmul.f32 v1, v2;
	_ =	sdelay $0x1  }
0x149: {  	[tilespmem:s6+$0xFFFFFFE0] =	vst v2  }
0x14a: {  	v2 =	vld [tilespmem:s7+$0xFFFFFFE0];
	_ =	sdelay $0x4  }
0x14b: {  	v2 =	vmul.f32 v1, v2;
	_ =	sdelay $0x1  }
0x14c: {  	[tilespmem:s6+$0xFFFFFFF0] =	vst v2  }
0x14d: {  	v2 =	vld [tilespmem:s7+$0xFFFFFFF0];
	_ =	sdelay $0x4  }
0x14e: {  	v2 =	vmul.f32 v1, v2;
	_ =	sdelay $0x1  }
0x14f: {  	[tilespmem:s6+$0x0] =	vst v2  }
0x150: {  	v2 =	vld [tilespmem:s7+$0x0];
	_ =	sdelay $0x4  }
0x151: {  	v1 =	vmul.f32 v2, v1;
	_ =	sdelay $0x1  }
.Ltmp5:
0x152: {  	[tilespmem:s6+$0x10] =	vst v1;
	(pc) =	sbr.rel @p0 .LBB2_10-.Ltmp5, $4  }
0x153: {  	[spmem:s2] =	stream.indirect.scatter.add.f32 [tilespmem:s11], [sflag:$0x7], $0x50, s20, s19, $0xb8;
	[tilespmem:$0x11BC0] =	vst v63  }
0x154: {  	_ =	swait.ge [sflag:s12], $0x1900  }
0x155: {  	[sflag:s12] =	ssyncset.done $0x0  }
0x156: {  	[sflag:s12] =	ssyncadd.s32 $0xFFFFE700  }
0x157: {  	s6 =	smul.u32 $0xA0, s5;
	_ =	sdelay $0x1  }
0x158: {  	s6 =	sadd.s32 s6, s23  }
0x159: {  	s6 =	sshrl.u32 s6, $0x3  }
0x15a: {  	s7 =	sadd.s32 s13, s6  }
0x15b: {  	[tilespmem:s19], [sflag:$0x7] =	stream.linear.gather [hbm4b:s7+s4], $0x50, $0x38;
	[tilespmem:$0x11BC0] =	vst v63  }
0x15c: {  	_ =	swait.ge [sflag:s12], $0x50  }
0x15d: {  	[sflag:s12] =	ssyncset.done $0x0  }
0x15e: {  	s6 =	sadd.s32 s14, s6;
	[sflag:s12] =	ssyncadd.s32 $0xFFFFFFB0  }
0x15f: {  	[tilespmem:s20], [sflag:$0x7] =	stream.linear.gather [hbm4b:s6+s4], $0x50, $0x38;
	[tilespmem:$0x11BC0] =	vst v63  }
0x160: {  	_ =	swait.ge [sflag:s12], $0x50  }
0x161: {  	[sflag:s12] =	ssyncset.done $0x0  }
0x162: {  	[sflag:s12] =	ssyncadd.s32 $0xFFFFFFB0  }
0x163: {  	[tilespmem:s21], [sflag:$0x4] =	stream.indirect.gather [hbm4b:s15+s19], $0x10, s19, s19, $0xb8;
	[tilespmem:$0x11BC0] =	vst v63  }
.Ltmp6:
0x164: {  	_ = 	snop;
	(pc) =	sbr.rel .LBB2_4-.Ltmp6, $4  }
0x165: {  	_ = 	snop  }
0x166: {  	[tilespmem:s24], [sflag:$0x5] =	stream.indirect.gather [hbm4b:s16+s19], $0x10, s20, s19, $0xb8;
	[tilespmem:$0x11BC0] =	vst v63  }
0x167: {  	s5 =	sadd.s32 $0x1, s5  }
0x168: {  	[tilespmem:s25], [sflag:$0x6] =	stream.indirect.gather [hbm4b:s1+s19], $0x40, s19, s19, $0xb8;
	[tilespmem:$0x11BC0] =	vst v63  }
.LBB2_11:
0x169: {  	_ =	sfence.sel $0x180000  }
0x16a: {  	[bflag:$0x0] =	sbarrier.arrive $0xFFFF  }
0x16b: {  	_ =	strace $0x9000004D  }
0x16c: {  	s0 =	stileid.u32;
	[bflag:$0x2] =	sbarrier.arrive $0xFFFF  }
0x16d: {  	p0 =	sne.s32 s0, $0x0;
	s0 =	rddreg [dreg:$0x3]  }
0x16e: {  	s0 =	sadd.s32 @!p0 $0x100000, s0  }
0x16f: {  	[sflag:s0] =	ssyncadd.tile.s32 @!p0 $0x1;
	_ =	shalt  }
.Lfunc_end2:
_tile_overlayer_lowered:
.L_overlay_start_2:
0x170: {  	(tag) =	ssettag $0x2  }
0x171: {  	s0 =	rddreg [dreg:$0x0];
	s2 =	stileid.u32  }
0x172: {  	s1 =	rddreg [dreg:$0x1];
	p0 =	sne.s32 s2, $0x0  }
0x173: {  	s3 =	rddreg [dreg:$0x2];
	[bflag:$0x3] =	sbarrier.arrive $0xFFFF;
	s2 =	simm.s32 @!p0 $0x1C07  }
0x174: {  	[timem:s3], [sflag:s2] =	dma.local @!p0 [hbm:s0], s1  }
0x175: {  	s0 =	simm.s32 @!p0 $0x7  }
0x176: {  	_ =	swait.ge @!p0 [sflag:s0], s1  }
0x177: {  	s1 =	ssub.s32 @!p0 $0x0, s1;
	[sflag:s0] =	ssyncset.done @!p0 $0x0  }
0x178: {  	[sflag:s0] =	ssyncadd.s32 @!p0 s1  }
0x179: {  	[bflag:$0x3] =	sbarrier.arrive $0xFFFF  }
0x17a: {  	_ =	shalt  }

</sc_bundles>
